<compile_context>
chip_gen: v7x
topology: tpu7x:2x2x1
jax: 0.10.2.dev20260603
libtpu: 0.0.44.dev20260713+nightly
codegen_flags: <defaults>
</compile_context>

<pallas_src>
import jax
import jax.numpy as jnp
from jax import lax
from jax.experimental import pallas as pl
from jax.experimental.pallas import tpu as pltpu
from jax.experimental.pallas import tpu_sc as plsc

N = 10000
E = 320000
H = 32
NC = 2
NS = 16
NW = NC * NS
K = 500
CHW = E // (NW * K)
EB = 12800
DEGW = 8
NP = N // 4
F32 = jnp.float32

_mesh = plsc.VectorSubcoreMesh(core_axis_name="c", subcore_axis_name="s")
_SC_PARAMS = pltpu.CompilerParams(use_tc_tiling_on_sc=False)


def _worker_id():
  return lax.axis_index("c") * NS + lax.axis_index("s")



def _deg_body(col2_hbm, ones_hbm, zeros_hbm, out_hbm, colb, onesb, deg_sh):
  c = lax.axis_index("c")
  s = lax.axis_index("s")
  w = _worker_id()
  pltpu.sync_copy(col2_hbm.at[w], colb)
  pltpu.sync_copy(ones_hbm, onesb)
  _zero_stripes(zeros_hbm, deg_sh, s)
  plsc.subcore_barrier()

  @pl.loop(0, CHW)
  def _(j):
    pltpu.sync_copy(onesb, deg_sh.at[colb.at[j]], add=True)

  plsc.subcore_barrier()
  _read_stripes(deg_sh, out_hbm, c, s)


def _sc_degree(col2, ones_k, zeros_n):
  kfn = pl.kernel(
      _deg_body,
      out_type=jax.ShapeDtypeStruct((NC, N, DEGW), F32),
      mesh=_mesh,
      compiler_params=_SC_PARAMS,
      scratch_types=[
          pltpu.VMEM((CHW, K), jnp.int32),
          pltpu.VMEM((K, DEGW), F32),
          pltpu.VMEM_SHARED((N, DEGW), F32),
      ],
  )
  return kfn(col2, ones_k, zeros_n)


def _bd4(w):
  z = jnp.zeros(w.shape, F32)
  rows = [jnp.concatenate([z] * i + [w] + [z] * (3 - i), axis=1)
          for i in range(4)]
  return jnp.concatenate(rows, axis=0)


def _tile4(v):
  return jnp.concatenate([v] * 4, axis=1)


def _zero_stripes(zeros_hbm, table_sh, s):
  @pl.when(s < NS - 1)
  def _():
    pltpu.sync_copy(zeros_hbm, table_sh.at[pl.ds(s * 640, 640)])

  @pl.when(s == NS - 1)
  def _():
    pltpu.sync_copy(zeros_hbm.at[pl.ds(0, 400)],
                    table_sh.at[pl.ds(9600, 400)])


def _read_stripes(table_sh, out_hbm, c, s):
  @pl.when(s < NS - 1)
  def _():
    pltpu.sync_copy(table_sh.at[pl.ds(s * 640, 640)],
                    out_hbm.at[c, pl.ds(s * 640, 640)])

  @pl.when(s == NS - 1)
  def _():
    pltpu.sync_copy(table_sh.at[pl.ds(9600, 400)],
                    out_hbm.at[c, pl.ds(9600, 400)])


def _agg_body(g_hbm, row2_hbm, col2_hbm, zeros_hbm, out_hbm,
              rowb, colb, d0, d1, agg_sh, gs0, gs1, ss0, ss1):
  c = lax.axis_index("c")
  s = lax.axis_index("s")
  w = _worker_id()
  pltpu.sync_copy(row2_hbm.at[w], rowb)
  pltpu.sync_copy(col2_hbm.at[w], colb)
  _zero_stripes(zeros_hbm, agg_sh, s)
  plsc.subcore_barrier()

  pltpu.async_copy(g_hbm.at[rowb.at[0]], d0, gs0)
  pltpu.async_copy(g_hbm.at[rowb.at[1]], d1, gs1)

  @pl.loop(0, CHW, step=2)
  def _(j):
    pltpu.make_async_copy(g_hbm.at[rowb.at[j]], d0, gs0).wait()
    pltpu.async_copy(d0, agg_sh.at[colb.at[j]], ss0, add=True)
    pltpu.make_async_copy(g_hbm.at[rowb.at[j + 1]], d1, gs1).wait()
    pltpu.async_copy(d1, agg_sh.at[colb.at[j + 1]], ss1, add=True)

    @pl.when(j + 2 < CHW)
    def _():
      pltpu.make_async_copy(d0, agg_sh.at[colb.at[j]], ss0).wait()
      pltpu.async_copy(g_hbm.at[rowb.at[j + 2]], d0, gs0)
      pltpu.make_async_copy(d1, agg_sh.at[colb.at[j + 1]], ss1).wait()
      pltpu.async_copy(g_hbm.at[rowb.at[j + 3]], d1, gs1)

  pltpu.make_async_copy(d0, agg_sh.at[colb.at[CHW - 2]], ss0).wait()
  pltpu.make_async_copy(d1, agg_sh.at[colb.at[CHW - 1]], ss1).wait()
  plsc.subcore_barrier()
  _read_stripes(agg_sh, out_hbm, c, s)


def _sc_gather_scatter(g, row2, col2, zeros_stripe):
  kfn = pl.kernel(
      _agg_body,
      out_type=jax.ShapeDtypeStruct((NC, N, H), F32),
      mesh=_mesh,
      compiler_params=_SC_PARAMS,
      scratch_types=[
          pltpu.VMEM((CHW, K), jnp.int32),
          pltpu.VMEM((CHW, K), jnp.int32),
          pltpu.VMEM((K, H), F32),
          pltpu.VMEM((K, H), F32),
          pltpu.VMEM_SHARED((N, H), F32),
          pltpu.SemaphoreType.DMA,
          pltpu.SemaphoreType.DMA,
          pltpu.SemaphoreType.DMA,
          pltpu.SemaphoreType.DMA,
      ],
  )
  return kfn(g, row2, col2, zeros_stripe)


def _pair_body(a_hbm, b_hbm, row2_hbm, col2_hbm, pa_hbm, pb_hbm,
               rowb, colb, a0, a1, b0, b1,
               gsa0, gsa1, gsb0, gsb1, wsa0, wsa1, wsb0, wsb1):
  w = _worker_id()
  pltpu.sync_copy(row2_hbm.at[w], rowb)
  pltpu.sync_copy(col2_hbm.at[w], colb)
  base0 = w * CHW * K

  pltpu.async_copy(a_hbm.at[rowb.at[0]], a0, gsa0)
  pltpu.async_copy(b_hbm.at[colb.at[0]], b0, gsb0)
  pltpu.async_copy(a_hbm.at[rowb.at[1]], a1, gsa1)
  pltpu.async_copy(b_hbm.at[colb.at[1]], b1, gsb1)

  @pl.loop(0, CHW, step=2)
  def _(j):
    pltpu.make_async_copy(a_hbm.at[rowb.at[j]], a0, gsa0).wait()
    pltpu.async_copy(a0, pa_hbm.at[pl.ds(base0 + j * K, K)], wsa0)
    pltpu.make_async_copy(b_hbm.at[colb.at[j]], b0, gsb0).wait()
    pltpu.async_copy(b0, pb_hbm.at[pl.ds(base0 + j * K, K)], wsb0)
    pltpu.make_async_copy(a_hbm.at[rowb.at[j + 1]], a1, gsa1).wait()
    pltpu.async_copy(a1, pa_hbm.at[pl.ds(base0 + (j + 1) * K, K)], wsa1)
    pltpu.make_async_copy(b_hbm.at[colb.at[j + 1]], b1, gsb1).wait()
    pltpu.async_copy(b1, pb_hbm.at[pl.ds(base0 + (j + 1) * K, K)], wsb1)

    @pl.when(j + 2 < CHW)
    def _():
      pltpu.make_async_copy(a0, pa_hbm.at[pl.ds(base0 + j * K, K)],
                            wsa0).wait()
      pltpu.async_copy(a_hbm.at[rowb.at[j + 2]], a0, gsa0)
      pltpu.make_async_copy(b0, pb_hbm.at[pl.ds(base0 + j * K, K)],
                            wsb0).wait()
      pltpu.async_copy(b_hbm.at[colb.at[j + 2]], b0, gsb0)
      pltpu.make_async_copy(a1, pa_hbm.at[pl.ds(base0 + (j + 1) * K, K)],
                            wsa1).wait()
      pltpu.async_copy(a_hbm.at[rowb.at[j + 3]], a1, gsa1)
      pltpu.make_async_copy(b1, pb_hbm.at[pl.ds(base0 + (j + 1) * K, K)],
                            wsb1).wait()
      pltpu.async_copy(b_hbm.at[colb.at[j + 3]], b1, gsb1)

  pltpu.make_async_copy(a0, pa_hbm.at[pl.ds(base0 + (CHW - 2) * K, K)],
                        wsa0).wait()
  pltpu.make_async_copy(b0, pb_hbm.at[pl.ds(base0 + (CHW - 2) * K, K)],
                        wsb0).wait()
  pltpu.make_async_copy(a1, pa_hbm.at[pl.ds(base0 + (CHW - 1) * K, K)],
                        wsa1).wait()
  pltpu.make_async_copy(b1, pb_hbm.at[pl.ds(base0 + (CHW - 1) * K, K)],
                        wsb1).wait()


def _sc_pair_gather(a2, b2, row2, col2):
  kfn = pl.kernel(
      _pair_body,
      out_type=[jax.ShapeDtypeStruct((E, H), F32),
                jax.ShapeDtypeStruct((E, H), F32)],
      mesh=_mesh,
      compiler_params=_SC_PARAMS,
      scratch_types=[
          pltpu.VMEM((CHW, K), jnp.int32),
          pltpu.VMEM((CHW, K), jnp.int32),
          pltpu.VMEM((K, H), F32),
          pltpu.VMEM((K, H), F32),
          pltpu.VMEM((K, H), F32),
          pltpu.VMEM((K, H), F32),
          pltpu.SemaphoreType.DMA,
          pltpu.SemaphoreType.DMA,
          pltpu.SemaphoreType.DMA,
          pltpu.SemaphoreType.DMA,
          pltpu.SemaphoreType.DMA,
          pltpu.SemaphoreType.DMA,
          pltpu.SemaphoreType.DMA,
          pltpu.SemaphoreType.DMA,
      ],
  )
  return kfn(a2, b2, row2, col2)



def _t0_body(x_ref, w_ref, b_ref, h_ref):
  wbig = _bd4(w_ref[...])
  h_ref[...] = jnp.maximum(
      jnp.dot(x_ref[...], wbig, preferred_element_type=F32)
      + _tile4(b_ref[...]), 0.0)


def _tc_node_mlp(x_p, node_w, node_b):
  return pl.pallas_call(
      _t0_body,
      out_shape=jax.ShapeDtypeStruct((NP, 128), F32),
  )(x_p, node_w, node_b)


def _t1_body(degp_ref, h_ref, iw_ref, el1_ref, w1_ref, el2_ref,
             el1b_ref, el2b_ref, b1_ref,
             dinv_ref, g_ref, m1_ref, m2_ref, wea_ref, cvec_ref):
  deg = degp_ref[0] + degp_ref[1]
  safe = jnp.where(deg > 0, deg, 1.0)
  dinv32 = jnp.where(deg > 0, 1.0 / jnp.sqrt(safe), 0.0)
  li = lax.broadcasted_iota(jnp.int32, (32, 128), 0)
  mi = lax.broadcasted_iota(jnp.int32, (32, 128), 1)
  rep = jnp.where(li == 8 * (mi // H), 1.0, 0.0).astype(F32)
  dinv = jnp.dot(dinv32, rep, preferred_element_type=F32)
  dinv_ref[...] = dinv
  g_ref[...] = dinv * jnp.dot(h_ref[...], _bd4(iw_ref[...]),
                              preferred_element_type=F32)
  w1a = w1_ref[...][:H]
  w1b = w1_ref[...][H:]
  m1_ref[...] = jnp.dot(el1_ref[...][:H], w1a, preferred_element_type=F32)
  m2_ref[...] = jnp.dot(el1_ref[...][H:], w1a, preferred_element_type=F32)
  wea_ref[...] = jnp.dot(el2_ref[...], w1b, preferred_element_type=F32)
  cvec_ref[...] = (jnp.dot(el1b_ref[...], w1a, preferred_element_type=F32)
                   + jnp.dot(el2b_ref[...], w1b, preferred_element_type=F32)
                   + b1_ref[...])


def _tc_norm_pre(degp, h_p, init_w, el1_w, mlp_w1, el2_w,
                 el1_b, el2_b, mlp_b1):
  return pl.pallas_call(
      _t1_body,
      out_shape=[jax.ShapeDtypeStruct((NP, 128), F32),
                 jax.ShapeDtypeStruct((NP, 128), F32),
                 jax.ShapeDtypeStruct((H, H), F32),
                 jax.ShapeDtypeStruct((H, H), F32),
                 jax.ShapeDtypeStruct((16, H), F32),
                 jax.ShapeDtypeStruct((1, H), F32)],
  )(degp, h_p, init_w, el1_w, mlp_w1, el2_w, el1_b, el2_b, mlp_b1)


def _fold4(v):
  return (v[:, 0:32] + v[:, 32:64] + v[:, 64:96] + v[:, 96:128]) * 0.25


def _bn_post(aggp_ref, dinv_ref, h_ref, rw_ref, b_ref, g_ref, bt_ref):
  agg = aggp_ref[0] + aggp_ref[1]
  out = (dinv_ref[...] * agg
         + jnp.dot(h_ref[...], _bd4(rw_ref[...]), preferred_element_type=F32)
         + _tile4(b_ref[...]))
  out = jnp.maximum(out, 0.0)
  mean = _tile4(_fold4(jnp.mean(out, axis=0, keepdims=True)))
  d = out - mean
  var = _tile4(_fold4(jnp.mean(d * d, axis=0, keepdims=True)))
  return d / jnp.sqrt(var + 1e-5) * _tile4(g_ref[...]) + _tile4(bt_ref[...])


def _t2_body(aggp_ref, dinv_ref, h_ref, rw_ref, b_ref, g_ref, bt_ref, iw_ref,
             hout_ref, gout_ref):
  hn = _bn_post(aggp_ref, dinv_ref, h_ref, rw_ref, b_ref, g_ref, bt_ref)
  hout_ref[...] = hn
  gout_ref[...] = dinv_ref[...] * jnp.dot(hn, _bd4(iw_ref[...]),
                                          preferred_element_type=F32)


def _tc_post_pre(aggp, dinv, h, root_w, bias, gamma, beta, next_iw):
  return pl.pallas_call(
      _t2_body,
      out_shape=[jax.ShapeDtypeStruct((NP, 128), F32),
                 jax.ShapeDtypeStruct((NP, 128), F32)],
  )(aggp, dinv, h, root_w, bias, gamma, beta, next_iw)


def _t4_body(aggp_ref, dinv_ref, h_ref, rw_ref, b_ref, g_ref, bt_ref,
             m1_ref, m2_ref, a2_ref, b2_ref):
  hn = _bn_post(aggp_ref, dinv_ref, h_ref, rw_ref, b_ref, g_ref, bt_ref)
  a2_ref[...] = jnp.dot(hn, _bd4(m1_ref[...]), preferred_element_type=F32)
  b2_ref[...] = jnp.dot(hn, _bd4(m2_ref[...]), preferred_element_type=F32)


def _tc_final_post(aggp, dinv, h, root_w, bias, gamma, beta, m1, m2):
  return pl.pallas_call(
      _t4_body,
      out_shape=[jax.ShapeDtypeStruct((NP, 128), F32),
                 jax.ShapeDtypeStruct((NP, 128), F32)],
  )(aggp, dinv, h, root_w, bias, gamma, beta, m1, m2)


def _t5_body(pa_ref, pb_ref, ea_ref, wea_ref, cvec_ref, w2_ref, b2_ref,
             o_ref):
  wea = wea_ref[...]
  z16 = jnp.zeros((16, H), F32)
  rows = [jnp.concatenate([z16] * i + [wea] + [z16] * (3 - i), axis=1)
          for i in range(4)]
  wbig = jnp.concatenate(rows, axis=0)
  cvec4 = jnp.concatenate([cvec_ref[...]] * 4, axis=1)
  w2t = jnp.concatenate([w2_ref[...]] * 4, axis=1)
  li = lax.broadcasted_iota(jnp.int32, (128, 4), 0) // H
  ci = lax.broadcasted_iota(jnp.int32, (128, 4), 1)
  sel = jnp.where(li == ci, 1.0, 0.0).astype(F32)
  z = (pa_ref[...] + pb_ref[...]
       + jnp.dot(ea_ref[...], wbig, preferred_element_type=F32)
       + cvec4)
  zw = jnp.tanh(z) * w2t
  o_ref[...] = jnp.dot(zw, sel, preferred_element_type=F32) + b2_ref[...]


def _tc_edge_tail(pa4, pb4, ea4, wea, cvec, w2r, b2):
  eb4 = EB // 4
  nb = E // EB
  return pl.pallas_call(
      _t5_body,
      grid=(nb,),
      in_specs=[
          pl.BlockSpec((eb4, 128), lambda i: (i, 0)),
          pl.BlockSpec((eb4, 128), lambda i: (i, 0)),
          pl.BlockSpec((eb4, 64), lambda i: (i, 0)),
          pl.BlockSpec((16, H), lambda i: (0, 0)),
          pl.BlockSpec((1, H), lambda i: (0, 0)),
          pl.BlockSpec((1, H), lambda i: (0, 0)),
          pl.BlockSpec((1, 1), lambda i: (0, 0)),
      ],
      out_specs=pl.BlockSpec((eb4, 4), lambda i: (i, 0)),
      out_shape=jax.ShapeDtypeStruct((E // 4, 4), F32),
  )(pa4, pb4, ea4, wea, cvec, w2r, b2)



def kernel(x, edge_index, edge_attr, node_w, node_b,
           c0_init_w, c0_root_w, c0_bias, bn0_gamma, bn0_beta,
           c1_init_w, c1_root_w, c1_bias, bn1_gamma, bn1_beta,
           c2_init_w, c2_root_w, c2_bias, bn2_gamma, bn2_beta,
           el1_w, el1_b, el2_w, el2_b, mlp_w1, mlp_b1, mlp_w2, mlp_b2):
  row2 = edge_index[0].reshape(NW, CHW, K)
  col2 = edge_index[1].reshape(NW, CHW, K)
  ones_k = jnp.ones((K, DEGW), F32)
  zeros_stripe = jnp.zeros((640, H), F32)
  zeros_deg = jnp.zeros((640, DEGW), F32)

  degp = _sc_degree(col2, ones_k, zeros_deg)
  h = _tc_node_mlp(x.reshape(NP, 512), node_w, node_b.reshape(1, H))
  dinv, g, m1, m2, wea, cvec = _tc_norm_pre(
      degp.reshape(NC, NP, 32), h, c0_init_w[0],
      el1_w, mlp_w1, el2_w,
      el1_b.reshape(1, H), el2_b.reshape(1, H), mlp_b1.reshape(1, H))

  layers = [(c0_root_w, c0_bias, bn0_gamma, bn0_beta),
            (c1_root_w, c1_bias, bn1_gamma, bn1_beta),
            (c2_root_w, c2_bias, bn2_gamma, bn2_beta)]
  next_iws = [c1_init_w, c2_init_w]

  for ell in range(2):
    rw, b, gm, bt = layers[ell]
    aggp = _sc_gather_scatter(g.reshape(N, H), row2, col2, zeros_stripe)
    h, g = _tc_post_pre(aggp.reshape(NC, NP, 128), dinv, h, rw[0],
                        b.reshape(1, H), gm.reshape(1, H), bt.reshape(1, H),
                        next_iws[ell][0])

  rw, b, gm, bt = layers[2]
  aggp = _sc_gather_scatter(g.reshape(N, H), row2, col2, zeros_stripe)
  a2, b2 = _tc_final_post(
      aggp.reshape(NC, NP, 128), dinv, h, rw[0], b.reshape(1, H),
      gm.reshape(1, H), bt.reshape(1, H), m1, m2)

  pa, pb = _sc_pair_gather(a2.reshape(N, H), b2.reshape(N, H), row2, col2)

  out4 = _tc_edge_tail(pa.reshape(E // 4, 128), pb.reshape(E // 4, 128),
                       edge_attr.reshape(E // 4, 64), wea, cvec,
                       mlp_w2.reshape(1, H), mlp_b2.reshape(1, 1))
  return out4.reshape(-1)

# --- scband reference (transcript-rebuilt; emitter-appended) ---
"""Pipeline reference for scband-edge-mask-net-53163105190631 (READ-ONLY COPY).

The authoritative reference and input builder live on the scoring server;
editing this copy changes nothing except your own understanding.
"""

import jax, jax.numpy as jnp
import numpy as np

N_NODES = 10000
N_EDGES = 320000
D_FEAT = 128
D_EDGE = 16
H = 32
N_LAYERS = 3


def setup_inputs(seed: int = 0) -> dict:
    key = jax.random.key(seed)
    k = lambda i: jax.random.fold_in(key, i)
    inp = {}
    inp["x"] = jax.random.normal(k(0), (N_NODES, D_FEAT), dtype=jnp.float32)
    inp["edge_index"] = jax.random.randint(k(1), (2, N_EDGES), 0, N_NODES, dtype=jnp.int32)
    inp["edge_attr"] = jax.random.normal(k(2), (N_EDGES, D_EDGE), dtype=jnp.float32)
    s = 0.1
    inp["node_w"] = jax.random.normal(k(3), (D_FEAT, H), dtype=jnp.float32) * s
    inp["node_b"] = jnp.zeros((H,), dtype=jnp.float32)
    for i in range(N_LAYERS):
        inp[f"c{i}_init_w"] = jax.random.normal(k(10 + 3 * i), (1, H, H), dtype=jnp.float32) * s
        inp[f"c{i}_root_w"] = jax.random.normal(k(11 + 3 * i), (1, H, H), dtype=jnp.float32) * s
        inp[f"c{i}_bias"] = jnp.zeros((1, 1, H), dtype=jnp.float32)
        inp[f"bn{i}_gamma"] = jnp.ones((H,), dtype=jnp.float32)
        inp[f"bn{i}_beta"] = jnp.zeros((H,), dtype=jnp.float32)
    inp["el1_w"] = jax.random.normal(k(20), (2 * H, H), dtype=jnp.float32) * s
    inp["el1_b"] = jnp.zeros((H,), dtype=jnp.float32)
    inp["el2_w"] = jax.random.normal(k(21), (D_EDGE, H), dtype=jnp.float32) * s
    inp["el2_b"] = jnp.zeros((H,), dtype=jnp.float32)
    inp["mlp_w1"] = jax.random.normal(k(22), (2 * H, H), dtype=jnp.float32) * s
    inp["mlp_b1"] = jnp.zeros((H,), dtype=jnp.float32)
    inp["mlp_w2"] = jax.random.normal(k(23), (H, 1), dtype=jnp.float32) * s
    inp["mlp_b2"] = jnp.zeros((1,), dtype=jnp.float32)
    return inp


def _gcn_norm(row, col, num_nodes):
    # PyG gcn_norm with add_self_loops=False, edge_weight=1
    ew = jnp.ones(row.shape[0], dtype=jnp.float32)
    deg = jnp.zeros((num_nodes,), dtype=jnp.float32).at[col].add(ew)
    safe_deg = jnp.where(deg > 0, deg, 1.0)
    deg_inv_sqrt = jnp.where(deg > 0, 1.0 / jnp.sqrt(safe_deg), 0.0)
    return deg_inv_sqrt[row] * deg_inv_sqrt[col]


def _arma_conv(x, row, col, norm, init_w, root_w, bias, num_nodes):
    # ARMAConv with num_stacks=1, num_layers=1, dropout=0 (PyG defaults)
    out = x @ init_w[0]
    msg = norm[:, None] * out[row]
    agg = jnp.zeros((num_nodes, out.shape[1]), dtype=out.dtype).at[col].add(msg)
    out = agg + x @ root_w[0] + bias[0, 0]
    return out  # mean over single stack is identity


def _batch_norm(x, gamma, beta, eps=1e-5):
    # PyG BatchNorm over node dim, training-mode batch stats (biased var)
    mean = jnp.mean(x, axis=0)
    var = jnp.mean((x - mean) ** 2, axis=0)
    return (x - mean) / jnp.sqrt(var + eps) * gamma + beta


def reference(x, edge_index, edge_attr, node_w, node_b,
              c0_init_w, c0_root_w, c0_bias, bn0_gamma, bn0_beta,
              c1_init_w, c1_root_w, c1_bias, bn1_gamma, bn1_beta,
              c2_init_w, c2_root_w, c2_bias, bn2_gamma, bn2_beta,
              el1_w, el1_b, el2_w, el2_b, mlp_w1, mlp_b1, mlp_w2, mlp_b2):
    num_nodes = x.shape[0]
    row, col = edge_index[0], edge_index[1]
    norm = _gcn_norm(row, col, num_nodes)
    h = jax.nn.relu(x @ node_w + node_b)
    convs = [(c0_init_w, c0_root_w, c0_bias, bn0_gamma, bn0_beta),
             (c1_init_w, c1_root_w, c1_bias, bn1_gamma, bn1_beta),
             (c2_init_w, c2_root_w, c2_bias, bn2_gamma, bn2_beta)]
    for iw, rw, b, g, bt in convs:
        h = jax.nn.relu(_arma_conv(h, row, col, norm, iw, rw, b, num_nodes))
        h = _batch_norm(h, g, bt)
    e = jnp.concatenate([h[row], h[col]], axis=1)
    e1 = e @ el1_w + el1_b
    e2 = edge_attr @ el2_w + el2_b
    e = jnp.concatenate([e1, e2], axis=1)
    m = jnp.tanh(e @ mlp_w1 + mlp_b1)
    out = m @ mlp_w2 + mlp_b2
    return out.reshape(-1)

if __name__ == "__main__":
    import jax
    _d = setup_inputs()
    print(jax.jit(kernel)(*tuple(_d.values())))

</pallas_src>

<mosaic_0001>
#map = affine_map<(d0, d1) -> (0, 0)>
#map1 = affine_map<(d0, d1) -> (0, 0, 0)>
module attributes {stable_mosaic.version = 14 : i64} {
  func.func @_agg_body(%arg0: i32, %arg1: i32, %arg2: memref<10000x32xf32, #tpu.memory_space<hbm>>, %arg3: memref<32x20x500xi32, #tpu.memory_space<hbm>>, %arg4: memref<32x20x500xi32, #tpu.memory_space<hbm>>, %arg5: memref<640x32xf32, #tpu.memory_space<hbm>>, %arg6: memref<2x10000x32xf32, #tpu.memory_space<hbm>>, %arg7: memref<20x500xi32, #tpu.memory_space<vmem>>, %arg8: memref<20x500xi32, #tpu.memory_space<vmem>>, %arg9: memref<500x32xf32, #tpu.memory_space<vmem>>, %arg10: memref<500x32xf32, #tpu.memory_space<vmem>>, %arg11: memref<10000x32xf32, #tpu.memory_space<vmem_shared>>, %arg12: memref<!tpu.dma_semaphore, #tpu.memory_space<semaphore_mem>>, %arg13: memref<!tpu.dma_semaphore, #tpu.memory_space<semaphore_mem>>, %arg14: memref<!tpu.dma_semaphore, #tpu.memory_space<semaphore_mem>>, %arg15: memref<!tpu.dma_semaphore, #tpu.memory_space<semaphore_mem>>) attributes {dimension_semantics = [#tpu.dimension_semantics<core_parallel>, #tpu.dimension_semantics<subcore_parallel>], iteration_bounds = array<i64: 2, 16>, scalar_prefetch = 0 : i64, scratch_operands = 9 : i64, tpu.core_type = #tpu.core_type<sc_vector_subcore>, window_params = [{transform_indices = #map}, {transform_indices = #map1}, {transform_indices = #map1}, {transform_indices = #map}, {transform_indices = #map1}]} {
    %mul3A = arith.constant 16 : i32
    %mul3A_0 = arith.muli %arg0, %mul3A : i32
    %add3A = arith.addi %mul3A_0, %arg1 : i32
    "tpu.region"() ({
      %run_scoped3A = tpu.sem_alloc : memref<!tpu.dma_semaphore, #tpu.memory_space<semaphore_mem>>
      %dma_start3A_48 = arith.constant 0 : i32
      %dma_start3A_49 = arith.constant 0 : i32
      %dma_start3A_50 = tpu.memref_slice %arg3[%add3A, %dma_start3A_48, %dma_start3A_49] : memref<32x20x500xi32, #tpu.memory_space<hbm>> -> memref<1x20x500xi32, #tpu.memory_space<hbm>>
      %dma_start3A_51 = tpu.memref_squeeze %dma_start3A_50 : memref<1x20x500xi32, #tpu.memory_space<hbm>> -> memref<20x500xi32, #tpu.memory_space<hbm>>
      %dma_start3A_52 = arith.constant 0 : i32
      %dma_start3A_53 = arith.constant 0 : i32
      %dma_start3A_54 = tpu.memref_slice %arg3[%add3A, %dma_start3A_52, %dma_start3A_53] : memref<32x20x500xi32, #tpu.memory_space<hbm>> -> memref<1x20x500xi32, #tpu.memory_space<hbm>>
      %dma_start3A_55 = tpu.memref_squeeze %dma_start3A_54 : memref<1x20x500xi32, #tpu.memory_space<hbm>> -> memref<20x500xi32, #tpu.memory_space<hbm>>
      tpu.enqueue_dma source(%dma_start3A_55 : memref<20x500xi32, #tpu.memory_space<hbm>>) target(%arg7 : memref<20x500xi32, #tpu.memory_space<vmem>>) target_semaphore(%run_scoped3A : memref<!tpu.dma_semaphore, #tpu.memory_space<semaphore_mem>>)
      %dma_wait3A_56 = arith.constant 0 : i32
      %dma_wait3A_57 = arith.constant 0 : i32
      %dma_wait3A_58 = tpu.memref_slice %arg3[%add3A, %dma_wait3A_56, %dma_wait3A_57] : memref<32x20x500xi32, #tpu.memory_space<hbm>> -> memref<1x20x500xi32, #tpu.memory_space<hbm>>
      %dma_wait3A_59 = tpu.memref_squeeze %dma_wait3A_58 : memref<1x20x500xi32, #tpu.memory_space<hbm>> -> memref<20x500xi32, #tpu.memory_space<hbm>>
      %dma_wait3A_60 = arith.constant 0 : i32
      %dma_wait3A_61 = arith.constant 0 : i32
      %dma_wait3A_62 = tpu.memref_slice %arg3[%add3A, %dma_wait3A_60, %dma_wait3A_61] : memref<32x20x500xi32, #tpu.memory_space<hbm>> -> memref<1x20x500xi32, #tpu.memory_space<hbm>>
      %dma_wait3A_63 = tpu.memref_squeeze %dma_wait3A_62 : memref<1x20x500xi32, #tpu.memory_space<hbm>> -> memref<20x500xi32, #tpu.memory_space<hbm>>
      tpu.wait_dma2 semaphore(%run_scoped3A : memref<!tpu.dma_semaphore, #tpu.memory_space<semaphore_mem>>) src(%dma_wait3A_63 : memref<20x500xi32, #tpu.memory_space<hbm>>) dst(%arg7 : memref<20x500xi32, #tpu.memory_space<vmem>>)
      tpu.yield
    }) : () -> ()
    "tpu.region"() ({
      %run_scoped3A = tpu.sem_alloc : memref<!tpu.dma_semaphore, #tpu.memory_space<semaphore_mem>>
      %dma_start3A_48 = arith.constant 0 : i32
      %dma_start3A_49 = arith.constant 0 : i32
      %dma_start3A_50 = tpu.memref_slice %arg4[%add3A, %dma_start3A_48, %dma_start3A_49] : memref<32x20x500xi32, #tpu.memory_space<hbm>> -> memref<1x20x500xi32, #tpu.memory_space<hbm>>
      %dma_start3A_51 = tpu.memref_squeeze %dma_start3A_50 : memref<1x20x500xi32, #tpu.memory_space<hbm>> -> memref<20x500xi32, #tpu.memory_space<hbm>>
      %dma_start3A_52 = arith.constant 0 : i32
      %dma_start3A_53 = arith.constant 0 : i32
      %dma_start3A_54 = tpu.memref_slice %arg4[%add3A, %dma_start3A_52, %dma_start3A_53] : memref<32x20x500xi32, #tpu.memory_space<hbm>> -> memref<1x20x500xi32, #tpu.memory_space<hbm>>
      %dma_start3A_55 = tpu.memref_squeeze %dma_start3A_54 : memref<1x20x500xi32, #tpu.memory_space<hbm>> -> memref<20x500xi32, #tpu.memory_space<hbm>>
      tpu.enqueue_dma source(%dma_start3A_55 : memref<20x500xi32, #tpu.memory_space<hbm>>) target(%arg8 : memref<20x500xi32, #tpu.memory_space<vmem>>) target_semaphore(%run_scoped3A : memref<!tpu.dma_semaphore, #tpu.memory_space<semaphore_mem>>)
      %dma_wait3A_56 = arith.constant 0 : i32
      %dma_wait3A_57 = arith.constant 0 : i32
      %dma_wait3A_58 = tpu.memref_slice %arg4[%add3A, %dma_wait3A_56, %dma_wait3A_57] : memref<32x20x500xi32, #tpu.memory_space<hbm>> -> memref<1x20x500xi32, #tpu.memory_space<hbm>>
      %dma_wait3A_59 = tpu.memref_squeeze %dma_wait3A_58 : memref<1x20x500xi32, #tpu.memory_space<hbm>> -> memref<20x500xi32, #tpu.memory_space<hbm>>
      %dma_wait3A_60 = arith.constant 0 : i32
      %dma_wait3A_61 = arith.constant 0 : i32
      %dma_wait3A_62 = tpu.memref_slice %arg4[%add3A, %dma_wait3A_60, %dma_wait3A_61] : memref<32x20x500xi32, #tpu.memory_space<hbm>> -> memref<1x20x500xi32, #tpu.memory_space<hbm>>
      %dma_wait3A_63 = tpu.memref_squeeze %dma_wait3A_62 : memref<1x20x500xi32, #tpu.memory_space<hbm>> -> memref<20x500xi32, #tpu.memory_space<hbm>>
      tpu.wait_dma2 semaphore(%run_scoped3A : memref<!tpu.dma_semaphore, #tpu.memory_space<semaphore_mem>>) src(%dma_wait3A_63 : memref<20x500xi32, #tpu.memory_space<hbm>>) dst(%arg8 : memref<20x500xi32, #tpu.memory_space<vmem>>)
      tpu.yield
    }) : () -> ()
    %lt3A = arith.constant 15 : i32
    %lt3A_1 = arith.cmpi slt, %arg1, %lt3A : i32
    %convert_element_type3A = arith.extui %lt3A_1 : i1 to i32
    %cond3A = arith.constant 0 : i32
    %cond3A_2 = arith.cmpi ne, %convert_element_type3A, %cond3A : i32
    scf.if %cond3A_2 {
      %mul3A_48 = arith.constant 640 : i32
      %mul3A_49 = arith.muli %arg1, %mul3A_48 : i32
      "tpu.region"() ({
        %run_scoped3A = tpu.sem_alloc : memref<!tpu.dma_semaphore, #tpu.memory_space<semaphore_mem>>
        %dma_start3A_50 = arith.constant 0 : i32
        %dma_start3A_51 = tpu.memref_slice %arg11[%mul3A_49, %dma_start3A_50] : memref<10000x32xf32, #tpu.memory_space<vmem_shared>> -> memref<640x32xf32, #tpu.memory_space<vmem_shared>>
        tpu.enqueue_dma source(%arg5 : memref<640x32xf32, #tpu.memory_space<hbm>>) target(%dma_start3A_51 : memref<640x32xf32, #tpu.memory_space<vmem_shared>>) target_semaphore(%run_scoped3A : memref<!tpu.dma_semaphore, #tpu.memory_space<semaphore_mem>>)
        %dma_wait3A_52 = arith.constant 0 : i32
        %dma_wait3A_53 = tpu.memref_slice %arg11[%mul3A_49, %dma_wait3A_52] : memref<10000x32xf32, #tpu.memory_space<vmem_shared>> -> memref<640x32xf32, #tpu.memory_space<vmem_shared>>
        tpu.wait_dma2 semaphore(%run_scoped3A : memref<!tpu.dma_semaphore, #tpu.memory_space<semaphore_mem>>) src(%arg5 : memref<640x32xf32, #tpu.memory_space<hbm>>) dst(%dma_wait3A_53 : memref<640x32xf32, #tpu.memory_space<vmem_shared>>)
        tpu.yield
      }) : () -> ()
    } else {
    }
    %eq3A = arith.constant 15 : i32
    %eq3A_3 = arith.cmpi eq, %arg1, %eq3A : i32
    %convert_element_type3A_4 = arith.extui %eq3A_3 : i1 to i32
    %cond3A_5 = arith.constant 0 : i32
    %cond3A_6 = arith.cmpi ne, %convert_element_type3A_4, %cond3A_5 : i32
    scf.if %cond3A_6 {
      "tpu.region"() ({
        %run_scoped3A = tpu.sem_alloc : memref<!tpu.dma_semaphore, #tpu.memory_space<semaphore_mem>>
        %dma_start3A_48 = arith.constant 9600 : i32
        %dma_start3A_49 = arith.constant 0 : i32
        %dma_start3A_50 = tpu.memref_slice %arg11[%dma_start3A_48, %dma_start3A_49] : memref<10000x32xf32, #tpu.memory_space<vmem_shared>> -> memref<400x32xf32, #tpu.memory_space<vmem_shared>>
        %dma_start3A_51 = arith.constant 0 : i32
        %dma_start3A_52 = arith.constant 0 : i32
        %dma_start3A_53 = tpu.memref_slice %arg5[%dma_start3A_51, %dma_start3A_52] : memref<640x32xf32, #tpu.memory_space<hbm>> -> memref<400x32xf32, #tpu.memory_space<hbm>>
        tpu.enqueue_dma source(%dma_start3A_53 : memref<400x32xf32, #tpu.memory_space<hbm>>) target(%dma_start3A_50 : memref<400x32xf32, #tpu.memory_space<vmem_shared>>) target_semaphore(%run_scoped3A : memref<!tpu.dma_semaphore, #tpu.memory_space<semaphore_mem>>)
        %dma_wait3A_54 = arith.constant 9600 : i32
        %dma_wait3A_55 = arith.constant 0 : i32
        %dma_wait3A_56 = tpu.memref_slice %arg11[%dma_wait3A_54, %dma_wait3A_55] : memref<10000x32xf32, #tpu.memory_space<vmem_shared>> -> memref<400x32xf32, #tpu.memory_space<vmem_shared>>
        %dma_wait3A_57 = arith.constant 0 : i32
        %dma_wait3A_58 = arith.constant 0 : i32
        %dma_wait3A_59 = tpu.memref_slice %arg5[%dma_wait3A_57, %dma_wait3A_58] : memref<640x32xf32, #tpu.memory_space<hbm>> -> memref<400x32xf32, #tpu.memory_space<hbm>>
        tpu.wait_dma2 semaphore(%run_scoped3A : memref<!tpu.dma_semaphore, #tpu.memory_space<semaphore_mem>>) src(%dma_wait3A_59 : memref<400x32xf32, #tpu.memory_space<hbm>>) dst(%dma_wait3A_56 : memref<400x32xf32, #tpu.memory_space<vmem_shared>>)
        tpu.yield
      }) : () -> ()
    } else {
    }
    %barrier3A = arith.constant 0 : index
    tpu.barrier barrier_id(%barrier3A)
    %dma_start3A = arith.constant 0 : i32
    %dma_start3A_7 = arith.constant 0 : i32
    %dma_start3A_8 = tpu.memref_slice %arg7[%dma_start3A, %dma_start3A_7] : memref<20x500xi32, #tpu.memory_space<vmem>> -> memref<1x500xi32, #tpu.memory_space<vmem>>
    %dma_start3A_9 = tpu.memref_squeeze %dma_start3A_8 : memref<1x500xi32, #tpu.memory_space<vmem>> -> memref<500xi32, #tpu.memory_space<vmem>>
    %dma_start3A_10 = arith.constant 0 : i32
    %dma_start3A_11 = arith.constant 0 : i32
    %dma_start3A_12 = tpu.memref_slice %arg2[%dma_start3A_10, %dma_start3A_11] : memref<10000x32xf32, #tpu.memory_space<hbm>> -> memref<10000x32xf32, #tpu.memory_space<hbm>>
    tpu.enqueue_indirect_dma source(%dma_start3A_12 : memref<10000x32xf32, #tpu.memory_space<hbm>>) target(%arg9 : memref<500x32xf32, #tpu.memory_space<vmem>>) offsets(%dma_start3A_9 : memref<500xi32, #tpu.memory_space<vmem>>) semaphore(%arg12 : memref<!tpu.dma_semaphore, #tpu.memory_space<semaphore_mem>>)
    %dma_start3A_13 = arith.constant 1 : i32
    %dma_start3A_14 = arith.constant 0 : i32
    %dma_start3A_15 = tpu.memref_slice %arg7[%dma_start3A_13, %dma_start3A_14] : memref<20x500xi32, #tpu.memory_space<vmem>> -> memref<1x500xi32, #tpu.memory_space<vmem>>
    %dma_start3A_16 = tpu.memref_squeeze %dma_start3A_15 : memref<1x500xi32, #tpu.memory_space<vmem>> -> memref<500xi32, #tpu.memory_space<vmem>>
    %dma_start3A_17 = arith.constant 0 : i32
    %dma_start3A_18 = arith.constant 0 : i32
    %dma_start3A_19 = tpu.memref_slice %arg2[%dma_start3A_17, %dma_start3A_18] : memref<10000x32xf32, #tpu.memory_space<hbm>> -> memref<10000x32xf32, #tpu.memory_space<hbm>>
    tpu.enqueue_indirect_dma source(%dma_start3A_19 : memref<10000x32xf32, #tpu.memory_space<hbm>>) target(%arg10 : memref<500x32xf32, #tpu.memory_space<vmem>>) offsets(%dma_start3A_16 : memref<500xi32, #tpu.memory_space<vmem>>) semaphore(%arg13 : memref<!tpu.dma_semaphore, #tpu.memory_space<semaphore_mem>>)
    %scan3A = arith.constant 0 : i32
    %scan3A_20 = arith.constant 10 : i32
    %scan3A_21 = arith.addi %scan3A, %scan3A_20 : i32
    %scan3A_22 = arith.constant 1 : i32
    scf.for %scan3A_48 = %scan3A to %scan3A_21 step %scan3A_22  : i32 {
      %mul3A_49 = arith.constant 2 : i32
      %mul3A_50 = arith.muli %scan3A_48, %mul3A_49 : i32
      %add3A_51 = arith.constant 0 : i32
      %add3A_52 = arith.addi %add3A_51, %mul3A_50 : i32
      %dma_wait3A_53 = arith.constant 0 : i32
      %dma_wait3A_54 = tpu.memref_slice %arg7[%add3A_52, %dma_wait3A_53] : memref<20x500xi32, #tpu.memory_space<vmem>> -> memref<1x500xi32, #tpu.memory_space<vmem>>
      %dma_wait3A_55 = tpu.memref_squeeze %dma_wait3A_54 : memref<1x500xi32, #tpu.memory_space<vmem>> -> memref<500xi32, #tpu.memory_space<vmem>>
      %dma_wait3A_56 = arith.constant 0 : i32
      %dma_wait3A_57 = arith.constant 0 : i32
      %dma_wait3A_58 = tpu.memref_slice %arg2[%dma_wait3A_56, %dma_wait3A_57] : memref<10000x32xf32, #tpu.memory_space<hbm>> -> memref<10000x32xf32, #tpu.memory_space<hbm>>
      tpu.wait_indirect_dma semaphore(%arg12 : memref<!tpu.dma_semaphore, #tpu.memory_space<semaphore_mem>>) src(%dma_wait3A_58 : memref<10000x32xf32, #tpu.memory_space<hbm>>) dst(%arg9 : memref<500x32xf32, #tpu.memory_space<vmem>>)
      %dma_start3A_59 = arith.constant 0 : i32
      %dma_start3A_60 = tpu.memref_slice %arg8[%add3A_52, %dma_start3A_59] : memref<20x500xi32, #tpu.memory_space<vmem>> -> memref<1x500xi32, #tpu.memory_space<vmem>>
      %dma_start3A_61 = tpu.memref_squeeze %dma_start3A_60 : memref<1x500xi32, #tpu.memory_space<vmem>> -> memref<500xi32, #tpu.memory_space<vmem>>
      %dma_start3A_62 = arith.constant 0 : i32
      %dma_start3A_63 = arith.constant 0 : i32
      %dma_start3A_64 = tpu.memref_slice %arg11[%dma_start3A_62, %dma_start3A_63] : memref<10000x32xf32, #tpu.memory_space<vmem_shared>> -> memref<10000x32xf32, #tpu.memory_space<vmem_shared>>
      tpu.enqueue_indirect_dma source(%arg9 : memref<500x32xf32, #tpu.memory_space<vmem>>) target(%dma_start3A_64 : memref<10000x32xf32, #tpu.memory_space<vmem_shared>>) offsets(%dma_start3A_61 : memref<500xi32, #tpu.memory_space<vmem>>) semaphore(%arg14 : memref<!tpu.dma_semaphore, #tpu.memory_space<semaphore_mem>>) {add = true}
      %add3A_65 = arith.constant 1 : i32
      %add3A_66 = arith.addi %add3A_52, %add3A_65 : i32
      %dma_wait3A_67 = arith.constant 0 : i32
      %dma_wait3A_68 = tpu.memref_slice %arg7[%add3A_66, %dma_wait3A_67] : memref<20x500xi32, #tpu.memory_space<vmem>> -> memref<1x500xi32, #tpu.memory_space<vmem>>
      %dma_wait3A_69 = tpu.memref_squeeze %dma_wait3A_68 : memref<1x500xi32, #tpu.memory_space<vmem>> -> memref<500xi32, #tpu.memory_space<vmem>>
      %dma_wait3A_70 = arith.constant 0 : i32
      %dma_wait3A_71 = arith.constant 0 : i32
      %dma_wait3A_72 = tpu.memref_slice %arg2[%dma_wait3A_70, %dma_wait3A_71] : memref<10000x32xf32, #tpu.memory_space<hbm>> -> memref<10000x32xf32, #tpu.memory_space<hbm>>
      tpu.wait_indirect_dma semaphore(%arg13 : memref<!tpu.dma_semaphore, #tpu.memory_space<semaphore_mem>>) src(%dma_wait3A_72 : memref<10000x32xf32, #tpu.memory_space<hbm>>) dst(%arg10 : memref<500x32xf32, #tpu.memory_space<vmem>>)
      %add3A_73 = arith.constant 1 : i32
      %add3A_74 = arith.addi %add3A_52, %add3A_73 : i32
      %dma_start3A_75 = arith.constant 0 : i32
      %dma_start3A_76 = tpu.memref_slice %arg8[%add3A_74, %dma_start3A_75] : memref<20x500xi32, #tpu.memory_space<vmem>> -> memref<1x500xi32, #tpu.memory_space<vmem>>
      %dma_start3A_77 = tpu.memref_squeeze %dma_start3A_76 : memref<1x500xi32, #tpu.memory_space<vmem>> -> memref<500xi32, #tpu.memory_space<vmem>>
      %dma_start3A_78 = arith.constant 0 : i32
      %dma_start3A_79 = arith.constant 0 : i32
      %dma_start3A_80 = tpu.memref_slice %arg11[%dma_start3A_78, %dma_start3A_79] : memref<10000x32xf32, #tpu.memory_space<vmem_shared>> -> memref<10000x32xf32, #tpu.memory_space<vmem_shared>>
      tpu.enqueue_indirect_dma source(%arg10 : memref<500x32xf32, #tpu.memory_space<vmem>>) target(%dma_start3A_80 : memref<10000x32xf32, #tpu.memory_space<vmem_shared>>) offsets(%dma_start3A_77 : memref<500xi32, #tpu.memory_space<vmem>>) semaphore(%arg15 : memref<!tpu.dma_semaphore, #tpu.memory_space<semaphore_mem>>) {add = true}
      %add3A_81 = arith.constant 2 : i32
      %add3A_82 = arith.addi %add3A_52, %add3A_81 : i32
      %lt3A_83 = arith.constant 20 : i32
      %lt3A_84 = arith.cmpi slt, %add3A_82, %lt3A_83 : i32
      %convert_element_type3A_85 = arith.extui %lt3A_84 : i1 to i32
      %cond3A_86 = arith.constant 0 : i32
      %cond3A_87 = arith.cmpi ne, %convert_element_type3A_85, %cond3A_86 : i32
      scf.if %cond3A_87 {
        %dma_wait3A_88 = arith.constant 0 : i32
        %dma_wait3A_89 = tpu.memref_slice %arg8[%add3A_52, %dma_wait3A_88] : memref<20x500xi32, #tpu.memory_space<vmem>> -> memref<1x500xi32, #tpu.memory_space<vmem>>
        %dma_wait3A_90 = tpu.memref_squeeze %dma_wait3A_89 : memref<1x500xi32, #tpu.memory_space<vmem>> -> memref<500xi32, #tpu.memory_space<vmem>>
        %dma_wait3A_91 = arith.constant 0 : i32
        %dma_wait3A_92 = arith.constant 0 : i32
        %dma_wait3A_93 = tpu.memref_slice %arg11[%dma_wait3A_91, %dma_wait3A_92] : memref<10000x32xf32, #tpu.memory_space<vmem_shared>> -> memref<10000x32xf32, #tpu.memory_space<vmem_shared>>
        tpu.wait_indirect_dma semaphore(%arg14 : memref<!tpu.dma_semaphore, #tpu.memory_space<semaphore_mem>>) src(%arg9 : memref<500x32xf32, #tpu.memory_space<vmem>>) dst(%dma_wait3A_93 : memref<10000x32xf32, #tpu.memory_space<vmem_shared>>)
        %add3A_94 = arith.constant 2 : i32
        %add3A_95 = arith.addi %add3A_52, %add3A_94 : i32
        %dma_start3A_96 = arith.constant 0 : i32
        %dma_start3A_97 = tpu.memref_slice %arg7[%add3A_95, %dma_start3A_96] : memref<20x500xi32, #tpu.memory_space<vmem>> -> memref<1x500xi32, #tpu.memory_space<vmem>>
        %dma_start3A_98 = tpu.memref_squeeze %dma_start3A_97 : memref<1x500xi32, #tpu.memory_space<vmem>> -> memref<500xi32, #tpu.memory_space<vmem>>
        %dma_start3A_99 = arith.constant 0 : i32
        %dma_start3A_100 = arith.constant 0 : i32
        %dma_start3A_101 = tpu.memref_slice %arg2[%dma_start3A_99, %dma_start3A_100] : memref<10000x32xf32, #tpu.memory_space<hbm>> -> memref<10000x32xf32, #tpu.memory_space<hbm>>
        tpu.enqueue_indirect_dma source(%dma_start3A_101 : memref<10000x32xf32, #tpu.memory_space<hbm>>) target(%arg9 : memref<500x32xf32, #tpu.memory_space<vmem>>) offsets(%dma_start3A_98 : memref<500xi32, #tpu.memory_space<vmem>>) semaphore(%arg12 : memref<!tpu.dma_semaphore, #tpu.memory_space<semaphore_mem>>)
        %add3A_102 = arith.constant 1 : i32
        %add3A_103 = arith.addi %add3A_52, %add3A_102 : i32
        %dma_wait3A_104 = arith.constant 0 : i32
        %dma_wait3A_105 = tpu.memref_slice %arg8[%add3A_103, %dma_wait3A_104] : memref<20x500xi32, #tpu.memory_space<vmem>> -> memref<1x500xi32, #tpu.memory_space<vmem>>
        %dma_wait3A_106 = tpu.memref_squeeze %dma_wait3A_105 : memref<1x500xi32, #tpu.memory_space<vmem>> -> memref<500xi32, #tpu.memory_space<vmem>>
        %dma_wait3A_107 = arith.constant 0 : i32
        %dma_wait3A_108 = arith.constant 0 : i32
        %dma_wait3A_109 = tpu.memref_slice %arg11[%dma_wait3A_107, %dma_wait3A_108] : memref<10000x32xf32, #tpu.memory_space<vmem_shared>> -> memref<10000x32xf32, #tpu.memory_space<vmem_shared>>
        tpu.wait_indirect_dma semaphore(%arg15 : memref<!tpu.dma_semaphore, #tpu.memory_space<semaphore_mem>>) src(%arg10 : memref<500x32xf32, #tpu.memory_space<vmem>>) dst(%dma_wait3A_109 : memref<10000x32xf32, #tpu.memory_space<vmem_shared>>)
        %add3A_110 = arith.constant 3 : i32
        %add3A_111 = arith.addi %add3A_52, %add3A_110 : i32
        %dma_start3A_112 = arith.constant 0 : i32
        %dma_start3A_113 = tpu.memref_slice %arg7[%add3A_111, %dma_start3A_112] : memref<20x500xi32, #tpu.memory_space<vmem>> -> memref<1x500xi32, #tpu.memory_space<vmem>>
        %dma_start3A_114 = tpu.memref_squeeze %dma_start3A_113 : memref<1x500xi32, #tpu.memory_space<vmem>> -> memref<500xi32, #tpu.memory_space<vmem>>
        %dma_start3A_115 = arith.constant 0 : i32
        %dma_start3A_116 = arith.constant 0 : i32
        %dma_start3A_117 = tpu.memref_slice %arg2[%dma_start3A_115, %dma_start3A_116] : memref<10000x32xf32, #tpu.memory_space<hbm>> -> memref<10000x32xf32, #tpu.memory_space<hbm>>
        tpu.enqueue_indirect_dma source(%dma_start3A_117 : memref<10000x32xf32, #tpu.memory_space<hbm>>) target(%arg10 : memref<500x32xf32, #tpu.memory_space<vmem>>) offsets(%dma_start3A_114 : memref<500xi32, #tpu.memory_space<vmem>>) semaphore(%arg13 : memref<!tpu.dma_semaphore, #tpu.memory_space<semaphore_mem>>)
      } else {
      }
    }
    %scan3A_23 = arith.constant 10 : i32
    %dma_wait3A = arith.constant 18 : i32
    %dma_wait3A_24 = arith.constant 0 : i32
    %dma_wait3A_25 = tpu.memref_slice %arg8[%dma_wait3A, %dma_wait3A_24] : memref<20x500xi32, #tpu.memory_space<vmem>> -> memref<1x500xi32, #tpu.memory_space<vmem>>
    %dma_wait3A_26 = tpu.memref_squeeze %dma_wait3A_25 : memref<1x500xi32, #tpu.memory_space<vmem>> -> memref<500xi32, #tpu.memory_space<vmem>>
    %dma_wait3A_27 = arith.constant 0 : i32
    %dma_wait3A_28 = arith.constant 0 : i32
    %dma_wait3A_29 = tpu.memref_slice %arg11[%dma_wait3A_27, %dma_wait3A_28] : memref<10000x32xf32, #tpu.memory_space<vmem_shared>> -> memref<10000x32xf32, #tpu.memory_space<vmem_shared>>
    tpu.wait_indirect_dma semaphore(%arg14 : memref<!tpu.dma_semaphore, #tpu.memory_space<semaphore_mem>>) src(%arg9 : memref<500x32xf32, #tpu.memory_space<vmem>>) dst(%dma_wait3A_29 : memref<10000x32xf32, #tpu.memory_space<vmem_shared>>)
    %dma_wait3A_30 = arith.constant 19 : i32
    %dma_wait3A_31 = arith.constant 0 : i32
    %dma_wait3A_32 = tpu.memref_slice %arg8[%dma_wait3A_30, %dma_wait3A_31] : memref<20x500xi32, #tpu.memory_space<vmem>> -> memref<1x500xi32, #tpu.memory_space<vmem>>
    %dma_wait3A_33 = tpu.memref_squeeze %dma_wait3A_32 : memref<1x500xi32, #tpu.memory_space<vmem>> -> memref<500xi32, #tpu.memory_space<vmem>>
    %dma_wait3A_34 = arith.constant 0 : i32
    %dma_wait3A_35 = arith.constant 0 : i32
    %dma_wait3A_36 = tpu.memref_slice %arg11[%dma_wait3A_34, %dma_wait3A_35] : memref<10000x32xf32, #tpu.memory_space<vmem_shared>> -> memref<10000x32xf32, #tpu.memory_space<vmem_shared>>
    tpu.wait_indirect_dma semaphore(%arg15 : memref<!tpu.dma_semaphore, #tpu.memory_space<semaphore_mem>>) src(%arg10 : memref<500x32xf32, #tpu.memory_space<vmem>>) dst(%dma_wait3A_36 : memref<10000x32xf32, #tpu.memory_space<vmem_shared>>)
    %barrier3A_37 = arith.constant 0 : index
    tpu.barrier barrier_id(%barrier3A_37)
    %lt3A_38 = arith.constant 15 : i32
    %lt3A_39 = arith.cmpi slt, %arg1, %lt3A_38 : i32
    %convert_element_type3A_40 = arith.extui %lt3A_39 : i1 to i32
    %cond3A_41 = arith.constant 0 : i32
    %cond3A_42 = arith.cmpi ne, %convert_element_type3A_40, %cond3A_41 : i32
    scf.if %cond3A_42 {
      %mul3A_48 = arith.constant 640 : i32
      %mul3A_49 = arith.muli %arg1, %mul3A_48 : i32
      %mul3A_50 = arith.constant 640 : i32
      %mul3A_51 = arith.muli %arg1, %mul3A_50 : i32
      "tpu.region"() ({
        %run_scoped3A = tpu.sem_alloc : memref<!tpu.dma_semaphore, #tpu.memory_space<semaphore_mem>>
        %dma_start3A_52 = arith.constant 0 : i32
        %dma_start3A_53 = tpu.memref_slice %arg6[%arg0, %mul3A_51, %dma_start3A_52] : memref<2x10000x32xf32, #tpu.memory_space<hbm>> -> memref<1x640x32xf32, #tpu.memory_space<hbm>>
        %dma_start3A_54 = tpu.memref_squeeze %dma_start3A_53 : memref<1x640x32xf32, #tpu.memory_space<hbm>> -> memref<640x32xf32, #tpu.memory_space<hbm>>
        %dma_start3A_55 = arith.constant 0 : i32
        %dma_start3A_56 = tpu.memref_slice %arg11[%mul3A_49, %dma_start3A_55] : memref<10000x32xf32, #tpu.memory_space<vmem_shared>> -> memref<640x32xf32, #tpu.memory_space<vmem_shared>>
        tpu.enqueue_dma source(%dma_start3A_56 : memref<640x32xf32, #tpu.memory_space<vmem_shared>>) target(%dma_start3A_54 : memref<640x32xf32, #tpu.memory_space<hbm>>) target_semaphore(%run_scoped3A : memref<!tpu.dma_semaphore, #tpu.memory_space<semaphore_mem>>)
        %dma_wait3A_57 = arith.constant 0 : i32
        %dma_wait3A_58 = tpu.memref_slice %arg6[%arg0, %mul3A_51, %dma_wait3A_57] : memref<2x10000x32xf32, #tpu.memory_space<hbm>> -> memref<1x640x32xf32, #tpu.memory_space<hbm>>
        %dma_wait3A_59 = tpu.memref_squeeze %dma_wait3A_58 : memref<1x640x32xf32, #tpu.memory_space<hbm>> -> memref<640x32xf32, #tpu.memory_space<hbm>>
        %dma_wait3A_60 = arith.constant 0 : i32
        %dma_wait3A_61 = tpu.memref_slice %arg11[%mul3A_49, %dma_wait3A_60] : memref<10000x32xf32, #tpu.memory_space<vmem_shared>> -> memref<640x32xf32, #tpu.memory_space<vmem_shared>>
        tpu.wait_dma2 semaphore(%run_scoped3A : memref<!tpu.dma_semaphore, #tpu.memory_space<semaphore_mem>>) src(%dma_wait3A_61 : memref<640x32xf32, #tpu.memory_space<vmem_shared>>) dst(%dma_wait3A_59 : memref<640x32xf32, #tpu.memory_space<hbm>>)
        tpu.yield
      }) : () -> ()
    } else {
    }
    %eq3A_43 = arith.constant 15 : i32
    %eq3A_44 = arith.cmpi eq, %arg1, %eq3A_43 : i32
    %convert_element_type3A_45 = arith.extui %eq3A_44 : i1 to i32
    %cond3A_46 = arith.constant 0 : i32
    %cond3A_47 = arith.cmpi ne, %convert_element_type3A_45, %cond3A_46 : i32
    scf.if %cond3A_47 {
      "tpu.region"() ({
        %run_scoped3A = tpu.sem_alloc : memref<!tpu.dma_semaphore, #tpu.memory_space<semaphore_mem>>
        %dma_start3A_48 = arith.constant 9600 : i32
        %dma_start3A_49 = arith.constant 0 : i32
        %dma_start3A_50 = tpu.memref_slice %arg6[%arg0, %dma_start3A_48, %dma_start3A_49] : memref<2x10000x32xf32, #tpu.memory_space<hbm>> -> memref<1x400x32xf32, #tpu.memory_space<hbm>>
        %dma_start3A_51 = tpu.memref_squeeze %dma_start3A_50 : memref<1x400x32xf32, #tpu.memory_space<hbm>> -> memref<400x32xf32, #tpu.memory_space<hbm>>
        %dma_start3A_52 = arith.constant 9600 : i32
        %dma_start3A_53 = arith.constant 0 : i32
        %dma_start3A_54 = tpu.memref_slice %arg11[%dma_start3A_52, %dma_start3A_53] : memref<10000x32xf32, #tpu.memory_space<vmem_shared>> -> memref<400x32xf32, #tpu.memory_space<vmem_shared>>
        tpu.enqueue_dma source(%dma_start3A_54 : memref<400x32xf32, #tpu.memory_space<vmem_shared>>) target(%dma_start3A_51 : memref<400x32xf32, #tpu.memory_space<hbm>>) target_semaphore(%run_scoped3A : memref<!tpu.dma_semaphore, #tpu.memory_space<semaphore_mem>>)
        %dma_wait3A_55 = arith.constant 9600 : i32
        %dma_wait3A_56 = arith.constant 0 : i32
        %dma_wait3A_57 = tpu.memref_slice %arg6[%arg0, %dma_wait3A_55, %dma_wait3A_56] : memref<2x10000x32xf32, #tpu.memory_space<hbm>> -> memref<1x400x32xf32, #tpu.memory_space<hbm>>
        %dma_wait3A_58 = tpu.memref_squeeze %dma_wait3A_57 : memref<1x400x32xf32, #tpu.memory_space<hbm>> -> memref<400x32xf32, #tpu.memory_space<hbm>>
        %dma_wait3A_59 = arith.constant 9600 : i32
        %dma_wait3A_60 = arith.constant 0 : i32
        %dma_wait3A_61 = tpu.memref_slice %arg11[%dma_wait3A_59, %dma_wait3A_60] : memref<10000x32xf32, #tpu.memory_space<vmem_shared>> -> memref<400x32xf32, #tpu.memory_space<vmem_shared>>
        tpu.wait_dma2 semaphore(%run_scoped3A : memref<!tpu.dma_semaphore, #tpu.memory_space<semaphore_mem>>) src(%dma_wait3A_61 : memref<400x32xf32, #tpu.memory_space<vmem_shared>>) dst(%dma_wait3A_58 : memref<400x32xf32, #tpu.memory_space<hbm>>)
        tpu.yield
      }) : () -> ()
    } else {
    }
    return
  }
}

#map = affine_map<(d0, d1) -> (0, 0)>
#map1 = affine_map<(d0, d1) -> (0, 0, 0)>
module attributes {stable_mosaic.version = 14 : i64} {
  func.func @_agg_body(%arg0: i32, %arg1: i32, %arg2: memref<10000x32xf32, #tpu.memory_space<hbm>>, %arg3: memref<32x20x500xi32, #tpu.memory_space<hbm>>, %arg4: memref<32x20x500xi32, #tpu.memory_space<hbm>>, %arg5: memref<640x32xf32, #tpu.memory_space<hbm>>, %arg6: memref<2x10000x32xf32, #tpu.memory_space<hbm>>, %arg7: memref<20x500xi32, #tpu.memory_space<vmem>>, %arg8: memref<20x500xi32, #tpu.memory_space<vmem>>, %arg9: memref<500x32xf32, #tpu.memory_space<vmem>>, %arg10: memref<500x32xf32, #tpu.memory_space<vmem>>, %arg11: memref<10000x32xf32, #tpu.memory_space<vmem_shared>>, %arg12: memref<!tpu.dma_semaphore, #tpu.memory_space<semaphore_mem>>, %arg13: memref<!tpu.dma_semaphore, #tpu.memory_space<semaphore_mem>>, %arg14: memref<!tpu.dma_semaphore, #tpu.memory_space<semaphore_mem>>, %arg15: memref<!tpu.dma_semaphore, #tpu.memory_space<semaphore_mem>>) attributes {dimension_semantics = [#tpu.dimension_semantics<core_parallel>, #tpu.dimension_semantics<subcore_parallel>], iteration_bounds = array<i64: 2, 16>, scalar_prefetch = 0 : i64, scratch_operands = 9 : i64, tpu.core_type = #tpu.core_type<sc_vector_subcore>, window_params = [{transform_indices = #map}, {transform_indices = #map1}, {transform_indices = #map1}, {transform_indices = #map}, {transform_indices = #map1}]} {
    %mul3A = arith.constant 16 : i32
    %mul3A_0 = arith.muli %arg0, %mul3A : i32
    %add3A = arith.addi %mul3A_0, %arg1 : i32
    "tpu.region"() ({
      %run_scoped3A = tpu.sem_alloc : memref<!tpu.dma_semaphore, #tpu.memory_space<semaphore_mem>>
      %dma_start3A_48 = arith.constant 0 : i32
      %dma_start3A_49 = arith.constant 0 : i32
      %dma_start3A_50 = tpu.memref_slice %arg3[%add3A, %dma_start3A_48, %dma_start3A_49] : memref<32x20x500xi32, #tpu.memory_space<hbm>> -> memref<1x20x500xi32, #tpu.memory_space<hbm>>
      %dma_start3A_51 = tpu.memref_squeeze %dma_start3A_50 : memref<1x20x500xi32, #tpu.memory_space<hbm>> -> memref<20x500xi32, #tpu.memory_space<hbm>>
      %dma_start3A_52 = arith.constant 0 : i32
      %dma_start3A_53 = arith.constant 0 : i32
      %dma_start3A_54 = tpu.memref_slice %arg3[%add3A, %dma_start3A_52, %dma_start3A_53] : memref<32x20x500xi32, #tpu.memory_space<hbm>> -> memref<1x20x500xi32, #tpu.memory_space<hbm>>
      %dma_start3A_55 = tpu.memref_squeeze %dma_start3A_54 : memref<1x20x500xi32, #tpu.memory_space<hbm>> -> memref<20x500xi32, #tpu.memory_space<hbm>>
      tpu.enqueue_dma source(%dma_start3A_55 : memref<20x500xi32, #tpu.memory_space<hbm>>) target(%arg7 : memref<20x500xi32, #tpu.memory_space<vmem>>) target_semaphore(%run_scoped3A : memref<!tpu.dma_semaphore, #tpu.memory_space<semaphore_mem>>)
      %dma_wait3A_56 = arith.constant 0 : i32
      %dma_wait3A_57 = arith.constant 0 : i32
      %dma_wait3A_58 = tpu.memref_slice %arg3[%add3A, %dma_wait3A_56, %dma_wait3A_57] : memref<32x20x500xi32, #tpu.memory_space<hbm>> -> memref<1x20x500xi32, #tpu.memory_space<hbm>>
      %dma_wait3A_59 = tpu.memref_squeeze %dma_wait3A_58 : memref<1x20x500xi32, #tpu.memory_space<hbm>> -> memref<20x500xi32, #tpu.memory_space<hbm>>
      %dma_wait3A_60 = arith.constant 0 : i32
      %dma_wait3A_61 = arith.constant 0 : i32
      %dma_wait3A_62 = tpu.memref_slice %arg3[%add3A, %dma_wait3A_60, %dma_wait3A_61] : memref<32x20x500xi32, #tpu.memory_space<hbm>> -> memref<1x20x500xi32, #tpu.memory_space<hbm>>
      %dma_wait3A_63 = tpu.memref_squeeze %dma_wait3A_62 : memref<1x20x500xi32, #tpu.memory_space<hbm>> -> memref<20x500xi32, #tpu.memory_space<hbm>>
      tpu.wait_dma2 semaphore(%run_scoped3A : memref<!tpu.dma_semaphore, #tpu.memory_space<semaphore_mem>>) src(%dma_wait3A_63 : memref<20x500xi32, #tpu.memory_space<hbm>>) dst(%arg7 : memref<20x500xi32, #tpu.memory_space<vmem>>)
      tpu.yield
    }) : () -> ()
    "tpu.region"() ({
      %run_scoped3A = tpu.sem_alloc : memref<!tpu.dma_semaphore, #tpu.memory_space<semaphore_mem>>
      %dma_start3A_48 = arith.constant 0 : i32
      %dma_start3A_49 = arith.constant 0 : i32
      %dma_start3A_50 = tpu.memref_slice %arg4[%add3A, %dma_start3A_48, %dma_start3A_49] : memref<32x20x500xi32, #tpu.memory_space<hbm>> -> memref<1x20x500xi32, #tpu.memory_space<hbm>>
      %dma_start3A_51 = tpu.memref_squeeze %dma_start3A_50 : memref<1x20x500xi32, #tpu.memory_space<hbm>> -> memref<20x500xi32, #tpu.memory_space<hbm>>
      %dma_start3A_52 = arith.constant 0 : i32
      %dma_start3A_53 = arith.constant 0 : i32
      %dma_start3A_54 = tpu.memref_slice %arg4[%add3A, %dma_start3A_52, %dma_start3A_53] : memref<32x20x500xi32, #tpu.memory_space<hbm>> -> memref<1x20x500xi32, #tpu.memory_space<hbm>>
      %dma_start3A_55 = tpu.memref_squeeze %dma_start3A_54 : memref<1x20x500xi32, #tpu.memory_space<hbm>> -> memref<20x500xi32, #tpu.memory_space<hbm>>
      tpu.enqueue_dma source(%dma_start3A_55 : memref<20x500xi32, #tpu.memory_space<hbm>>) target(%arg8 : memref<20x500xi32, #tpu.memory_space<vmem>>) target_semaphore(%run_scoped3A : memref<!tpu.dma_semaphore, #tpu.memory_space<semaphore_mem>>)
      %dma_wait3A_56 = arith.constant 0 : i32
      %dma_wait3A_57 = arith.constant 0 : i32
      %dma_wait3A_58 = tpu.memref_slice %arg4[%add3A, %dma_wait3A_56, %dma_wait3A_57] : memref<32x20x500xi32, #tpu.memory_space<hbm>> -> memref<1x20x500xi32, #tpu.memory_space<hbm>>
      %dma_wait3A_59 = tpu.memref_squeeze %dma_wait3A_58 : memref<1x20x500xi32, #tpu.memory_space<hbm>> -> memref<20x500xi32, #tpu.memory_space<hbm>>
      %dma_wait3A_60 = arith.constant 0 : i32
      %dma_wait3A_61 = arith.constant 0 : i32
      %dma_wait3A_62 = tpu.memref_slice %arg4[%add3A, %dma_wait3A_60, %dma_wait3A_61] : memref<32x20x500xi32, #tpu.memory_space<hbm>> -> memref<1x20x500xi32, #tpu.memory_space<hbm>>
      %dma_wait3A_63 = tpu.memref_squeeze %dma_wait3A_62 : memref<1x20x500xi32, #tpu.memory_space<hbm>> -> memref<20x500xi32, #tpu.memory_space<hbm>>
      tpu.wait_dma2 semaphore(%run_scoped3A : memref<!tpu.dma_semaphore, #tpu.memory_space<semaphore_mem>>) src(%dma_wait3A_63 : memref<20x500xi32, #tpu.memory_space<hbm>>) dst(%arg8 : memref<20x500xi32, #tpu.memory_space<vmem>>)
      tpu.yield
    }) : () -> ()
    %lt3A = arith.constant 15 : i32
    %lt3A_1 = arith.cmpi slt, %arg1, %lt3A : i32
    %convert_element_type3A = arith.extui %lt3A_1 : i1 to i32
    %cond3A = arith.constant 0 : i32
    %cond3A_2 = arith.cmpi ne, %convert_element_type3A, %cond3A : i32
    scf.if %cond3A_2 {
      %mul3A_48 = arith.constant 640 : i32
      %mul3A_49 = arith.muli %arg1, %mul3A_48 : i32
      "tpu.region"() ({
        %run_scoped3A = tpu.sem_alloc : memref<!tpu.dma_semaphore, #tpu.memory_space<semaphore_mem>>
        %dma_start3A_50 = arith.constant 0 : i32
        %dma_start3A_51 = tpu.memref_slice %arg11[%mul3A_49, %dma_start3A_50] : memref<10000x32xf32, #tpu.memory_space<vmem_shared>> -> memref<640x32xf32, #tpu.memory_space<vmem_shared>>
        tpu.enqueue_dma source(%arg5 : memref<640x32xf32, #tpu.memory_space<hbm>>) target(%dma_start3A_51 : memref<640x32xf32, #tpu.memory_space<vmem_shared>>) target_semaphore(%run_scoped3A : memref<!tpu.dma_semaphore, #tpu.memory_space<semaphore_mem>>)
        %dma_wait3A_52 = arith.constant 0 : i32
        %dma_wait3A_53 = tpu.memref_slice %arg11[%mul3A_49, %dma_wait3A_52] : memref<10000x32xf32, #tpu.memory_space<vmem_shared>> -> memref<640x32xf32, #tpu.memory_space<vmem_shared>>
        tpu.wait_dma2 semaphore(%run_scoped3A : memref<!tpu.dma_semaphore, #tpu.memory_space<semaphore_mem>>) src(%arg5 : memref<640x32xf32, #tpu.memory_space<hbm>>) dst(%dma_wait3A_53 : memref<640x32xf32, #tpu.memory_space<vmem_shared>>)
        tpu.yield
      }) : () -> ()
    } else {
    }
    %eq3A = arith.constant 15 : i32
    %eq3A_3 = arith.cmpi eq, %arg1, %eq3A : i32
    %convert_element_type3A_4 = arith.extui %eq3A_3 : i1 to i32
    %cond3A_5 = arith.constant 0 : i32
    %cond3A_6 = arith.cmpi ne, %convert_element_type3A_4, %cond3A_5 : i32
    scf.if %cond3A_6 {
      "tpu.region"() ({
        %run_scoped3A = tpu.sem_alloc : memref<!tpu.dma_semaphore, #tpu.memory_space<semaphore_mem>>
        %dma_start3A_48 = arith.constant 9600 : i32
        %dma_start3A_49 = arith.constant 0 : i32
        %dma_start3A_50 = tpu.memref_slice %arg11[%dma_start3A_48, %dma_start3A_49] : memref<10000x32xf32, #tpu.memory_space<vmem_shared>> -> memref<400x32xf32, #tpu.memory_space<vmem_shared>>
        %dma_start3A_51 = arith.constant 0 : i32
        %dma_start3A_52 = arith.constant 0 : i32
        %dma_start3A_53 = tpu.memref_slice %arg5[%dma_start3A_51, %dma_start3A_52] : memref<640x32xf32, #tpu.memory_space<hbm>> -> memref<400x32xf32, #tpu.memory_space<hbm>>
        tpu.enqueue_dma source(%dma_start3A_53 : memref<400x32xf32, #tpu.memory_space<hbm>>) target(%dma_start3A_50 : memref<400x32xf32, #tpu.memory_space<vmem_shared>>) target_semaphore(%run_scoped3A : memref<!tpu.dma_semaphore, #tpu.memory_space<semaphore_mem>>)
        %dma_wait3A_54 = arith.constant 9600 : i32
        %dma_wait3A_55 = arith.constant 0 : i32
        %dma_wait3A_56 = tpu.memref_slice %arg11[%dma_wait3A_54, %dma_wait3A_55] : memref<10000x32xf32, #tpu.memory_space<vmem_shared>> -> memref<400x32xf32, #tpu.memory_space<vmem_shared>>
        %dma_wait3A_57 = arith.constant 0 : i32
        %dma_wait3A_58 = arith.constant 0 : i32
        %dma_wait3A_59 = tpu.memref_slice %arg5[%dma_wait3A_57, %dma_wait3A_58] : memref<640x32xf32, #tpu.memory_space<hbm>> -> memref<400x32xf32, #tpu.memory_space<hbm>>
        tpu.wait_dma2 semaphore(%run_scoped3A : memref<!tpu.dma_semaphore, #tpu.memory_space<semaphore_mem>>) src(%dma_wait3A_59 : memref<400x32xf32, #tpu.memory_space<hbm>>) dst(%dma_wait3A_56 : memref<400x32xf32, #tpu.memory_space<vmem_shared>>)
        tpu.yield
      }) : () -> ()
    } else {
    }
    %barrier3A = arith.constant 0 : index
    tpu.barrier barrier_id(%barrier3A)
    %dma_start3A = arith.constant 0 : i32
    %dma_start3A_7 = arith.constant 0 : i32
    %dma_start3A_8 = tpu.memref_slice %arg7[%dma_start3A, %dma_start3A_7] : memref<20x500xi32, #tpu.memory_space<vmem>> -> memref<1x500xi32, #tpu.memory_space<vmem>>
    %dma_start3A_9 = tpu.memref_squeeze %dma_start3A_8 : memref<1x500xi32, #tpu.memory_space<vmem>> -> memref<500xi32, #tpu.memory_space<vmem>>
    %dma_start3A_10 = arith.constant 0 : i32
    %dma_start3A_11 = arith.constant 0 : i32
    %dma_start3A_12 = tpu.memref_slice %arg2[%dma_start3A_10, %dma_start3A_11] : memref<10000x32xf32, #tpu.memory_space<hbm>> -> memref<10000x32xf32, #tpu.memory_space<hbm>>
    tpu.enqueue_indirect_dma source(%dma_start3A_12 : memref<10000x32xf32, #tpu.memory_space<hbm>>) target(%arg9 : memref<500x32xf32, #tpu.memory_space<vmem>>) offsets(%dma_start3A_9 : memref<500xi32, #tpu.memory_space<vmem>>) semaphore(%arg12 : memref<!tpu.dma_semaphore, #tpu.memory_space<semaphore_mem>>)
    %dma_start3A_13 = arith.constant 1 : i32
    %dma_start3A_14 = arith.constant 0 : i32
    %dma_start3A_15 = tpu.memref_slice %arg7[%dma_start3A_13, %dma_start3A_14] : memref<20x500xi32, #tpu.memory_space<vmem>> -> memref<1x500xi32, #tpu.memory_space<vmem>>
    %dma_start3A_16 = tpu.memref_squeeze %dma_start3A_15 : memref<1x500xi32, #tpu.memory_space<vmem>> -> memref<500xi32, #tpu.memory_space<vmem>>
    %dma_start3A_17 = arith.constant 0 : i32
    %dma_start3A_18 = arith.constant 0 : i32
    %dma_start3A_19 = tpu.memref_slice %arg2[%dma_start3A_17, %dma_start3A_18] : memref<10000x32xf32, #tpu.memory_space<hbm>> -> memref<10000x32xf32, #tpu.memory_space<hbm>>
    tpu.enqueue_indirect_dma source(%dma_start3A_19 : memref<10000x32xf32, #tpu.memory_space<hbm>>) target(%arg10 : memref<500x32xf32, #tpu.memory_space<vmem>>) offsets(%dma_start3A_16 : memref<500xi32, #tpu.memory_space<vmem>>) semaphore(%arg13 : memref<!tpu.dma_semaphore, #tpu.memory_space<semaphore_mem>>)
    %scan3A = arith.constant 0 : i32
    %scan3A_20 = arith.constant 10 : i32
    %scan3A_21 = arith.addi %scan3A, %scan3A_20 : i32
    %scan3A_22 = arith.constant 1 : i32
    scf.for %scan3A_48 = %scan3A to %scan3A_21 step %scan3A_22  : i32 {
      %mul3A_49 = arith.constant 2 : i32
      %mul3A_50 = arith.muli %scan3A_48, %mul3A_49 : i32
      %add3A_51 = arith.constant 0 : i32
      %add3A_52 = arith.addi %add3A_51, %mul3A_50 : i32
      %dma_wait3A_53 = arith.constant 0 : i32
      %dma_wait3A_54 = tpu.memref_slice %arg7[%add3A_52, %dma_wait3A_53] : memref<20x500xi32, #tpu.memory_space<vmem>> -> memref<1x500xi32, #tpu.memory_space<vmem>>
      %dma_wait3A_55 = tpu.memref_squeeze %dma_wait3A_54 : memref<1x500xi32, #tpu.memory_space<vmem>> -> memref<500xi32, #tpu.memory_space<vmem>>
      %dma_wait3A_56 = arith.constant 0 : i32
      %dma_wait3A_57 = arith.constant 0 : i32
      %dma_wait3A_58 = tpu.memref_slice %arg2[%dma_wait3A_56, %dma_wait3A_57] : memref<10000x32xf32, #tpu.memory_space<hbm>> -> memref<10000x32xf32, #tpu.memory_space<hbm>>
      tpu.wait_indirect_dma semaphore(%arg12 : memref<!tpu.dma_semaphore, #tpu.memory_space<semaphore_mem>>) src(%dma_wait3A_58 : memref<10000x32xf32, #tpu.memory_space<hbm>>) dst(%arg9 : memref<500x32xf32, #tpu.memory_space<vmem>>)
      %dma_start3A_59 = arith.constant 0 : i32
      %dma_start3A_60 = tpu.memref_slice %arg8[%add3A_52, %dma_start3A_59] : memref<20x500xi32, #tpu.memory_space<vmem>> -> memref<1x500xi32, #tpu.memory_space<vmem>>
      %dma_start3A_61 = tpu.memref_squeeze %dma_start3A_60 : memref<1x500xi32, #tpu.memory_space<vmem>> -> memref<500xi32, #tpu.memory_space<vmem>>
      %dma_start3A_62 = arith.constant 0 : i32
      %dma_start3A_63 = arith.constant 0 : i32
      %dma_start3A_64 = tpu.memref_slice %arg11[%dma_start3A_62, %dma_start3A_63] : memref<10000x32xf32, #tpu.memory_space<vmem_shared>> -> memref<10000x32xf32, #tpu.memory_space<vmem_shared>>
      tpu.enqueue_indirect_dma source(%arg9 : memref<500x32xf32, #tpu.memory_space<vmem>>) target(%dma_start3A_64 : memref<10000x32xf32, #tpu.memory_space<vmem_shared>>) offsets(%dma_start3A_61 : memref<500xi32, #tpu.memory_space<vmem>>) semaphore(%arg14 : memref<!tpu.dma_semaphore, #tpu.memory_space<semaphore_mem>>) {add = true}
      %add3A_65 = arith.constant 1 : i32
      %add3A_66 = arith.addi %add3A_52, %add3A_65 : i32
      %dma_wait3A_67 = arith.constant 0 : i32
      %dma_wait3A_68 = tpu.memref_slice %arg7[%add3A_66, %dma_wait3A_67] : memref<20x500xi32, #tpu.memory_space<vmem>> -> memref<1x500xi32, #tpu.memory_space<vmem>>
      %dma_wait3A_69 = tpu.memref_squeeze %dma_wait3A_68 : memref<1x500xi32, #tpu.memory_space<vmem>> -> memref<500xi32, #tpu.memory_space<vmem>>
      %dma_wait3A_70 = arith.constant 0 : i32
      %dma_wait3A_71 = arith.constant 0 : i32
      %dma_wait3A_72 = tpu.memref_slice %arg2[%dma_wait3A_70, %dma_wait3A_71] : memref<10000x32xf32, #tpu.memory_space<hbm>> -> memref<10000x32xf32, #tpu.memory_space<hbm>>
      tpu.wait_indirect_dma semaphore(%arg13 : memref<!tpu.dma_semaphore, #tpu.memory_space<semaphore_mem>>) src(%dma_wait3A_72 : memref<10000x32xf32, #tpu.memory_space<hbm>>) dst(%arg10 : memref<500x32xf32, #tpu.memory_space<vmem>>)
      %add3A_73 = arith.constant 1 : i32
      %add3A_74 = arith.addi %add3A_52, %add3A_73 : i32
      %dma_start3A_75 = arith.constant 0 : i32
      %dma_start3A_76 = tpu.memref_slice %arg8[%add3A_74, %dma_start3A_75] : memref<20x500xi32, #tpu.memory_space<vmem>> -> memref<1x500xi32, #tpu.memory_space<vmem>>
      %dma_start3A_77 = tpu.memref_squeeze %dma_start3A_76 : memref<1x500xi32, #tpu.memory_space<vmem>> -> memref<500xi32, #tpu.memory_space<vmem>>
      %dma_start3A_78 = arith.constant 0 : i32
      %dma_start3A_79 = arith.constant 0 : i32
      %dma_start3A_80 = tpu.memref_slice %arg11[%dma_start3A_78, %dma_start3A_79] : memref<10000x32xf32, #tpu.memory_space<vmem_shared>> -> memref<10000x32xf32, #tpu.memory_space<vmem_shared>>
      tpu.enqueue_indirect_dma source(%arg10 : memref<500x32xf32, #tpu.memory_space<vmem>>) target(%dma_start3A_80 : memref<10000x32xf32, #tpu.memory_space<vmem_shared>>) offsets(%dma_start3A_77 : memref<500xi32, #tpu.memory_space<vmem>>) semaphore(%arg15 : memref<!tpu.dma_semaphore, #tpu.memory_space<semaphore_mem>>) {add = true}
      %add3A_81 = arith.constant 2 : i32
      %add3A_82 = arith.addi %add3A_52, %add3A_81 : i32
      %lt3A_83 = arith.constant 20 : i32
      %lt3A_84 = arith.cmpi slt, %add3A_82, %lt3A_83 : i32
      %convert_element_type3A_85 = arith.extui %lt3A_84 : i1 to i32
      %cond3A_86 = arith.constant 0 : i32
      %cond3A_87 = arith.cmpi ne, %convert_element_type3A_85, %cond3A_86 : i32
      scf.if %cond3A_87 {
        %dma_wait3A_88 = arith.constant 0 : i32
        %dma_wait3A_89 = tpu.memref_slice %arg8[%add3A_52, %dma_wait3A_88] : memref<20x500xi32, #tpu.memory_space<vmem>> -> memref<1x500xi32, #tpu.memory_space<vmem>>
        %dma_wait3A_90 = tpu.memref_squeeze %dma_wait3A_89 : memref<1x500xi32, #tpu.memory_space<vmem>> -> memref<500xi32, #tpu.memory_space<vmem>>
        %dma_wait3A_91 = arith.constant 0 : i32
        %dma_wait3A_92 = arith.constant 0 : i32
        %dma_wait3A_93 = tpu.memref_slice %arg11[%dma_wait3A_91, %dma_wait3A_92] : memref<10000x32xf32, #tpu.memory_space<vmem_shared>> -> memref<10000x32xf32, #tpu.memory_space<vmem_shared>>
        tpu.wait_indirect_dma semaphore(%arg14 : memref<!tpu.dma_semaphore, #tpu.memory_space<semaphore_mem>>) src(%arg9 : memref<500x32xf32, #tpu.memory_space<vmem>>) dst(%dma_wait3A_93 : memref<10000x32xf32, #tpu.memory_space<vmem_shared>>)
        %add3A_94 = arith.constant 2 : i32
        %add3A_95 = arith.addi %add3A_52, %add3A_94 : i32
        %dma_start3A_96 = arith.constant 0 : i32
        %dma_start3A_97 = tpu.memref_slice %arg7[%add3A_95, %dma_start3A_96] : memref<20x500xi32, #tpu.memory_space<vmem>> -> memref<1x500xi32, #tpu.memory_space<vmem>>
        %dma_start3A_98 = tpu.memref_squeeze %dma_start3A_97 : memref<1x500xi32, #tpu.memory_space<vmem>> -> memref<500xi32, #tpu.memory_space<vmem>>
        %dma_start3A_99 = arith.constant 0 : i32
        %dma_start3A_100 = arith.constant 0 : i32
        %dma_start3A_101 = tpu.memref_slice %arg2[%dma_start3A_99, %dma_start3A_100] : memref<10000x32xf32, #tpu.memory_space<hbm>> -> memref<10000x32xf32, #tpu.memory_space<hbm>>
        tpu.enqueue_indirect_dma source(%dma_start3A_101 : memref<10000x32xf32, #tpu.memory_space<hbm>>) target(%arg9 : memref<500x32xf32, #tpu.memory_space<vmem>>) offsets(%dma_start3A_98 : memref<500xi32, #tpu.memory_space<vmem>>) semaphore(%arg12 : memref<!tpu.dma_semaphore, #tpu.memory_space<semaphore_mem>>)
        %add3A_102 = arith.constant 1 : i32
        %add3A_103 = arith.addi %add3A_52, %add3A_102 : i32
        %dma_wait3A_104 = arith.constant 0 : i32
        %dma_wait3A_105 = tpu.memref_slice %arg8[%add3A_103, %dma_wait3A_104] : memref<20x500xi32, #tpu.memory_space<vmem>> -> memref<1x500xi32, #tpu.memory_space<vmem>>
        %dma_wait3A_106 = tpu.memref_squeeze %dma_wait3A_105 : memref<1x500xi32, #tpu.memory_space<vmem>> -> memref<500xi32, #tpu.memory_space<vmem>>
        %dma_wait3A_107 = arith.constant 0 : i32
        %dma_wait3A_108 = arith.constant 0 : i32
        %dma_wait3A_109 = tpu.memref_slice %arg11[%dma_wait3A_107, %dma_wait3A_108] : memref<10000x32xf32, #tpu.memory_space<vmem_shared>> -> memref<10000x32xf32, #tpu.memory_space<vmem_shared>>
        tpu.wait_indirect_dma semaphore(%arg15 : memref<!tpu.dma_semaphore, #tpu.memory_space<semaphore_mem>>) src(%arg10 : memref<500x32xf32, #tpu.memory_space<vmem>>) dst(%dma_wait3A_109 : memref<10000x32xf32, #tpu.memory_space<vmem_shared>>)
        %add3A_110 = arith.constant 3 : i32
        %add3A_111 = arith.addi %add3A_52, %add3A_110 : i32
        %dma_start3A_112 = arith.constant 0 : i32
        %dma_start3A_113 = tpu.memref_slice %arg7[%add3A_111, %dma_start3A_112] : memref<20x500xi32, #tpu.memory_space<vmem>> -> memref<1x500xi32, #tpu.memory_space<vmem>>
        %dma_start3A_114 = tpu.memref_squeeze %dma_start3A_113 : memref<1x500xi32, #tpu.memory_space<vmem>> -> memref<500xi32, #tpu.memory_space<vmem>>
        %dma_start3A_115 = arith.constant 0 : i32
        %dma_start3A_116 = arith.constant 0 : i32
        %dma_start3A_117 = tpu.memref_slice %arg2[%dma_start3A_115, %dma_start3A_116] : memref<10000x32xf32, #tpu.memory_space<hbm>> -> memref<10000x32xf32, #tpu.memory_space<hbm>>
        tpu.enqueue_indirect_dma source(%dma_start3A_117 : memref<10000x32xf32, #tpu.memory_space<hbm>>) target(%arg10 : memref<500x32xf32, #tpu.memory_space<vmem>>) offsets(%dma_start3A_114 : memref<500xi32, #tpu.memory_space<vmem>>) semaphore(%arg13 : memref<!tpu.dma_semaphore, #tpu.memory_space<semaphore_mem>>)
      } else {
      }
    }
    %scan3A_23 = arith.constant 10 : i32
    %dma_wait3A = arith.constant 18 : i32
    %dma_wait3A_24 = arith.constant 0 : i32
    %dma_wait3A_25 = tpu.memref_slice %arg8[%dma_wait3A, %dma_wait3A_24] : memref<20x500xi32, #tpu.memory_space<vmem>> -> memref<1x500xi32, #tpu.memory_space<vmem>>
    %dma_wait3A_26 = tpu.memref_squeeze %dma_wait3A_25 : memref<1x500xi32, #tpu.memory_space<vmem>> -> memref<500xi32, #tpu.memory_space<vmem>>
    %dma_wait3A_27 = arith.constant 0 : i32
    %dma_wait3A_28 = arith.constant 0 : i32
    %dma_wait3A_29 = tpu.memref_slice %arg11[%dma_wait3A_27, %dma_wait3A_28] : memref<10000x32xf32, #tpu.memory_space<vmem_shared>> -> memref<10000x32xf32, #tpu.memory_space<vmem_shared>>
    tpu.wait_indirect_dma semaphore(%arg14 : memref<!tpu.dma_semaphore, #tpu.memory_space<semaphore_mem>>) src(%arg9 : memref<500x32xf32, #tpu.memory_space<vmem>>) dst(%dma_wait3A_29 : memref<10000x32xf32, #tpu.memory_space<vmem_shared>>)
    %dma_wait3A_30 = arith.constant 19 : i32
    %dma_wait3A_31 = arith.constant 0 : i32
    %dma_wait3A_32 = tpu.memref_slice %arg8[%dma_wait3A_30, %dma_wait3A_31] : memref<20x500xi32, #tpu.memory_space<vmem>> -> memref<1x500xi32, #tpu.memory_space<vmem>>
    %dma_wait3A_33 = tpu.memref_squeeze %dma_wait3A_32 : memref<1x500xi32, #tpu.memory_space<vmem>> -> memref<500xi32, #tpu.memory_space<vmem>>
    %dma_wait3A_34 = arith.constant 0 : i32
    %dma_wait3A_35 = arith.constant 0 : i32
    %dma_wait3A_36 = tpu.memref_slice %arg11[%dma_wait3A_34, %dma_wait3A_35] : memref<10000x32xf32, #tpu.memory_space<vmem_shared>> -> memref<10000x32xf32, #tpu.memory_space<vmem_shared>>
    tpu.wait_indirect_dma semaphore(%arg15 : memref<!tpu.dma_semaphore, #tpu.memory_space<semaphore_mem>>) src(%arg10 : memref<500x32xf32, #tpu.memory_space<vmem>>) dst(%dma_wait3A_36 : memref<10000x32xf32, #tpu.memory_space<vmem_shared>>)
    %barrier3A_37 = arith.constant 0 : index
    tpu.barrier barrier_id(%barrier3A_37)
    %lt3A_38 = arith.constant 15 : i32
    %lt3A_39 = arith.cmpi slt, %arg1, %lt3A_38 : i32
    %convert_element_type3A_40 = arith.extui %lt3A_39 : i1 to i32
    %cond3A_41 = arith.constant 0 : i32
    %cond3A_42 = arith.cmpi ne, %convert_element_type3A_40, %cond3A_41 : i32
    scf.if %cond3A_42 {
      %mul3A_48 = arith.constant 640 : i32
      %mul3A_49 = arith.muli %arg1, %mul3A_48 : i32
      %mul3A_50 = arith.constant 640 : i32
      %mul3A_51 = arith.muli %arg1, %mul3A_50 : i32
      "tpu.region"() ({
        %run_scoped3A = tpu.sem_alloc : memref<!tpu.dma_semaphore, #tpu.memory_space<semaphore_mem>>
        %dma_start3A_52 = arith.constant 0 : i32
        %dma_start3A_53 = tpu.memref_slice %arg6[%arg0, %mul3A_51, %dma_start3A_52] : memref<2x10000x32xf32, #tpu.memory_space<hbm>> -> memref<1x640x32xf32, #tpu.memory_space<hbm>>
        %dma_start3A_54 = tpu.memref_squeeze %dma_start3A_53 : memref<1x640x32xf32, #tpu.memory_space<hbm>> -> memref<640x32xf32, #tpu.memory_space<hbm>>
        %dma_start3A_55 = arith.constant 0 : i32
        %dma_start3A_56 = tpu.memref_slice %arg11[%mul3A_49, %dma_start3A_55] : memref<10000x32xf32, #tpu.memory_space<vmem_shared>> -> memref<640x32xf32, #tpu.memory_space<vmem_shared>>
        tpu.enqueue_dma source(%dma_start3A_56 : memref<640x32xf32, #tpu.memory_space<vmem_shared>>) target(%dma_start3A_54 : memref<640x32xf32, #tpu.memory_space<hbm>>) target_semaphore(%run_scoped3A : memref<!tpu.dma_semaphore, #tpu.memory_space<semaphore_mem>>)
        %dma_wait3A_57 = arith.constant 0 : i32
        %dma_wait3A_58 = tpu.memref_slice %arg6[%arg0, %mul3A_51, %dma_wait3A_57] : memref<2x10000x32xf32, #tpu.memory_space<hbm>> -> memref<1x640x32xf32, #tpu.memory_space<hbm>>
        %dma_wait3A_59 = tpu.memref_squeeze %dma_wait3A_58 : memref<1x640x32xf32, #tpu.memory_space<hbm>> -> memref<640x32xf32, #tpu.memory_space<hbm>>
        %dma_wait3A_60 = arith.constant 0 : i32
        %dma_wait3A_61 = tpu.memref_slice %arg11[%mul3A_49, %dma_wait3A_60] : memref<10000x32xf32, #tpu.memory_space<vmem_shared>> -> memref<640x32xf32, #tpu.memory_space<vmem_shared>>
        tpu.wait_dma2 semaphore(%run_scoped3A : memref<!tpu.dma_semaphore, #tpu.memory_space<semaphore_mem>>) src(%dma_wait3A_61 : memref<640x32xf32, #tpu.memory_space<vmem_shared>>) dst(%dma_wait3A_59 : memref<640x32xf32, #tpu.memory_space<hbm>>)
        tpu.yield
      }) : () -> ()
    } else {
    }
    %eq3A_43 = arith.constant 15 : i32
    %eq3A_44 = arith.cmpi eq, %arg1, %eq3A_43 : i32
    %convert_element_type3A_45 = arith.extui %eq3A_44 : i1 to i32
    %cond3A_46 = arith.constant 0 : i32
    %cond3A_47 = arith.cmpi ne, %convert_element_type3A_45, %cond3A_46 : i32
    scf.if %cond3A_47 {
      "tpu.region"() ({
        %run_scoped3A = tpu.sem_alloc : memref<!tpu.dma_semaphore, #tpu.memory_space<semaphore_mem>>
        %dma_start3A_48 = arith.constant 9600 : i32
        %dma_start3A_49 = arith.constant 0 : i32
        %dma_start3A_50 = tpu.memref_slice %arg6[%arg0, %dma_start3A_48, %dma_start3A_49] : memref<2x10000x32xf32, #tpu.memory_space<hbm>> -> memref<1x400x32xf32, #tpu.memory_space<hbm>>
        %dma_start3A_51 = tpu.memref_squeeze %dma_start3A_50 : memref<1x400x32xf32, #tpu.memory_space<hbm>> -> memref<400x32xf32, #tpu.memory_space<hbm>>
        %dma_start3A_52 = arith.constant 9600 : i32
        %dma_start3A_53 = arith.constant 0 : i32
        %dma_start3A_54 = tpu.memref_slice %arg11[%dma_start3A_52, %dma_start3A_53] : memref<10000x32xf32, #tpu.memory_space<vmem_shared>> -> memref<400x32xf32, #tpu.memory_space<vmem_shared>>
        tpu.enqueue_dma source(%dma_start3A_54 : memref<400x32xf32, #tpu.memory_space<vmem_shared>>) target(%dma_start3A_51 : memref<400x32xf32, #tpu.memory_space<hbm>>) target_semaphore(%run_scoped3A : memref<!tpu.dma_semaphore, #tpu.memory_space<semaphore_mem>>)
        %dma_wait3A_55 = arith.constant 9600 : i32
        %dma_wait3A_56 = arith.constant 0 : i32
        %dma_wait3A_57 = tpu.memref_slice %arg6[%arg0, %dma_wait3A_55, %dma_wait3A_56] : memref<2x10000x32xf32, #tpu.memory_space<hbm>> -> memref<1x400x32xf32, #tpu.memory_space<hbm>>
        %dma_wait3A_58 = tpu.memref_squeeze %dma_wait3A_57 : memref<1x400x32xf32, #tpu.memory_space<hbm>> -> memref<400x32xf32, #tpu.memory_space<hbm>>
        %dma_wait3A_59 = arith.constant 9600 : i32
        %dma_wait3A_60 = arith.constant 0 : i32
        %dma_wait3A_61 = tpu.memref_slice %arg11[%dma_wait3A_59, %dma_wait3A_60] : memref<10000x32xf32, #tpu.memory_space<vmem_shared>> -> memref<400x32xf32, #tpu.memory_space<vmem_shared>>
        tpu.wait_dma2 semaphore(%run_scoped3A : memref<!tpu.dma_semaphore, #tpu.memory_space<semaphore_mem>>) src(%dma_wait3A_61 : memref<400x32xf32, #tpu.memory_space<vmem_shared>>) dst(%dma_wait3A_58 : memref<400x32xf32, #tpu.memory_space<hbm>>)
        tpu.yield
      }) : () -> ()
    } else {
    }
    return
  }
}

#map = affine_map<(d0, d1) -> (0, 0, 0)>
#map1 = affine_map<(d0, d1) -> (0, 0)>
module attributes {stable_mosaic.version = 14 : i64} {
  func.func @_deg_body(%arg0: i32, %arg1: i32, %arg2: memref<32x20x500xi32, #tpu.memory_space<hbm>>, %arg3: memref<500x8xf32, #tpu.memory_space<hbm>>, %arg4: memref<640x8xf32, #tpu.memory_space<hbm>>, %arg5: memref<2x10000x8xf32, #tpu.memory_space<hbm>>, %arg6: memref<20x500xi32, #tpu.memory_space<vmem>>, %arg7: memref<500x8xf32, #tpu.memory_space<vmem>>, %arg8: memref<10000x8xf32, #tpu.memory_space<vmem_shared>>) attributes {dimension_semantics = [#tpu.dimension_semantics<core_parallel>, #tpu.dimension_semantics<subcore_parallel>], iteration_bounds = array<i64: 2, 16>, scalar_prefetch = 0 : i64, scratch_operands = 3 : i64, tpu.core_type = #tpu.core_type<sc_vector_subcore>, window_params = [{transform_indices = #map}, {transform_indices = #map1}, {transform_indices = #map1}, {transform_indices = #map}]} {
    %mul3A = arith.constant 16 : i32
    %mul3A_0 = arith.muli %arg0, %mul3A : i32
    %add3A = arith.addi %mul3A_0, %arg1 : i32
    "tpu.region"() ({
      %run_scoped3A = tpu.sem_alloc : memref<!tpu.dma_semaphore, #tpu.memory_space<semaphore_mem>>
      %dma_start3A = arith.constant 0 : i32
      %dma_start3A_22 = arith.constant 0 : i32
      %dma_start3A_23 = tpu.memref_slice %arg2[%add3A, %dma_start3A, %dma_start3A_22] : memref<32x20x500xi32, #tpu.memory_space<hbm>> -> memref<1x20x500xi32, #tpu.memory_space<hbm>>
      %dma_start3A_24 = tpu.memref_squeeze %dma_start3A_23 : memref<1x20x500xi32, #tpu.memory_space<hbm>> -> memref<20x500xi32, #tpu.memory_space<hbm>>
      %dma_start3A_25 = arith.constant 0 : i32
      %dma_start3A_26 = arith.constant 0 : i32
      %dma_start3A_27 = tpu.memref_slice %arg2[%add3A, %dma_start3A_25, %dma_start3A_26] : memref<32x20x500xi32, #tpu.memory_space<hbm>> -> memref<1x20x500xi32, #tpu.memory_space<hbm>>
      %dma_start3A_28 = tpu.memref_squeeze %dma_start3A_27 : memref<1x20x500xi32, #tpu.memory_space<hbm>> -> memref<20x500xi32, #tpu.memory_space<hbm>>
      tpu.enqueue_dma source(%dma_start3A_28 : memref<20x500xi32, #tpu.memory_space<hbm>>) target(%arg6 : memref<20x500xi32, #tpu.memory_space<vmem>>) target_semaphore(%run_scoped3A : memref<!tpu.dma_semaphore, #tpu.memory_space<semaphore_mem>>)
      %dma_wait3A = arith.constant 0 : i32
      %dma_wait3A_29 = arith.constant 0 : i32
      %dma_wait3A_30 = tpu.memref_slice %arg2[%add3A, %dma_wait3A, %dma_wait3A_29] : memref<32x20x500xi32, #tpu.memory_space<hbm>> -> memref<1x20x500xi32, #tpu.memory_space<hbm>>
      %dma_wait3A_31 = tpu.memref_squeeze %dma_wait3A_30 : memref<1x20x500xi32, #tpu.memory_space<hbm>> -> memref<20x500xi32, #tpu.memory_space<hbm>>
      %dma_wait3A_32 = arith.constant 0 : i32
      %dma_wait3A_33 = arith.constant 0 : i32
      %dma_wait3A_34 = tpu.memref_slice %arg2[%add3A, %dma_wait3A_32, %dma_wait3A_33] : memref<32x20x500xi32, #tpu.memory_space<hbm>> -> memref<1x20x500xi32, #tpu.memory_space<hbm>>
      %dma_wait3A_35 = tpu.memref_squeeze %dma_wait3A_34 : memref<1x20x500xi32, #tpu.memory_space<hbm>> -> memref<20x500xi32, #tpu.memory_space<hbm>>
      tpu.wait_dma2 semaphore(%run_scoped3A : memref<!tpu.dma_semaphore, #tpu.memory_space<semaphore_mem>>) src(%dma_wait3A_35 : memref<20x500xi32, #tpu.memory_space<hbm>>) dst(%arg6 : memref<20x500xi32, #tpu.memory_space<vmem>>)
      tpu.yield
    }) : () -> ()
    "tpu.region"() ({
      %run_scoped3A = tpu.sem_alloc : memref<!tpu.dma_semaphore, #tpu.memory_space<semaphore_mem>>
      tpu.enqueue_dma source(%arg3 : memref<500x8xf32, #tpu.memory_space<hbm>>) target(%arg7 : memref<500x8xf32, #tpu.memory_space<vmem>>) target_semaphore(%run_scoped3A : memref<!tpu.dma_semaphore, #tpu.memory_space<semaphore_mem>>)
      tpu.wait_dma2 semaphore(%run_scoped3A : memref<!tpu.dma_semaphore, #tpu.memory_space<semaphore_mem>>) src(%arg3 : memref<500x8xf32, #tpu.memory_space<hbm>>) dst(%arg7 : memref<500x8xf32, #tpu.memory_space<vmem>>)
      tpu.yield
    }) : () -> ()
    %lt3A = arith.constant 15 : i32
    %lt3A_1 = arith.cmpi slt, %arg1, %lt3A : i32
    %convert_element_type3A = arith.extui %lt3A_1 : i1 to i32
    %cond3A = arith.constant 0 : i32
    %cond3A_2 = arith.cmpi ne, %convert_element_type3A, %cond3A : i32
    scf.if %cond3A_2 {
      %mul3A_22 = arith.constant 640 : i32
      %mul3A_23 = arith.muli %arg1, %mul3A_22 : i32
      "tpu.region"() ({
        %run_scoped3A = tpu.sem_alloc : memref<!tpu.dma_semaphore, #tpu.memory_space<semaphore_mem>>
        %dma_start3A = arith.constant 0 : i32
        %dma_start3A_24 = tpu.memref_slice %arg8[%mul3A_23, %dma_start3A] : memref<10000x8xf32, #tpu.memory_space<vmem_shared>> -> memref<640x8xf32, #tpu.memory_space<vmem_shared>>
        tpu.enqueue_dma source(%arg4 : memref<640x8xf32, #tpu.memory_space<hbm>>) target(%dma_start3A_24 : memref<640x8xf32, #tpu.memory_space<vmem_shared>>) target_semaphore(%run_scoped3A : memref<!tpu.dma_semaphore, #tpu.memory_space<semaphore_mem>>)
        %dma_wait3A = arith.constant 0 : i32
        %dma_wait3A_25 = tpu.memref_slice %arg8[%mul3A_23, %dma_wait3A] : memref<10000x8xf32, #tpu.memory_space<vmem_shared>> -> memref<640x8xf32, #tpu.memory_space<vmem_shared>>
        tpu.wait_dma2 semaphore(%run_scoped3A : memref<!tpu.dma_semaphore, #tpu.memory_space<semaphore_mem>>) src(%arg4 : memref<640x8xf32, #tpu.memory_space<hbm>>) dst(%dma_wait3A_25 : memref<640x8xf32, #tpu.memory_space<vmem_shared>>)
        tpu.yield
      }) : () -> ()
    } else {
    }
    %eq3A = arith.constant 15 : i32
    %eq3A_3 = arith.cmpi eq, %arg1, %eq3A : i32
    %convert_element_type3A_4 = arith.extui %eq3A_3 : i1 to i32
    %cond3A_5 = arith.constant 0 : i32
    %cond3A_6 = arith.cmpi ne, %convert_element_type3A_4, %cond3A_5 : i32
    scf.if %cond3A_6 {
      "tpu.region"() ({
        %run_scoped3A = tpu.sem_alloc : memref<!tpu.dma_semaphore, #tpu.memory_space<semaphore_mem>>
        %dma_start3A = arith.constant 9600 : i32
        %dma_start3A_22 = arith.constant 0 : i32
        %dma_start3A_23 = tpu.memref_slice %arg8[%dma_start3A, %dma_start3A_22] : memref<10000x8xf32, #tpu.memory_space<vmem_shared>> -> memref<400x8xf32, #tpu.memory_space<vmem_shared>>
        %dma_start3A_24 = arith.constant 0 : i32
        %dma_start3A_25 = arith.constant 0 : i32
        %dma_start3A_26 = tpu.memref_slice %arg4[%dma_start3A_24, %dma_start3A_25] : memref<640x8xf32, #tpu.memory_space<hbm>> -> memref<400x8xf32, #tpu.memory_space<hbm>>
        tpu.enqueue_dma source(%dma_start3A_26 : memref<400x8xf32, #tpu.memory_space<hbm>>) target(%dma_start3A_23 : memref<400x8xf32, #tpu.memory_space<vmem_shared>>) target_semaphore(%run_scoped3A : memref<!tpu.dma_semaphore, #tpu.memory_space<semaphore_mem>>)
        %dma_wait3A = arith.constant 9600 : i32
        %dma_wait3A_27 = arith.constant 0 : i32
        %dma_wait3A_28 = tpu.memref_slice %arg8[%dma_wait3A, %dma_wait3A_27] : memref<10000x8xf32, #tpu.memory_space<vmem_shared>> -> memref<400x8xf32, #tpu.memory_space<vmem_shared>>
        %dma_wait3A_29 = arith.constant 0 : i32
        %dma_wait3A_30 = arith.constant 0 : i32
        %dma_wait3A_31 = tpu.memref_slice %arg4[%dma_wait3A_29, %dma_wait3A_30] : memref<640x8xf32, #tpu.memory_space<hbm>> -> memref<400x8xf32, #tpu.memory_space<hbm>>
        tpu.wait_dma2 semaphore(%run_scoped3A : memref<!tpu.dma_semaphore, #tpu.memory_space<semaphore_mem>>) src(%dma_wait3A_31 : memref<400x8xf32, #tpu.memory_space<hbm>>) dst(%dma_wait3A_28 : memref<400x8xf32, #tpu.memory_space<vmem_shared>>)
        tpu.yield
      }) : () -> ()
    } else {
    }
    %barrier3A = arith.constant 0 : index
    tpu.barrier barrier_id(%barrier3A)
    %scan3A = arith.constant 0 : i32
    %scan3A_7 = arith.constant 20 : i32
    %scan3A_8 = arith.addi %scan3A, %scan3A_7 : i32
    %scan3A_9 = arith.constant 1 : i32
    scf.for %scan3A_22 = %scan3A to %scan3A_8 step %scan3A_9  : i32 {
      %mul3A_23 = arith.constant 1 : i32
      %mul3A_24 = arith.muli %scan3A_22, %mul3A_23 : i32
      %add3A_25 = arith.constant 0 : i32
      %add3A_26 = arith.addi %add3A_25, %mul3A_24 : i32
      "tpu.region"() ({
        %run_scoped3A = tpu.sem_alloc : memref<!tpu.dma_semaphore, #tpu.memory_space<semaphore_mem>>
        %dma_start3A = arith.constant 0 : i32
        %dma_start3A_27 = tpu.memref_slice %arg6[%add3A_26, %dma_start3A] : memref<20x500xi32, #tpu.memory_space<vmem>> -> memref<1x500xi32, #tpu.memory_space<vmem>>
        %dma_start3A_28 = tpu.memref_squeeze %dma_start3A_27 : memref<1x500xi32, #tpu.memory_space<vmem>> -> memref<500xi32, #tpu.memory_space<vmem>>
        %dma_start3A_29 = arith.constant 0 : i32
        %dma_start3A_30 = arith.constant 0 : i32
        %dma_start3A_31 = tpu.memref_slice %arg8[%dma_start3A_29, %dma_start3A_30] : memref<10000x8xf32, #tpu.memory_space<vmem_shared>> -> memref<10000x8xf32, #tpu.memory_space<vmem_shared>>
        tpu.enqueue_indirect_dma source(%arg7 : memref<500x8xf32, #tpu.memory_space<vmem>>) target(%dma_start3A_31 : memref<10000x8xf32, #tpu.memory_space<vmem_shared>>) offsets(%dma_start3A_28 : memref<500xi32, #tpu.memory_space<vmem>>) semaphore(%run_scoped3A : memref<!tpu.dma_semaphore, #tpu.memory_space<semaphore_mem>>) {add = true}
        %dma_wait3A = arith.constant 0 : i32
        %dma_wait3A_32 = tpu.memref_slice %arg6[%add3A_26, %dma_wait3A] : memref<20x500xi32, #tpu.memory_space<vmem>> -> memref<1x500xi32, #tpu.memory_space<vmem>>
        %dma_wait3A_33 = tpu.memref_squeeze %dma_wait3A_32 : memref<1x500xi32, #tpu.memory_space<vmem>> -> memref<500xi32, #tpu.memory_space<vmem>>
        %dma_wait3A_34 = arith.constant 0 : i32
        %dma_wait3A_35 = arith.constant 0 : i32
        %dma_wait3A_36 = tpu.memref_slice %arg8[%dma_wait3A_34, %dma_wait3A_35] : memref<10000x8xf32, #tpu.memory_space<vmem_shared>> -> memref<10000x8xf32, #tpu.memory_space<vmem_shared>>
        tpu.wait_indirect_dma semaphore(%run_scoped3A : memref<!tpu.dma_semaphore, #tpu.memory_space<semaphore_mem>>) src(%arg7 : memref<500x8xf32, #tpu.memory_space<vmem>>) dst(%dma_wait3A_36 : memref<10000x8xf32, #tpu.memory_space<vmem_shared>>)
        tpu.yield
      }) : () -> ()
    }
    %scan3A_10 = arith.constant 20 : i32
    %barrier3A_11 = arith.constant 0 : index
    tpu.barrier barrier_id(%barrier3A_11)
    %lt3A_12 = arith.constant 15 : i32
    %lt3A_13 = arith.cmpi slt, %arg1, %lt3A_12 : i32
    %convert_element_type3A_14 = arith.extui %lt3A_13 : i1 to i32
    %cond3A_15 = arith.constant 0 : i32
    %cond3A_16 = arith.cmpi ne, %convert_element_type3A_14, %cond3A_15 : i32
    scf.if %cond3A_16 {
      %mul3A_22 = arith.constant 640 : i32
      %mul3A_23 = arith.muli %arg1, %mul3A_22 : i32
      %mul3A_24 = arith.constant 640 : i32
      %mul3A_25 = arith.muli %arg1, %mul3A_24 : i32
      "tpu.region"() ({
        %run_scoped3A = tpu.sem_alloc : memref<!tpu.dma_semaphore, #tpu.memory_space<semaphore_mem>>
        %dma_start3A = arith.constant 0 : i32
        %dma_start3A_26 = tpu.memref_slice %arg5[%arg0, %mul3A_25, %dma_start3A] : memref<2x10000x8xf32, #tpu.memory_space<hbm>> -> memref<1x640x8xf32, #tpu.memory_space<hbm>>
        %dma_start3A_27 = tpu.memref_squeeze %dma_start3A_26 : memref<1x640x8xf32, #tpu.memory_space<hbm>> -> memref<640x8xf32, #tpu.memory_space<hbm>>
        %dma_start3A_28 = arith.constant 0 : i32
        %dma_start3A_29 = tpu.memref_slice %arg8[%mul3A_23, %dma_start3A_28] : memref<10000x8xf32, #tpu.memory_space<vmem_shared>> -> memref<640x8xf32, #tpu.memory_space<vmem_shared>>
        tpu.enqueue_dma source(%dma_start3A_29 : memref<640x8xf32, #tpu.memory_space<vmem_shared>>) target(%dma_start3A_27 : memref<640x8xf32, #tpu.memory_space<hbm>>) target_semaphore(%run_scoped3A : memref<!tpu.dma_semaphore, #tpu.memory_space<semaphore_mem>>)
        %dma_wait3A = arith.constant 0 : i32
        %dma_wait3A_30 = tpu.memref_slice %arg5[%arg0, %mul3A_25, %dma_wait3A] : memref<2x10000x8xf32, #tpu.memory_space<hbm>> -> memref<1x640x8xf32, #tpu.memory_space<hbm>>
        %dma_wait3A_31 = tpu.memref_squeeze %dma_wait3A_30 : memref<1x640x8xf32, #tpu.memory_space<hbm>> -> memref<640x8xf32, #tpu.memory_space<hbm>>
        %dma_wait3A_32 = arith.constant 0 : i32
        %dma_wait3A_33 = tpu.memref_slice %arg8[%mul3A_23, %dma_wait3A_32] : memref<10000x8xf32, #tpu.memory_space<vmem_shared>> -> memref<640x8xf32, #tpu.memory_space<vmem_shared>>
        tpu.wait_dma2 semaphore(%run_scoped3A : memref<!tpu.dma_semaphore, #tpu.memory_space<semaphore_mem>>) src(%dma_wait3A_33 : memref<640x8xf32, #tpu.memory_space<vmem_shared>>) dst(%dma_wait3A_31 : memref<640x8xf32, #tpu.memory_space<hbm>>)
        tpu.yield
      }) : () -> ()
    } else {
    }
    %eq3A_17 = arith.constant 15 : i32
    %eq3A_18 = arith.cmpi eq, %arg1, %eq3A_17 : i32
    %convert_element_type3A_19 = arith.extui %eq3A_18 : i1 to i32
    %cond3A_20 = arith.constant 0 : i32
    %cond3A_21 = arith.cmpi ne, %convert_element_type3A_19, %cond3A_20 : i32
    scf.if %cond3A_21 {
      "tpu.region"() ({
        %run_scoped3A = tpu.sem_alloc : memref<!tpu.dma_semaphore, #tpu.memory_space<semaphore_mem>>
        %dma_start3A = arith.constant 9600 : i32
        %dma_start3A_22 = arith.constant 0 : i32
        %dma_start3A_23 = tpu.memref_slice %arg5[%arg0, %dma_start3A, %dma_start3A_22] : memref<2x10000x8xf32, #tpu.memory_space<hbm>> -> memref<1x400x8xf32, #tpu.memory_space<hbm>>
        %dma_start3A_24 = tpu.memref_squeeze %dma_start3A_23 : memref<1x400x8xf32, #tpu.memory_space<hbm>> -> memref<400x8xf32, #tpu.memory_space<hbm>>
        %dma_start3A_25 = arith.constant 9600 : i32
        %dma_start3A_26 = arith.constant 0 : i32
        %dma_start3A_27 = tpu.memref_slice %arg8[%dma_start3A_25, %dma_start3A_26] : memref<10000x8xf32, #tpu.memory_space<vmem_shared>> -> memref<400x8xf32, #tpu.memory_space<vmem_shared>>
        tpu.enqueue_dma source(%dma_start3A_27 : memref<400x8xf32, #tpu.memory_space<vmem_shared>>) target(%dma_start3A_24 : memref<400x8xf32, #tpu.memory_space<hbm>>) target_semaphore(%run_scoped3A : memref<!tpu.dma_semaphore, #tpu.memory_space<semaphore_mem>>)
        %dma_wait3A = arith.constant 9600 : i32
        %dma_wait3A_28 = arith.constant 0 : i32
        %dma_wait3A_29 = tpu.memref_slice %arg5[%arg0, %dma_wait3A, %dma_wait3A_28] : memref<2x10000x8xf32, #tpu.memory_space<hbm>> -> memref<1x400x8xf32, #tpu.memory_space<hbm>>
        %dma_wait3A_30 = tpu.memref_squeeze %dma_wait3A_29 : memref<1x400x8xf32, #tpu.memory_space<hbm>> -> memref<400x8xf32, #tpu.memory_space<hbm>>
        %dma_wait3A_31 = arith.constant 9600 : i32
        %dma_wait3A_32 = arith.constant 0 : i32
        %dma_wait3A_33 = tpu.memref_slice %arg8[%dma_wait3A_31, %dma_wait3A_32] : memref<10000x8xf32, #tpu.memory_space<vmem_shared>> -> memref<400x8xf32, #tpu.memory_space<vmem_shared>>
        tpu.wait_dma2 semaphore(%run_scoped3A : memref<!tpu.dma_semaphore, #tpu.memory_space<semaphore_mem>>) src(%dma_wait3A_33 : memref<400x8xf32, #tpu.memory_space<vmem_shared>>) dst(%dma_wait3A_30 : memref<400x8xf32, #tpu.memory_space<hbm>>)
        tpu.yield
      }) : () -> ()
    } else {
    }
    return
  }
}

#map = affine_map<(d0, d1) -> (0, 0)>
#map1 = affine_map<(d0, d1) -> (0, 0, 0)>
module attributes {stable_mosaic.version = 14 : i64} {
  func.func @_agg_body(%arg0: i32, %arg1: i32, %arg2: memref<10000x32xf32, #tpu.memory_space<hbm>>, %arg3: memref<32x20x500xi32, #tpu.memory_space<hbm>>, %arg4: memref<32x20x500xi32, #tpu.memory_space<hbm>>, %arg5: memref<640x32xf32, #tpu.memory_space<hbm>>, %arg6: memref<2x10000x32xf32, #tpu.memory_space<hbm>>, %arg7: memref<20x500xi32, #tpu.memory_space<vmem>>, %arg8: memref<20x500xi32, #tpu.memory_space<vmem>>, %arg9: memref<500x32xf32, #tpu.memory_space<vmem>>, %arg10: memref<500x32xf32, #tpu.memory_space<vmem>>, %arg11: memref<10000x32xf32, #tpu.memory_space<vmem_shared>>, %arg12: memref<!tpu.dma_semaphore, #tpu.memory_space<semaphore_mem>>, %arg13: memref<!tpu.dma_semaphore, #tpu.memory_space<semaphore_mem>>, %arg14: memref<!tpu.dma_semaphore, #tpu.memory_space<semaphore_mem>>, %arg15: memref<!tpu.dma_semaphore, #tpu.memory_space<semaphore_mem>>) attributes {dimension_semantics = [#tpu.dimension_semantics<core_parallel>, #tpu.dimension_semantics<subcore_parallel>], iteration_bounds = array<i64: 2, 16>, scalar_prefetch = 0 : i64, scratch_operands = 9 : i64, tpu.core_type = #tpu.core_type<sc_vector_subcore>, window_params = [{transform_indices = #map}, {transform_indices = #map1}, {transform_indices = #map1}, {transform_indices = #map}, {transform_indices = #map1}]} {
    %mul3A = arith.constant 16 : i32
    %mul3A_0 = arith.muli %arg0, %mul3A : i32
    %add3A = arith.addi %mul3A_0, %arg1 : i32
    "tpu.region"() ({
      %run_scoped3A = tpu.sem_alloc : memref<!tpu.dma_semaphore, #tpu.memory_space<semaphore_mem>>
      %dma_start3A_48 = arith.constant 0 : i32
      %dma_start3A_49 = arith.constant 0 : i32
      %dma_start3A_50 = tpu.memref_slice %arg3[%add3A, %dma_start3A_48, %dma_start3A_49] : memref<32x20x500xi32, #tpu.memory_space<hbm>> -> memref<1x20x500xi32, #tpu.memory_space<hbm>>
      %dma_start3A_51 = tpu.memref_squeeze %dma_start3A_50 : memref<1x20x500xi32, #tpu.memory_space<hbm>> -> memref<20x500xi32, #tpu.memory_space<hbm>>
      %dma_start3A_52 = arith.constant 0 : i32
      %dma_start3A_53 = arith.constant 0 : i32
      %dma_start3A_54 = tpu.memref_slice %arg3[%add3A, %dma_start3A_52, %dma_start3A_53] : memref<32x20x500xi32, #tpu.memory_space<hbm>> -> memref<1x20x500xi32, #tpu.memory_space<hbm>>
      %dma_start3A_55 = tpu.memref_squeeze %dma_start3A_54 : memref<1x20x500xi32, #tpu.memory_space<hbm>> -> memref<20x500xi32, #tpu.memory_space<hbm>>
      tpu.enqueue_dma source(%dma_start3A_55 : memref<20x500xi32, #tpu.memory_space<hbm>>) target(%arg7 : memref<20x500xi32, #tpu.memory_space<vmem>>) target_semaphore(%run_scoped3A : memref<!tpu.dma_semaphore, #tpu.memory_space<semaphore_mem>>)
      %dma_wait3A_56 = arith.constant 0 : i32
      %dma_wait3A_57 = arith.constant 0 : i32
      %dma_wait3A_58 = tpu.memref_slice %arg3[%add3A, %dma_wait3A_56, %dma_wait3A_57] : memref<32x20x500xi32, #tpu.memory_space<hbm>> -> memref<1x20x500xi32, #tpu.memory_space<hbm>>
      %dma_wait3A_59 = tpu.memref_squeeze %dma_wait3A_58 : memref<1x20x500xi32, #tpu.memory_space<hbm>> -> memref<20x500xi32, #tpu.memory_space<hbm>>
      %dma_wait3A_60 = arith.constant 0 : i32
      %dma_wait3A_61 = arith.constant 0 : i32
      %dma_wait3A_62 = tpu.memref_slice %arg3[%add3A, %dma_wait3A_60, %dma_wait3A_61] : memref<32x20x500xi32, #tpu.memory_space<hbm>> -> memref<1x20x500xi32, #tpu.memory_space<hbm>>
      %dma_wait3A_63 = tpu.memref_squeeze %dma_wait3A_62 : memref<1x20x500xi32, #tpu.memory_space<hbm>> -> memref<20x500xi32, #tpu.memory_space<hbm>>
      tpu.wait_dma2 semaphore(%run_scoped3A : memref<!tpu.dma_semaphore, #tpu.memory_space<semaphore_mem>>) src(%dma_wait3A_63 : memref<20x500xi32, #tpu.memory_space<hbm>>) dst(%arg7 : memref<20x500xi32, #tpu.memory_space<vmem>>)
      tpu.yield
    }) : () -> ()
    "tpu.region"() ({
      %run_scoped3A = tpu.sem_alloc : memref<!tpu.dma_semaphore, #tpu.memory_space<semaphore_mem>>
      %dma_start3A_48 = arith.constant 0 : i32
      %dma_start3A_49 = arith.constant 0 : i32
      %dma_start3A_50 = tpu.memref_slice %arg4[%add3A, %dma_start3A_48, %dma_start3A_49] : memref<32x20x500xi32, #tpu.memory_space<hbm>> -> memref<1x20x500xi32, #tpu.memory_space<hbm>>
      %dma_start3A_51 = tpu.memref_squeeze %dma_start3A_50 : memref<1x20x500xi32, #tpu.memory_space<hbm>> -> memref<20x500xi32, #tpu.memory_space<hbm>>
      %dma_start3A_52 = arith.constant 0 : i32
      %dma_start3A_53 = arith.constant 0 : i32
      %dma_start3A_54 = tpu.memref_slice %arg4[%add3A, %dma_start3A_52, %dma_start3A_53] : memref<32x20x500xi32, #tpu.memory_space<hbm>> -> memref<1x20x500xi32, #tpu.memory_space<hbm>>
      %dma_start3A_55 = tpu.memref_squeeze %dma_start3A_54 : memref<1x20x500xi32, #tpu.memory_space<hbm>> -> memref<20x500xi32, #tpu.memory_space<hbm>>
      tpu.enqueue_dma source(%dma_start3A_55 : memref<20x500xi32, #tpu.memory_space<hbm>>) target(%arg8 : memref<20x500xi32, #tpu.memory_space<vmem>>) target_semaphore(%run_scoped3A : memref<!tpu.dma_semaphore, #tpu.memory_space<semaphore_mem>>)
      %dma_wait3A_56 = arith.constant 0 : i32
      %dma_wait3A_57 = arith.constant 0 : i32
      %dma_wait3A_58 = tpu.memref_slice %arg4[%add3A, %dma_wait3A_56, %dma_wait3A_57] : memref<32x20x500xi32, #tpu.memory_space<hbm>> -> memref<1x20x500xi32, #tpu.memory_space<hbm>>
      %dma_wait3A_59 = tpu.memref_squeeze %dma_wait3A_58 : memref<1x20x500xi32, #tpu.memory_space<hbm>> -> memref<20x500xi32, #tpu.memory_space<hbm>>
      %dma_wait3A_60 = arith.constant 0 : i32
      %dma_wait3A_61 = arith.constant 0 : i32
      %dma_wait3A_62 = tpu.memref_slice %arg4[%add3A, %dma_wait3A_60, %dma_wait3A_61] : memref<32x20x500xi32, #tpu.memory_space<hbm>> -> memref<1x20x500xi32, #tpu.memory_space<hbm>>
      %dma_wait3A_63 = tpu.memref_squeeze %dma_wait3A_62 : memref<1x20x500xi32, #tpu.memory_space<hbm>> -> memref<20x500xi32, #tpu.memory_space<hbm>>
      tpu.wait_dma2 semaphore(%run_scoped3A : memref<!tpu.dma_semaphore, #tpu.memory_space<semaphore_mem>>) src(%dma_wait3A_63 : memref<20x500xi32, #tpu.memory_space<hbm>>) dst(%arg8 : memref<20x500xi32, #tpu.memory_space<vmem>>)
      tpu.yield
    }) : () -> ()
    %lt3A = arith.constant 15 : i32
    %lt3A_1 = arith.cmpi slt, %arg1, %lt3A : i32
    %convert_element_type3A = arith.extui %lt3A_1 : i1 to i32
    %cond3A = arith.constant 0 : i32
    %cond3A_2 = arith.cmpi ne, %convert_element_type3A, %cond3A : i32
    scf.if %cond3A_2 {
      %mul3A_48 = arith.constant 640 : i32
      %mul3A_49 = arith.muli %arg1, %mul3A_48 : i32
      "tpu.region"() ({
        %run_scoped3A = tpu.sem_alloc : memref<!tpu.dma_semaphore, #tpu.memory_space<semaphore_mem>>
        %dma_start3A_50 = arith.constant 0 : i32
        %dma_start3A_51 = tpu.memref_slice %arg11[%mul3A_49, %dma_start3A_50] : memref<10000x32xf32, #tpu.memory_space<vmem_shared>> -> memref<640x32xf32, #tpu.memory_space<vmem_shared>>
        tpu.enqueue_dma source(%arg5 : memref<640x32xf32, #tpu.memory_space<hbm>>) target(%dma_start3A_51 : memref<640x32xf32, #tpu.memory_space<vmem_shared>>) target_semaphore(%run_scoped3A : memref<!tpu.dma_semaphore, #tpu.memory_space<semaphore_mem>>)
        %dma_wait3A_52 = arith.constant 0 : i32
        %dma_wait3A_53 = tpu.memref_slice %arg11[%mul3A_49, %dma_wait3A_52] : memref<10000x32xf32, #tpu.memory_space<vmem_shared>> -> memref<640x32xf32, #tpu.memory_space<vmem_shared>>
        tpu.wait_dma2 semaphore(%run_scoped3A : memref<!tpu.dma_semaphore, #tpu.memory_space<semaphore_mem>>) src(%arg5 : memref<640x32xf32, #tpu.memory_space<hbm>>) dst(%dma_wait3A_53 : memref<640x32xf32, #tpu.memory_space<vmem_shared>>)
        tpu.yield
      }) : () -> ()
    } else {
    }
    %eq3A = arith.constant 15 : i32
    %eq3A_3 = arith.cmpi eq, %arg1, %eq3A : i32
    %convert_element_type3A_4 = arith.extui %eq3A_3 : i1 to i32
    %cond3A_5 = arith.constant 0 : i32
    %cond3A_6 = arith.cmpi ne, %convert_element_type3A_4, %cond3A_5 : i32
    scf.if %cond3A_6 {
      "tpu.region"() ({
        %run_scoped3A = tpu.sem_alloc : memref<!tpu.dma_semaphore, #tpu.memory_space<semaphore_mem>>
        %dma_start3A_48 = arith.constant 9600 : i32
        %dma_start3A_49 = arith.constant 0 : i32
        %dma_start3A_50 = tpu.memref_slice %arg11[%dma_start3A_48, %dma_start3A_49] : memref<10000x32xf32, #tpu.memory_space<vmem_shared>> -> memref<400x32xf32, #tpu.memory_space<vmem_shared>>
        %dma_start3A_51 = arith.constant 0 : i32
        %dma_start3A_52 = arith.constant 0 : i32
        %dma_start3A_53 = tpu.memref_slice %arg5[%dma_start3A_51, %dma_start3A_52] : memref<640x32xf32, #tpu.memory_space<hbm>> -> memref<400x32xf32, #tpu.memory_space<hbm>>
        tpu.enqueue_dma source(%dma_start3A_53 : memref<400x32xf32, #tpu.memory_space<hbm>>) target(%dma_start3A_50 : memref<400x32xf32, #tpu.memory_space<vmem_shared>>) target_semaphore(%run_scoped3A : memref<!tpu.dma_semaphore, #tpu.memory_space<semaphore_mem>>)
        %dma_wait3A_54 = arith.constant 9600 : i32
        %dma_wait3A_55 = arith.constant 0 : i32
        %dma_wait3A_56 = tpu.memref_slice %arg11[%dma_wait3A_54, %dma_wait3A_55] : memref<10000x32xf32, #tpu.memory_space<vmem_shared>> -> memref<400x32xf32, #tpu.memory_space<vmem_shared>>
        %dma_wait3A_57 = arith.constant 0 : i32
        %dma_wait3A_58 = arith.constant 0 : i32
        %dma_wait3A_59 = tpu.memref_slice %arg5[%dma_wait3A_57, %dma_wait3A_58] : memref<640x32xf32, #tpu.memory_space<hbm>> -> memref<400x32xf32, #tpu.memory_space<hbm>>
        tpu.wait_dma2 semaphore(%run_scoped3A : memref<!tpu.dma_semaphore, #tpu.memory_space<semaphore_mem>>) src(%dma_wait3A_59 : memref<400x32xf32, #tpu.memory_space<hbm>>) dst(%dma_wait3A_56 : memref<400x32xf32, #tpu.memory_space<vmem_shared>>)
        tpu.yield
      }) : () -> ()
    } else {
    }
    %barrier3A = arith.constant 0 : index
    tpu.barrier barrier_id(%barrier3A)
    %dma_start3A = arith.constant 0 : i32
    %dma_start3A_7 = arith.constant 0 : i32
    %dma_start3A_8 = tpu.memref_slice %arg7[%dma_start3A, %dma_start3A_7] : memref<20x500xi32, #tpu.memory_space<vmem>> -> memref<1x500xi32, #tpu.memory_space<vmem>>
    %dma_start3A_9 = tpu.memref_squeeze %dma_start3A_8 : memref<1x500xi32, #tpu.memory_space<vmem>> -> memref<500xi32, #tpu.memory_space<vmem>>
    %dma_start3A_10 = arith.constant 0 : i32
    %dma_start3A_11 = arith.constant 0 : i32
    %dma_start3A_12 = tpu.memref_slice %arg2[%dma_start3A_10, %dma_start3A_11] : memref<10000x32xf32, #tpu.memory_space<hbm>> -> memref<10000x32xf32, #tpu.memory_space<hbm>>
    tpu.enqueue_indirect_dma source(%dma_start3A_12 : memref<10000x32xf32, #tpu.memory_space<hbm>>) target(%arg9 : memref<500x32xf32, #tpu.memory_space<vmem>>) offsets(%dma_start3A_9 : memref<500xi32, #tpu.memory_space<vmem>>) semaphore(%arg12 : memref<!tpu.dma_semaphore, #tpu.memory_space<semaphore_mem>>)
    %dma_start3A_13 = arith.constant 1 : i32
    %dma_start3A_14 = arith.constant 0 : i32
    %dma_start3A_15 = tpu.memref_slice %arg7[%dma_start3A_13, %dma_start3A_14] : memref<20x500xi32, #tpu.memory_space<vmem>> -> memref<1x500xi32, #tpu.memory_space<vmem>>
    %dma_start3A_16 = tpu.memref_squeeze %dma_start3A_15 : memref<1x500xi32, #tpu.memory_space<vmem>> -> memref<500xi32, #tpu.memory_space<vmem>>
    %dma_start3A_17 = arith.constant 0 : i32
    %dma_start3A_18 = arith.constant 0 : i32
    %dma_start3A_19 = tpu.memref_slice %arg2[%dma_start3A_17, %dma_start3A_18] : memref<10000x32xf32, #tpu.memory_space<hbm>> -> memref<10000x32xf32, #tpu.memory_space<hbm>>
    tpu.enqueue_indirect_dma source(%dma_start3A_19 : memref<10000x32xf32, #tpu.memory_space<hbm>>) target(%arg10 : memref<500x32xf32, #tpu.memory_space<vmem>>) offsets(%dma_start3A_16 : memref<500xi32, #tpu.memory_space<vmem>>) semaphore(%arg13 : memref<!tpu.dma_semaphore, #tpu.memory_space<semaphore_mem>>)
    %scan3A = arith.constant 0 : i32
    %scan3A_20 = arith.constant 10 : i32
    %scan3A_21 = arith.addi %scan3A, %scan3A_20 : i32
    %scan3A_22 = arith.constant 1 : i32
    scf.for %scan3A_48 = %scan3A to %scan3A_21 step %scan3A_22  : i32 {
      %mul3A_49 = arith.constant 2 : i32
      %mul3A_50 = arith.muli %scan3A_48, %mul3A_49 : i32
      %add3A_51 = arith.constant 0 : i32
      %add3A_52 = arith.addi %add3A_51, %mul3A_50 : i32
      %dma_wait3A_53 = arith.constant 0 : i32
      %dma_wait3A_54 = tpu.memref_slice %arg7[%add3A_52, %dma_wait3A_53] : memref<20x500xi32, #tpu.memory_space<vmem>> -> memref<1x500xi32, #tpu.memory_space<vmem>>
      %dma_wait3A_55 = tpu.memref_squeeze %dma_wait3A_54 : memref<1x500xi32, #tpu.memory_space<vmem>> -> memref<500xi32, #tpu.memory_space<vmem>>
      %dma_wait3A_56 = arith.constant 0 : i32
      %dma_wait3A_57 = arith.constant 0 : i32
      %dma_wait3A_58 = tpu.memref_slice %arg2[%dma_wait3A_56, %dma_wait3A_57] : memref<10000x32xf32, #tpu.memory_space<hbm>> -> memref<10000x32xf32, #tpu.memory_space<hbm>>
      tpu.wait_indirect_dma semaphore(%arg12 : memref<!tpu.dma_semaphore, #tpu.memory_space<semaphore_mem>>) src(%dma_wait3A_58 : memref<10000x32xf32, #tpu.memory_space<hbm>>) dst(%arg9 : memref<500x32xf32, #tpu.memory_space<vmem>>)
      %dma_start3A_59 = arith.constant 0 : i32
      %dma_start3A_60 = tpu.memref_slice %arg8[%add3A_52, %dma_start3A_59] : memref<20x500xi32, #tpu.memory_space<vmem>> -> memref<1x500xi32, #tpu.memory_space<vmem>>
      %dma_start3A_61 = tpu.memref_squeeze %dma_start3A_60 : memref<1x500xi32, #tpu.memory_space<vmem>> -> memref<500xi32, #tpu.memory_space<vmem>>
      %dma_start3A_62 = arith.constant 0 : i32
      %dma_start3A_63 = arith.constant 0 : i32
      %dma_start3A_64 = tpu.memref_slice %arg11[%dma_start3A_62, %dma_start3A_63] : memref<10000x32xf32, #tpu.memory_space<vmem_shared>> -> memref<10000x32xf32, #tpu.memory_space<vmem_shared>>
      tpu.enqueue_indirect_dma source(%arg9 : memref<500x32xf32, #tpu.memory_space<vmem>>) target(%dma_start3A_64 : memref<10000x32xf32, #tpu.memory_space<vmem_shared>>) offsets(%dma_start3A_61 : memref<500xi32, #tpu.memory_space<vmem>>) semaphore(%arg14 : memref<!tpu.dma_semaphore, #tpu.memory_space<semaphore_mem>>) {add = true}
      %add3A_65 = arith.constant 1 : i32
      %add3A_66 = arith.addi %add3A_52, %add3A_65 : i32
      %dma_wait3A_67 = arith.constant 0 : i32
      %dma_wait3A_68 = tpu.memref_slice %arg7[%add3A_66, %dma_wait3A_67] : memref<20x500xi32, #tpu.memory_space<vmem>> -> memref<1x500xi32, #tpu.memory_space<vmem>>
      %dma_wait3A_69 = tpu.memref_squeeze %dma_wait3A_68 : memref<1x500xi32, #tpu.memory_space<vmem>> -> memref<500xi32, #tpu.memory_space<vmem>>
      %dma_wait3A_70 = arith.constant 0 : i32
      %dma_wait3A_71 = arith.constant 0 : i32
      %dma_wait3A_72 = tpu.memref_slice %arg2[%dma_wait3A_70, %dma_wait3A_71] : memref<10000x32xf32, #tpu.memory_space<hbm>> -> memref<10000x32xf32, #tpu.memory_space<hbm>>
      tpu.wait_indirect_dma semaphore(%arg13 : memref<!tpu.dma_semaphore, #tpu.memory_space<semaphore_mem>>) src(%dma_wait3A_72 : memref<10000x32xf32, #tpu.memory_space<hbm>>) dst(%arg10 : memref<500x32xf32, #tpu.memory_space<vmem>>)
      %add3A_73 = arith.constant 1 : i32
      %add3A_74 = arith.addi %add3A_52, %add3A_73 : i32
      %dma_start3A_75 = arith.constant 0 : i32
      %dma_start3A_76 = tpu.memref_slice %arg8[%add3A_74, %dma_start3A_75] : memref<20x500xi32, #tpu.memory_space<vmem>> -> memref<1x500xi32, #tpu.memory_space<vmem>>
      %dma_start3A_77 = tpu.memref_squeeze %dma_start3A_76 : memref<1x500xi32, #tpu.memory_space<vmem>> -> memref<500xi32, #tpu.memory_space<vmem>>
      %dma_start3A_78 = arith.constant 0 : i32
      %dma_start3A_79 = arith.constant 0 : i32
      %dma_start3A_80 = tpu.memref_slice %arg11[%dma_start3A_78, %dma_start3A_79] : memref<10000x32xf32, #tpu.memory_space<vmem_shared>> -> memref<10000x32xf32, #tpu.memory_space<vmem_shared>>
      tpu.enqueue_indirect_dma source(%arg10 : memref<500x32xf32, #tpu.memory_space<vmem>>) target(%dma_start3A_80 : memref<10000x32xf32, #tpu.memory_space<vmem_shared>>) offsets(%dma_start3A_77 : memref<500xi32, #tpu.memory_space<vmem>>) semaphore(%arg15 : memref<!tpu.dma_semaphore, #tpu.memory_space<semaphore_mem>>) {add = true}
      %add3A_81 = arith.constant 2 : i32
      %add3A_82 = arith.addi %add3A_52, %add3A_81 : i32
      %lt3A_83 = arith.constant 20 : i32
      %lt3A_84 = arith.cmpi slt, %add3A_82, %lt3A_83 : i32
      %convert_element_type3A_85 = arith.extui %lt3A_84 : i1 to i32
      %cond3A_86 = arith.constant 0 : i32
      %cond3A_87 = arith.cmpi ne, %convert_element_type3A_85, %cond3A_86 : i32
      scf.if %cond3A_87 {
        %dma_wait3A_88 = arith.constant 0 : i32
        %dma_wait3A_89 = tpu.memref_slice %arg8[%add3A_52, %dma_wait3A_88] : memref<20x500xi32, #tpu.memory_space<vmem>> -> memref<1x500xi32, #tpu.memory_space<vmem>>
        %dma_wait3A_90 = tpu.memref_squeeze %dma_wait3A_89 : memref<1x500xi32, #tpu.memory_space<vmem>> -> memref<500xi32, #tpu.memory_space<vmem>>
        %dma_wait3A_91 = arith.constant 0 : i32
        %dma_wait3A_92 = arith.constant 0 : i32
        %dma_wait3A_93 = tpu.memref_slice %arg11[%dma_wait3A_91, %dma_wait3A_92] : memref<10000x32xf32, #tpu.memory_space<vmem_shared>> -> memref<10000x32xf32, #tpu.memory_space<vmem_shared>>
        tpu.wait_indirect_dma semaphore(%arg14 : memref<!tpu.dma_semaphore, #tpu.memory_space<semaphore_mem>>) src(%arg9 : memref<500x32xf32, #tpu.memory_space<vmem>>) dst(%dma_wait3A_93 : memref<10000x32xf32, #tpu.memory_space<vmem_shared>>)
        %add3A_94 = arith.constant 2 : i32
        %add3A_95 = arith.addi %add3A_52, %add3A_94 : i32
        %dma_start3A_96 = arith.constant 0 : i32
        %dma_start3A_97 = tpu.memref_slice %arg7[%add3A_95, %dma_start3A_96] : memref<20x500xi32, #tpu.memory_space<vmem>> -> memref<1x500xi32, #tpu.memory_space<vmem>>
        %dma_start3A_98 = tpu.memref_squeeze %dma_start3A_97 : memref<1x500xi32, #tpu.memory_space<vmem>> -> memref<500xi32, #tpu.memory_space<vmem>>
        %dma_start3A_99 = arith.constant 0 : i32
        %dma_start3A_100 = arith.constant 0 : i32
        %dma_start3A_101 = tpu.memref_slice %arg2[%dma_start3A_99, %dma_start3A_100] : memref<10000x32xf32, #tpu.memory_space<hbm>> -> memref<10000x32xf32, #tpu.memory_space<hbm>>
        tpu.enqueue_indirect_dma source(%dma_start3A_101 : memref<10000x32xf32, #tpu.memory_space<hbm>>) target(%arg9 : memref<500x32xf32, #tpu.memory_space<vmem>>) offsets(%dma_start3A_98 : memref<500xi32, #tpu.memory_space<vmem>>) semaphore(%arg12 : memref<!tpu.dma_semaphore, #tpu.memory_space<semaphore_mem>>)
        %add3A_102 = arith.constant 1 : i32
        %add3A_103 = arith.addi %add3A_52, %add3A_102 : i32
        %dma_wait3A_104 = arith.constant 0 : i32
        %dma_wait3A_105 = tpu.memref_slice %arg8[%add3A_103, %dma_wait3A_104] : memref<20x500xi32, #tpu.memory_space<vmem>> -> memref<1x500xi32, #tpu.memory_space<vmem>>
        %dma_wait3A_106 = tpu.memref_squeeze %dma_wait3A_105 : memref<1x500xi32, #tpu.memory_space<vmem>> -> memref<500xi32, #tpu.memory_space<vmem>>
        %dma_wait3A_107 = arith.constant 0 : i32
        %dma_wait3A_108 = arith.constant 0 : i32
        %dma_wait3A_109 = tpu.memref_slice %arg11[%dma_wait3A_107, %dma_wait3A_108] : memref<10000x32xf32, #tpu.memory_space<vmem_shared>> -> memref<10000x32xf32, #tpu.memory_space<vmem_shared>>
        tpu.wait_indirect_dma semaphore(%arg15 : memref<!tpu.dma_semaphore, #tpu.memory_space<semaphore_mem>>) src(%arg10 : memref<500x32xf32, #tpu.memory_space<vmem>>) dst(%dma_wait3A_109 : memref<10000x32xf32, #tpu.memory_space<vmem_shared>>)
        %add3A_110 = arith.constant 3 : i32
        %add3A_111 = arith.addi %add3A_52, %add3A_110 : i32
        %dma_start3A_112 = arith.constant 0 : i32
        %dma_start3A_113 = tpu.memref_slice %arg7[%add3A_111, %dma_start3A_112] : memref<20x500xi32, #tpu.memory_space<vmem>> -> memref<1x500xi32, #tpu.memory_space<vmem>>
        %dma_start3A_114 = tpu.memref_squeeze %dma_start3A_113 : memref<1x500xi32, #tpu.memory_space<vmem>> -> memref<500xi32, #tpu.memory_space<vmem>>
        %dma_start3A_115 = arith.constant 0 : i32
        %dma_start3A_116 = arith.constant 0 : i32
        %dma_start3A_117 = tpu.memref_slice %arg2[%dma_start3A_115, %dma_start3A_116] : memref<10000x32xf32, #tpu.memory_space<hbm>> -> memref<10000x32xf32, #tpu.memory_space<hbm>>
        tpu.enqueue_indirect_dma source(%dma_start3A_117 : memref<10000x32xf32, #tpu.memory_space<hbm>>) target(%arg10 : memref<500x32xf32, #tpu.memory_space<vmem>>) offsets(%dma_start3A_114 : memref<500xi32, #tpu.memory_space<vmem>>) semaphore(%arg13 : memref<!tpu.dma_semaphore, #tpu.memory_space<semaphore_mem>>)
      } else {
      }
    }
    %scan3A_23 = arith.constant 10 : i32
    %dma_wait3A = arith.constant 18 : i32
    %dma_wait3A_24 = arith.constant 0 : i32
    %dma_wait3A_25 = tpu.memref_slice %arg8[%dma_wait3A, %dma_wait3A_24] : memref<20x500xi32, #tpu.memory_space<vmem>> -> memref<1x500xi32, #tpu.memory_space<vmem>>
    %dma_wait3A_26 = tpu.memref_squeeze %dma_wait3A_25 : memref<1x500xi32, #tpu.memory_space<vmem>> -> memref<500xi32, #tpu.memory_space<vmem>>
    %dma_wait3A_27 = arith.constant 0 : i32
    %dma_wait3A_28 = arith.constant 0 : i32
    %dma_wait3A_29 = tpu.memref_slice %arg11[%dma_wait3A_27, %dma_wait3A_28] : memref<10000x32xf32, #tpu.memory_space<vmem_shared>> -> memref<10000x32xf32, #tpu.memory_space<vmem_shared>>
    tpu.wait_indirect_dma semaphore(%arg14 : memref<!tpu.dma_semaphore, #tpu.memory_space<semaphore_mem>>) src(%arg9 : memref<500x32xf32, #tpu.memory_space<vmem>>) dst(%dma_wait3A_29 : memref<10000x32xf32, #tpu.memory_space<vmem_shared>>)
    %dma_wait3A_30 = arith.constant 19 : i32
    %dma_wait3A_31 = arith.constant 0 : i32
    %dma_wait3A_32 = tpu.memref_slice %arg8[%dma_wait3A_30, %dma_wait3A_31] : memref<20x500xi32, #tpu.memory_space<vmem>> -> memref<1x500xi32, #tpu.memory_space<vmem>>
    %dma_wait3A_33 = tpu.memref_squeeze %dma_wait3A_32 : memref<1x500xi32, #tpu.memory_space<vmem>> -> memref<500xi32, #tpu.memory_space<vmem>>
    %dma_wait3A_34 = arith.constant 0 : i32
    %dma_wait3A_35 = arith.constant 0 : i32
    %dma_wait3A_36 = tpu.memref_slice %arg11[%dma_wait3A_34, %dma_wait3A_35] : memref<10000x32xf32, #tpu.memory_space<vmem_shared>> -> memref<10000x32xf32, #tpu.memory_space<vmem_shared>>
    tpu.wait_indirect_dma semaphore(%arg15 : memref<!tpu.dma_semaphore, #tpu.memory_space<semaphore_mem>>) src(%arg10 : memref<500x32xf32, #tpu.memory_space<vmem>>) dst(%dma_wait3A_36 : memref<10000x32xf32, #tpu.memory_space<vmem_shared>>)
    %barrier3A_37 = arith.constant 0 : index
    tpu.barrier barrier_id(%barrier3A_37)
    %lt3A_38 = arith.constant 15 : i32
    %lt3A_39 = arith.cmpi slt, %arg1, %lt3A_38 : i32
    %convert_element_type3A_40 = arith.extui %lt3A_39 : i1 to i32
    %cond3A_41 = arith.constant 0 : i32
    %cond3A_42 = arith.cmpi ne, %convert_element_type3A_40, %cond3A_41 : i32
    scf.if %cond3A_42 {
      %mul3A_48 = arith.constant 640 : i32
      %mul3A_49 = arith.muli %arg1, %mul3A_48 : i32
      %mul3A_50 = arith.constant 640 : i32
      %mul3A_51 = arith.muli %arg1, %mul3A_50 : i32
      "tpu.region"() ({
        %run_scoped3A = tpu.sem_alloc : memref<!tpu.dma_semaphore, #tpu.memory_space<semaphore_mem>>
        %dma_start3A_52 = arith.constant 0 : i32
        %dma_start3A_53 = tpu.memref_slice %arg6[%arg0, %mul3A_51, %dma_start3A_52] : memref<2x10000x32xf32, #tpu.memory_space<hbm>> -> memref<1x640x32xf32, #tpu.memory_space<hbm>>
        %dma_start3A_54 = tpu.memref_squeeze %dma_start3A_53 : memref<1x640x32xf32, #tpu.memory_space<hbm>> -> memref<640x32xf32, #tpu.memory_space<hbm>>
        %dma_start3A_55 = arith.constant 0 : i32
        %dma_start3A_56 = tpu.memref_slice %arg11[%mul3A_49, %dma_start3A_55] : memref<10000x32xf32, #tpu.memory_space<vmem_shared>> -> memref<640x32xf32, #tpu.memory_space<vmem_shared>>
        tpu.enqueue_dma source(%dma_start3A_56 : memref<640x32xf32, #tpu.memory_space<vmem_shared>>) target(%dma_start3A_54 : memref<640x32xf32, #tpu.memory_space<hbm>>) target_semaphore(%run_scoped3A : memref<!tpu.dma_semaphore, #tpu.memory_space<semaphore_mem>>)
        %dma_wait3A_57 = arith.constant 0 : i32
        %dma_wait3A_58 = tpu.memref_slice %arg6[%arg0, %mul3A_51, %dma_wait3A_57] : memref<2x10000x32xf32, #tpu.memory_space<hbm>> -> memref<1x640x32xf32, #tpu.memory_space<hbm>>
        %dma_wait3A_59 = tpu.memref_squeeze %dma_wait3A_58 : memref<1x640x32xf32, #tpu.memory_space<hbm>> -> memref<640x32xf32, #tpu.memory_space<hbm>>
        %dma_wait3A_60 = arith.constant 0 : i32
        %dma_wait3A_61 = tpu.memref_slice %arg11[%mul3A_49, %dma_wait3A_60] : memref<10000x32xf32, #tpu.memory_space<vmem_shared>> -> memref<640x32xf32, #tpu.memory_space<vmem_shared>>
        tpu.wait_dma2 semaphore(%run_scoped3A : memref<!tpu.dma_semaphore, #tpu.memory_space<semaphore_mem>>) src(%dma_wait3A_61 : memref<640x32xf32, #tpu.memory_space<vmem_shared>>) dst(%dma_wait3A_59 : memref<640x32xf32, #tpu.memory_space<hbm>>)
        tpu.yield
      }) : () -> ()
    } else {
    }
    %eq3A_43 = arith.constant 15 : i32
    %eq3A_44 = arith.cmpi eq, %arg1, %eq3A_43 : i32
    %convert_element_type3A_45 = arith.extui %eq3A_44 : i1 to i32
    %cond3A_46 = arith.constant 0 : i32
    %cond3A_47 = arith.cmpi ne, %convert_element_type3A_45, %cond3A_46 : i32
    scf.if %cond3A_47 {
      "tpu.region"() ({
        %run_scoped3A = tpu.sem_alloc : memref<!tpu.dma_semaphore, #tpu.memory_space<semaphore_mem>>
        %dma_start3A_48 = arith.constant 9600 : i32
        %dma_start3A_49 = arith.constant 0 : i32
        %dma_start3A_50 = tpu.memref_slice %arg6[%arg0, %dma_start3A_48, %dma_start3A_49] : memref<2x10000x32xf32, #tpu.memory_space<hbm>> -> memref<1x400x32xf32, #tpu.memory_space<hbm>>
        %dma_start3A_51 = tpu.memref_squeeze %dma_start3A_50 : memref<1x400x32xf32, #tpu.memory_space<hbm>> -> memref<400x32xf32, #tpu.memory_space<hbm>>
        %dma_start3A_52 = arith.constant 9600 : i32
        %dma_start3A_53 = arith.constant 0 : i32
        %dma_start3A_54 = tpu.memref_slice %arg11[%dma_start3A_52, %dma_start3A_53] : memref<10000x32xf32, #tpu.memory_space<vmem_shared>> -> memref<400x32xf32, #tpu.memory_space<vmem_shared>>
        tpu.enqueue_dma source(%dma_start3A_54 : memref<400x32xf32, #tpu.memory_space<vmem_shared>>) target(%dma_start3A_51 : memref<400x32xf32, #tpu.memory_space<hbm>>) target_semaphore(%run_scoped3A : memref<!tpu.dma_semaphore, #tpu.memory_space<semaphore_mem>>)
        %dma_wait3A_55 = arith.constant 9600 : i32
        %dma_wait3A_56 = arith.constant 0 : i32
        %dma_wait3A_57 = tpu.memref_slice %arg6[%arg0, %dma_wait3A_55, %dma_wait3A_56] : memref<2x10000x32xf32, #tpu.memory_space<hbm>> -> memref<1x400x32xf32, #tpu.memory_space<hbm>>
        %dma_wait3A_58 = tpu.memref_squeeze %dma_wait3A_57 : memref<1x400x32xf32, #tpu.memory_space<hbm>> -> memref<400x32xf32, #tpu.memory_space<hbm>>
        %dma_wait3A_59 = arith.constant 9600 : i32
        %dma_wait3A_60 = arith.constant 0 : i32
        %dma_wait3A_61 = tpu.memref_slice %arg11[%dma_wait3A_59, %dma_wait3A_60] : memref<10000x32xf32, #tpu.memory_space<vmem_shared>> -> memref<400x32xf32, #tpu.memory_space<vmem_shared>>
        tpu.wait_dma2 semaphore(%run_scoped3A : memref<!tpu.dma_semaphore, #tpu.memory_space<semaphore_mem>>) src(%dma_wait3A_61 : memref<400x32xf32, #tpu.memory_space<vmem_shared>>) dst(%dma_wait3A_58 : memref<400x32xf32, #tpu.memory_space<hbm>>)
        tpu.yield
      }) : () -> ()
    } else {
    }
    return
  }
}

#map = affine_map<(d0, d1) -> (0, 0)>
#map1 = affine_map<(d0, d1) -> (0, 0, 0)>
module attributes {stable_mosaic.version = 14 : i64} {
  func.func @_pair_body(%arg0: i32, %arg1: i32, %arg2: memref<10000x32xf32, #tpu.memory_space<hbm>>, %arg3: memref<10000x32xf32, #tpu.memory_space<hbm>>, %arg4: memref<32x20x500xi32, #tpu.memory_space<hbm>>, %arg5: memref<32x20x500xi32, #tpu.memory_space<hbm>>, %arg6: memref<320000x32xf32, #tpu.memory_space<hbm>>, %arg7: memref<320000x32xf32, #tpu.memory_space<hbm>>, %arg8: memref<20x500xi32, #tpu.memory_space<vmem>>, %arg9: memref<20x500xi32, #tpu.memory_space<vmem>>, %arg10: memref<500x32xf32, #tpu.memory_space<vmem>>, %arg11: memref<500x32xf32, #tpu.memory_space<vmem>>, %arg12: memref<500x32xf32, #tpu.memory_space<vmem>>, %arg13: memref<500x32xf32, #tpu.memory_space<vmem>>, %arg14: memref<!tpu.dma_semaphore, #tpu.memory_space<semaphore_mem>>, %arg15: memref<!tpu.dma_semaphore, #tpu.memory_space<semaphore_mem>>, %arg16: memref<!tpu.dma_semaphore, #tpu.memory_space<semaphore_mem>>, %arg17: memref<!tpu.dma_semaphore, #tpu.memory_space<semaphore_mem>>, %arg18: memref<!tpu.dma_semaphore, #tpu.memory_space<semaphore_mem>>, %arg19: memref<!tpu.dma_semaphore, #tpu.memory_space<semaphore_mem>>, %arg20: memref<!tpu.dma_semaphore, #tpu.memory_space<semaphore_mem>>, %arg21: memref<!tpu.dma_semaphore, #tpu.memory_space<semaphore_mem>>) attributes {dimension_semantics = [#tpu.dimension_semantics<core_parallel>, #tpu.dimension_semantics<subcore_parallel>], iteration_bounds = array<i64: 2, 16>, scalar_prefetch = 0 : i64, scratch_operands = 14 : i64, tpu.core_type = #tpu.core_type<sc_vector_subcore>, window_params = [{transform_indices = #map}, {transform_indices = #map}, {transform_indices = #map1}, {transform_indices = #map1}, {transform_indices = #map}, {transform_indices = #map}]} {
    %mul3A = arith.constant 16 : i32
    %mul3A_0 = arith.muli %arg0, %mul3A : i32
    %add3A = arith.addi %mul3A_0, %arg1 : i32
    "tpu.region"() ({
      %run_scoped3A = tpu.sem_alloc : memref<!tpu.dma_semaphore, #tpu.memory_space<semaphore_mem>>
      %dma_start3A_59 = arith.constant 0 : i32
      %dma_start3A_60 = arith.constant 0 : i32
      %dma_start3A_61 = tpu.memref_slice %arg4[%add3A, %dma_start3A_59, %dma_start3A_60] : memref<32x20x500xi32, #tpu.memory_space<hbm>> -> memref<1x20x500xi32, #tpu.memory_space<hbm>>
      %dma_start3A_62 = tpu.memref_squeeze %dma_start3A_61 : memref<1x20x500xi32, #tpu.memory_space<hbm>> -> memref<20x500xi32, #tpu.memory_space<hbm>>
      %dma_start3A_63 = arith.constant 0 : i32
      %dma_start3A_64 = arith.constant 0 : i32
      %dma_start3A_65 = tpu.memref_slice %arg4[%add3A, %dma_start3A_63, %dma_start3A_64] : memref<32x20x500xi32, #tpu.memory_space<hbm>> -> memref<1x20x500xi32, #tpu.memory_space<hbm>>
      %dma_start3A_66 = tpu.memref_squeeze %dma_start3A_65 : memref<1x20x500xi32, #tpu.memory_space<hbm>> -> memref<20x500xi32, #tpu.memory_space<hbm>>
      tpu.enqueue_dma source(%dma_start3A_66 : memref<20x500xi32, #tpu.memory_space<hbm>>) target(%arg8 : memref<20x500xi32, #tpu.memory_space<vmem>>) target_semaphore(%run_scoped3A : memref<!tpu.dma_semaphore, #tpu.memory_space<semaphore_mem>>)
      %dma_wait3A_67 = arith.constant 0 : i32
      %dma_wait3A_68 = arith.constant 0 : i32
      %dma_wait3A_69 = tpu.memref_slice %arg4[%add3A, %dma_wait3A_67, %dma_wait3A_68] : memref<32x20x500xi32, #tpu.memory_space<hbm>> -> memref<1x20x500xi32, #tpu.memory_space<hbm>>
      %dma_wait3A_70 = tpu.memref_squeeze %dma_wait3A_69 : memref<1x20x500xi32, #tpu.memory_space<hbm>> -> memref<20x500xi32, #tpu.memory_space<hbm>>
      %dma_wait3A_71 = arith.constant 0 : i32
      %dma_wait3A_72 = arith.constant 0 : i32
      %dma_wait3A_73 = tpu.memref_slice %arg4[%add3A, %dma_wait3A_71, %dma_wait3A_72] : memref<32x20x500xi32, #tpu.memory_space<hbm>> -> memref<1x20x500xi32, #tpu.memory_space<hbm>>
      %dma_wait3A_74 = tpu.memref_squeeze %dma_wait3A_73 : memref<1x20x500xi32, #tpu.memory_space<hbm>> -> memref<20x500xi32, #tpu.memory_space<hbm>>
      tpu.wait_dma2 semaphore(%run_scoped3A : memref<!tpu.dma_semaphore, #tpu.memory_space<semaphore_mem>>) src(%dma_wait3A_74 : memref<20x500xi32, #tpu.memory_space<hbm>>) dst(%arg8 : memref<20x500xi32, #tpu.memory_space<vmem>>)
      tpu.yield
    }) : () -> ()
    "tpu.region"() ({
      %run_scoped3A = tpu.sem_alloc : memref<!tpu.dma_semaphore, #tpu.memory_space<semaphore_mem>>
      %dma_start3A_59 = arith.constant 0 : i32
      %dma_start3A_60 = arith.constant 0 : i32
      %dma_start3A_61 = tpu.memref_slice %arg5[%add3A, %dma_start3A_59, %dma_start3A_60] : memref<32x20x500xi32, #tpu.memory_space<hbm>> -> memref<1x20x500xi32, #tpu.memory_space<hbm>>
      %dma_start3A_62 = tpu.memref_squeeze %dma_start3A_61 : memref<1x20x500xi32, #tpu.memory_space<hbm>> -> memref<20x500xi32, #tpu.memory_space<hbm>>
      %dma_start3A_63 = arith.constant 0 : i32
      %dma_start3A_64 = arith.constant 0 : i32
      %dma_start3A_65 = tpu.memref_slice %arg5[%add3A, %dma_start3A_63, %dma_start3A_64] : memref<32x20x500xi32, #tpu.memory_space<hbm>> -> memref<1x20x500xi32, #tpu.memory_space<hbm>>
      %dma_start3A_66 = tpu.memref_squeeze %dma_start3A_65 : memref<1x20x500xi32, #tpu.memory_space<hbm>> -> memref<20x500xi32, #tpu.memory_space<hbm>>
      tpu.enqueue_dma source(%dma_start3A_66 : memref<20x500xi32, #tpu.memory_space<hbm>>) target(%arg9 : memref<20x500xi32, #tpu.memory_space<vmem>>) target_semaphore(%run_scoped3A : memref<!tpu.dma_semaphore, #tpu.memory_space<semaphore_mem>>)
      %dma_wait3A_67 = arith.constant 0 : i32
      %dma_wait3A_68 = arith.constant 0 : i32
      %dma_wait3A_69 = tpu.memref_slice %arg5[%add3A, %dma_wait3A_67, %dma_wait3A_68] : memref<32x20x500xi32, #tpu.memory_space<hbm>> -> memref<1x20x500xi32, #tpu.memory_space<hbm>>
      %dma_wait3A_70 = tpu.memref_squeeze %dma_wait3A_69 : memref<1x20x500xi32, #tpu.memory_space<hbm>> -> memref<20x500xi32, #tpu.memory_space<hbm>>
      %dma_wait3A_71 = arith.constant 0 : i32
      %dma_wait3A_72 = arith.constant 0 : i32
      %dma_wait3A_73 = tpu.memref_slice %arg5[%add3A, %dma_wait3A_71, %dma_wait3A_72] : memref<32x20x500xi32, #tpu.memory_space<hbm>> -> memref<1x20x500xi32, #tpu.memory_space<hbm>>
      %dma_wait3A_74 = tpu.memref_squeeze %dma_wait3A_73 : memref<1x20x500xi32, #tpu.memory_space<hbm>> -> memref<20x500xi32, #tpu.memory_space<hbm>>
      tpu.wait_dma2 semaphore(%run_scoped3A : memref<!tpu.dma_semaphore, #tpu.memory_space<semaphore_mem>>) src(%dma_wait3A_74 : memref<20x500xi32, #tpu.memory_space<hbm>>) dst(%arg9 : memref<20x500xi32, #tpu.memory_space<vmem>>)
      tpu.yield
    }) : () -> ()
    %mul3A_1 = arith.constant 20 : i32
    %mul3A_2 = arith.muli %add3A, %mul3A_1 : i32
    %mul3A_3 = arith.constant 500 : i32
    %mul3A_4 = arith.muli %mul3A_2, %mul3A_3 : i32
    %dma_start3A = arith.constant 0 : i32
    %dma_start3A_5 = arith.constant 0 : i32
    %dma_start3A_6 = tpu.memref_slice %arg8[%dma_start3A, %dma_start3A_5] : memref<20x500xi32, #tpu.memory_space<vmem>> -> memref<1x500xi32, #tpu.memory_space<vmem>>
    %dma_start3A_7 = tpu.memref_squeeze %dma_start3A_6 : memref<1x500xi32, #tpu.memory_space<vmem>> -> memref<500xi32, #tpu.memory_space<vmem>>
    %dma_start3A_8 = arith.constant 0 : i32
    %dma_start3A_9 = arith.constant 0 : i32
    %dma_start3A_10 = tpu.memref_slice %arg2[%dma_start3A_8, %dma_start3A_9] : memref<10000x32xf32, #tpu.memory_space<hbm>> -> memref<10000x32xf32, #tpu.memory_space<hbm>>
    tpu.enqueue_indirect_dma source(%dma_start3A_10 : memref<10000x32xf32, #tpu.memory_space<hbm>>) target(%arg10 : memref<500x32xf32, #tpu.memory_space<vmem>>) offsets(%dma_start3A_7 : memref<500xi32, #tpu.memory_space<vmem>>) semaphore(%arg14 : memref<!tpu.dma_semaphore, #tpu.memory_space<semaphore_mem>>)
    %dma_start3A_11 = arith.constant 0 : i32
    %dma_start3A_12 = arith.constant 0 : i32
    %dma_start3A_13 = tpu.memref_slice %arg9[%dma_start3A_11, %dma_start3A_12] : memref<20x500xi32, #tpu.memory_space<vmem>> -> memref<1x500xi32, #tpu.memory_space<vmem>>
    %dma_start3A_14 = tpu.memref_squeeze %dma_start3A_13 : memref<1x500xi32, #tpu.memory_space<vmem>> -> memref<500xi32, #tpu.memory_space<vmem>>
    %dma_start3A_15 = arith.constant 0 : i32
    %dma_start3A_16 = arith.constant 0 : i32
    %dma_start3A_17 = tpu.memref_slice %arg3[%dma_start3A_15, %dma_start3A_16] : memref<10000x32xf32, #tpu.memory_space<hbm>> -> memref<10000x32xf32, #tpu.memory_space<hbm>>
    tpu.enqueue_indirect_dma source(%dma_start3A_17 : memref<10000x32xf32, #tpu.memory_space<hbm>>) target(%arg12 : memref<500x32xf32, #tpu.memory_space<vmem>>) offsets(%dma_start3A_14 : memref<500xi32, #tpu.memory_space<vmem>>) semaphore(%arg16 : memref<!tpu.dma_semaphore, #tpu.memory_space<semaphore_mem>>)
    %dma_start3A_18 = arith.constant 1 : i32
    %dma_start3A_19 = arith.constant 0 : i32
    %dma_start3A_20 = tpu.memref_slice %arg8[%dma_start3A_18, %dma_start3A_19] : memref<20x500xi32, #tpu.memory_space<vmem>> -> memref<1x500xi32, #tpu.memory_space<vmem>>
    %dma_start3A_21 = tpu.memref_squeeze %dma_start3A_20 : memref<1x500xi32, #tpu.memory_space<vmem>> -> memref<500xi32, #tpu.memory_space<vmem>>
    %dma_start3A_22 = arith.constant 0 : i32
    %dma_start3A_23 = arith.constant 0 : i32
    %dma_start3A_24 = tpu.memref_slice %arg2[%dma_start3A_22, %dma_start3A_23] : memref<10000x32xf32, #tpu.memory_space<hbm>> -> memref<10000x32xf32, #tpu.memory_space<hbm>>
    tpu.enqueue_indirect_dma source(%dma_start3A_24 : memref<10000x32xf32, #tpu.memory_space<hbm>>) target(%arg11 : memref<500x32xf32, #tpu.memory_space<vmem>>) offsets(%dma_start3A_21 : memref<500xi32, #tpu.memory_space<vmem>>) semaphore(%arg15 : memref<!tpu.dma_semaphore, #tpu.memory_space<semaphore_mem>>)
    %dma_start3A_25 = arith.constant 1 : i32
    %dma_start3A_26 = arith.constant 0 : i32
    %dma_start3A_27 = tpu.memref_slice %arg9[%dma_start3A_25, %dma_start3A_26] : memref<20x500xi32, #tpu.memory_space<vmem>> -> memref<1x500xi32, #tpu.memory_space<vmem>>
    %dma_start3A_28 = tpu.memref_squeeze %dma_start3A_27 : memref<1x500xi32, #tpu.memory_space<vmem>> -> memref<500xi32, #tpu.memory_space<vmem>>
    %dma_start3A_29 = arith.constant 0 : i32
    %dma_start3A_30 = arith.constant 0 : i32
    %dma_start3A_31 = tpu.memref_slice %arg3[%dma_start3A_29, %dma_start3A_30] : memref<10000x32xf32, #tpu.memory_space<hbm>> -> memref<10000x32xf32, #tpu.memory_space<hbm>>
    tpu.enqueue_indirect_dma source(%dma_start3A_31 : memref<10000x32xf32, #tpu.memory_space<hbm>>) target(%arg13 : memref<500x32xf32, #tpu.memory_space<vmem>>) offsets(%dma_start3A_28 : memref<500xi32, #tpu.memory_space<vmem>>) semaphore(%arg17 : memref<!tpu.dma_semaphore, #tpu.memory_space<semaphore_mem>>)
    %scan3A = arith.constant 0 : i32
    %scan3A_32 = arith.constant 10 : i32
    %scan3A_33 = arith.addi %scan3A, %scan3A_32 : i32
    %scan3A_34 = arith.constant 1 : i32
    scf.for %scan3A_59 = %scan3A to %scan3A_33 step %scan3A_34  : i32 {
      %mul3A_60 = arith.constant 2 : i32
      %mul3A_61 = arith.muli %scan3A_59, %mul3A_60 : i32
      %add3A_62 = arith.constant 0 : i32
      %add3A_63 = arith.addi %add3A_62, %mul3A_61 : i32
      %dma_wait3A_64 = arith.constant 0 : i32
      %dma_wait3A_65 = tpu.memref_slice %arg8[%add3A_63, %dma_wait3A_64] : memref<20x500xi32, #tpu.memory_space<vmem>> -> memref<1x500xi32, #tpu.memory_space<vmem>>
      %dma_wait3A_66 = tpu.memref_squeeze %dma_wait3A_65 : memref<1x500xi32, #tpu.memory_space<vmem>> -> memref<500xi32, #tpu.memory_space<vmem>>
      %dma_wait3A_67 = arith.constant 0 : i32
      %dma_wait3A_68 = arith.constant 0 : i32
      %dma_wait3A_69 = tpu.memref_slice %arg2[%dma_wait3A_67, %dma_wait3A_68] : memref<10000x32xf32, #tpu.memory_space<hbm>> -> memref<10000x32xf32, #tpu.memory_space<hbm>>
      tpu.wait_indirect_dma semaphore(%arg14 : memref<!tpu.dma_semaphore, #tpu.memory_space<semaphore_mem>>) src(%dma_wait3A_69 : memref<10000x32xf32, #tpu.memory_space<hbm>>) dst(%arg10 : memref<500x32xf32, #tpu.memory_space<vmem>>)
      %mul3A_70 = arith.constant 500 : i32
      %mul3A_71 = arith.muli %add3A_63, %mul3A_70 : i32
      %add3A_72 = arith.addi %mul3A_4, %mul3A_71 : i32
      %dma_start3A_73 = arith.constant 0 : i32
      %dma_start3A_74 = tpu.memref_slice %arg6[%add3A_72, %dma_start3A_73] : memref<320000x32xf32, #tpu.memory_space<hbm>> -> memref<500x32xf32, #tpu.memory_space<hbm>>
      %dma_start3A_75 = arith.constant 0 : i32
      %dma_start3A_76 = tpu.memref_slice %arg6[%add3A_72, %dma_start3A_75] : memref<320000x32xf32, #tpu.memory_space<hbm>> -> memref<500x32xf32, #tpu.memory_space<hbm>>
      tpu.enqueue_dma source(%arg10 : memref<500x32xf32, #tpu.memory_space<vmem>>) target(%dma_start3A_76 : memref<500x32xf32, #tpu.memory_space<hbm>>) target_semaphore(%arg18 : memref<!tpu.dma_semaphore, #tpu.memory_space<semaphore_mem>>)
      %dma_wait3A_77 = arith.constant 0 : i32
      %dma_wait3A_78 = tpu.memref_slice %arg9[%add3A_63, %dma_wait3A_77] : memref<20x500xi32, #tpu.memory_space<vmem>> -> memref<1x500xi32, #tpu.memory_space<vmem>>
      %dma_wait3A_79 = tpu.memref_squeeze %dma_wait3A_78 : memref<1x500xi32, #tpu.memory_space<vmem>> -> memref<500xi32, #tpu.memory_space<vmem>>
      %dma_wait3A_80 = arith.constant 0 : i32
      %dma_wait3A_81 = arith.constant 0 : i32
      %dma_wait3A_82 = tpu.memref_slice %arg3[%dma_wait3A_80, %dma_wait3A_81] : memref<10000x32xf32, #tpu.memory_space<hbm>> -> memref<10000x32xf32, #tpu.memory_space<hbm>>
      tpu.wait_indirect_dma semaphore(%arg16 : memref<!tpu.dma_semaphore, #tpu.memory_space<semaphore_mem>>) src(%dma_wait3A_82 : memref<10000x32xf32, #tpu.memory_space<hbm>>) dst(%arg12 : memref<500x32xf32, #tpu.memory_space<vmem>>)
      %mul3A_83 = arith.constant 500 : i32
      %mul3A_84 = arith.muli %add3A_63, %mul3A_83 : i32
      %add3A_85 = arith.addi %mul3A_4, %mul3A_84 : i32
      %dma_start3A_86 = arith.constant 0 : i32
      %dma_start3A_87 = tpu.memref_slice %arg7[%add3A_85, %dma_start3A_86] : memref<320000x32xf32, #tpu.memory_space<hbm>> -> memref<500x32xf32, #tpu.memory_space<hbm>>
      %dma_start3A_88 = arith.constant 0 : i32
      %dma_start3A_89 = tpu.memref_slice %arg7[%add3A_85, %dma_start3A_88] : memref<320000x32xf32, #tpu.memory_space<hbm>> -> memref<500x32xf32, #tpu.memory_space<hbm>>
      tpu.enqueue_dma source(%arg12 : memref<500x32xf32, #tpu.memory_space<vmem>>) target(%dma_start3A_89 : memref<500x32xf32, #tpu.memory_space<hbm>>) target_semaphore(%arg20 : memref<!tpu.dma_semaphore, #tpu.memory_space<semaphore_mem>>)
      %add3A_90 = arith.constant 1 : i32
      %add3A_91 = arith.addi %add3A_63, %add3A_90 : i32
      %dma_wait3A_92 = arith.constant 0 : i32
      %dma_wait3A_93 = tpu.memref_slice %arg8[%add3A_91, %dma_wait3A_92] : memref<20x500xi32, #tpu.memory_space<vmem>> -> memref<1x500xi32, #tpu.memory_space<vmem>>
      %dma_wait3A_94 = tpu.memref_squeeze %dma_wait3A_93 : memref<1x500xi32, #tpu.memory_space<vmem>> -> memref<500xi32, #tpu.memory_space<vmem>>
      %dma_wait3A_95 = arith.constant 0 : i32
      %dma_wait3A_96 = arith.constant 0 : i32
      %dma_wait3A_97 = tpu.memref_slice %arg2[%dma_wait3A_95, %dma_wait3A_96] : memref<10000x32xf32, #tpu.memory_space<hbm>> -> memref<10000x32xf32, #tpu.memory_space<hbm>>
      tpu.wait_indirect_dma semaphore(%arg15 : memref<!tpu.dma_semaphore, #tpu.memory_space<semaphore_mem>>) src(%dma_wait3A_97 : memref<10000x32xf32, #tpu.memory_space<hbm>>) dst(%arg11 : memref<500x32xf32, #tpu.memory_space<vmem>>)
      %add3A_98 = arith.constant 1 : i32
      %add3A_99 = arith.addi %add3A_63, %add3A_98 : i32
      %mul3A_100 = arith.constant 500 : i32
      %mul3A_101 = arith.muli %add3A_99, %mul3A_100 : i32
      %add3A_102 = arith.addi %mul3A_4, %mul3A_101 : i32
      %dma_start3A_103 = arith.constant 0 : i32
      %dma_start3A_104 = tpu.memref_slice %arg6[%add3A_102, %dma_start3A_103] : memref<320000x32xf32, #tpu.memory_space<hbm>> -> memref<500x32xf32, #tpu.memory_space<hbm>>
      %dma_start3A_105 = arith.constant 0 : i32
      %dma_start3A_106 = tpu.memref_slice %arg6[%add3A_102, %dma_start3A_105] : memref<320000x32xf32, #tpu.memory_space<hbm>> -> memref<500x32xf32, #tpu.memory_space<hbm>>
      tpu.enqueue_dma source(%arg11 : memref<500x32xf32, #tpu.memory_space<vmem>>) target(%dma_start3A_106 : memref<500x32xf32, #tpu.memory_space<hbm>>) target_semaphore(%arg19 : memref<!tpu.dma_semaphore, #tpu.memory_space<semaphore_mem>>)
      %add3A_107 = arith.constant 1 : i32
      %add3A_108 = arith.addi %add3A_63, %add3A_107 : i32
      %dma_wait3A_109 = arith.constant 0 : i32
      %dma_wait3A_110 = tpu.memref_slice %arg9[%add3A_108, %dma_wait3A_109] : memref<20x500xi32, #tpu.memory_space<vmem>> -> memref<1x500xi32, #tpu.memory_space<vmem>>
      %dma_wait3A_111 = tpu.memref_squeeze %dma_wait3A_110 : memref<1x500xi32, #tpu.memory_space<vmem>> -> memref<500xi32, #tpu.memory_space<vmem>>
      %dma_wait3A_112 = arith.constant 0 : i32
      %dma_wait3A_113 = arith.constant 0 : i32
      %dma_wait3A_114 = tpu.memref_slice %arg3[%dma_wait3A_112, %dma_wait3A_113] : memref<10000x32xf32, #tpu.memory_space<hbm>> -> memref<10000x32xf32, #tpu.memory_space<hbm>>
      tpu.wait_indirect_dma semaphore(%arg17 : memref<!tpu.dma_semaphore, #tpu.memory_space<semaphore_mem>>) src(%dma_wait3A_114 : memref<10000x32xf32, #tpu.memory_space<hbm>>) dst(%arg13 : memref<500x32xf32, #tpu.memory_space<vmem>>)
      %add3A_115 = arith.constant 1 : i32
      %add3A_116 = arith.addi %add3A_63, %add3A_115 : i32
      %mul3A_117 = arith.constant 500 : i32
      %mul3A_118 = arith.muli %add3A_116, %mul3A_117 : i32
      %add3A_119 = arith.addi %mul3A_4, %mul3A_118 : i32
      %dma_start3A_120 = arith.constant 0 : i32
      %dma_start3A_121 = tpu.memref_slice %arg7[%add3A_119, %dma_start3A_120] : memref<320000x32xf32, #tpu.memory_space<hbm>> -> memref<500x32xf32, #tpu.memory_space<hbm>>
      %dma_start3A_122 = arith.constant 0 : i32
      %dma_start3A_123 = tpu.memref_slice %arg7[%add3A_119, %dma_start3A_122] : memref<320000x32xf32, #tpu.memory_space<hbm>> -> memref<500x32xf32, #tpu.memory_space<hbm>>
      tpu.enqueue_dma source(%arg13 : memref<500x32xf32, #tpu.memory_space<vmem>>) target(%dma_start3A_123 : memref<500x32xf32, #tpu.memory_space<hbm>>) target_semaphore(%arg21 : memref<!tpu.dma_semaphore, #tpu.memory_space<semaphore_mem>>)
      %add3A_124 = arith.constant 2 : i32
      %add3A_125 = arith.addi %add3A_63, %add3A_124 : i32
      %lt3A = arith.constant 20 : i32
      %lt3A_126 = arith.cmpi slt, %add3A_125, %lt3A : i32
      %convert_element_type3A = arith.extui %lt3A_126 : i1 to i32
      %cond3A = arith.constant 0 : i32
      %cond3A_127 = arith.cmpi ne, %convert_element_type3A, %cond3A : i32
      scf.if %cond3A_127 {
        %mul3A_128 = arith.constant 500 : i32
        %mul3A_129 = arith.muli %add3A_63, %mul3A_128 : i32
        %add3A_130 = arith.addi %mul3A_4, %mul3A_129 : i32
        %dma_wait3A_131 = arith.constant 0 : i32
        %dma_wait3A_132 = tpu.memref_slice %arg6[%add3A_130, %dma_wait3A_131] : memref<320000x32xf32, #tpu.memory_space<hbm>> -> memref<500x32xf32, #tpu.memory_space<hbm>>
        %dma_wait3A_133 = arith.constant 0 : i32
        %dma_wait3A_134 = tpu.memref_slice %arg6[%add3A_130, %dma_wait3A_133] : memref<320000x32xf32, #tpu.memory_space<hbm>> -> memref<500x32xf32, #tpu.memory_space<hbm>>
        tpu.wait_dma2 semaphore(%arg18 : memref<!tpu.dma_semaphore, #tpu.memory_space<semaphore_mem>>) src(%arg10 : memref<500x32xf32, #tpu.memory_space<vmem>>) dst(%dma_wait3A_134 : memref<500x32xf32, #tpu.memory_space<hbm>>)
        %add3A_135 = arith.constant 2 : i32
        %add3A_136 = arith.addi %add3A_63, %add3A_135 : i32
        %dma_start3A_137 = arith.constant 0 : i32
        %dma_start3A_138 = tpu.memref_slice %arg8[%add3A_136, %dma_start3A_137] : memref<20x500xi32, #tpu.memory_space<vmem>> -> memref<1x500xi32, #tpu.memory_space<vmem>>
        %dma_start3A_139 = tpu.memref_squeeze %dma_start3A_138 : memref<1x500xi32, #tpu.memory_space<vmem>> -> memref<500xi32, #tpu.memory_space<vmem>>
        %dma_start3A_140 = arith.constant 0 : i32
        %dma_start3A_141 = arith.constant 0 : i32
        %dma_start3A_142 = tpu.memref_slice %arg2[%dma_start3A_140, %dma_start3A_141] : memref<10000x32xf32, #tpu.memory_space<hbm>> -> memref<10000x32xf32, #tpu.memory_space<hbm>>
        tpu.enqueue_indirect_dma source(%dma_start3A_142 : memref<10000x32xf32, #tpu.memory_space<hbm>>) target(%arg10 : memref<500x32xf32, #tpu.memory_space<vmem>>) offsets(%dma_start3A_139 : memref<500xi32, #tpu.memory_space<vmem>>) semaphore(%arg14 : memref<!tpu.dma_semaphore, #tpu.memory_space<semaphore_mem>>)
        %mul3A_143 = arith.constant 500 : i32
        %mul3A_144 = arith.muli %add3A_63, %mul3A_143 : i32
        %add3A_145 = arith.addi %mul3A_4, %mul3A_144 : i32
        %dma_wait3A_146 = arith.constant 0 : i32
        %dma_wait3A_147 = tpu.memref_slice %arg7[%add3A_145, %dma_wait3A_146] : memref<320000x32xf32, #tpu.memory_space<hbm>> -> memref<500x32xf32, #tpu.memory_space<hbm>>
        %dma_wait3A_148 = arith.constant 0 : i32
        %dma_wait3A_149 = tpu.memref_slice %arg7[%add3A_145, %dma_wait3A_148] : memref<320000x32xf32, #tpu.memory_space<hbm>> -> memref<500x32xf32, #tpu.memory_space<hbm>>
        tpu.wait_dma2 semaphore(%arg20 : memref<!tpu.dma_semaphore, #tpu.memory_space<semaphore_mem>>) src(%arg12 : memref<500x32xf32, #tpu.memory_space<vmem>>) dst(%dma_wait3A_149 : memref<500x32xf32, #tpu.memory_space<hbm>>)
        %add3A_150 = arith.constant 2 : i32
        %add3A_151 = arith.addi %add3A_63, %add3A_150 : i32
        %dma_start3A_152 = arith.constant 0 : i32
        %dma_start3A_153 = tpu.memref_slice %arg9[%add3A_151, %dma_start3A_152] : memref<20x500xi32, #tpu.memory_space<vmem>> -> memref<1x500xi32, #tpu.memory_space<vmem>>
        %dma_start3A_154 = tpu.memref_squeeze %dma_start3A_153 : memref<1x500xi32, #tpu.memory_space<vmem>> -> memref<500xi32, #tpu.memory_space<vmem>>
        %dma_start3A_155 = arith.constant 0 : i32
        %dma_start3A_156 = arith.constant 0 : i32
        %dma_start3A_157 = tpu.memref_slice %arg3[%dma_start3A_155, %dma_start3A_156] : memref<10000x32xf32, #tpu.memory_space<hbm>> -> memref<10000x32xf32, #tpu.memory_space<hbm>>
        tpu.enqueue_indirect_dma source(%dma_start3A_157 : memref<10000x32xf32, #tpu.memory_space<hbm>>) target(%arg12 : memref<500x32xf32, #tpu.memory_space<vmem>>) offsets(%dma_start3A_154 : memref<500xi32, #tpu.memory_space<vmem>>) semaphore(%arg16 : memref<!tpu.dma_semaphore, #tpu.memory_space<semaphore_mem>>)
        %add3A_158 = arith.constant 1 : i32
        %add3A_159 = arith.addi %add3A_63, %add3A_158 : i32
        %mul3A_160 = arith.constant 500 : i32
        %mul3A_161 = arith.muli %add3A_159, %mul3A_160 : i32
        %add3A_162 = arith.addi %mul3A_4, %mul3A_161 : i32
        %dma_wait3A_163 = arith.constant 0 : i32
        %dma_wait3A_164 = tpu.memref_slice %arg6[%add3A_162, %dma_wait3A_163] : memref<320000x32xf32, #tpu.memory_space<hbm>> -> memref<500x32xf32, #tpu.memory_space<hbm>>
        %dma_wait3A_165 = arith.constant 0 : i32
        %dma_wait3A_166 = tpu.memref_slice %arg6[%add3A_162, %dma_wait3A_165] : memref<320000x32xf32, #tpu.memory_space<hbm>> -> memref<500x32xf32, #tpu.memory_space<hbm>>
        tpu.wait_dma2 semaphore(%arg19 : memref<!tpu.dma_semaphore, #tpu.memory_space<semaphore_mem>>) src(%arg11 : memref<500x32xf32, #tpu.memory_space<vmem>>) dst(%dma_wait3A_166 : memref<500x32xf32, #tpu.memory_space<hbm>>)
        %add3A_167 = arith.constant 3 : i32
        %add3A_168 = arith.addi %add3A_63, %add3A_167 : i32
        %dma_start3A_169 = arith.constant 0 : i32
        %dma_start3A_170 = tpu.memref_slice %arg8[%add3A_168, %dma_start3A_169] : memref<20x500xi32, #tpu.memory_space<vmem>> -> memref<1x500xi32, #tpu.memory_space<vmem>>
        %dma_start3A_171 = tpu.memref_squeeze %dma_start3A_170 : memref<1x500xi32, #tpu.memory_space<vmem>> -> memref<500xi32, #tpu.memory_space<vmem>>
        %dma_start3A_172 = arith.constant 0 : i32
        %dma_start3A_173 = arith.constant 0 : i32
        %dma_start3A_174 = tpu.memref_slice %arg2[%dma_start3A_172, %dma_start3A_173] : memref<10000x32xf32, #tpu.memory_space<hbm>> -> memref<10000x32xf32, #tpu.memory_space<hbm>>
        tpu.enqueue_indirect_dma source(%dma_start3A_174 : memref<10000x32xf32, #tpu.memory_space<hbm>>) target(%arg11 : memref<500x32xf32, #tpu.memory_space<vmem>>) offsets(%dma_start3A_171 : memref<500xi32, #tpu.memory_space<vmem>>) semaphore(%arg15 : memref<!tpu.dma_semaphore, #tpu.memory_space<semaphore_mem>>)
        %add3A_175 = arith.constant 1 : i32
        %add3A_176 = arith.addi %add3A_63, %add3A_175 : i32
        %mul3A_177 = arith.constant 500 : i32
        %mul3A_178 = arith.muli %add3A_176, %mul3A_177 : i32
        %add3A_179 = arith.addi %mul3A_4, %mul3A_178 : i32
        %dma_wait3A_180 = arith.constant 0 : i32
        %dma_wait3A_181 = tpu.memref_slice %arg7[%add3A_179, %dma_wait3A_180] : memref<320000x32xf32, #tpu.memory_space<hbm>> -> memref<500x32xf32, #tpu.memory_space<hbm>>
        %dma_wait3A_182 = arith.constant 0 : i32
        %dma_wait3A_183 = tpu.memref_slice %arg7[%add3A_179, %dma_wait3A_182] : memref<320000x32xf32, #tpu.memory_space<hbm>> -> memref<500x32xf32, #tpu.memory_space<hbm>>
        tpu.wait_dma2 semaphore(%arg21 : memref<!tpu.dma_semaphore, #tpu.memory_space<semaphore_mem>>) src(%arg13 : memref<500x32xf32, #tpu.memory_space<vmem>>) dst(%dma_wait3A_183 : memref<500x32xf32, #tpu.memory_space<hbm>>)
        %add3A_184 = arith.constant 3 : i32
        %add3A_185 = arith.addi %add3A_63, %add3A_184 : i32
        %dma_start3A_186 = arith.constant 0 : i32
        %dma_start3A_187 = tpu.memref_slice %arg9[%add3A_185, %dma_start3A_186] : memref<20x500xi32, #tpu.memory_space<vmem>> -> memref<1x500xi32, #tpu.memory_space<vmem>>
        %dma_start3A_188 = tpu.memref_squeeze %dma_start3A_187 : memref<1x500xi32, #tpu.memory_space<vmem>> -> memref<500xi32, #tpu.memory_space<vmem>>
        %dma_start3A_189 = arith.constant 0 : i32
        %dma_start3A_190 = arith.constant 0 : i32
        %dma_start3A_191 = tpu.memref_slice %arg3[%dma_start3A_189, %dma_start3A_190] : memref<10000x32xf32, #tpu.memory_space<hbm>> -> memref<10000x32xf32, #tpu.memory_space<hbm>>
        tpu.enqueue_indirect_dma source(%dma_start3A_191 : memref<10000x32xf32, #tpu.memory_space<hbm>>) target(%arg13 : memref<500x32xf32, #tpu.memory_space<vmem>>) offsets(%dma_start3A_188 : memref<500xi32, #tpu.memory_space<vmem>>) semaphore(%arg17 : memref<!tpu.dma_semaphore, #tpu.memory_space<semaphore_mem>>)
      } else {
      }
    }
    %scan3A_35 = arith.constant 10 : i32
    %add3A_36 = arith.constant 9000 : i32
    %add3A_37 = arith.addi %mul3A_4, %add3A_36 : i32
    %dma_wait3A = arith.constant 0 : i32
    %dma_wait3A_38 = tpu.memref_slice %arg6[%add3A_37, %dma_wait3A] : memref<320000x32xf32, #tpu.memory_space<hbm>> -> memref<500x32xf32, #tpu.memory_space<hbm>>
    %dma_wait3A_39 = arith.constant 0 : i32
    %dma_wait3A_40 = tpu.memref_slice %arg6[%add3A_37, %dma_wait3A_39] : memref<320000x32xf32, #tpu.memory_space<hbm>> -> memref<500x32xf32, #tpu.memory_space<hbm>>
    tpu.wait_dma2 semaphore(%arg18 : memref<!tpu.dma_semaphore, #tpu.memory_space<semaphore_mem>>) src(%arg10 : memref<500x32xf32, #tpu.memory_space<vmem>>) dst(%dma_wait3A_40 : memref<500x32xf32, #tpu.memory_space<hbm>>)
    %add3A_41 = arith.constant 9000 : i32
    %add3A_42 = arith.addi %mul3A_4, %add3A_41 : i32
    %dma_wait3A_43 = arith.constant 0 : i32
    %dma_wait3A_44 = tpu.memref_slice %arg7[%add3A_42, %dma_wait3A_43] : memref<320000x32xf32, #tpu.memory_space<hbm>> -> memref<500x32xf32, #tpu.memory_space<hbm>>
    %dma_wait3A_45 = arith.constant 0 : i32
    %dma_wait3A_46 = tpu.memref_slice %arg7[%add3A_42, %dma_wait3A_45] : memref<320000x32xf32, #tpu.memory_space<hbm>> -> memref<500x32xf32, #tpu.memory_space<hbm>>
    tpu.wait_dma2 semaphore(%arg20 : memref<!tpu.dma_semaphore, #tpu.memory_space<semaphore_mem>>) src(%arg12 : memref<500x32xf32, #tpu.memory_space<vmem>>) dst(%dma_wait3A_46 : memref<500x32xf32, #tpu.memory_space<hbm>>)
    %add3A_47 = arith.constant 9500 : i32
    %add3A_48 = arith.addi %mul3A_4, %add3A_47 : i32
    %dma_wait3A_49 = arith.constant 0 : i32
    %dma_wait3A_50 = tpu.memref_slice %arg6[%add3A_48, %dma_wait3A_49] : memref<320000x32xf32, #tpu.memory_space<hbm>> -> memref<500x32xf32, #tpu.memory_space<hbm>>
    %dma_wait3A_51 = arith.constant 0 : i32
    %dma_wait3A_52 = tpu.memref_slice %arg6[%add3A_48, %dma_wait3A_51] : memref<320000x32xf32, #tpu.memory_space<hbm>> -> memref<500x32xf32, #tpu.memory_space<hbm>>
    tpu.wait_dma2 semaphore(%arg19 : memref<!tpu.dma_semaphore, #tpu.memory_space<semaphore_mem>>) src(%arg11 : memref<500x32xf32, #tpu.memory_space<vmem>>) dst(%dma_wait3A_52 : memref<500x32xf32, #tpu.memory_space<hbm>>)
    %add3A_53 = arith.constant 9500 : i32
    %add3A_54 = arith.addi %mul3A_4, %add3A_53 : i32
    %dma_wait3A_55 = arith.constant 0 : i32
    %dma_wait3A_56 = tpu.memref_slice %arg7[%add3A_54, %dma_wait3A_55] : memref<320000x32xf32, #tpu.memory_space<hbm>> -> memref<500x32xf32, #tpu.memory_space<hbm>>
    %dma_wait3A_57 = arith.constant 0 : i32
    %dma_wait3A_58 = tpu.memref_slice %arg7[%add3A_54, %dma_wait3A_57] : memref<320000x32xf32, #tpu.memory_space<hbm>> -> memref<500x32xf32, #tpu.memory_space<hbm>>
    tpu.wait_dma2 semaphore(%arg21 : memref<!tpu.dma_semaphore, #tpu.memory_space<semaphore_mem>>) src(%arg13 : memref<500x32xf32, #tpu.memory_space<vmem>>) dst(%dma_wait3A_58 : memref<500x32xf32, #tpu.memory_space<hbm>>)
    return
  }
}

module attributes {stable_mosaic.version = 14 : i64} {
  func.func @_t0_body(%arg0: memref<2500x512xf32, #tpu.memory_space<vmem>>, %arg1: memref<128x32xf32, #tpu.memory_space<vmem>>, %arg2: memref<1x32xf32, #tpu.memory_space<vmem>>, %arg3: memref<2500x128xf32, #tpu.memory_space<vmem>>) attributes {dimension_semantics = [], scalar_prefetch = 0 : i64, scratch_operands = 0 : i64, tpu.core_type = #tpu.core_type<tc>} {
    %get3A = arith.constant 0 : index
    %get3A_0 = arith.constant 0 : index
    %get3A_1 = vector.load %arg1[%get3A, %get3A_0] : memref<128x32xf32, #tpu.memory_space<vmem>>, vector<128x32xf32>
    %broadcast_in_dim3A = arith.constant 0.000000e+00 : f32
    %broadcast_in_dim3A_2 = vector.broadcast %broadcast_in_dim3A : f32 to vector<128x32xf32>
    %concatenate3A = tpu.concatenate %get3A_1, %broadcast_in_dim3A_2, %broadcast_in_dim3A_2, %broadcast_in_dim3A_2 in 1 : vector<128x32xf32>, vector<128x32xf32>, vector<128x32xf32>, vector<128x32xf32> -> vector<128x128xf32>
    %concatenate3A_3 = tpu.concatenate %broadcast_in_dim3A_2, %get3A_1, %broadcast_in_dim3A_2, %broadcast_in_dim3A_2 in 1 : vector<128x32xf32>, vector<128x32xf32>, vector<128x32xf32>, vector<128x32xf32> -> vector<128x128xf32>
    %concatenate3A_4 = tpu.concatenate %broadcast_in_dim3A_2, %broadcast_in_dim3A_2, %get3A_1, %broadcast_in_dim3A_2 in 1 : vector<128x32xf32>, vector<128x32xf32>, vector<128x32xf32>, vector<128x32xf32> -> vector<128x128xf32>
    %concatenate3A_5 = tpu.concatenate %broadcast_in_dim3A_2, %broadcast_in_dim3A_2, %broadcast_in_dim3A_2, %get3A_1 in 1 : vector<128x32xf32>, vector<128x32xf32>, vector<128x32xf32>, vector<128x32xf32> -> vector<128x128xf32>
    %concatenate3A_6 = tpu.concatenate %concatenate3A, %concatenate3A_3, %concatenate3A_4, %concatenate3A_5 in 0 : vector<128x128xf32>, vector<128x128xf32>, vector<128x128xf32>, vector<128x128xf32> -> vector<512x128xf32>
    %get3A_7 = arith.constant 0 : index
    %get3A_8 = arith.constant 0 : index
    %get3A_9 = vector.load %arg0[%get3A_7, %get3A_8] : memref<2500x512xf32, #tpu.memory_space<vmem>>, vector<2500x512xf32>
    %dot_general3A = arith.constant dense<0.000000e+00> : vector<2500x128xf32>
    %dot_general3A_10 = tpu.matmul %get3A_9, %concatenate3A_6, %dot_general3A {dimension_numbers = #tpu.dot_dimension_numbers<[1], [0], [0], [1], [0, 0, 1, 1], [], []>, transpose_lhs_hint = false} : vector<2500x512xf32>, vector<512x128xf32>, vector<2500x128xf32> -> vector<2500x128xf32>
    %get3A_11 = arith.constant 0 : index
    %get3A_12 = arith.constant 0 : index
    %get3A_13 = vector.load %arg2[%get3A_11, %get3A_12] : memref<1x32xf32, #tpu.memory_space<vmem>>, vector<1x32xf32>
    %concatenate3A_14 = tpu.concatenate %get3A_13, %get3A_13, %get3A_13, %get3A_13 in 1 : vector<1x32xf32>, vector<1x32xf32>, vector<1x32xf32>, vector<1x32xf32> -> vector<1x128xf32>
    %add3A = vector.broadcast %concatenate3A_14 : vector<1x128xf32> to vector<2500x128xf32>
    %add3A_15 = arith.addf %dot_general3A_10, %add3A : vector<2500x128xf32>
    %max3A = arith.constant 0.000000e+00 : f32
    %max3A_16 = vector.broadcast %max3A : f32 to vector<2500x128xf32>
    %max3A_17 = arith.maximumf %add3A_15, %max3A_16 : vector<2500x128xf32>
    %swap3A = arith.constant 0 : index
    %swap3A_18 = arith.constant 0 : index
    %swap3A_19 = vector.load %arg3[%swap3A, %swap3A_18] : memref<2500x128xf32, #tpu.memory_space<vmem>>, vector<2500x128xf32>
    tpu.vector_store %arg3[%swap3A, %swap3A_18], %max3A_17 {strides = array<i32>} : memref<2500x128xf32, #tpu.memory_space<vmem>>, vector<2500x128xf32>,
    return
  }
}

module attributes {stable_mosaic.version = 14 : i64} {
  func.func @_t1_body(%arg0: memref<2x2500x32xf32, #tpu.memory_space<vmem>>, %arg1: memref<2500x128xf32, #tpu.memory_space<vmem>>, %arg2: memref<32x32xf32, #tpu.memory_space<vmem>>, %arg3: memref<64x32xf32, #tpu.memory_space<vmem>>, %arg4: memref<64x32xf32, #tpu.memory_space<vmem>>, %arg5: memref<16x32xf32, #tpu.memory_space<vmem>>, %arg6: memref<1x32xf32, #tpu.memory_space<vmem>>, %arg7: memref<1x32xf32, #tpu.memory_space<vmem>>, %arg8: memref<1x32xf32, #tpu.memory_space<vmem>>, %arg9: memref<2500x128xf32, #tpu.memory_space<vmem>>, %arg10: memref<2500x128xf32, #tpu.memory_space<vmem>>, %arg11: memref<32x32xf32, #tpu.memory_space<vmem>>, %arg12: memref<32x32xf32, #tpu.memory_space<vmem>>, %arg13: memref<16x32xf32, #tpu.memory_space<vmem>>, %arg14: memref<1x32xf32, #tpu.memory_space<vmem>>) attributes {dimension_semantics = [], scalar_prefetch = 0 : i64, scratch_operands = 0 : i64, tpu.core_type = #tpu.core_type<tc>} {
    %get3A = arith.constant 0 : index
    %get3A_0 = arith.constant 0 : index
    %get3A_1 = arith.constant 0 : index
    %get3A_2 = vector.load %arg0[%get3A, %get3A_0, %get3A_1] : memref<2x2500x32xf32, #tpu.memory_space<vmem>>, vector<1x2500x32xf32>
    %get3A_3 = vector.shape_cast %get3A_2 : vector<1x2500x32xf32> to vector<2500x32xf32>
    %get3A_4 = arith.constant 1 : index
    %get3A_5 = arith.constant 0 : index
    %get3A_6 = arith.constant 0 : index
    %get3A_7 = vector.load %arg0[%get3A_4, %get3A_5, %get3A_6] : memref<2x2500x32xf32, #tpu.memory_space<vmem>>, vector<1x2500x32xf32>
    %get3A_8 = vector.shape_cast %get3A_7 : vector<1x2500x32xf32> to vector<2500x32xf32>
    %add3A = arith.addf %get3A_3, %get3A_8 : vector<2500x32xf32>
    %gt3A = arith.constant 0.000000e+00 : f32
    %gt3A_9 = vector.broadcast %gt3A : f32 to vector<2500x32xf32>
    %gt3A_10 = arith.cmpf ogt, %add3A, %gt3A_9 : vector<2500x32xf32>
    %jit3A = arith.constant 1.000000e+00 : f32
    %broadcast_in_dim3A = vector.broadcast %jit3A : f32 to vector<2500x32xf32>
    %select_n3A = arith.select %gt3A_10, %add3A, %broadcast_in_dim3A : vector<2500x32xi1>, vector<2500x32xf32>
    %gt3A_11 = arith.constant 0.000000e+00 : f32
    %gt3A_12 = vector.broadcast %gt3A_11 : f32 to vector<2500x32xf32>
    %gt3A_13 = arith.cmpf ogt, %add3A, %gt3A_12 : vector<2500x32xf32>
    %sqrt3A = math.sqrt %select_n3A : vector<2500x32xf32>
    %div3A = arith.constant 1.000000e+00 : f32
    %div3A_14 = vector.broadcast %div3A : f32 to vector<2500x32xf32>
    %div3A_15 = arith.divf %div3A_14, %sqrt3A : vector<2500x32xf32>
    %jit3A_16 = arith.constant 0.000000e+00 : f32
    %broadcast_in_dim3A_17 = vector.broadcast %jit3A_16 : f32 to vector<2500x32xf32>
    %select_n3A_18 = arith.select %gt3A_13, %div3A_15, %broadcast_in_dim3A_17 : vector<2500x32xi1>, vector<2500x32xf32>
    %iota3A = tpu.iota {dimensions = array<i32: 0>} : vector<32x128xi32>
    %iota3A_19 = tpu.iota {dimensions = array<i32: 1>} : vector<32x128xi32>
    %jit3A_20 = arith.constant 32 : i32
    %div3A_21 = vector.broadcast %jit3A_20 : i32 to vector<32x128xi32>
    %div3A_22 = arith.divsi %iota3A_19, %div3A_21 : vector<32x128xi32>
    %sign3A = arith.constant 0 : i32
    %sign3A_23 = vector.broadcast %sign3A : i32 to vector<32x128xi32>
    %sign3A_24 = arith.cmpi sgt, %iota3A_19, %sign3A_23 : vector<32x128xi32>
    %sign3A_25 = arith.extui %sign3A_24 : vector<32x128xi1> to vector<32x128xi32>
    %sign3A_26 = arith.constant 0 : i32
    %sign3A_27 = vector.broadcast %sign3A_26 : i32 to vector<32x128xi32>
    %sign3A_28 = arith.cmpi slt, %iota3A_19, %sign3A_27 : vector<32x128xi32>
    %sign3A_29 = arith.extui %sign3A_28 : vector<32x128xi1> to vector<32x128xi32>
    %sign3A_30 = arith.subi %sign3A_25, %sign3A_29 : vector<32x128xi32>
    %sign3A_31 = arith.constant 0 : i32
    %sign3A_32 = arith.cmpi sgt, %jit3A_20, %sign3A_31 : i32
    %sign3A_33 = arith.extui %sign3A_32 : i1 to i32
    %sign3A_34 = arith.constant 0 : i32
    %sign3A_35 = arith.cmpi slt, %jit3A_20, %sign3A_34 : i32
    %sign3A_36 = arith.extui %sign3A_35 : i1 to i32
    %sign3A_37 = arith.subi %sign3A_33, %sign3A_36 : i32
    %ne3A = vector.broadcast %sign3A_37 : i32 to vector<32x128xi32>
    %ne3A_38 = arith.cmpi ne, %sign3A_30, %ne3A : vector<32x128xi32>
    %rem3A = vector.broadcast %jit3A_20 : i32 to vector<32x128xi32>
    %rem3A_39 = arith.remsi %iota3A_19, %rem3A : vector<32x128xi32>
    %ne3A_40 = arith.constant 0 : i32
    %ne3A_41 = vector.broadcast %ne3A_40 : i32 to vector<32x128xi32>
    %ne3A_42 = arith.cmpi ne, %rem3A_39, %ne3A_41 : vector<32x128xi32>
    %and3A = arith.andi %ne3A_38, %ne3A_42 : vector<32x128xi1>
    %sub3A = arith.constant 1 : i32
    %sub3A_43 = vector.broadcast %sub3A : i32 to vector<32x128xi32>
    %sub3A_44 = arith.subi %div3A_22, %sub3A_43 : vector<32x128xi32>
    %select_n3A_45 = arith.select %and3A, %sub3A_44, %div3A_22 : vector<32x128xi1>, vector<32x128xi32>
    %mul3A = arith.constant 8 : i32
    %mul3A_46 = vector.broadcast %mul3A : i32 to vector<32x128xi32>
    %mul3A_47 = arith.muli %mul3A_46, %select_n3A_45 : vector<32x128xi32>
    %eq3A = arith.cmpi eq, %iota3A, %mul3A_47 : vector<32x128xi32>
    %jit3A_48 = arith.constant 1.000000e+00 : f32
    %jit3A_49 = arith.constant 0.000000e+00 : f32
    %broadcast_in_dim3A_50 = vector.broadcast %jit3A_48 : f32 to vector<32x128xf32>
    %broadcast_in_dim3A_51 = vector.broadcast %jit3A_49 : f32 to vector<32x128xf32>
    %select_n3A_52 = arith.select %eq3A, %broadcast_in_dim3A_50, %broadcast_in_dim3A_51 : vector<32x128xi1>, vector<32x128xf32>
    %dot_general3A = arith.constant dense<0.000000e+00> : vector<2500x128xf32>
    %dot_general3A_53 = tpu.matmul %select_n3A_18, %select_n3A_52, %dot_general3A {dimension_numbers = #tpu.dot_dimension_numbers<[1], [0], [0], [1], [0, 0, 1, 1], [], []>, transpose_lhs_hint = false} : vector<2500x32xf32>, vector<32x128xf32>, vector<2500x128xf32> -> vector<2500x128xf32>
    %swap3A = arith.constant 0 : index
    %swap3A_54 = arith.constant 0 : index
    %swap3A_55 = vector.load %arg9[%swap3A, %swap3A_54] : memref<2500x128xf32, #tpu.memory_space<vmem>>, vector<2500x128xf32>
    tpu.vector_store %arg9[%swap3A, %swap3A_54], %dot_general3A_53 {strides = array<i32>} : memref<2500x128xf32, #tpu.memory_space<vmem>>, vector<2500x128xf32>,
    %get3A_56 = arith.constant 0 : index
    %get3A_57 = arith.constant 0 : index
    %get3A_58 = vector.load %arg1[%get3A_56, %get3A_57] : memref<2500x128xf32, #tpu.memory_space<vmem>>, vector<2500x128xf32>
    %get3A_59 = arith.constant 0 : index
    %get3A_60 = arith.constant 0 : index
    %get3A_61 = vector.load %arg2[%get3A_59, %get3A_60] : memref<32x32xf32, #tpu.memory_space<vmem>>, vector<32x32xf32>
    %broadcast_in_dim3A_62 = arith.constant 0.000000e+00 : f32
    %broadcast_in_dim3A_63 = vector.broadcast %broadcast_in_dim3A_62 : f32 to vector<32x32xf32>
    %concatenate3A = tpu.concatenate %get3A_61, %broadcast_in_dim3A_63, %broadcast_in_dim3A_63, %broadcast_in_dim3A_63 in 1 : vector<32x32xf32>, vector<32x32xf32>, vector<32x32xf32>, vector<32x32xf32> -> vector<32x128xf32>
    %concatenate3A_64 = tpu.concatenate %broadcast_in_dim3A_63, %get3A_61, %broadcast_in_dim3A_63, %broadcast_in_dim3A_63 in 1 : vector<32x32xf32>, vector<32x32xf32>, vector<32x32xf32>, vector<32x32xf32> -> vector<32x128xf32>
    %concatenate3A_65 = tpu.concatenate %broadcast_in_dim3A_63, %broadcast_in_dim3A_63, %get3A_61, %broadcast_in_dim3A_63 in 1 : vector<32x32xf32>, vector<32x32xf32>, vector<32x32xf32>, vector<32x32xf32> -> vector<32x128xf32>
    %concatenate3A_66 = tpu.concatenate %broadcast_in_dim3A_63, %broadcast_in_dim3A_63, %broadcast_in_dim3A_63, %get3A_61 in 1 : vector<32x32xf32>, vector<32x32xf32>, vector<32x32xf32>, vector<32x32xf32> -> vector<32x128xf32>
    %concatenate3A_67 = tpu.concatenate %concatenate3A, %concatenate3A_64, %concatenate3A_65, %concatenate3A_66 in 0 : vector<32x128xf32>, vector<32x128xf32>, vector<32x128xf32>, vector<32x128xf32> -> vector<128x128xf32>
    %dot_general3A_68 = arith.constant dense<0.000000e+00> : vector<2500x128xf32>
    %dot_general3A_69 = tpu.matmul %get3A_58, %concatenate3A_67, %dot_general3A_68 {dimension_numbers = #tpu.dot_dimension_numbers<[1], [0], [0], [1], [0, 0, 1, 1], [], []>, transpose_lhs_hint = false} : vector<2500x128xf32>, vector<128x128xf32>, vector<2500x128xf32> -> vector<2500x128xf32>
    %mul3A_70 = arith.mulf %dot_general3A_53, %dot_general3A_69 : vector<2500x128xf32>
    %swap3A_71 = arith.constant 0 : index
    %swap3A_72 = arith.constant 0 : index
    %swap3A_73 = vector.load %arg10[%swap3A_71, %swap3A_72] : memref<2500x128xf32, #tpu.memory_space<vmem>>, vector<2500x128xf32>
    tpu.vector_store %arg10[%swap3A_71, %swap3A_72], %mul3A_70 {strides = array<i32>} : memref<2500x128xf32, #tpu.memory_space<vmem>>, vector<2500x128xf32>,
    %get3A_74 = arith.constant 0 : index
    %get3A_75 = arith.constant 0 : index
    %get3A_76 = vector.load %arg4[%get3A_74, %get3A_75] : memref<64x32xf32, #tpu.memory_space<vmem>>, vector<64x32xf32>
    %slice3A = vector.extract_strided_slice %get3A_76 {offsets = [0, 0], sizes = [32, 32], strides = [1, 1]} : vector<64x32xf32> to vector<32x32xf32>
    %get3A_77 = arith.constant 0 : index
    %get3A_78 = arith.constant 0 : index
    %get3A_79 = vector.load %arg4[%get3A_77, %get3A_78] : memref<64x32xf32, #tpu.memory_space<vmem>>, vector<64x32xf32>
    %slice3A_80 = vector.extract_strided_slice %get3A_79 {offsets = [32, 0], sizes = [32, 32], strides = [1, 1]} : vector<64x32xf32> to vector<32x32xf32>
    %get3A_81 = arith.constant 0 : index
    %get3A_82 = arith.constant 0 : index
    %get3A_83 = vector.load %arg3[%get3A_81, %get3A_82] : memref<64x32xf32, #tpu.memory_space<vmem>>, vector<64x32xf32>
    %slice3A_84 = vector.extract_strided_slice %get3A_83 {offsets = [0, 0], sizes = [32, 32], strides = [1, 1]} : vector<64x32xf32> to vector<32x32xf32>
    %dot_general3A_85 = arith.constant dense<0.000000e+00> : vector<32x32xf32>
    %dot_general3A_86 = tpu.matmul %slice3A_84, %slice3A, %dot_general3A_85 {dimension_numbers = #tpu.dot_dimension_numbers<[1], [0], [0], [1], [0, 0, 1, 1], [], []>, transpose_lhs_hint = false} : vector<32x32xf32>, vector<32x32xf32>, vector<32x32xf32> -> vector<32x32xf32>
    %swap3A_87 = arith.constant 0 : index
    %swap3A_88 = arith.constant 0 : index
    %swap3A_89 = vector.load %arg11[%swap3A_87, %swap3A_88] : memref<32x32xf32, #tpu.memory_space<vmem>>, vector<32x32xf32>
    tpu.vector_store %arg11[%swap3A_87, %swap3A_88], %dot_general3A_86 {strides = array<i32>} : memref<32x32xf32, #tpu.memory_space<vmem>>, vector<32x32xf32>,
    %get3A_90 = arith.constant 0 : index
    %get3A_91 = arith.constant 0 : index
    %get3A_92 = vector.load %arg3[%get3A_90, %get3A_91] : memref<64x32xf32, #tpu.memory_space<vmem>>, vector<64x32xf32>
    %slice3A_93 = vector.extract_strided_slice %get3A_92 {offsets = [32, 0], sizes = [32, 32], strides = [1, 1]} : vector<64x32xf32> to vector<32x32xf32>
    %dot_general3A_94 = arith.constant dense<0.000000e+00> : vector<32x32xf32>
    %dot_general3A_95 = tpu.matmul %slice3A_93, %slice3A, %dot_general3A_94 {dimension_numbers = #tpu.dot_dimension_numbers<[1], [0], [0], [1], [0, 0, 1, 1], [], []>, transpose_lhs_hint = false} : vector<32x32xf32>, vector<32x32xf32>, vector<32x32xf32> -> vector<32x32xf32>
    %swap3A_96 = arith.constant 0 : index
    %swap3A_97 = arith.constant 0 : index
    %swap3A_98 = vector.load %arg12[%swap3A_96, %swap3A_97] : memref<32x32xf32, #tpu.memory_space<vmem>>, vector<32x32xf32>
    tpu.vector_store %arg12[%swap3A_96, %swap3A_97], %dot_general3A_95 {strides = array<i32>} : memref<32x32xf32, #tpu.memory_space<vmem>>, vector<32x32xf32>,
    %get3A_99 = arith.constant 0 : index
    %get3A_100 = arith.constant 0 : index
    %get3A_101 = vector.load %arg5[%get3A_99, %get3A_100] : memref<16x32xf32, #tpu.memory_space<vmem>>, vector<16x32xf32>
    %dot_general3A_102 = arith.constant dense<0.000000e+00> : vector<16x32xf32>
    %dot_general3A_103 = tpu.matmul %get3A_101, %slice3A_80, %dot_general3A_102 {dimension_numbers = #tpu.dot_dimension_numbers<[1], [0], [0], [1], [0, 0, 1, 1], [], []>, transpose_lhs_hint = false} : vector<16x32xf32>, vector<32x32xf32>, vector<16x32xf32> -> vector<16x32xf32>
    %swap3A_104 = arith.constant 0 : index
    %swap3A_105 = arith.constant 0 : index
    %swap3A_106 = vector.load %arg13[%swap3A_104, %swap3A_105] : memref<16x32xf32, #tpu.memory_space<vmem>>, vector<16x32xf32>
    tpu.vector_store %arg13[%swap3A_104, %swap3A_105], %dot_general3A_103 {strides = array<i32>} : memref<16x32xf32, #tpu.memory_space<vmem>>, vector<16x32xf32>,
    %get3A_107 = arith.constant 0 : index
    %get3A_108 = arith.constant 0 : index
    %get3A_109 = vector.load %arg6[%get3A_107, %get3A_108] : memref<1x32xf32, #tpu.memory_space<vmem>>, vector<1x32xf32>
    %dot_general3A_110 = arith.constant dense<0.000000e+00> : vector<1x32xf32>
    %dot_general3A_111 = tpu.matmul %get3A_109, %slice3A, %dot_general3A_110 {dimension_numbers = #tpu.dot_dimension_numbers<[1], [0], [0], [1], [0, 0, 1, 1], [], []>, transpose_lhs_hint = false} : vector<1x32xf32>, vector<32x32xf32>, vector<1x32xf32> -> vector<1x32xf32>
    %get3A_112 = arith.constant 0 : index
    %get3A_113 = arith.constant 0 : index
    %get3A_114 = vector.load %arg7[%get3A_112, %get3A_113] : memref<1x32xf32, #tpu.memory_space<vmem>>, vector<1x32xf32>
    %dot_general3A_115 = arith.constant dense<0.000000e+00> : vector<1x32xf32>
    %dot_general3A_116 = tpu.matmul %get3A_114, %slice3A_80, %dot_general3A_115 {dimension_numbers = #tpu.dot_dimension_numbers<[1], [0], [0], [1], [0, 0, 1, 1], [], []>, transpose_lhs_hint = false} : vector<1x32xf32>, vector<32x32xf32>, vector<1x32xf32> -> vector<1x32xf32>
    %add3A_117 = arith.addf %dot_general3A_111, %dot_general3A_116 : vector<1x32xf32>
    %get3A_118 = arith.constant 0 : index
    %get3A_119 = arith.constant 0 : index
    %get3A_120 = vector.load %arg8[%get3A_118, %get3A_119] : memref<1x32xf32, #tpu.memory_space<vmem>>, vector<1x32xf32>
    %add3A_121 = arith.addf %add3A_117, %get3A_120 : vector<1x32xf32>
    %swap3A_122 = arith.constant 0 : index
    %swap3A_123 = arith.constant 0 : index
    %swap3A_124 = vector.load %arg14[%swap3A_122, %swap3A_123] : memref<1x32xf32, #tpu.memory_space<vmem>>, vector<1x32xf32>
    tpu.vector_store %arg14[%swap3A_122, %swap3A_123], %add3A_121 {strides = array<i32>} : memref<1x32xf32, #tpu.memory_space<vmem>>, vector<1x32xf32>,
    return
  }
}

module attributes {stable_mosaic.version = 14 : i64} {
  func.func @_t2_body(%arg0: memref<2x2500x128xf32, #tpu.memory_space<vmem>>, %arg1: memref<2500x128xf32, #tpu.memory_space<vmem>>, %arg2: memref<2500x128xf32, #tpu.memory_space<vmem>>, %arg3: memref<32x32xf32, #tpu.memory_space<vmem>>, %arg4: memref<1x32xf32, #tpu.memory_space<vmem>>, %arg5: memref<1x32xf32, #tpu.memory_space<vmem>>, %arg6: memref<1x32xf32, #tpu.memory_space<vmem>>, %arg7: memref<32x32xf32, #tpu.memory_space<vmem>>, %arg8: memref<2500x128xf32, #tpu.memory_space<vmem>>, %arg9: memref<2500x128xf32, #tpu.memory_space<vmem>>) attributes {dimension_semantics = [], scalar_prefetch = 0 : i64, scratch_operands = 0 : i64, tpu.core_type = #tpu.core_type<tc>} {
    %get3A = arith.constant 0 : index
    %get3A_0 = arith.constant 0 : index
    %get3A_1 = arith.constant 0 : index
    %get3A_2 = vector.load %arg0[%get3A, %get3A_0, %get3A_1] : memref<2x2500x128xf32, #tpu.memory_space<vmem>>, vector<1x2500x128xf32>
    %get3A_3 = vector.shape_cast %get3A_2 : vector<1x2500x128xf32> to vector<2500x128xf32>
    %get3A_4 = arith.constant 1 : index
    %get3A_5 = arith.constant 0 : index
    %get3A_6 = arith.constant 0 : index
    %get3A_7 = vector.load %arg0[%get3A_4, %get3A_5, %get3A_6] : memref<2x2500x128xf32, #tpu.memory_space<vmem>>, vector<1x2500x128xf32>
    %get3A_8 = vector.shape_cast %get3A_7 : vector<1x2500x128xf32> to vector<2500x128xf32>
    %add3A = arith.addf %get3A_3, %get3A_8 : vector<2500x128xf32>
    %get3A_9 = arith.constant 0 : index
    %get3A_10 = arith.constant 0 : index
    %get3A_11 = vector.load %arg1[%get3A_9, %get3A_10] : memref<2500x128xf32, #tpu.memory_space<vmem>>, vector<2500x128xf32>
    %mul3A = arith.mulf %get3A_11, %add3A : vector<2500x128xf32>
    %get3A_12 = arith.constant 0 : index
    %get3A_13 = arith.constant 0 : index
    %get3A_14 = vector.load %arg2[%get3A_12, %get3A_13] : memref<2500x128xf32, #tpu.memory_space<vmem>>, vector<2500x128xf32>
    %get3A_15 = arith.constant 0 : index
    %get3A_16 = arith.constant 0 : index
    %get3A_17 = vector.load %arg3[%get3A_15, %get3A_16] : memref<32x32xf32, #tpu.memory_space<vmem>>, vector<32x32xf32>
    %broadcast_in_dim3A = arith.constant 0.000000e+00 : f32
    %broadcast_in_dim3A_18 = vector.broadcast %broadcast_in_dim3A : f32 to vector<32x32xf32>
    %concatenate3A = tpu.concatenate %get3A_17, %broadcast_in_dim3A_18, %broadcast_in_dim3A_18, %broadcast_in_dim3A_18 in 1 : vector<32x32xf32>, vector<32x32xf32>, vector<32x32xf32>, vector<32x32xf32> -> vector<32x128xf32>
    %concatenate3A_19 = tpu.concatenate %broadcast_in_dim3A_18, %get3A_17, %broadcast_in_dim3A_18, %broadcast_in_dim3A_18 in 1 : vector<32x32xf32>, vector<32x32xf32>, vector<32x32xf32>, vector<32x32xf32> -> vector<32x128xf32>
    %concatenate3A_20 = tpu.concatenate %broadcast_in_dim3A_18, %broadcast_in_dim3A_18, %get3A_17, %broadcast_in_dim3A_18 in 1 : vector<32x32xf32>, vector<32x32xf32>, vector<32x32xf32>, vector<32x32xf32> -> vector<32x128xf32>
    %concatenate3A_21 = tpu.concatenate %broadcast_in_dim3A_18, %broadcast_in_dim3A_18, %broadcast_in_dim3A_18, %get3A_17 in 1 : vector<32x32xf32>, vector<32x32xf32>, vector<32x32xf32>, vector<32x32xf32> -> vector<32x128xf32>
    %concatenate3A_22 = tpu.concatenate %concatenate3A, %concatenate3A_19, %concatenate3A_20, %concatenate3A_21 in 0 : vector<32x128xf32>, vector<32x128xf32>, vector<32x128xf32>, vector<32x128xf32> -> vector<128x128xf32>
    %dot_general3A = arith.constant dense<0.000000e+00> : vector<2500x128xf32>
    %dot_general3A_23 = tpu.matmul %get3A_14, %concatenate3A_22, %dot_general3A {dimension_numbers = #tpu.dot_dimension_numbers<[1], [0], [0], [1], [0, 0, 1, 1], [], []>, transpose_lhs_hint = false} : vector<2500x128xf32>, vector<128x128xf32>, vector<2500x128xf32> -> vector<2500x128xf32>
    %add3A_24 = arith.addf %mul3A, %dot_general3A_23 : vector<2500x128xf32>
    %get3A_25 = arith.constant 0 : index
    %get3A_26 = arith.constant 0 : index
    %get3A_27 = vector.load %arg4[%get3A_25, %get3A_26] : memref<1x32xf32, #tpu.memory_space<vmem>>, vector<1x32xf32>
    %concatenate3A_28 = tpu.concatenate %get3A_27, %get3A_27, %get3A_27, %get3A_27 in 1 : vector<1x32xf32>, vector<1x32xf32>, vector<1x32xf32>, vector<1x32xf32> -> vector<1x128xf32>
    %add3A_29 = vector.broadcast %concatenate3A_28 : vector<1x128xf32> to vector<2500x128xf32>
    %add3A_30 = arith.addf %add3A_24, %add3A_29 : vector<2500x128xf32>
    %max3A = arith.constant 0.000000e+00 : f32
    %max3A_31 = vector.broadcast %max3A : f32 to vector<2500x128xf32>
    %max3A_32 = arith.maximumf %add3A_30, %max3A_31 : vector<2500x128xf32>
    %reduce_sum3A = arith.constant dense<0.000000e+00> : vector<128xf32>
    %reduce_sum3A_33 = vector.multi_reduction <add>, %max3A_32, %reduce_sum3A [0] : vector<2500x128xf32> to vector<128xf32>
    %broadcast_in_dim3A_34 = vector.shape_cast %reduce_sum3A_33 : vector<128xf32> to vector<1x128xf32>
    %div3A = arith.constant 2.500000e+03 : f32
    %div3A_35 = vector.broadcast %div3A : f32 to vector<1x128xf32>
    %div3A_36 = arith.divf %broadcast_in_dim3A_34, %div3A_35 : vector<1x128xf32>
    %slice3A = vector.extract_strided_slice %div3A_36 {offsets = [0, 0], sizes = [1, 32], strides = [1, 1]} : vector<1x128xf32> to vector<1x32xf32>
    %slice3A_37 = vector.extract_strided_slice %div3A_36 {offsets = [0, 32], sizes = [1, 32], strides = [1, 1]} : vector<1x128xf32> to vector<1x32xf32>
    %add3A_38 = arith.addf %slice3A, %slice3A_37 : vector<1x32xf32>
    %slice3A_39 = vector.extract_strided_slice %div3A_36 {offsets = [0, 64], sizes = [1, 32], strides = [1, 1]} : vector<1x128xf32> to vector<1x32xf32>
    %add3A_40 = arith.addf %add3A_38, %slice3A_39 : vector<1x32xf32>
    %slice3A_41 = vector.extract_strided_slice %div3A_36 {offsets = [0, 96], sizes = [1, 32], strides = [1, 1]} : vector<1x128xf32> to vector<1x32xf32>
    %add3A_42 = arith.addf %add3A_40, %slice3A_41 : vector<1x32xf32>
    %mul3A_43 = arith.constant 2.500000e-01 : f32
    %mul3A_44 = vector.broadcast %mul3A_43 : f32 to vector<1x32xf32>
    %mul3A_45 = arith.mulf %add3A_42, %mul3A_44 : vector<1x32xf32>
    %concatenate3A_46 = tpu.concatenate %mul3A_45, %mul3A_45, %mul3A_45, %mul3A_45 in 1 : vector<1x32xf32>, vector<1x32xf32>, vector<1x32xf32>, vector<1x32xf32> -> vector<1x128xf32>
    %sub3A = vector.broadcast %concatenate3A_46 : vector<1x128xf32> to vector<2500x128xf32>
    %sub3A_47 = arith.subf %max3A_32, %sub3A : vector<2500x128xf32>
    %mul3A_48 = arith.mulf %sub3A_47, %sub3A_47 : vector<2500x128xf32>
    %reduce_sum3A_49 = arith.constant dense<0.000000e+00> : vector<128xf32>
    %reduce_sum3A_50 = vector.multi_reduction <add>, %mul3A_48, %reduce_sum3A_49 [0] : vector<2500x128xf32> to vector<128xf32>
    %broadcast_in_dim3A_51 = vector.shape_cast %reduce_sum3A_50 : vector<128xf32> to vector<1x128xf32>
    %div3A_52 = arith.constant 2.500000e+03 : f32
    %div3A_53 = vector.broadcast %div3A_52 : f32 to vector<1x128xf32>
    %div3A_54 = arith.divf %broadcast_in_dim3A_51, %div3A_53 : vector<1x128xf32>
    %slice3A_55 = vector.extract_strided_slice %div3A_54 {offsets = [0, 0], sizes = [1, 32], strides = [1, 1]} : vector<1x128xf32> to vector<1x32xf32>
    %slice3A_56 = vector.extract_strided_slice %div3A_54 {offsets = [0, 32], sizes = [1, 32], strides = [1, 1]} : vector<1x128xf32> to vector<1x32xf32>
    %add3A_57 = arith.addf %slice3A_55, %slice3A_56 : vector<1x32xf32>
    %slice3A_58 = vector.extract_strided_slice %div3A_54 {offsets = [0, 64], sizes = [1, 32], strides = [1, 1]} : vector<1x128xf32> to vector<1x32xf32>
    %add3A_59 = arith.addf %add3A_57, %slice3A_58 : vector<1x32xf32>
    %slice3A_60 = vector.extract_strided_slice %div3A_54 {offsets = [0, 96], sizes = [1, 32], strides = [1, 1]} : vector<1x128xf32> to vector<1x32xf32>
    %add3A_61 = arith.addf %add3A_59, %slice3A_60 : vector<1x32xf32>
    %mul3A_62 = arith.constant 2.500000e-01 : f32
    %mul3A_63 = vector.broadcast %mul3A_62 : f32 to vector<1x32xf32>
    %mul3A_64 = arith.mulf %add3A_61, %mul3A_63 : vector<1x32xf32>
    %concatenate3A_65 = tpu.concatenate %mul3A_64, %mul3A_64, %mul3A_64, %mul3A_64 in 1 : vector<1x32xf32>, vector<1x32xf32>, vector<1x32xf32>, vector<1x32xf32> -> vector<1x128xf32>
    %add3A_66 = arith.constant 9.99999974E-6 : f32
    %add3A_67 = vector.broadcast %add3A_66 : f32 to vector<1x128xf32>
    %add3A_68 = arith.addf %concatenate3A_65, %add3A_67 : vector<1x128xf32>
    %sqrt3A = math.sqrt %add3A_68 : vector<1x128xf32>
    %div3A_69 = vector.broadcast %sqrt3A : vector<1x128xf32> to vector<2500x128xf32>
    %div3A_70 = arith.divf %sub3A_47, %div3A_69 : vector<2500x128xf32>
    %get3A_71 = arith.constant 0 : index
    %get3A_72 = arith.constant 0 : index
    %get3A_73 = vector.load %arg5[%get3A_71, %get3A_72] : memref<1x32xf32, #tpu.memory_space<vmem>>, vector<1x32xf32>
    %concatenate3A_74 = tpu.concatenate %get3A_73, %get3A_73, %get3A_73, %get3A_73 in 1 : vector<1x32xf32>, vector<1x32xf32>, vector<1x32xf32>, vector<1x32xf32> -> vector<1x128xf32>
    %mul3A_75 = vector.broadcast %concatenate3A_74 : vector<1x128xf32> to vector<2500x128xf32>
    %mul3A_76 = arith.mulf %div3A_70, %mul3A_75 : vector<2500x128xf32>
    %get3A_77 = arith.constant 0 : index
    %get3A_78 = arith.constant 0 : index
    %get3A_79 = vector.load %arg6[%get3A_77, %get3A_78] : memref<1x32xf32, #tpu.memory_space<vmem>>, vector<1x32xf32>
    %concatenate3A_80 = tpu.concatenate %get3A_79, %get3A_79, %get3A_79, %get3A_79 in 1 : vector<1x32xf32>, vector<1x32xf32>, vector<1x32xf32>, vector<1x32xf32> -> vector<1x128xf32>
    %add3A_81 = vector.broadcast %concatenate3A_80 : vector<1x128xf32> to vector<2500x128xf32>
    %add3A_82 = arith.addf %mul3A_76, %add3A_81 : vector<2500x128xf32>
    %swap3A = arith.constant 0 : index
    %swap3A_83 = arith.constant 0 : index
    %swap3A_84 = vector.load %arg8[%swap3A, %swap3A_83] : memref<2500x128xf32, #tpu.memory_space<vmem>>, vector<2500x128xf32>
    tpu.vector_store %arg8[%swap3A, %swap3A_83], %add3A_82 {strides = array<i32>} : memref<2500x128xf32, #tpu.memory_space<vmem>>, vector<2500x128xf32>,
    %get3A_85 = arith.constant 0 : index
    %get3A_86 = arith.constant 0 : index
    %get3A_87 = vector.load %arg1[%get3A_85, %get3A_86] : memref<2500x128xf32, #tpu.memory_space<vmem>>, vector<2500x128xf32>
    %get3A_88 = arith.constant 0 : index
    %get3A_89 = arith.constant 0 : index
    %get3A_90 = vector.load %arg7[%get3A_88, %get3A_89] : memref<32x32xf32, #tpu.memory_space<vmem>>, vector<32x32xf32>
    %broadcast_in_dim3A_91 = arith.constant 0.000000e+00 : f32
    %broadcast_in_dim3A_92 = vector.broadcast %broadcast_in_dim3A_91 : f32 to vector<32x32xf32>
    %concatenate3A_93 = tpu.concatenate %get3A_90, %broadcast_in_dim3A_92, %broadcast_in_dim3A_92, %broadcast_in_dim3A_92 in 1 : vector<32x32xf32>, vector<32x32xf32>, vector<32x32xf32>, vector<32x32xf32> -> vector<32x128xf32>
    %concatenate3A_94 = tpu.concatenate %broadcast_in_dim3A_92, %get3A_90, %broadcast_in_dim3A_92, %broadcast_in_dim3A_92 in 1 : vector<32x32xf32>, vector<32x32xf32>, vector<32x32xf32>, vector<32x32xf32> -> vector<32x128xf32>
    %concatenate3A_95 = tpu.concatenate %broadcast_in_dim3A_92, %broadcast_in_dim3A_92, %get3A_90, %broadcast_in_dim3A_92 in 1 : vector<32x32xf32>, vector<32x32xf32>, vector<32x32xf32>, vector<32x32xf32> -> vector<32x128xf32>
    %concatenate3A_96 = tpu.concatenate %broadcast_in_dim3A_92, %broadcast_in_dim3A_92, %broadcast_in_dim3A_92, %get3A_90 in 1 : vector<32x32xf32>, vector<32x32xf32>, vector<32x32xf32>, vector<32x32xf32> -> vector<32x128xf32>
    %concatenate3A_97 = tpu.concatenate %concatenate3A_93, %concatenate3A_94, %concatenate3A_95, %concatenate3A_96 in 0 : vector<32x128xf32>, vector<32x128xf32>, vector<32x128xf32>, vector<32x128xf32> -> vector<128x128xf32>
    %dot_general3A_98 = arith.constant dense<0.000000e+00> : vector<2500x128xf32>
    %dot_general3A_99 = tpu.matmul %add3A_82, %concatenate3A_97, %dot_general3A_98 {dimension_numbers = #tpu.dot_dimension_numbers<[1], [0], [0], [1], [0, 0, 1, 1], [], []>, transpose_lhs_hint = false} : vector<2500x128xf32>, vector<128x128xf32>, vector<2500x128xf32> -> vector<2500x128xf32>
    %mul3A_100 = arith.mulf %get3A_87, %dot_general3A_99 : vector<2500x128xf32>
    %swap3A_101 = arith.constant 0 : index
    %swap3A_102 = arith.constant 0 : index
    %swap3A_103 = vector.load %arg9[%swap3A_101, %swap3A_102] : memref<2500x128xf32, #tpu.memory_space<vmem>>, vector<2500x128xf32>
    tpu.vector_store %arg9[%swap3A_101, %swap3A_102], %mul3A_100 {strides = array<i32>} : memref<2500x128xf32, #tpu.memory_space<vmem>>, vector<2500x128xf32>,
    return
  }
}

module attributes {stable_mosaic.version = 14 : i64} {
  func.func @_t4_body(%arg0: memref<2x2500x128xf32, #tpu.memory_space<vmem>>, %arg1: memref<2500x128xf32, #tpu.memory_space<vmem>>, %arg2: memref<2500x128xf32, #tpu.memory_space<vmem>>, %arg3: memref<32x32xf32, #tpu.memory_space<vmem>>, %arg4: memref<1x32xf32, #tpu.memory_space<vmem>>, %arg5: memref<1x32xf32, #tpu.memory_space<vmem>>, %arg6: memref<1x32xf32, #tpu.memory_space<vmem>>, %arg7: memref<32x32xf32, #tpu.memory_space<vmem>>, %arg8: memref<32x32xf32, #tpu.memory_space<vmem>>, %arg9: memref<2500x128xf32, #tpu.memory_space<vmem>>, %arg10: memref<2500x128xf32, #tpu.memory_space<vmem>>) attributes {dimension_semantics = [], scalar_prefetch = 0 : i64, scratch_operands = 0 : i64, tpu.core_type = #tpu.core_type<tc>} {
    %get3A = arith.constant 0 : index
    %get3A_0 = arith.constant 0 : index
    %get3A_1 = arith.constant 0 : index
    %get3A_2 = vector.load %arg0[%get3A, %get3A_0, %get3A_1] : memref<2x2500x128xf32, #tpu.memory_space<vmem>>, vector<1x2500x128xf32>
    %get3A_3 = vector.shape_cast %get3A_2 : vector<1x2500x128xf32> to vector<2500x128xf32>
    %get3A_4 = arith.constant 1 : index
    %get3A_5 = arith.constant 0 : index
    %get3A_6 = arith.constant 0 : index
    %get3A_7 = vector.load %arg0[%get3A_4, %get3A_5, %get3A_6] : memref<2x2500x128xf32, #tpu.memory_space<vmem>>, vector<1x2500x128xf32>
    %get3A_8 = vector.shape_cast %get3A_7 : vector<1x2500x128xf32> to vector<2500x128xf32>
    %add3A = arith.addf %get3A_3, %get3A_8 : vector<2500x128xf32>
    %get3A_9 = arith.constant 0 : index
    %get3A_10 = arith.constant 0 : index
    %get3A_11 = vector.load %arg1[%get3A_9, %get3A_10] : memref<2500x128xf32, #tpu.memory_space<vmem>>, vector<2500x128xf32>
    %mul3A = arith.mulf %get3A_11, %add3A : vector<2500x128xf32>
    %get3A_12 = arith.constant 0 : index
    %get3A_13 = arith.constant 0 : index
    %get3A_14 = vector.load %arg2[%get3A_12, %get3A_13] : memref<2500x128xf32, #tpu.memory_space<vmem>>, vector<2500x128xf32>
    %get3A_15 = arith.constant 0 : index
    %get3A_16 = arith.constant 0 : index
    %get3A_17 = vector.load %arg3[%get3A_15, %get3A_16] : memref<32x32xf32, #tpu.memory_space<vmem>>, vector<32x32xf32>
    %broadcast_in_dim3A = arith.constant 0.000000e+00 : f32
    %broadcast_in_dim3A_18 = vector.broadcast %broadcast_in_dim3A : f32 to vector<32x32xf32>
    %concatenate3A = tpu.concatenate %get3A_17, %broadcast_in_dim3A_18, %broadcast_in_dim3A_18, %broadcast_in_dim3A_18 in 1 : vector<32x32xf32>, vector<32x32xf32>, vector<32x32xf32>, vector<32x32xf32> -> vector<32x128xf32>
    %concatenate3A_19 = tpu.concatenate %broadcast_in_dim3A_18, %get3A_17, %broadcast_in_dim3A_18, %broadcast_in_dim3A_18 in 1 : vector<32x32xf32>, vector<32x32xf32>, vector<32x32xf32>, vector<32x32xf32> -> vector<32x128xf32>
    %concatenate3A_20 = tpu.concatenate %broadcast_in_dim3A_18, %broadcast_in_dim3A_18, %get3A_17, %broadcast_in_dim3A_18 in 1 : vector<32x32xf32>, vector<32x32xf32>, vector<32x32xf32>, vector<32x32xf32> -> vector<32x128xf32>
    %concatenate3A_21 = tpu.concatenate %broadcast_in_dim3A_18, %broadcast_in_dim3A_18, %broadcast_in_dim3A_18, %get3A_17 in 1 : vector<32x32xf32>, vector<32x32xf32>, vector<32x32xf32>, vector<32x32xf32> -> vector<32x128xf32>
    %concatenate3A_22 = tpu.concatenate %concatenate3A, %concatenate3A_19, %concatenate3A_20, %concatenate3A_21 in 0 : vector<32x128xf32>, vector<32x128xf32>, vector<32x128xf32>, vector<32x128xf32> -> vector<128x128xf32>
    %dot_general3A = arith.constant dense<0.000000e+00> : vector<2500x128xf32>
    %dot_general3A_23 = tpu.matmul %get3A_14, %concatenate3A_22, %dot_general3A {dimension_numbers = #tpu.dot_dimension_numbers<[1], [0], [0], [1], [0, 0, 1, 1], [], []>, transpose_lhs_hint = false} : vector<2500x128xf32>, vector<128x128xf32>, vector<2500x128xf32> -> vector<2500x128xf32>
    %add3A_24 = arith.addf %mul3A, %dot_general3A_23 : vector<2500x128xf32>
    %get3A_25 = arith.constant 0 : index
    %get3A_26 = arith.constant 0 : index
    %get3A_27 = vector.load %arg4[%get3A_25, %get3A_26] : memref<1x32xf32, #tpu.memory_space<vmem>>, vector<1x32xf32>
    %concatenate3A_28 = tpu.concatenate %get3A_27, %get3A_27, %get3A_27, %get3A_27 in 1 : vector<1x32xf32>, vector<1x32xf32>, vector<1x32xf32>, vector<1x32xf32> -> vector<1x128xf32>
    %add3A_29 = vector.broadcast %concatenate3A_28 : vector<1x128xf32> to vector<2500x128xf32>
    %add3A_30 = arith.addf %add3A_24, %add3A_29 : vector<2500x128xf32>
    %max3A = arith.constant 0.000000e+00 : f32
    %max3A_31 = vector.broadcast %max3A : f32 to vector<2500x128xf32>
    %max3A_32 = arith.maximumf %add3A_30, %max3A_31 : vector<2500x128xf32>
    %reduce_sum3A = arith.constant dense<0.000000e+00> : vector<128xf32>
    %reduce_sum3A_33 = vector.multi_reduction <add>, %max3A_32, %reduce_sum3A [0] : vector<2500x128xf32> to vector<128xf32>
    %broadcast_in_dim3A_34 = vector.shape_cast %reduce_sum3A_33 : vector<128xf32> to vector<1x128xf32>
    %div3A = arith.constant 2.500000e+03 : f32
    %div3A_35 = vector.broadcast %div3A : f32 to vector<1x128xf32>
    %div3A_36 = arith.divf %broadcast_in_dim3A_34, %div3A_35 : vector<1x128xf32>
    %slice3A = vector.extract_strided_slice %div3A_36 {offsets = [0, 0], sizes = [1, 32], strides = [1, 1]} : vector<1x128xf32> to vector<1x32xf32>
    %slice3A_37 = vector.extract_strided_slice %div3A_36 {offsets = [0, 32], sizes = [1, 32], strides = [1, 1]} : vector<1x128xf32> to vector<1x32xf32>
    %add3A_38 = arith.addf %slice3A, %slice3A_37 : vector<1x32xf32>
    %slice3A_39 = vector.extract_strided_slice %div3A_36 {offsets = [0, 64], sizes = [1, 32], strides = [1, 1]} : vector<1x128xf32> to vector<1x32xf32>
    %add3A_40 = arith.addf %add3A_38, %slice3A_39 : vector<1x32xf32>
    %slice3A_41 = vector.extract_strided_slice %div3A_36 {offsets = [0, 96], sizes = [1, 32], strides = [1, 1]} : vector<1x128xf32> to vector<1x32xf32>
    %add3A_42 = arith.addf %add3A_40, %slice3A_41 : vector<1x32xf32>
    %mul3A_43 = arith.constant 2.500000e-01 : f32
    %mul3A_44 = vector.broadcast %mul3A_43 : f32 to vector<1x32xf32>
    %mul3A_45 = arith.mulf %add3A_42, %mul3A_44 : vector<1x32xf32>
    %concatenate3A_46 = tpu.concatenate %mul3A_45, %mul3A_45, %mul3A_45, %mul3A_45 in 1 : vector<1x32xf32>, vector<1x32xf32>, vector<1x32xf32>, vector<1x32xf32> -> vector<1x128xf32>
    %sub3A = vector.broadcast %concatenate3A_46 : vector<1x128xf32> to vector<2500x128xf32>
    %sub3A_47 = arith.subf %max3A_32, %sub3A : vector<2500x128xf32>
    %mul3A_48 = arith.mulf %sub3A_47, %sub3A_47 : vector<2500x128xf32>
    %reduce_sum3A_49 = arith.constant dense<0.000000e+00> : vector<128xf32>
    %reduce_sum3A_50 = vector.multi_reduction <add>, %mul3A_48, %reduce_sum3A_49 [0] : vector<2500x128xf32> to vector<128xf32>
    %broadcast_in_dim3A_51 = vector.shape_cast %reduce_sum3A_50 : vector<128xf32> to vector<1x128xf32>
    %div3A_52 = arith.constant 2.500000e+03 : f32
    %div3A_53 = vector.broadcast %div3A_52 : f32 to vector<1x128xf32>
    %div3A_54 = arith.divf %broadcast_in_dim3A_51, %div3A_53 : vector<1x128xf32>
    %slice3A_55 = vector.extract_strided_slice %div3A_54 {offsets = [0, 0], sizes = [1, 32], strides = [1, 1]} : vector<1x128xf32> to vector<1x32xf32>
    %slice3A_56 = vector.extract_strided_slice %div3A_54 {offsets = [0, 32], sizes = [1, 32], strides = [1, 1]} : vector<1x128xf32> to vector<1x32xf32>
    %add3A_57 = arith.addf %slice3A_55, %slice3A_56 : vector<1x32xf32>
    %slice3A_58 = vector.extract_strided_slice %div3A_54 {offsets = [0, 64], sizes = [1, 32], strides = [1, 1]} : vector<1x128xf32> to vector<1x32xf32>
    %add3A_59 = arith.addf %add3A_57, %slice3A_58 : vector<1x32xf32>
    %slice3A_60 = vector.extract_strided_slice %div3A_54 {offsets = [0, 96], sizes = [1, 32], strides = [1, 1]} : vector<1x128xf32> to vector<1x32xf32>
    %add3A_61 = arith.addf %add3A_59, %slice3A_60 : vector<1x32xf32>
    %mul3A_62 = arith.constant 2.500000e-01 : f32
    %mul3A_63 = vector.broadcast %mul3A_62 : f32 to vector<1x32xf32>
    %mul3A_64 = arith.mulf %add3A_61, %mul3A_63 : vector<1x32xf32>
    %concatenate3A_65 = tpu.concatenate %mul3A_64, %mul3A_64, %mul3A_64, %mul3A_64 in 1 : vector<1x32xf32>, vector<1x32xf32>, vector<1x32xf32>, vector<1x32xf32> -> vector<1x128xf32>
    %add3A_66 = arith.constant 9.99999974E-6 : f32
    %add3A_67 = vector.broadcast %add3A_66 : f32 to vector<1x128xf32>
    %add3A_68 = arith.addf %concatenate3A_65, %add3A_67 : vector<1x128xf32>
    %sqrt3A = math.sqrt %add3A_68 : vector<1x128xf32>
    %div3A_69 = vector.broadcast %sqrt3A : vector<1x128xf32> to vector<2500x128xf32>
    %div3A_70 = arith.divf %sub3A_47, %div3A_69 : vector<2500x128xf32>
    %get3A_71 = arith.constant 0 : index
    %get3A_72 = arith.constant 0 : index
    %get3A_73 = vector.load %arg5[%get3A_71, %get3A_72] : memref<1x32xf32, #tpu.memory_space<vmem>>, vector<1x32xf32>
    %concatenate3A_74 = tpu.concatenate %get3A_73, %get3A_73, %get3A_73, %get3A_73 in 1 : vector<1x32xf32>, vector<1x32xf32>, vector<1x32xf32>, vector<1x32xf32> -> vector<1x128xf32>
    %mul3A_75 = vector.broadcast %concatenate3A_74 : vector<1x128xf32> to vector<2500x128xf32>
    %mul3A_76 = arith.mulf %div3A_70, %mul3A_75 : vector<2500x128xf32>
    %get3A_77 = arith.constant 0 : index
    %get3A_78 = arith.constant 0 : index
    %get3A_79 = vector.load %arg6[%get3A_77, %get3A_78] : memref<1x32xf32, #tpu.memory_space<vmem>>, vector<1x32xf32>
    %concatenate3A_80 = tpu.concatenate %get3A_79, %get3A_79, %get3A_79, %get3A_79 in 1 : vector<1x32xf32>, vector<1x32xf32>, vector<1x32xf32>, vector<1x32xf32> -> vector<1x128xf32>
    %add3A_81 = vector.broadcast %concatenate3A_80 : vector<1x128xf32> to vector<2500x128xf32>
    %add3A_82 = arith.addf %mul3A_76, %add3A_81 : vector<2500x128xf32>
    %get3A_83 = arith.constant 0 : index
    %get3A_84 = arith.constant 0 : index
    %get3A_85 = vector.load %arg7[%get3A_83, %get3A_84] : memref<32x32xf32, #tpu.memory_space<vmem>>, vector<32x32xf32>
    %broadcast_in_dim3A_86 = arith.constant 0.000000e+00 : f32
    %broadcast_in_dim3A_87 = vector.broadcast %broadcast_in_dim3A_86 : f32 to vector<32x32xf32>
    %concatenate3A_88 = tpu.concatenate %get3A_85, %broadcast_in_dim3A_87, %broadcast_in_dim3A_87, %broadcast_in_dim3A_87 in 1 : vector<32x32xf32>, vector<32x32xf32>, vector<32x32xf32>, vector<32x32xf32> -> vector<32x128xf32>
    %concatenate3A_89 = tpu.concatenate %broadcast_in_dim3A_87, %get3A_85, %broadcast_in_dim3A_87, %broadcast_in_dim3A_87 in 1 : vector<32x32xf32>, vector<32x32xf32>, vector<32x32xf32>, vector<32x32xf32> -> vector<32x128xf32>
    %concatenate3A_90 = tpu.concatenate %broadcast_in_dim3A_87, %broadcast_in_dim3A_87, %get3A_85, %broadcast_in_dim3A_87 in 1 : vector<32x32xf32>, vector<32x32xf32>, vector<32x32xf32>, vector<32x32xf32> -> vector<32x128xf32>
    %concatenate3A_91 = tpu.concatenate %broadcast_in_dim3A_87, %broadcast_in_dim3A_87, %broadcast_in_dim3A_87, %get3A_85 in 1 : vector<32x32xf32>, vector<32x32xf32>, vector<32x32xf32>, vector<32x32xf32> -> vector<32x128xf32>
    %concatenate3A_92 = tpu.concatenate %concatenate3A_88, %concatenate3A_89, %concatenate3A_90, %concatenate3A_91 in 0 : vector<32x128xf32>, vector<32x128xf32>, vector<32x128xf32>, vector<32x128xf32> -> vector<128x128xf32>
    %dot_general3A_93 = arith.constant dense<0.000000e+00> : vector<2500x128xf32>
    %dot_general3A_94 = tpu.matmul %add3A_82, %concatenate3A_92, %dot_general3A_93 {dimension_numbers = #tpu.dot_dimension_numbers<[1], [0], [0], [1], [0, 0, 1, 1], [], []>, transpose_lhs_hint = false} : vector<2500x128xf32>, vector<128x128xf32>, vector<2500x128xf32> -> vector<2500x128xf32>
    %swap3A = arith.constant 0 : index
    %swap3A_95 = arith.constant 0 : index
    %swap3A_96 = vector.load %arg9[%swap3A, %swap3A_95] : memref<2500x128xf32, #tpu.memory_space<vmem>>, vector<2500x128xf32>
    tpu.vector_store %arg9[%swap3A, %swap3A_95], %dot_general3A_94 {strides = array<i32>} : memref<2500x128xf32, #tpu.memory_space<vmem>>, vector<2500x128xf32>,
    %get3A_97 = arith.constant 0 : index
    %get3A_98 = arith.constant 0 : index
    %get3A_99 = vector.load %arg8[%get3A_97, %get3A_98] : memref<32x32xf32, #tpu.memory_space<vmem>>, vector<32x32xf32>
    %broadcast_in_dim3A_100 = arith.constant 0.000000e+00 : f32
    %broadcast_in_dim3A_101 = vector.broadcast %broadcast_in_dim3A_100 : f32 to vector<32x32xf32>
    %concatenate3A_102 = tpu.concatenate %get3A_99, %broadcast_in_dim3A_101, %broadcast_in_dim3A_101, %broadcast_in_dim3A_101 in 1 : vector<32x32xf32>, vector<32x32xf32>, vector<32x32xf32>, vector<32x32xf32> -> vector<32x128xf32>
    %concatenate3A_103 = tpu.concatenate %broadcast_in_dim3A_101, %get3A_99, %broadcast_in_dim3A_101, %broadcast_in_dim3A_101 in 1 : vector<32x32xf32>, vector<32x32xf32>, vector<32x32xf32>, vector<32x32xf32> -> vector<32x128xf32>
    %concatenate3A_104 = tpu.concatenate %broadcast_in_dim3A_101, %broadcast_in_dim3A_101, %get3A_99, %broadcast_in_dim3A_101 in 1 : vector<32x32xf32>, vector<32x32xf32>, vector<32x32xf32>, vector<32x32xf32> -> vector<32x128xf32>
    %concatenate3A_105 = tpu.concatenate %broadcast_in_dim3A_101, %broadcast_in_dim3A_101, %broadcast_in_dim3A_101, %get3A_99 in 1 : vector<32x32xf32>, vector<32x32xf32>, vector<32x32xf32>, vector<32x32xf32> -> vector<32x128xf32>
    %concatenate3A_106 = tpu.concatenate %concatenate3A_102, %concatenate3A_103, %concatenate3A_104, %concatenate3A_105 in 0 : vector<32x128xf32>, vector<32x128xf32>, vector<32x128xf32>, vector<32x128xf32> -> vector<128x128xf32>
    %dot_general3A_107 = arith.constant dense<0.000000e+00> : vector<2500x128xf32>
    %dot_general3A_108 = tpu.matmul %add3A_82, %concatenate3A_106, %dot_general3A_107 {dimension_numbers = #tpu.dot_dimension_numbers<[1], [0], [0], [1], [0, 0, 1, 1], [], []>, transpose_lhs_hint = false} : vector<2500x128xf32>, vector<128x128xf32>, vector<2500x128xf32> -> vector<2500x128xf32>
    %swap3A_109 = arith.constant 0 : index
    %swap3A_110 = arith.constant 0 : index
    %swap3A_111 = vector.load %arg10[%swap3A_109, %swap3A_110] : memref<2500x128xf32, #tpu.memory_space<vmem>>, vector<2500x128xf32>
    tpu.vector_store %arg10[%swap3A_109, %swap3A_110], %dot_general3A_108 {strides = array<i32>} : memref<2500x128xf32, #tpu.memory_space<vmem>>, vector<2500x128xf32>,
    return
  }
}

module attributes {stable_mosaic.version = 14 : i64} {
  func.func @_t5_body(%arg0: i32, %arg1: memref<3200x128xf32, #tpu.memory_space<vmem>>, %arg2: memref<3200x128xf32, #tpu.memory_space<vmem>>, %arg3: memref<3200x64xf32, #tpu.memory_space<vmem>>, %arg4: memref<16x32xf32, #tpu.memory_space<vmem>>, %arg5: memref<1x32xf32, #tpu.memory_space<vmem>>, %arg6: memref<1x32xf32, #tpu.memory_space<vmem>>, %arg7: memref<1x1xf32, #tpu.memory_space<vmem>>, %arg8: memref<3200x4xf32, #tpu.memory_space<vmem>>) attributes {dimension_semantics = [#tpu.dimension_semantics<arbitrary>], iteration_bounds = array<i64: 25>, scalar_prefetch = 0 : i64, scratch_operands = 0 : i64, tpu.core_type = #tpu.core_type<tc>, window_params = [{transform_indices = @transform_0, window_bounds = array<i64: 3200, 128>}, {transform_indices = @transform_1, window_bounds = array<i64: 3200, 128>}, {transform_indices = @transform_2, window_bounds = array<i64: 3200, 64>}, {pipeline_mode = #tpu.pipeline_mode<synchronous>, transform_indices = @transform_3, window_bounds = array<i64: 16, 32>}, {pipeline_mode = #tpu.pipeline_mode<synchronous>, transform_indices = @transform_4, window_bounds = array<i64: 1, 32>}, {pipeline_mode = #tpu.pipeline_mode<synchronous>, transform_indices = @transform_5, window_bounds = array<i64: 1, 32>}, {pipeline_mode = #tpu.pipeline_mode<synchronous>, transform_indices = @transform_6, window_bounds = array<i64: 1, 1>}, {transform_indices = @transform_7, window_bounds = array<i64: 3200, 4>}]} {
    %get3A = arith.constant 0 : index
    %get3A_0 = arith.constant 0 : index
    %get3A_1 = vector.load %arg4[%get3A, %get3A_0] : memref<16x32xf32, #tpu.memory_space<vmem>>, vector<16x32xf32>
    %broadcast_in_dim3A = arith.constant 0.000000e+00 : f32
    %broadcast_in_dim3A_2 = vector.broadcast %broadcast_in_dim3A : f32 to vector<16x32xf32>
    %concatenate3A = tpu.concatenate %get3A_1, %broadcast_in_dim3A_2, %broadcast_in_dim3A_2, %broadcast_in_dim3A_2 in 1 : vector<16x32xf32>, vector<16x32xf32>, vector<16x32xf32>, vector<16x32xf32> -> vector<16x128xf32>
    %concatenate3A_3 = tpu.concatenate %broadcast_in_dim3A_2, %get3A_1, %broadcast_in_dim3A_2, %broadcast_in_dim3A_2 in 1 : vector<16x32xf32>, vector<16x32xf32>, vector<16x32xf32>, vector<16x32xf32> -> vector<16x128xf32>
    %concatenate3A_4 = tpu.concatenate %broadcast_in_dim3A_2, %broadcast_in_dim3A_2, %get3A_1, %broadcast_in_dim3A_2 in 1 : vector<16x32xf32>, vector<16x32xf32>, vector<16x32xf32>, vector<16x32xf32> -> vector<16x128xf32>
    %concatenate3A_5 = tpu.concatenate %broadcast_in_dim3A_2, %broadcast_in_dim3A_2, %broadcast_in_dim3A_2, %get3A_1 in 1 : vector<16x32xf32>, vector<16x32xf32>, vector<16x32xf32>, vector<16x32xf32> -> vector<16x128xf32>
    %concatenate3A_6 = tpu.concatenate %concatenate3A, %concatenate3A_3, %concatenate3A_4, %concatenate3A_5 in 0 : vector<16x128xf32>, vector<16x128xf32>, vector<16x128xf32>, vector<16x128xf32> -> vector<64x128xf32>
    %get3A_7 = arith.constant 0 : index
    %get3A_8 = arith.constant 0 : index
    %get3A_9 = vector.load %arg5[%get3A_7, %get3A_8] : memref<1x32xf32, #tpu.memory_space<vmem>>, vector<1x32xf32>
    %concatenate3A_10 = tpu.concatenate %get3A_9, %get3A_9, %get3A_9, %get3A_9 in 1 : vector<1x32xf32>, vector<1x32xf32>, vector<1x32xf32>, vector<1x32xf32> -> vector<1x128xf32>
    %get3A_11 = arith.constant 0 : index
    %get3A_12 = arith.constant 0 : index
    %get3A_13 = vector.load %arg6[%get3A_11, %get3A_12] : memref<1x32xf32, #tpu.memory_space<vmem>>, vector<1x32xf32>
    %concatenate3A_14 = tpu.concatenate %get3A_13, %get3A_13, %get3A_13, %get3A_13 in 1 : vector<1x32xf32>, vector<1x32xf32>, vector<1x32xf32>, vector<1x32xf32> -> vector<1x128xf32>
    %iota3A = tpu.iota {dimensions = array<i32: 0>} : vector<128x4xi32>
    %jit3A = arith.constant 32 : i32
    %div3A = vector.broadcast %jit3A : i32 to vector<128x4xi32>
    %div3A_15 = arith.divsi %iota3A, %div3A : vector<128x4xi32>
    %sign3A = arith.constant 0 : i32
    %sign3A_16 = vector.broadcast %sign3A : i32 to vector<128x4xi32>
    %sign3A_17 = arith.cmpi sgt, %iota3A, %sign3A_16 : vector<128x4xi32>
    %sign3A_18 = arith.extui %sign3A_17 : vector<128x4xi1> to vector<128x4xi32>
    %sign3A_19 = arith.constant 0 : i32
    %sign3A_20 = vector.broadcast %sign3A_19 : i32 to vector<128x4xi32>
    %sign3A_21 = arith.cmpi slt, %iota3A, %sign3A_20 : vector<128x4xi32>
    %sign3A_22 = arith.extui %sign3A_21 : vector<128x4xi1> to vector<128x4xi32>
    %sign3A_23 = arith.subi %sign3A_18, %sign3A_22 : vector<128x4xi32>
    %sign3A_24 = arith.constant 0 : i32
    %sign3A_25 = arith.cmpi sgt, %jit3A, %sign3A_24 : i32
    %sign3A_26 = arith.extui %sign3A_25 : i1 to i32
    %sign3A_27 = arith.constant 0 : i32
    %sign3A_28 = arith.cmpi slt, %jit3A, %sign3A_27 : i32
    %sign3A_29 = arith.extui %sign3A_28 : i1 to i32
    %sign3A_30 = arith.subi %sign3A_26, %sign3A_29 : i32
    %ne3A = vector.broadcast %sign3A_30 : i32 to vector<128x4xi32>
    %ne3A_31 = arith.cmpi ne, %sign3A_23, %ne3A : vector<128x4xi32>
    %rem3A = vector.broadcast %jit3A : i32 to vector<128x4xi32>
    %rem3A_32 = arith.remsi %iota3A, %rem3A : vector<128x4xi32>
    %ne3A_33 = arith.constant 0 : i32
    %ne3A_34 = vector.broadcast %ne3A_33 : i32 to vector<128x4xi32>
    %ne3A_35 = arith.cmpi ne, %rem3A_32, %ne3A_34 : vector<128x4xi32>
    %and3A = arith.andi %ne3A_31, %ne3A_35 : vector<128x4xi1>
    %sub3A = arith.constant 1 : i32
    %sub3A_36 = vector.broadcast %sub3A : i32 to vector<128x4xi32>
    %sub3A_37 = arith.subi %div3A_15, %sub3A_36 : vector<128x4xi32>
    %select_n3A = arith.select %and3A, %sub3A_37, %div3A_15 : vector<128x4xi1>, vector<128x4xi32>
    %iota3A_38 = tpu.iota {dimensions = array<i32: 1>} : vector<128x4xi32>
    %eq3A = arith.cmpi eq, %select_n3A, %iota3A_38 : vector<128x4xi32>
    %jit3A_39 = arith.constant 1.000000e+00 : f32
    %jit3A_40 = arith.constant 0.000000e+00 : f32
    %broadcast_in_dim3A_41 = vector.broadcast %jit3A_39 : f32 to vector<128x4xf32>
    %broadcast_in_dim3A_42 = vector.broadcast %jit3A_40 : f32 to vector<128x4xf32>
    %select_n3A_43 = arith.select %eq3A, %broadcast_in_dim3A_41, %broadcast_in_dim3A_42 : vector<128x4xi1>, vector<128x4xf32>
    %get3A_44 = arith.constant 0 : index
    %get3A_45 = arith.constant 0 : index
    %get3A_46 = vector.load %arg1[%get3A_44, %get3A_45] : memref<3200x128xf32, #tpu.memory_space<vmem>>, vector<3200x128xf32>
    %get3A_47 = arith.constant 0 : index
    %get3A_48 = arith.constant 0 : index
    %get3A_49 = vector.load %arg2[%get3A_47, %get3A_48] : memref<3200x128xf32, #tpu.memory_space<vmem>>, vector<3200x128xf32>
    %add3A = arith.addf %get3A_46, %get3A_49 : vector<3200x128xf32>
    %get3A_50 = arith.constant 0 : index
    %get3A_51 = arith.constant 0 : index
    %get3A_52 = vector.load %arg3[%get3A_50, %get3A_51] : memref<3200x64xf32, #tpu.memory_space<vmem>>, vector<3200x64xf32>
    %dot_general3A = arith.constant dense<0.000000e+00> : vector<3200x128xf32>
    %dot_general3A_53 = tpu.matmul %get3A_52, %concatenate3A_6, %dot_general3A {dimension_numbers = #tpu.dot_dimension_numbers<[1], [0], [0], [1], [0, 0, 1, 1], [], []>, transpose_lhs_hint = false} : vector<3200x64xf32>, vector<64x128xf32>, vector<3200x128xf32> -> vector<3200x128xf32>
    %add3A_54 = arith.addf %add3A, %dot_general3A_53 : vector<3200x128xf32>
    %add3A_55 = vector.broadcast %concatenate3A_10 : vector<1x128xf32> to vector<3200x128xf32>
    %add3A_56 = arith.addf %add3A_54, %add3A_55 : vector<3200x128xf32>
    %tanh3A = math.tanh %add3A_56 : vector<3200x128xf32>
    %mul3A = vector.broadcast %concatenate3A_14 : vector<1x128xf32> to vector<3200x128xf32>
    %mul3A_57 = arith.mulf %tanh3A, %mul3A : vector<3200x128xf32>
    %dot_general3A_58 = arith.constant dense<0.000000e+00> : vector<3200x4xf32>
    %dot_general3A_59 = tpu.matmul %mul3A_57, %select_n3A_43, %dot_general3A_58 {dimension_numbers = #tpu.dot_dimension_numbers<[1], [0], [0], [1], [0, 0, 1, 1], [], []>, transpose_lhs_hint = false} : vector<3200x128xf32>, vector<128x4xf32>, vector<3200x4xf32> -> vector<3200x4xf32>
    %get3A_60 = arith.constant 0 : index
    %get3A_61 = arith.constant 0 : index
    %get3A_62 = vector.load %arg7[%get3A_60, %get3A_61] : memref<1x1xf32, #tpu.memory_space<vmem>>, vector<1x1xf32>
    %add3A_63 = vector.broadcast %get3A_62 : vector<1x1xf32> to vector<3200x4xf32>
    %add3A_64 = arith.addf %dot_general3A_59, %add3A_63 : vector<3200x4xf32>
    %swap3A = arith.constant 0 : index
    %swap3A_65 = arith.constant 0 : index
    %swap3A_66 = vector.load %arg8[%swap3A, %swap3A_65] : memref<3200x4xf32, #tpu.memory_space<vmem>>, vector<3200x4xf32>
    tpu.vector_store %arg8[%swap3A, %swap3A_65], %add3A_64 {strides = array<i32>} : memref<3200x4xf32, #tpu.memory_space<vmem>>, vector<3200x4xf32>,
    return
  }
  func.func @transform_0(%arg0: i32) -> (i32, i32) {
    %c0_i32 = arith.constant 0 : i32
    %c0_i32_0 = arith.constant 0 : i32
    return %arg0, %c0_i32 : i32, i32
  }
  func.func @transform_1(%arg0: i32) -> (i32, i32) {
    %c0_i32 = arith.constant 0 : i32
    %c0_i32_0 = arith.constant 0 : i32
    return %arg0, %c0_i32 : i32, i32
  }
  func.func @transform_2(%arg0: i32) -> (i32, i32) {
    %c0_i32 = arith.constant 0 : i32
    %c0_i32_0 = arith.constant 0 : i32
    return %arg0, %c0_i32 : i32, i32
  }
  func.func @transform_3(%arg0: i32) -> (i32, i32) {
    %c0_i32 = arith.constant 0 : i32
    %c0_i32_0 = arith.constant 0 : i32
    %c0_i32_1 = arith.constant 0 : i32
    return %c0_i32, %c0_i32_0 : i32, i32
  }
  func.func @transform_4(%arg0: i32) -> (i32, i32) {
    %c0_i32 = arith.constant 0 : i32
    %c0_i32_0 = arith.constant 0 : i32
    %c0_i32_1 = arith.constant 0 : i32
    return %c0_i32, %c0_i32_0 : i32, i32
  }
  func.func @transform_5(%arg0: i32) -> (i32, i32) {
    %c0_i32 = arith.constant 0 : i32
    %c0_i32_0 = arith.constant 0 : i32
    %c0_i32_1 = arith.constant 0 : i32
    return %c0_i32, %c0_i32_0 : i32, i32
  }
  func.func @transform_6(%arg0: i32) -> (i32, i32) {
    %c0_i32 = arith.constant 0 : i32
    %c0_i32_0 = arith.constant 0 : i32
    %c0_i32_1 = arith.constant 0 : i32
    return %c0_i32, %c0_i32_0 : i32, i32
  }
  func.func @transform_7(%arg0: i32) -> (i32, i32) {
    %c0_i32 = arith.constant 0 : i32
    %c0_i32_0 = arith.constant 0 : i32
    return %arg0, %c0_i32 : i32, i32
  }
}

</mosaic_0001>

<sc_bundles>
// kernel: kernel.13.cloned.1.call-start
scs
__scs_entry_jumppad:
0x0: {  	(pc) =	sbr.rel $0x88, $3  }
0x1: {  	(tag) =	ssettag $0x0;
	lr =	simm.s32 $0x1  }
0x2: {  	[smem:$0x3F85] =	sst lr;
	_ =	strace $0xD0000000  }
0x3: {  	_ = 	snop  }
0x4: {  	_ = 	snop  }
0x5: {  	_ = 	snop  }
0x6: {  	_ = 	snop  }
0x7: {  	_ = 	snop  }
__scs_overlays_trampoline_lowered:
0x8: {  	[smem:$0x3F94] =	sst s0  }
0x9: {  	[smem:$0x3F95] =	sst s1  }
0xa: {  	[smem:$0x3F96] =	sst s2  }
0xb: {  	[smem:$0x3F97] =	sst s3  }
0xc: {  	[smem:$0x3F98] =	sst s4  }
0xd: {  	[smem:$0x3F99] =	sst s5  }
0xe: {  	[smem:$0x3F9A] =	sst s6  }
0xf: {  	[smem:$0x3F9B] =	sst s7  }
0x10: {  	[smem:$0x3F9C] =	sst s8  }
0x11: {  	[smem:$0x3F9D] =	sst s9;
	s0 =	simm.s32 @!p0 $0x0  }
0x12: {  	s1 =	sld [smem:$0x3F83];
	s0 =	simm.s32 @p0 $0x1  }
0x13: {  	[smem:$0x3F9E] =	sst s0;
	s0 =	simm.s32 @!p1 $0x0  }
0x14: {  	s2 =	sld [smem:$0x3F82];
	s0 =	simm.s32 @p1 $0x1  }
0x15: {  	[smem:$0x3F9F] =	sst s0;
	s0 =	simm.s32 @!p2 $0x0  }
0x16: {  	s3 =	sld [smem:$0x3FDB];
	s0 =	simm.s32 @p2 $0x1  }
0x17: {  	s4 =	simm.s32 $0x1BF5;
	[smem:$0x3FA1] =	sst s0  }
0x18: {  	s0 =	sld [smem:$0x3F84];
	_ =	swait.ge [sflag:s4], $0x0  }
0x19: {  	s7 =	sld [smem:$0x3F85]  }
0x1a: {  	s8 =	sadd.s32 $0xFFFFE003, lr  }
0x1b: {  	s9 =	sadd.s32 $0xFFFFFEF7, lr;
	s5 =	simm.s32 $0xFFFFFFFF;
	p2 =	slt.u32 s8, $0xFFFFF086  }
0x1c: {  	p1 =	slt.u32 s9, $0xF7A;
	s5 =	simm.s32 @!p2 $0x0  }
0x1d: {  	s5 =	simm.s32 @p1 $0x1;
	p0 =	seq.s32 s7, s2  }
0x1e: {  	s7 =	smul.u32 @!p0 $0xF7A, s2;
	p2 =	seq.s32 @!p0 s5, $0x0  }
0x1f: {  	s9 =	smul.u32 $0xF7A, s1;
	s8 =	simm.s32 @!p0 $0x1BF5;
	p2 =	por !p2, p0  }
0x20: {  	[sflag:s8] =	ssyncset.s32 @!p0 $0xFFFFF086;
	s6 =	sadd.s32 @!p0 s3, s7;
	s7 =	simm.s32 @!p0 $0x108  }
0x21: {  	s3 =	sadd.s32 s3, s9;
	s6 =	sadd.s32 @!p0 $0x88, s6;
	s7 =	simm.s32 @p2 $0x1082  }
0x22: {  	[simem:s7], [sflag:s8] =	dma.local @!p0 [hbm:s6], $0xF7A  }
0x23: {  	s9 =	sor.u32 $0xD0000000, s2;
	s6 =	simm.s32 $0x108;
	_ =	swait.ge @!p0 [sflag:s8], $0x0  }
0x24: {  	s3 =	sadd.s32 $0x88, s3;
	s6 =	simm.s32 @!p1 $0x1082;
	[sflag:s4] =	ssyncset.s32 $0xFFFFF086  }
0x25: {  	[simem:s6], [sflag:s4] =	dma.local [hbm:s3], $0xF7A  }
0x26: {  	[smem:$0x3F85] =	sst s1;
	(tag) =	ssettag s2;
	_ =	strace s9  }
0x27: {  	s1 =	sld [smem:$0x3F95]  }
0x28: {  	s2 =	sld [smem:$0x3F96]  }
0x29: {  	s4 =	sld [smem:$0x3F98]  }
0x2a: {  	p0 =	seq.s32 s5, $0x0;
	s5 =	sld [smem:$0x3F99]  }
0x2b: {  	s6 =	sld [smem:$0x3F9A]  }
0x2c: {  	s7 =	sld [smem:$0x3F9B]  }
0x2d: {  	s3 =	simm.s32 $0x108;
	s8 =	sld [smem:$0x3F9C]  }
0x2e: {  	s3 =	simm.s32 @!p0 $0x1082;
	s9 =	sld [smem:$0x3F9D]  }
0x2f: {  	lr =	sadd.s32 s0, s3;
	s0 =	sld [smem:$0x3F94]  }
0x30: {  	s3 =	sld [smem:$0x3F97]  }
0x31: {  	[smem:$0x3FA0] =	sst s10  }
0x32: {  	s10 =	sld [smem:$0x3F9E];
	_ =	sdelay $0x3  }
0x33: {  	p0 =	seq.s32 s10, $0x1;
	s10 =	sld [smem:$0x3FA0];
	_ =	sdelay $0x3  }
0x34: {  	[smem:$0x3FA0] =	sst s10  }
0x35: {  	s10 =	sld [smem:$0x3F9F];
	_ =	sdelay $0x3  }
0x36: {  	p1 =	seq.s32 s10, $0x1;
	s10 =	sld [smem:$0x3FA0];
	_ =	sdelay $0x3  }
0x37: {  	[smem:$0x3FA0] =	sst s10  }
0x38: {  	s10 =	sld [smem:$0x3FA1]  }
0x39: {  	_ = 	snop;
	(pc) =	sbr.ind lr, $3  }
0x3a: {  	_ = 	snop  }
0x3b: {  	_ = 	snop  }
0x3c: {  	p2 =	seq.s32 s10, $0x1;
	s10 =	sld [smem:$0x3FA0]  }
0x3d: {  	_ =	shalt  }
0x3e: {  	_ =	shalt  }
0x3f: {  	_ =	shalt  }
0x40: {  	_ =	shalt  }
0x41: {  	_ =	shalt  }
0x42: {  	_ =	shalt  }
0x43: {  	_ =	shalt  }
0x44: {  	_ =	shalt  }
0x45: {  	_ =	shalt  }
0x46: {  	_ =	shalt  }
0x47: {  	_ =	shalt  }
0x48: {  	_ =	shalt  }
0x49: {  	_ =	shalt  }
0x4a: {  	_ =	shalt  }
0x4b: {  	_ =	shalt  }
0x4c: {  	_ =	shalt  }
0x4d: {  	_ =	shalt  }
0x4e: {  	_ =	shalt  }
0x4f: {  	_ =	shalt  }
0x50: {  	_ =	shalt  }
0x51: {  	_ =	shalt  }
0x52: {  	_ =	shalt  }
0x53: {  	_ =	shalt  }
0x54: {  	_ =	shalt  }
0x55: {  	_ =	shalt  }
0x56: {  	_ =	shalt  }
0x57: {  	_ =	shalt  }
0x58: {  	_ =	shalt  }
0x59: {  	_ =	shalt  }
0x5a: {  	_ =	shalt  }
0x5b: {  	_ =	shalt  }
0x5c: {  	_ =	shalt  }
0x5d: {  	_ =	shalt  }
0x5e: {  	_ =	shalt  }
0x5f: {  	_ =	shalt  }
0x60: {  	_ =	shalt  }
0x61: {  	_ =	shalt  }
0x62: {  	_ =	shalt  }
0x63: {  	_ =	shalt  }
0x64: {  	_ =	shalt  }
0x65: {  	_ =	shalt  }
0x66: {  	_ =	shalt  }
0x67: {  	_ =	shalt  }
0x68: {  	_ =	shalt  }
0x69: {  	_ =	shalt  }
0x6a: {  	_ =	shalt  }
0x6b: {  	_ =	shalt  }
0x6c: {  	_ =	shalt  }
0x6d: {  	_ =	shalt  }
0x6e: {  	_ =	shalt  }
0x6f: {  	_ =	shalt  }
0x70: {  	_ =	shalt  }
0x71: {  	_ =	shalt  }
0x72: {  	_ =	shalt  }
0x73: {  	_ =	shalt  }
0x74: {  	_ =	shalt  }
0x75: {  	_ =	shalt  }
0x76: {  	_ =	shalt  }
0x77: {  	_ =	shalt  }
0x78: {  	_ =	shalt  }
0x79: {  	_ =	shalt  }
0x7a: {  	_ =	shalt  }
0x7b: {  	_ =	shalt  }
0x7c: {  	_ =	shalt  }
0x7d: {  	_ =	shalt  }
0x7e: {  	_ =	shalt  }
0x7f: {  	_ =	shalt  }
0x80: {  	_ =	shalt  }
0x81: {  	_ =	shalt  }
0x82: {  	_ =	shalt  }
0x83: {  	_ =	shalt  }
0x84: {  	_ =	shalt  }
0x85: {  	_ =	shalt  }
0x86: {  	_ =	shalt  }
0x87: {  	_ =	shalt  }
.Lfunc_end0:
.L_simem_size_0:
called_computation_lowered:
.L_overlay_start_0:
0x88: {  	s2 =	sld [smem:$0x3FD9]  }
0x89: {  	s3 =	sld [smem:$0x3FFE];
	_ =	sdelay $0x1  }
0x8a: {  	s1 =	srdreg.scid  }
0x8b: {  	s0 =	sand.u32 $0x1, s1  }
0x8c: {  	s17 =	sshll.u32 s0, $0xA;
	s2 =	sadd.s32 s3, s2  }
0x8d: {  	s2 =	sadd.s32 s2, s17  }
0x8e: {  	[smem:$0x3FAC] =	sst s2  }
0x8f: {  	_ = 	snop  }
0x90: {  	s2 =	sld [smem:$0x3FD0];
	(tm) =	ssettm $0x1  }
0x91: {  	s18 =	sld [smem:$0x3FFB];
	_ =	sdelay $0x3  }
0x92: {  	_ =	strace s18  }
0x93: {  	s3 =	sld [smem:$0x3FFC];
	_ =	sdelay $0x3  }
0x94: {  	_ =	strace s3  }
0x95: {  	s3 =	sld [smem:$0x3FFD];
	_ =	sdelay $0x3  }
0x96: {  	_ =	strace s3  }
0x97: {  	_ =	strace $0x8FFFFFFF  }
0x98: {  	s19 =	sld [smem:$0x3FDB];
	_ =	sdelay $0x1  }
0x99: {  	s4 =	simm.s32 $_scs_section_size  }
0x9a: {  	s5 =	simm.s32 $_size__tile_overlayer_lowered;
	s6 =	simm.s32 $_tile_overlayer_lowered  }
0x9b: {  	s22 =	simm.s32 $0x1BFF;
	s21 =	sshll.u32 s6, $0x1;
	s3 =	sadd.s32 s4, s19  }
0x9c: {  	s7 =	simm.s32 $0x0;
	s20 =	sshll.u32 s5, $0x1;
	s5 =	sadd.s32 s21, s3  }
0x9d: {  	[timem:s7], [sflag:s22] =	dma.local [hbm:s5], s20  }
0x9e: {  	_ =	swait.ge [sflag:s22], s20  }
0x9f: {  	s4 =	ssub.s32 $0x0, s20;
	[sflag:s22] =	ssyncset.done $0x0  }
0xa0: {  	[sflag:s22] =	ssyncadd.s32 s4;
	_ =	sdelay $0x1  }
0xa1: {  	s23 =	simm.s32 $0x1B8B  }
0xa2: {  	_ =	swait.ge [sflag:s23], $0x1  }
0xa3: {  	[sflag:s23] =	ssyncset.done $0x0  }
0xa4: {  	s25 =	simm.s32 $0x1B8E;
	s24 =	sld [smem:$0x3FFE];
	[sflag:s23] =	ssyncadd.s32 $0xFFFFFFFF  }
0xa5: {  	s26 =	simm.s32 $execute0_lowered;
	[smem:$0x3FD2] =	sst s25  }
0xa6: {  	s5 =	sshll.u32 s26, $0x1;
	_ =	strace $0x80000046;
	[dreg:$0x1] =	wrdreg $0xFFFFFFFF  }
0xa7: {  	s28 =	simm.s32 $_size_execute0_lowered;
	s3 =	sadd.s32 s3, s5;
	[dreg:$0x0] =	wrdreg $0x0  }
0xa8: {  	s5 =	sshll.u32 s28, $0x1;
	[dreg:$0x2] =	wrdreg s3  }
0xa9: {  	[dreg:$0x3] =	wrdreg s5  }
0xaa: {  	[dreg:$0x4] =	wrdreg $0xC0  }
0xab: {  	_ =	task [dreg:s7], $0x5FFFF  }
0xac: {  	[dreg:$0x1] =	wrdreg $0xFFFFFFFF  }
0xad: {  	[dreg:$0x0] =	wrdreg $0x60  }
0xae: {  	[dreg:$0x2] =	wrdreg s24  }
0xaf: {  	[dreg:$0x3] =	wrdreg s2  }
0xb0: {  	[dreg:$0x4] =	wrdreg $0x37000  }
0xb1: {  	[dreg:$0x5] =	wrdreg $0x9  }
0xb2: {  	_ =	task.clear_ibuf [dreg:s7], $0x6FFFF;
	_ =	strace $0x90000046  }
0xb3: {  	s29 =	simm.s32 $0x9;
	_ =	strace $0x80000048  }
0xb4: {  	_ =	swait.ge [sflag:s29], $0x1  }
0xb5: {  	[sflag:s29] =	ssyncadd.s32 $0xFFFFFFFF  }
0xb6: {  	_ =	strace $0x90000048  }
0xb7: {  	_ =	sfence  }
0xb8: {  	s30 =	sld [smem:$0x0];
	_ =	sdelay $0x2  }
0xb9: {  	s31 =	sshll.u32 s1, $0xD;
	s1 =	sshrl.u32 s1, $0x2  }
0xba: {  	s3 =	sand.u32 $0x4000, s31;
	s1 =	sadd.s32 s1, s30  }
0xbb: {  	s0 =	sor.u32 s3, s0;
	s1 =	sshll.u32 s1, $0x11  }
0xbc: {  	s0 =	sor.u32 s1, s0  }
0xbd: {  	s0 =	sadd.s32 $0x8F2B, s0  }
0xbe: {  	[sflag:s0] =	ssyncadd.remote.s32 $0x1  }
0xbf: {  	_ =	sfence.sel $0xFFFF  }
0xc0: {  	[dreg:$0x0] =	wrdreg $0xFFFFFFFF;
	(pc) =	sbr.abs _section_cstart, $3  }
0xc1: {  	[dreg:$0x1] =	wrdreg $0xFFFFFFFF  }
0xc2: {  	_ =	task.clear_ibuf [dreg:s7], $0x2FFFF;
	_ =	strace $0x9FFFFFFF  }
0xc3: {  	(tm) =	ssettm $0x7FFFFFFF  }
tec
execute0_lowered:
.L_overlay_start_1:
0x0: {  	(tag) =	ssettag $0x1  }
0x1: {  	s6 =	rddreg [dreg:$0x0]  }
0x2: {  	s0 =	srdreg.scid;
	s4 =	rddreg [dreg:$0x1]  }
0x3: {  	s2 =	rddreg [dreg:$0x2];
	s1 =	stileid.u32  }
0x4: {  	s3 =	simm.s32 $0x0;
	s22 =	simm.s32 $0x1F8;
	s0 =	sand.u32 $0x1, s0  }
0x5: {  	[smem:$0x7FF] =	sst s3;
	s31 =	smul.u32 $0x1400, s1;
	s5 =	sshll.u32 s0, $0x4  }
0x6: {  	s8 =	sadd.s32 $0x11000, s6;
	s20 =	smul.u32 $0x5000, s1;
	s5 =	sor.u32 s1, s5  }
0x7: {  	_ =	strace $0x80000047;
	[dreg:$0x4] =	wrdreg s8;
	s5 =	smul.u32 $0x4EC, s5  }
0x8: {  	s24 =	simm.s32 $0x3F0;
	s7 =	smul.u32 $0x13880, s0;
	[dreg:$0x9] =	wrdreg s22  }
0x9: {  	p0 =	seq.s32 s1, $0xF;
	[dreg:$0xa] =	wrdreg s24;
	s5 =	sadd.s32 s5, s6  }
0xa: {  	s8 =	sshrl.u32 s20, $0x2;
	s21 =	sadd.s32 s31, s7;
	s5 =	sadd.s32 $0x6E00, s5  }
0xb: {  	s7 =	sshrl.u32 s7, $0x3;
	[dreg:$0x5] =	wrdreg s5;
	s5 =	sshrl.u32 s21, $0x3  }
0xc: {  	s5 =	sadd.s32 s4, s5;
	s4 =	sadd.s32 s4, s7;
	s23 =	rddreg [dreg:$0x5]  }
0xd: {  	s8 =	sadd.s32 s8, s2;
	[dreg:$0x6] =	wrdreg s5;
	s4 =	sadd.s32 $0x2580, s4  }
0xe: {  	[tilespmem:s3], [sflag:$0x1] =	stream.linear.gather [hbm4b:s23+s3], $0x2760, $0x38;
	[tilespmem:$0x4A88] =	vst v63  }
0xf: {  	[dreg:$0x7] =	wrdreg s4;
	s4 =	sshrl.u32 @!p0 s8, $0x3  }
0x10: {  	[dreg:$0x8] =	wrdreg s4;
	s4 =	simm.s32 $0x1  }
0x11: {  	_ =	swait.ge [sflag:s4], $0x2760  }
0x12: {  	[sflag:s4] =	ssyncset.done $0x0  }
0x13: {  	s5 =	simm.s32 $0x2760;
	s25 =	rddreg [dreg:$0x4];
	[sflag:s4] =	ssyncadd.s32 $0xFFFFD8A0  }
0x14: {  	[tilespmem:s5], [sflag:$0x1] =	stream.linear.gather [hbm4b:s25+s3], $0xFA0, $0x38;
	[tilespmem:$0x4A88] =	vst v63  }
0x15: {  	s9 =	simm.s32 @p0 $0x1;
	_ =	swait.ge [sflag:s4], $0xFA0  }
0x16: {  	s6 =	sadd.s32 $0x10C00, s6;
	s7 =	sadd.s32 $0x12C00, s2;
	[sflag:s4] =	ssyncset.done $0x0  }
0x17: {  	s7 =	sshrl.u32 @p0 s7, $0x3;
	s8 =	simm.s32 @p0 $0x1FC1;
	[sflag:s4] =	ssyncadd.s32 $0xFFFFF060  }
0x18: {  	[spmem:s7], [sflag:s8] =	dma.local @p0 [hbm:s6], $0x190  }
0x19: {  	s10 =	sshll.u32 @!p0 s1, $0x6;
	_ =	swait.ge @p0 [sflag:s9], $0x190  }
0x1a: {  	s11 =	sor.u32 @!p0 $0x1C01, s10;
	[sflag:s9] =	ssyncset.done @p0 $0x0  }
0x1b: {  	s10 =	simm.s32 @!p0 $0x1;
	s12 =	rddreg [dreg:$0x8];
	[sflag:s9] =	ssyncadd.s32 @p0 $0xFFFFFE70  }
0x1c: {  	[spmem:s12], [sflag:s11] =	dma.local @!p0 [hbm:s6], $0x280  }
0x1d: {  	_ =	swait.ge @!p0 [sflag:s10], $0x280  }
0x1e: {  	[sflag:s10] =	ssyncset.done @!p0 $0x0  }
0x1f: {  	[sflag:s10] =	ssyncadd.s32 @!p0 $0xFFFFFD80  }
0x20: {  	s12 =	simm.s32 $0x1F4;
	[bflag:$0x0] =	sbarrier.arrive $0xFFFF  }
0x21: {  	[spmem:s2] =	stream.indirect.scatter.add.f32 [tilespmem:s5], [sflag:$0x1], $0x8, s3, s12, $0xb8;
	[tilespmem:$0x4A88] =	vst v63  }
0x22: {  	_ =	swait.ge [sflag:s4], $0xFA0  }
0x23: {  	[sflag:s4] =	ssyncset.done $0x0  }
0x24: {  	s13 =	rddreg [dreg:$0x9];
	[sflag:s4] =	ssyncadd.s32 $0xFFFFF060  }
0x25: {  	[spmem:s2] =	stream.indirect.scatter.add.f32 [tilespmem:s5], [sflag:$0x1], $0x8, s13, s12, $0xb8;
	[tilespmem:$0x4A88] =	vst v63  }
0x26: {  	_ =	swait.ge [sflag:s4], $0xFA0  }
0x27: {  	[sflag:s4] =	ssyncset.done $0x0  }
0x28: {  	s26 =	rddreg [dreg:$0xa];
	[sflag:s4] =	ssyncadd.s32 $0xFFFFF060  }
0x29: {  	[spmem:s2] =	stream.indirect.scatter.add.f32 [tilespmem:s5], [sflag:$0x1], $0x8, s26, s12, $0xb8;
	[tilespmem:$0x4A88] =	vst v63  }
0x2a: {  	_ =	swait.ge [sflag:s4], $0xFA0  }
0x2b: {  	[sflag:s4] =	ssyncset.done $0x0  }
0x2c: {  	s13 =	simm.s32 $0x5E8;
	[sflag:s4] =	ssyncadd.s32 $0xFFFFF060  }
0x2d: {  	[spmem:s2] =	stream.indirect.scatter.add.f32 [tilespmem:s5], [sflag:$0x1], $0x8, s13, s12, $0xb8;
	[tilespmem:$0x4A88] =	vst v63  }
0x2e: {  	_ =	swait.ge [sflag:s4], $0xFA0  }
0x2f: {  	[sflag:s4] =	ssyncset.done $0x0  }
0x30: {  	s14 =	simm.s32 $0x7E0;
	[sflag:s4] =	ssyncadd.s32 $0xFFFFF060  }
0x31: {  	[spmem:s2] =	stream.indirect.scatter.add.f32 [tilespmem:s5], [sflag:$0x1], $0x8, s14, s12, $0xb8;
	[tilespmem:$0x4A88] =	vst v63  }
0x32: {  	_ =	swait.ge [sflag:s4], $0xFA0  }
0x33: {  	[sflag:s4] =	ssyncset.done $0x0  }
0x34: {  	s15 =	simm.s32 $0x9D8;
	[sflag:s4] =	ssyncadd.s32 $0xFFFFF060  }
0x35: {  	[spmem:s2] =	stream.indirect.scatter.add.f32 [tilespmem:s5], [sflag:$0x1], $0x8, s15, s12, $0xb8;
	[tilespmem:$0x4A88] =	vst v63  }
0x36: {  	_ =	swait.ge [sflag:s4], $0xFA0  }
0x37: {  	[sflag:s4] =	ssyncset.done $0x0  }
0x38: {  	s16 =	simm.s32 $0xBD0;
	[sflag:s4] =	ssyncadd.s32 $0xFFFFF060  }
0x39: {  	[spmem:s2] =	stream.indirect.scatter.add.f32 [tilespmem:s5], [sflag:$0x1], $0x8, s16, s12, $0xb8;
	[tilespmem:$0x4A88] =	vst v63  }
0x3a: {  	_ =	swait.ge [sflag:s4], $0xFA0  }
0x3b: {  	[sflag:s4] =	ssyncset.done $0x0  }
0x3c: {  	s17 =	simm.s32 $0xDC8;
	[sflag:s4] =	ssyncadd.s32 $0xFFFFF060  }
0x3d: {  	[spmem:s2] =	stream.indirect.scatter.add.f32 [tilespmem:s5], [sflag:$0x1], $0x8, s17, s12, $0xb8;
	[tilespmem:$0x4A88] =	vst v63  }
0x3e: {  	_ =	swait.ge [sflag:s4], $0xFA0  }
0x3f: {  	[sflag:s4] =	ssyncset.done $0x0  }
0x40: {  	s18 =	simm.s32 $0xFC0;
	[sflag:s4] =	ssyncadd.s32 $0xFFFFF060  }
0x41: {  	[spmem:s2] =	stream.indirect.scatter.add.f32 [tilespmem:s5], [sflag:$0x1], $0x8, s18, s12, $0xb8;
	[tilespmem:$0x4A88] =	vst v63  }
0x42: {  	_ =	swait.ge [sflag:s4], $0xFA0  }
0x43: {  	[sflag:s4] =	ssyncset.done $0x0  }
0x44: {  	s19 =	simm.s32 $0x11B8;
	[sflag:s4] =	ssyncadd.s32 $0xFFFFF060  }
0x45: {  	[spmem:s2] =	stream.indirect.scatter.add.f32 [tilespmem:s5], [sflag:$0x1], $0x8, s19, s12, $0xb8;
	[tilespmem:$0x4A88] =	vst v63  }
0x46: {  	_ =	swait.ge [sflag:s4], $0xFA0  }
0x47: {  	[sflag:s4] =	ssyncset.done $0x0  }
0x48: {  	s20 =	simm.s32 $0x13B0;
	[sflag:s4] =	ssyncadd.s32 $0xFFFFF060  }
0x49: {  	[spmem:s2] =	stream.indirect.scatter.add.f32 [tilespmem:s5], [sflag:$0x1], $0x8, s20, s12, $0xb8;
	[tilespmem:$0x4A88] =	vst v63  }
0x4a: {  	_ =	swait.ge [sflag:s4], $0xFA0  }
0x4b: {  	[sflag:s4] =	ssyncset.done $0x0  }
0x4c: {  	s21 =	simm.s32 $0x15A8;
	[sflag:s4] =	ssyncadd.s32 $0xFFFFF060  }
0x4d: {  	[spmem:s2] =	stream.indirect.scatter.add.f32 [tilespmem:s5], [sflag:$0x1], $0x8, s21, s12, $0xb8;
	[tilespmem:$0x4A88] =	vst v63  }
0x4e: {  	_ =	swait.ge [sflag:s4], $0xFA0  }
0x4f: {  	[sflag:s4] =	ssyncset.done $0x0  }
0x50: {  	s22 =	simm.s32 $0x17A0;
	[sflag:s4] =	ssyncadd.s32 $0xFFFFF060  }
0x51: {  	[spmem:s2] =	stream.indirect.scatter.add.f32 [tilespmem:s5], [sflag:$0x1], $0x8, s22, s12, $0xb8;
	[tilespmem:$0x4A88] =	vst v63  }
0x52: {  	_ =	swait.ge [sflag:s4], $0xFA0  }
0x53: {  	[sflag:s4] =	ssyncset.done $0x0  }
0x54: {  	s23 =	simm.s32 $0x1998;
	[sflag:s4] =	ssyncadd.s32 $0xFFFFF060  }
0x55: {  	[spmem:s2] =	stream.indirect.scatter.add.f32 [tilespmem:s5], [sflag:$0x1], $0x8, s23, s12, $0xb8;
	[tilespmem:$0x4A88] =	vst v63  }
0x56: {  	_ =	swait.ge [sflag:s4], $0xFA0  }
0x57: {  	[sflag:s4] =	ssyncset.done $0x0  }
0x58: {  	s24 =	simm.s32 $0x1B90;
	[sflag:s4] =	ssyncadd.s32 $0xFFFFF060  }
0x59: {  	[spmem:s2] =	stream.indirect.scatter.add.f32 [tilespmem:s5], [sflag:$0x1], $0x8, s24, s12, $0xb8;
	[tilespmem:$0x4A88] =	vst v63  }
0x5a: {  	_ =	swait.ge [sflag:s4], $0xFA0  }
0x5b: {  	[sflag:s4] =	ssyncset.done $0x0  }
0x5c: {  	s25 =	simm.s32 $0x1D88;
	[sflag:s4] =	ssyncadd.s32 $0xFFFFF060  }
0x5d: {  	[spmem:s2] =	stream.indirect.scatter.add.f32 [tilespmem:s5], [sflag:$0x1], $0x8, s25, s12, $0xb8;
	[tilespmem:$0x4A88] =	vst v63  }
0x5e: {  	_ =	swait.ge [sflag:s4], $0xFA0  }
0x5f: {  	[sflag:s4] =	ssyncset.done $0x0  }
0x60: {  	s26 =	simm.s32 $0x1F80;
	[sflag:s4] =	ssyncadd.s32 $0xFFFFF060  }
0x61: {  	[spmem:s2] =	stream.indirect.scatter.add.f32 [tilespmem:s5], [sflag:$0x1], $0x8, s26, s12, $0xb8;
	[tilespmem:$0x4A88] =	vst v63  }
0x62: {  	_ =	swait.ge [sflag:s4], $0xFA0  }
0x63: {  	[sflag:s4] =	ssyncset.done $0x0  }
0x64: {  	s28 =	simm.s32 $0x2178;
	[sflag:s4] =	ssyncadd.s32 $0xFFFFF060  }
0x65: {  	[spmem:s2] =	stream.indirect.scatter.add.f32 [tilespmem:s5], [sflag:$0x1], $0x8, s28, s12, $0xb8;
	[tilespmem:$0x4A88] =	vst v63  }
0x66: {  	_ =	swait.ge [sflag:s4], $0xFA0  }
0x67: {  	[sflag:s4] =	ssyncset.done $0x0  }
0x68: {  	s29 =	simm.s32 $0x2370;
	[sflag:s4] =	ssyncadd.s32 $0xFFFFF060  }
0x69: {  	[spmem:s2] =	stream.indirect.scatter.add.f32 [tilespmem:s5], [sflag:$0x1], $0x8, s29, s12, $0xb8;
	[tilespmem:$0x4A88] =	vst v63  }
0x6a: {  	_ =	swait.ge [sflag:s4], $0xFA0  }
0x6b: {  	[sflag:s4] =	ssyncset.done $0x0  }
0x6c: {  	s30 =	simm.s32 $0x2568;
	[sflag:s4] =	ssyncadd.s32 $0xFFFFF060  }
0x6d: {  	[spmem:s2] =	stream.indirect.scatter.add.f32 [tilespmem:s5], [sflag:$0x1], $0x8, s30, s12, $0xb8;
	[tilespmem:$0x4A88] =	vst v63  }
0x6e: {  	_ =	swait.ge [sflag:s4], $0xFA0  }
0x6f: {  	[sflag:s4] =	ssyncset.done $0x0  }
0x70: {  	[sflag:s4] =	ssyncadd.s32 $0xFFFFF060  }
0x71: {  	[bflag:$0x0] =	sbarrier.arrive $0xFFFF  }
0x72: {  	s1 =	rddreg [dreg:$0x7]  }
0x73: {  	[hbm:s1], [sflag:s8] =	dma.local @p0 [spmem:s7], $0x190  }
0x74: {  	_ =	swait.ge @p0 [sflag:s9], $0x190  }
0x75: {  	s0 =	ssub.s32 $0x2, s0;
	s1 =	rddreg [dreg:$0x6]  }
0x76: {  	[dreg:$0xb] =	wrdreg s1;
	s1 =	sshrl.u32 s0, $0x1  }
0x77: {  	s0 =	ssub.s32 s0, s1  }
0x78: {  	s0 =	smax.u32 s0, $0x1  }
0x79: {  	s0 =	sadd.s32 $0xFFFFFFFF, s0  }
0x7a: {  	p1 =	sne.s32 s0, $0x0  }
.Ltmp0:
0x7b: {  	_ = 	snop;
	(pc) =	sbr.rel @!p1 .LBB2_2-.Ltmp0, $4  }
0x7c: {  	s31 =	sadd.s32 s31, s2;
	[sflag:s9] =	ssyncset.done @p0 $0x0  }
0x7d: {  	s31 =	sshrl.u32 @!p0 s31, $0x3;
	[sflag:s9] =	ssyncadd.s32 @p0 $0xFFFFFE70;
	s1 =	rddreg [dreg:$0xb]  }
0x7e: {  	[hbm:s1], [sflag:s11] =	dma.local @!p0 [spmem:s31], $0x280  }
0x7f: {  	_ =	swait.ge @!p0 [sflag:s10], $0x280  }
.LBB2_1:
0x80: {  	[sflag:s10] =	ssyncset.done @!p0 $0x0  }
0x81: {  	s1 =	rddreg [dreg:$0x5];
	[sflag:s10] =	ssyncadd.s32 @!p0 $0xFFFFFD80  }
0x82: {  	[tilespmem:s3], [sflag:$0x1] =	stream.linear.gather [hbm4b:s1+s3], $0x2760, $0x38;
	[tilespmem:$0x4A88] =	vst v63  }
0x83: {  	_ =	swait.ge [sflag:s4], $0x2760  }
0x84: {  	[sflag:s4] =	ssyncset.done $0x0  }
0x85: {  	s1 =	rddreg [dreg:$0x4];
	[sflag:s4] =	ssyncadd.s32 $0xFFFFD8A0  }
0x86: {  	[tilespmem:s5], [sflag:$0x1] =	stream.linear.gather [hbm4b:s1+s3], $0xFA0, $0x38;
	[tilespmem:$0x4A88] =	vst v63  }
0x87: {  	_ =	swait.ge [sflag:s4], $0xFA0  }
0x88: {  	[sflag:s4] =	ssyncset.done $0x0  }
0x89: {  	[sflag:s4] =	ssyncadd.s32 $0xFFFFF060  }
0x8a: {  	[spmem:s7], [sflag:s8] =	dma.local @p0 [hbm:s6], $0x190  }
0x8b: {  	_ =	swait.ge @p0 [sflag:s9], $0x190  }
0x8c: {  	[sflag:s9] =	ssyncset.done @p0 $0x0  }
0x8d: {  	s1 =	rddreg [dreg:$0x8];
	[sflag:s9] =	ssyncadd.s32 @p0 $0xFFFFFE70  }
0x8e: {  	[spmem:s1], [sflag:s11] =	dma.local @!p0 [hbm:s6], $0x280  }
0x8f: {  	_ =	swait.ge @!p0 [sflag:s10], $0x280  }
0x90: {  	[sflag:s10] =	ssyncset.done @!p0 $0x0  }
0x91: {  	[sflag:s10] =	ssyncadd.s32 @!p0 $0xFFFFFD80  }
0x92: {  	[bflag:$0x0] =	sbarrier.arrive $0xFFFF  }
0x93: {  	[spmem:s2] =	stream.indirect.scatter.add.f32 [tilespmem:s5], [sflag:$0x1], $0x8, s3, s12, $0xb8;
	[tilespmem:$0x4A88] =	vst v63  }
0x94: {  	_ =	swait.ge [sflag:s4], $0xFA0  }
0x95: {  	[sflag:s4] =	ssyncset.done $0x0  }
0x96: {  	s1 =	rddreg [dreg:$0x9];
	[sflag:s4] =	ssyncadd.s32 $0xFFFFF060  }
0x97: {  	[spmem:s2] =	stream.indirect.scatter.add.f32 [tilespmem:s5], [sflag:$0x1], $0x8, s1, s12, $0xb8;
	[tilespmem:$0x4A88] =	vst v63  }
0x98: {  	_ =	swait.ge [sflag:s4], $0xFA0  }
0x99: {  	[sflag:s4] =	ssyncset.done $0x0  }
0x9a: {  	s1 =	rddreg [dreg:$0xa];
	[sflag:s4] =	ssyncadd.s32 $0xFFFFF060  }
0x9b: {  	[spmem:s2] =	stream.indirect.scatter.add.f32 [tilespmem:s5], [sflag:$0x1], $0x8, s1, s12, $0xb8;
	[tilespmem:$0x4A88] =	vst v63  }
0x9c: {  	_ =	swait.ge [sflag:s4], $0xFA0  }
0x9d: {  	[sflag:s4] =	ssyncset.done $0x0  }
0x9e: {  	[sflag:s4] =	ssyncadd.s32 $0xFFFFF060  }
0x9f: {  	[spmem:s2] =	stream.indirect.scatter.add.f32 [tilespmem:s5], [sflag:$0x1], $0x8, s13, s12, $0xb8;
	[tilespmem:$0x4A88] =	vst v63  }
0xa0: {  	_ =	swait.ge [sflag:s4], $0xFA0  }
0xa1: {  	[sflag:s4] =	ssyncset.done $0x0  }
0xa2: {  	[sflag:s4] =	ssyncadd.s32 $0xFFFFF060  }
0xa3: {  	[spmem:s2] =	stream.indirect.scatter.add.f32 [tilespmem:s5], [sflag:$0x1], $0x8, s14, s12, $0xb8;
	[tilespmem:$0x4A88] =	vst v63  }
0xa4: {  	_ =	swait.ge [sflag:s4], $0xFA0  }
0xa5: {  	[sflag:s4] =	ssyncset.done $0x0  }
0xa6: {  	[sflag:s4] =	ssyncadd.s32 $0xFFFFF060  }
0xa7: {  	[spmem:s2] =	stream.indirect.scatter.add.f32 [tilespmem:s5], [sflag:$0x1], $0x8, s15, s12, $0xb8;
	[tilespmem:$0x4A88] =	vst v63  }
0xa8: {  	_ =	swait.ge [sflag:s4], $0xFA0  }
0xa9: {  	[sflag:s4] =	ssyncset.done $0x0  }
0xaa: {  	[sflag:s4] =	ssyncadd.s32 $0xFFFFF060  }
0xab: {  	[spmem:s2] =	stream.indirect.scatter.add.f32 [tilespmem:s5], [sflag:$0x1], $0x8, s16, s12, $0xb8;
	[tilespmem:$0x4A88] =	vst v63  }
0xac: {  	_ =	swait.ge [sflag:s4], $0xFA0  }
0xad: {  	[sflag:s4] =	ssyncset.done $0x0  }
0xae: {  	[sflag:s4] =	ssyncadd.s32 $0xFFFFF060  }
0xaf: {  	[spmem:s2] =	stream.indirect.scatter.add.f32 [tilespmem:s5], [sflag:$0x1], $0x8, s17, s12, $0xb8;
	[tilespmem:$0x4A88] =	vst v63  }
0xb0: {  	_ =	swait.ge [sflag:s4], $0xFA0  }
0xb1: {  	[sflag:s4] =	ssyncset.done $0x0  }
0xb2: {  	[sflag:s4] =	ssyncadd.s32 $0xFFFFF060  }
0xb3: {  	[spmem:s2] =	stream.indirect.scatter.add.f32 [tilespmem:s5], [sflag:$0x1], $0x8, s18, s12, $0xb8;
	[tilespmem:$0x4A88] =	vst v63  }
0xb4: {  	_ =	swait.ge [sflag:s4], $0xFA0  }
0xb5: {  	[sflag:s4] =	ssyncset.done $0x0  }
0xb6: {  	[sflag:s4] =	ssyncadd.s32 $0xFFFFF060  }
0xb7: {  	[spmem:s2] =	stream.indirect.scatter.add.f32 [tilespmem:s5], [sflag:$0x1], $0x8, s19, s12, $0xb8;
	[tilespmem:$0x4A88] =	vst v63  }
0xb8: {  	_ =	swait.ge [sflag:s4], $0xFA0  }
0xb9: {  	[sflag:s4] =	ssyncset.done $0x0  }
0xba: {  	[sflag:s4] =	ssyncadd.s32 $0xFFFFF060  }
0xbb: {  	[spmem:s2] =	stream.indirect.scatter.add.f32 [tilespmem:s5], [sflag:$0x1], $0x8, s20, s12, $0xb8;
	[tilespmem:$0x4A88] =	vst v63  }
0xbc: {  	_ =	swait.ge [sflag:s4], $0xFA0  }
0xbd: {  	[sflag:s4] =	ssyncset.done $0x0  }
0xbe: {  	[sflag:s4] =	ssyncadd.s32 $0xFFFFF060  }
0xbf: {  	[spmem:s2] =	stream.indirect.scatter.add.f32 [tilespmem:s5], [sflag:$0x1], $0x8, s21, s12, $0xb8;
	[tilespmem:$0x4A88] =	vst v63  }
0xc0: {  	_ =	swait.ge [sflag:s4], $0xFA0  }
0xc1: {  	[sflag:s4] =	ssyncset.done $0x0  }
0xc2: {  	[sflag:s4] =	ssyncadd.s32 $0xFFFFF060  }
0xc3: {  	[spmem:s2] =	stream.indirect.scatter.add.f32 [tilespmem:s5], [sflag:$0x1], $0x8, s22, s12, $0xb8;
	[tilespmem:$0x4A88] =	vst v63  }
0xc4: {  	_ =	swait.ge [sflag:s4], $0xFA0  }
0xc5: {  	[sflag:s4] =	ssyncset.done $0x0  }
0xc6: {  	[sflag:s4] =	ssyncadd.s32 $0xFFFFF060  }
0xc7: {  	[spmem:s2] =	stream.indirect.scatter.add.f32 [tilespmem:s5], [sflag:$0x1], $0x8, s23, s12, $0xb8;
	[tilespmem:$0x4A88] =	vst v63  }
0xc8: {  	_ =	swait.ge [sflag:s4], $0xFA0  }
0xc9: {  	[sflag:s4] =	ssyncset.done $0x0  }
0xca: {  	[sflag:s4] =	ssyncadd.s32 $0xFFFFF060  }
0xcb: {  	[spmem:s2] =	stream.indirect.scatter.add.f32 [tilespmem:s5], [sflag:$0x1], $0x8, s24, s12, $0xb8;
	[tilespmem:$0x4A88] =	vst v63  }
0xcc: {  	_ =	swait.ge [sflag:s4], $0xFA0  }
0xcd: {  	[sflag:s4] =	ssyncset.done $0x0  }
0xce: {  	[sflag:s4] =	ssyncadd.s32 $0xFFFFF060  }
0xcf: {  	[spmem:s2] =	stream.indirect.scatter.add.f32 [tilespmem:s5], [sflag:$0x1], $0x8, s25, s12, $0xb8;
	[tilespmem:$0x4A88] =	vst v63  }
0xd0: {  	_ =	swait.ge [sflag:s4], $0xFA0  }
0xd1: {  	[sflag:s4] =	ssyncset.done $0x0  }
0xd2: {  	[sflag:s4] =	ssyncadd.s32 $0xFFFFF060  }
0xd3: {  	[spmem:s2] =	stream.indirect.scatter.add.f32 [tilespmem:s5], [sflag:$0x1], $0x8, s26, s12, $0xb8;
	[tilespmem:$0x4A88] =	vst v63  }
0xd4: {  	_ =	swait.ge [sflag:s4], $0xFA0  }
0xd5: {  	[sflag:s4] =	ssyncset.done $0x0  }
0xd6: {  	[sflag:s4] =	ssyncadd.s32 $0xFFFFF060  }
0xd7: {  	[spmem:s2] =	stream.indirect.scatter.add.f32 [tilespmem:s5], [sflag:$0x1], $0x8, s28, s12, $0xb8;
	[tilespmem:$0x4A88] =	vst v63  }
0xd8: {  	_ =	swait.ge [sflag:s4], $0xFA0  }
0xd9: {  	[sflag:s4] =	ssyncset.done $0x0  }
0xda: {  	[sflag:s4] =	ssyncadd.s32 $0xFFFFF060  }
0xdb: {  	[spmem:s2] =	stream.indirect.scatter.add.f32 [tilespmem:s5], [sflag:$0x1], $0x8, s29, s12, $0xb8;
	[tilespmem:$0x4A88] =	vst v63  }
0xdc: {  	_ =	swait.ge [sflag:s4], $0xFA0  }
0xdd: {  	[sflag:s4] =	ssyncset.done $0x0  }
0xde: {  	[sflag:s4] =	ssyncadd.s32 $0xFFFFF060  }
0xdf: {  	[spmem:s2] =	stream.indirect.scatter.add.f32 [tilespmem:s5], [sflag:$0x1], $0x8, s30, s12, $0xb8;
	[tilespmem:$0x4A88] =	vst v63  }
0xe0: {  	_ =	swait.ge [sflag:s4], $0xFA0  }
0xe1: {  	[sflag:s4] =	ssyncset.done $0x0  }
0xe2: {  	[sflag:s4] =	ssyncadd.s32 $0xFFFFF060  }
0xe3: {  	s0 =	sadd.s32 $0xFFFFFFFF, s0;
	[bflag:$0x0] =	sbarrier.arrive $0xFFFF  }
0xe4: {  	p1 =	sne.s32 s0, $0x0;
	s1 =	rddreg [dreg:$0x7]  }
0xe5: {  	[hbm:s1], [sflag:s8] =	dma.local @p0 [spmem:s7], $0x190  }
.Ltmp1:
0xe6: {  	_ =	swait.ge @p0 [sflag:s9], $0x190;
	(pc) =	sbr.rel @p1 .LBB2_1-.Ltmp1, $4  }
0xe7: {  	[sflag:s9] =	ssyncset.done @p0 $0x0  }
0xe8: {  	s1 =	rddreg [dreg:$0x6];
	[sflag:s9] =	ssyncadd.s32 @p0 $0xFFFFFE70  }
0xe9: {  	[hbm:s1], [sflag:s11] =	dma.local @!p0 [spmem:s31], $0x280  }
0xea: {  	_ =	swait.ge @!p0 [sflag:s10], $0x280  }
.LBB2_2:
0xeb: {  	[sflag:s10] =	ssyncset.done @!p0 $0x0  }
0xec: {  	[sflag:s10] =	ssyncadd.s32 @!p0 $0xFFFFFD80  }
0xed: {  	_ =	sfence.sel $0x180000  }
0xee: {  	[bflag:$0x0] =	sbarrier.arrive $0xFFFF  }
0xef: {  	_ =	strace $0x90000047  }
0xf0: {  	s0 =	stileid.u32;
	[bflag:$0x2] =	sbarrier.arrive $0xFFFF  }
0xf1: {  	p0 =	sne.s32 s0, $0x0;
	s0 =	rddreg [dreg:$0x3]  }
0xf2: {  	s0 =	sadd.s32 @!p0 $0x100000, s0  }
0xf3: {  	[sflag:s0] =	ssyncadd.tile.s32 @!p0 $0x1;
	_ =	shalt  }
.Lfunc_end2:
_tile_overlayer_lowered:
.L_overlay_start_2:
0xf4: {  	(tag) =	ssettag $0x2  }
0xf5: {  	s0 =	rddreg [dreg:$0x0];
	s2 =	stileid.u32  }
0xf6: {  	s1 =	rddreg [dreg:$0x1];
	p0 =	sne.s32 s2, $0x0  }
0xf7: {  	s3 =	rddreg [dreg:$0x2];
	[bflag:$0x3] =	sbarrier.arrive $0xFFFF;
	s2 =	simm.s32 @!p0 $0x1C01  }
0xf8: {  	[timem:s3], [sflag:s2] =	dma.local @!p0 [hbm:s0], s1  }
0xf9: {  	s0 =	simm.s32 @!p0 $0x1  }
0xfa: {  	_ =	swait.ge @!p0 [sflag:s0], s1  }
0xfb: {  	s1 =	ssub.s32 @!p0 $0x0, s1;
	[sflag:s0] =	ssyncset.done @!p0 $0x0  }
0xfc: {  	[sflag:s0] =	ssyncadd.s32 @!p0 s1  }
0xfd: {  	[bflag:$0x3] =	sbarrier.arrive $0xFFFF  }
0xfe: {  	_ =	shalt  }

// kernel: kernel.16.cloned.1.call-start
scs
__scs_entry_jumppad:
0x0: {  	(pc) =	sbr.rel $0x88, $3  }
0x1: {  	(tag) =	ssettag $0x0;
	lr =	simm.s32 $0x1  }
0x2: {  	[smem:$0x3F85] =	sst lr;
	_ =	strace $0xD0000000  }
0x3: {  	_ = 	snop  }
0x4: {  	_ = 	snop  }
0x5: {  	_ = 	snop  }
0x6: {  	_ = 	snop  }
0x7: {  	_ = 	snop  }
__scs_overlays_trampoline_lowered:
0x8: {  	[smem:$0x3F94] =	sst s0  }
0x9: {  	[smem:$0x3F95] =	sst s1  }
0xa: {  	[smem:$0x3F96] =	sst s2  }
0xb: {  	[smem:$0x3F97] =	sst s3  }
0xc: {  	[smem:$0x3F98] =	sst s4  }
0xd: {  	[smem:$0x3F99] =	sst s5  }
0xe: {  	[smem:$0x3F9A] =	sst s6  }
0xf: {  	[smem:$0x3F9B] =	sst s7  }
0x10: {  	[smem:$0x3F9C] =	sst s8  }
0x11: {  	[smem:$0x3F9D] =	sst s9;
	s0 =	simm.s32 @!p0 $0x0  }
0x12: {  	s1 =	sld [smem:$0x3F83];
	s0 =	simm.s32 @p0 $0x1  }
0x13: {  	[smem:$0x3F9E] =	sst s0;
	s0 =	simm.s32 @!p1 $0x0  }
0x14: {  	s2 =	sld [smem:$0x3F82];
	s0 =	simm.s32 @p1 $0x1  }
0x15: {  	[smem:$0x3F9F] =	sst s0;
	s0 =	simm.s32 @!p2 $0x0  }
0x16: {  	s3 =	sld [smem:$0x3FDB];
	s0 =	simm.s32 @p2 $0x1  }
0x17: {  	s4 =	simm.s32 $0x1BF5;
	[smem:$0x3FA1] =	sst s0  }
0x18: {  	s0 =	sld [smem:$0x3F84];
	_ =	swait.ge [sflag:s4], $0x0  }
0x19: {  	s7 =	sld [smem:$0x3F85]  }
0x1a: {  	s8 =	sadd.s32 $0xFFFFE003, lr  }
0x1b: {  	s9 =	sadd.s32 $0xFFFFFEF7, lr;
	s5 =	simm.s32 $0xFFFFFFFF;
	p2 =	slt.u32 s8, $0xFFFFF086  }
0x1c: {  	p1 =	slt.u32 s9, $0xF7A;
	s5 =	simm.s32 @!p2 $0x0  }
0x1d: {  	s5 =	simm.s32 @p1 $0x1;
	p0 =	seq.s32 s7, s2  }
0x1e: {  	s7 =	smul.u32 @!p0 $0xF7A, s2;
	p2 =	seq.s32 @!p0 s5, $0x0  }
0x1f: {  	s9 =	smul.u32 $0xF7A, s1;
	s8 =	simm.s32 @!p0 $0x1BF5;
	p2 =	por !p2, p0  }
0x20: {  	[sflag:s8] =	ssyncset.s32 @!p0 $0xFFFFF086;
	s6 =	sadd.s32 @!p0 s3, s7;
	s7 =	simm.s32 @!p0 $0x108  }
0x21: {  	s3 =	sadd.s32 s3, s9;
	s6 =	sadd.s32 @!p0 $0x88, s6;
	s7 =	simm.s32 @p2 $0x1082  }
0x22: {  	[simem:s7], [sflag:s8] =	dma.local @!p0 [hbm:s6], $0xF7A  }
0x23: {  	s9 =	sor.u32 $0xD0000000, s2;
	s6 =	simm.s32 $0x108;
	_ =	swait.ge @!p0 [sflag:s8], $0x0  }
0x24: {  	s3 =	sadd.s32 $0x88, s3;
	s6 =	simm.s32 @!p1 $0x1082;
	[sflag:s4] =	ssyncset.s32 $0xFFFFF086  }
0x25: {  	[simem:s6], [sflag:s4] =	dma.local [hbm:s3], $0xF7A  }
0x26: {  	[smem:$0x3F85] =	sst s1;
	(tag) =	ssettag s2;
	_ =	strace s9  }
0x27: {  	s1 =	sld [smem:$0x3F95]  }
0x28: {  	s2 =	sld [smem:$0x3F96]  }
0x29: {  	s4 =	sld [smem:$0x3F98]  }
0x2a: {  	p0 =	seq.s32 s5, $0x0;
	s5 =	sld [smem:$0x3F99]  }
0x2b: {  	s6 =	sld [smem:$0x3F9A]  }
0x2c: {  	s7 =	sld [smem:$0x3F9B]  }
0x2d: {  	s3 =	simm.s32 $0x108;
	s8 =	sld [smem:$0x3F9C]  }
0x2e: {  	s3 =	simm.s32 @!p0 $0x1082;
	s9 =	sld [smem:$0x3F9D]  }
0x2f: {  	lr =	sadd.s32 s0, s3;
	s0 =	sld [smem:$0x3F94]  }
0x30: {  	s3 =	sld [smem:$0x3F97]  }
0x31: {  	[smem:$0x3FA0] =	sst s10  }
0x32: {  	s10 =	sld [smem:$0x3F9E];
	_ =	sdelay $0x3  }
0x33: {  	p0 =	seq.s32 s10, $0x1;
	s10 =	sld [smem:$0x3FA0];
	_ =	sdelay $0x3  }
0x34: {  	[smem:$0x3FA0] =	sst s10  }
0x35: {  	s10 =	sld [smem:$0x3F9F];
	_ =	sdelay $0x3  }
0x36: {  	p1 =	seq.s32 s10, $0x1;
	s10 =	sld [smem:$0x3FA0];
	_ =	sdelay $0x3  }
0x37: {  	[smem:$0x3FA0] =	sst s10  }
0x38: {  	s10 =	sld [smem:$0x3FA1]  }
0x39: {  	_ = 	snop;
	(pc) =	sbr.ind lr, $3  }
0x3a: {  	_ = 	snop  }
0x3b: {  	_ = 	snop  }
0x3c: {  	p2 =	seq.s32 s10, $0x1;
	s10 =	sld [smem:$0x3FA0]  }
0x3d: {  	_ =	shalt  }
0x3e: {  	_ =	shalt  }
0x3f: {  	_ =	shalt  }
0x40: {  	_ =	shalt  }
0x41: {  	_ =	shalt  }
0x42: {  	_ =	shalt  }
0x43: {  	_ =	shalt  }
0x44: {  	_ =	shalt  }
0x45: {  	_ =	shalt  }
0x46: {  	_ =	shalt  }
0x47: {  	_ =	shalt  }
0x48: {  	_ =	shalt  }
0x49: {  	_ =	shalt  }
0x4a: {  	_ =	shalt  }
0x4b: {  	_ =	shalt  }
0x4c: {  	_ =	shalt  }
0x4d: {  	_ =	shalt  }
0x4e: {  	_ =	shalt  }
0x4f: {  	_ =	shalt  }
0x50: {  	_ =	shalt  }
0x51: {  	_ =	shalt  }
0x52: {  	_ =	shalt  }
0x53: {  	_ =	shalt  }
0x54: {  	_ =	shalt  }
0x55: {  	_ =	shalt  }
0x56: {  	_ =	shalt  }
0x57: {  	_ =	shalt  }
0x58: {  	_ =	shalt  }
0x59: {  	_ =	shalt  }
0x5a: {  	_ =	shalt  }
0x5b: {  	_ =	shalt  }
0x5c: {  	_ =	shalt  }
0x5d: {  	_ =	shalt  }
0x5e: {  	_ =	shalt  }
0x5f: {  	_ =	shalt  }
0x60: {  	_ =	shalt  }
0x61: {  	_ =	shalt  }
0x62: {  	_ =	shalt  }
0x63: {  	_ =	shalt  }
0x64: {  	_ =	shalt  }
0x65: {  	_ =	shalt  }
0x66: {  	_ =	shalt  }
0x67: {  	_ =	shalt  }
0x68: {  	_ =	shalt  }
0x69: {  	_ =	shalt  }
0x6a: {  	_ =	shalt  }
0x6b: {  	_ =	shalt  }
0x6c: {  	_ =	shalt  }
0x6d: {  	_ =	shalt  }
0x6e: {  	_ =	shalt  }
0x6f: {  	_ =	shalt  }
0x70: {  	_ =	shalt  }
0x71: {  	_ =	shalt  }
0x72: {  	_ =	shalt  }
0x73: {  	_ =	shalt  }
0x74: {  	_ =	shalt  }
0x75: {  	_ =	shalt  }
0x76: {  	_ =	shalt  }
0x77: {  	_ =	shalt  }
0x78: {  	_ =	shalt  }
0x79: {  	_ =	shalt  }
0x7a: {  	_ =	shalt  }
0x7b: {  	_ =	shalt  }
0x7c: {  	_ =	shalt  }
0x7d: {  	_ =	shalt  }
0x7e: {  	_ =	shalt  }
0x7f: {  	_ =	shalt  }
0x80: {  	_ =	shalt  }
0x81: {  	_ =	shalt  }
0x82: {  	_ =	shalt  }
0x83: {  	_ =	shalt  }
0x84: {  	_ =	shalt  }
0x85: {  	_ =	shalt  }
0x86: {  	_ =	shalt  }
0x87: {  	_ =	shalt  }
.Lfunc_end0:
.L_simem_size_0:
called_computation.1_lowered:
.L_overlay_start_0:
0x88: {  	s2 =	sld [smem:$0x3FD9]  }
0x89: {  	s3 =	sld [smem:$0x3FFE];
	_ =	sdelay $0x1  }
0x8a: {  	s1 =	srdreg.scid  }
0x8b: {  	s0 =	sand.u32 $0x1, s1  }
0x8c: {  	s17 =	sshll.u32 s0, $0xA;
	s2 =	sadd.s32 s3, s2  }
0x8d: {  	s2 =	sadd.s32 s2, s17  }
0x8e: {  	[smem:$0x3FAC] =	sst s2  }
0x8f: {  	_ = 	snop  }
0x90: {  	s2 =	sld [smem:$0x3FD0];
	(tm) =	ssettm $0x1  }
0x91: {  	s18 =	sld [smem:$0x3FFB];
	_ =	sdelay $0x3  }
0x92: {  	_ =	strace s18  }
0x93: {  	s3 =	sld [smem:$0x3FFC];
	_ =	sdelay $0x3  }
0x94: {  	_ =	strace s3  }
0x95: {  	s3 =	sld [smem:$0x3FFD];
	_ =	sdelay $0x3  }
0x96: {  	_ =	strace s3  }
0x97: {  	_ =	strace $0x8FFFFFFF  }
0x98: {  	s19 =	sld [smem:$0x3FDB];
	_ =	sdelay $0x1  }
0x99: {  	s4 =	simm.s32 $_scs_section_size  }
0x9a: {  	s5 =	simm.s32 $_size__tile_overlayer_lowered;
	s6 =	simm.s32 $_tile_overlayer_lowered  }
0x9b: {  	s22 =	simm.s32 $0x1BFF;
	s21 =	sshll.u32 s6, $0x1;
	s3 =	sadd.s32 s4, s19  }
0x9c: {  	s7 =	simm.s32 $0x0;
	s20 =	sshll.u32 s5, $0x1;
	s5 =	sadd.s32 s21, s3  }
0x9d: {  	[timem:s7], [sflag:s22] =	dma.local [hbm:s5], s20  }
0x9e: {  	_ =	swait.ge [sflag:s22], s20  }
0x9f: {  	s4 =	ssub.s32 $0x0, s20;
	[sflag:s22] =	ssyncset.done $0x0  }
0xa0: {  	[sflag:s22] =	ssyncadd.s32 s4;
	_ =	sdelay $0x1  }
0xa1: {  	s23 =	simm.s32 $0x1B8B  }
0xa2: {  	_ =	swait.ge [sflag:s23], $0x1  }
0xa3: {  	[sflag:s23] =	ssyncset.done $0x0  }
0xa4: {  	s25 =	simm.s32 $0x1B8E;
	s24 =	sld [smem:$0x3FFE];
	[sflag:s23] =	ssyncadd.s32 $0xFFFFFFFF  }
0xa5: {  	s26 =	simm.s32 $execute0_lowered;
	[smem:$0x3FD2] =	sst s25  }
0xa6: {  	s5 =	sshll.u32 s26, $0x1;
	_ =	strace $0x80000049;
	[dreg:$0x1] =	wrdreg $0xFFFFFFFF  }
0xa7: {  	s28 =	simm.s32 $_size_execute0_lowered;
	s3 =	sadd.s32 s3, s5;
	[dreg:$0x0] =	wrdreg $0x0  }
0xa8: {  	s5 =	sshll.u32 s28, $0x1;
	[dreg:$0x2] =	wrdreg s3  }
0xa9: {  	[dreg:$0x3] =	wrdreg s5  }
0xaa: {  	[dreg:$0x4] =	wrdreg $0xC0  }
0xab: {  	_ =	task [dreg:s7], $0x5FFFF  }
0xac: {  	[dreg:$0x1] =	wrdreg $0xFFFFFFFF  }
0xad: {  	[dreg:$0x0] =	wrdreg $0x60  }
0xae: {  	[dreg:$0x2] =	wrdreg s2  }
0xaf: {  	[dreg:$0x3] =	wrdreg s24  }
0xb0: {  	[dreg:$0x4] =	wrdreg $0xCBC00  }
0xb1: {  	[dreg:$0x5] =	wrdreg $0x9  }
0xb2: {  	_ =	task.clear_ibuf [dreg:s7], $0x6FFFF;
	_ =	strace $0x90000049  }
0xb3: {  	s29 =	simm.s32 $0x9;
	_ =	strace $0x8000004B  }
0xb4: {  	_ =	swait.ge [sflag:s29], $0x1  }
0xb5: {  	[sflag:s29] =	ssyncadd.s32 $0xFFFFFFFF  }
0xb6: {  	_ =	strace $0x9000004B  }
0xb7: {  	_ =	sfence  }
0xb8: {  	s30 =	sld [smem:$0x0];
	_ =	sdelay $0x2  }
0xb9: {  	s31 =	sshll.u32 s1, $0xD;
	s1 =	sshrl.u32 s1, $0x2  }
0xba: {  	s3 =	sand.u32 $0x4000, s31;
	s1 =	sadd.s32 s1, s30  }
0xbb: {  	s0 =	sor.u32 s3, s0;
	s1 =	sshll.u32 s1, $0x11  }
0xbc: {  	s0 =	sor.u32 s1, s0  }
0xbd: {  	s0 =	sadd.s32 $0x8F2B, s0  }
0xbe: {  	[sflag:s0] =	ssyncadd.remote.s32 $0x1  }
0xbf: {  	_ =	sfence.sel $0xFFFF  }
0xc0: {  	[dreg:$0x0] =	wrdreg $0xFFFFFFFF;
	(pc) =	sbr.abs _section_cstart, $3  }
0xc1: {  	[dreg:$0x1] =	wrdreg $0xFFFFFFFF  }
0xc2: {  	_ =	task.clear_ibuf [dreg:s7], $0x2FFFF;
	_ =	strace $0x9FFFFFFF  }
0xc3: {  	(tm) =	ssettm $0x7FFFFFFF  }
tec
execute0_lowered:
.L_overlay_start_1:
0x0: {  	(tag) =	ssettag $0x1  }
0x1: {  	s3 =	rddreg [dreg:$0x0]  }
0x2: {  	s4 =	rddreg [dreg:$0x1]  }
0x3: {  	s2 =	rddreg [dreg:$0x2]  }
0x4: {  	s31 =	rddreg [dreg:$0x3];
	s24 =	simm.s32 $0x0  }
0x5: {  	s17 =	simm.s32 $0x1F8;
	[smem:$0x7FF] =	sst s24  }
0x6: {  	s18 =	simm.s32 $0x2958;
	_ =	strace $0x8000004A;
	[dreg:$0x9] =	wrdreg s17  }
0x7: {  	s19 =	simm.s32 $0x3F0;
	[dreg:$0xa] =	wrdreg s18  }
0x8: {  	s0 =	srdreg.scid;
	s20 =	simm.s32 $0x5E8;
	[dreg:$0xb] =	wrdreg s19  }
0x9: {  	s29 =	stileid.u32;
	s21 =	simm.s32 $0x2B50;
	[dreg:$0xc] =	wrdreg s20  }
0xa: {  	s22 =	simm.s32 $0x2D48;
	s23 =	simm.s32 $0x7E0;
	[dreg:$0xd] =	wrdreg s21  }
0xb: {  	s25 =	simm.s32 $0x9D8;
	s26 =	simm.s32 $0x2F40;
	[dreg:$0xe] =	wrdreg s22  }
0xc: {  	s30 =	simm.s32 $0x3138;
	s10 =	simm.s32 $0x3528;
	[dreg:$0xf] =	wrdreg s23  }
0xd: {  	s11 =	simm.s32 $0xFC0;
	s12 =	simm.s32 $0x11B8;
	[dreg:$0x10] =	wrdreg s25  }
0xe: {  	s13 =	simm.s32 $0x3720;
	s28 =	simm.s32 $0x5;
	[dreg:$0x11] =	wrdreg s26  }
0xf: {  	p1 =	por $0x0, $0x0;
	s7 =	smul.u32 $0x5000, s29;
	[dreg:$0x12] =	wrdreg s30  }
0x10: {  	s0 =	sand.u32 $0x1, s0;
	s14 =	smul.u32 $0x14000, s29;
	[dreg:$0x16] =	wrdreg s10  }
0x11: {  	s8 =	sadd.s32 $0x1BA00, s4;
	p0 =	seq.s32 s29, $0xF;
	[dreg:$0x17] =	wrdreg s11  }
0x12: {  	s1 =	sshll.u32 s0, $0x4;
	s5 =	smul.u32 $0x4E200, s0;
	[dreg:$0x18] =	wrdreg s12  }
0x13: {  	s25 =	sadd.s32 $0x1B000, s4;
	[dreg:$0x19] =	wrdreg s13;
	s17 =	simm.s32 $0x3B10  }
0x14: {  	s0 =	ssub.s32 $0x2, s0;
	s18 =	simm.s32 $0x3D08;
	[dreg:$0x1d] =	wrdreg s17  }
0x15: {  	s26 =	simm.s32 $0x2760;
	s19 =	simm.s32 $0x17A0;
	[dreg:$0x1e] =	wrdreg s18  }
0x16: {  	s20 =	simm.s32 $0x1998;
	s21 =	simm.s32 $0x3F00;
	[dreg:$0x1f] =	wrdreg s19  }
0x17: {  	s22 =	simm.s32 $0x40F8;
	s13 =	simm.s32 $0x1;
	[smem:$0x7F9] =	sst s20  }
0x18: {  	s23 =	simm.s32 $0x1B90;
	s12 =	simm.s32 $0x2;
	[smem:$0x7FA] =	sst s21  }
0x19: {  	s30 =	simm.s32 $0x1D88;
	s11 =	simm.s32 $0x3;
	[smem:$0x7FB] =	sst s22  }
0x1a: {  	s1 =	sor.u32 s29, s1;
	s9 =	sshrl.u32 s0, $0x1;
	[smem:$0x7FC] =	sst s23  }
0x1b: {  	s10 =	sadd.s32 s7, s2;
	[smem:$0x7FD] =	sst s30;
	s23 =	simm.s32 $0x42F0  }
0x1c: {  	s22 =	simm.s32 $0x44E8;
	s21 =	simm.s32 $0x1F80;
	s20 =	simm.s32 $0x2178  }
0x1d: {  	s19 =	simm.s32 $0x46E0;
	s18 =	simm.s32 $0x48D8;
	s17 =	simm.s32 $0x2568  }
0x1e: {  	s1 =	smul.u32 $0x4EC, s1;
	s15 =	sadd.s32 s7, s5;
	s5 =	sshrl.u32 s5, $0x3  }
0x1f: {  	s0 =	ssub.s32 s0, s9;
	s7 =	simm.s32 $0x8D40;
	s5 =	sadd.s32 s8, s5  }
0x20: {  	s9 =	simm.s32 $0x4;
	s10 =	sshrl.u32 @!p0 s10, $0x3;
	s16 =	sadd.s32 $0x9600, s5  }
0x21: {  	s1 =	sadd.s32 s1, s4;
	s5 =	simm.s32 $0xBD0;
	[dreg:$0x7] =	wrdreg s16  }
0x22: {  	s0 =	smax.u32 s0, $0x1;
	s6 =	sadd.s32 $0x11200, s1;
	[dreg:$0x13] =	wrdreg s5  }
0x23: {  	s4 =	sadd.s32 $0x4B000, s2;
	s1 =	sadd.s32 $0x6E00, s1;
	[dreg:$0x4] =	wrdreg s6  }
0x24: {  	[dreg:$0x5] =	wrdreg s1;
	s6 =	sshrl.u32 s14, $0x2;
	s1 =	sshrl.u32 s15, $0x3  }
0x25: {  	s16 =	simm.s32 $0x15A8;
	s6 =	sadd.s32 s6, s2;
	s1 =	sadd.s32 s8, s1  }
0x26: {  	s4 =	sshrl.u32 @p0 s4, $0x3;
	[dreg:$0x6] =	wrdreg s1;
	s1 =	sshrl.u32 @!p0 s6, $0x3  }
0x27: {  	s5 =	sshll.u32 @!p0 s29, $0x6;
	[dreg:$0x8] =	wrdreg s1;
	s1 =	sadd.s32 $0xFFFFFFFF, s0  }
0x28: {  	s14 =	simm.s32 $0x3918;
	[dreg:$0x1c] =	wrdreg s16;
	p2 =	sne.s32 s1, $0x0  }
.Ltmp0:
0x29: {  	s15 =	simm.s32 $0x13B0;
	[dreg:$0x1a] =	wrdreg s14;
	(pc) =	sbr.rel @!p2 .LBB2_1-.Ltmp0, $4  }
0x2a: {  	s5 =	sor.u32 @!p0 $0x1C05, s5;
	s8 =	simm.s32 $0x3330;
	[dreg:$0x1b] =	wrdreg s15  }
0x2b: {  	s16 =	simm.s32 $0x2370;
	s6 =	simm.s32 $0xDC8;
	[dreg:$0x15] =	wrdreg s8  }
0x2c: {  	s15 =	simm.s32 $0x4AD0;
	s14 =	simm.s32 $0x4CC8;
	[dreg:$0x14] =	wrdreg s6  }
0x2d: {  	s8 =	simm.s32 $0x4EC0;
	s6 =	simm.s32 $0x1F4;
	s0 =	rddreg [dreg:$0x4]  }
0x2e: {  	[tilespmem:s24], [sflag:$0x5] =	stream.linear.gather [hbm4b:s0+s24], $0x2760, $0x38;
	[tilespmem:$0x119E0] =	vst v63  }
0x2f: {  	_ =	swait.ge [sflag:s28], $0x2760  }
0x30: {  	[sflag:s28] =	ssyncset.done $0x0  }
0x31: {  	s0 =	rddreg [dreg:$0x5];
	[sflag:s28] =	ssyncadd.s32 $0xFFFFD8A0  }
0x32: {  	[tilespmem:s26], [sflag:$0x5] =	stream.linear.gather [hbm4b:s0+s24], $0x2760, $0x38;
	[tilespmem:$0x119E0] =	vst v63  }
0x33: {  	_ =	swait.ge [sflag:s28], $0x2760  }
0x34: {  	[sflag:s28] =	ssyncset.done $0x0  }
0x35: {  	s29 =	simm.s32 @p0 $0x1FC5;
	s31 =	simm.s32 @p0 $0x5;
	[sflag:s28] =	ssyncadd.s32 $0xFFFFD8A0  }
0x36: {  	[spmem:s4], [sflag:s29] =	dma.local @p0 [hbm:s25], $0x640  }
0x37: {  	_ =	swait.ge @p0 [sflag:s31], $0x640  }
0x38: {  	[sflag:s31] =	ssyncset.done @p0 $0x0  }
0x39: {  	s30 =	simm.s32 @!p0 $0x5;
	s0 =	rddreg [dreg:$0x8];
	[sflag:s31] =	ssyncadd.s32 @p0 $0xFFFFF9C0  }
0x3a: {  	[spmem:s0], [sflag:s5] =	dma.local @!p0 [hbm:s25], $0xA00  }
0x3b: {  	_ =	swait.ge @!p0 [sflag:s30], $0xA00  }
0x3c: {  	[sflag:s30] =	ssyncset.done @!p0 $0x0  }
0x3d: {  	[sflag:s30] =	ssyncadd.s32 @!p0 $0xFFFFF600  }
0x3e: {  	[bflag:$0x0] =	sbarrier.arrive $0xFFFF  }
0x3f: {  	[tilespmem:s8], [sflag:$0x1] =	stream.indirect.gather [hbm4b:s3+s6], $0x20, s24, s6, $0xb8;
	[tilespmem:$0x119E0] =	vst v63  }
0x40: {  	s0 =	rddreg [dreg:$0x9]  }
0x41: {  	[tilespmem:s7], [sflag:$0x2] =	stream.indirect.gather [hbm4b:s3+s6], $0x20, s0, s6, $0xb8;
	[tilespmem:$0x119E0] =	vst v63  }
0x42: {  	_ =	swait.ge [sflag:s13], $0x3E80  }
0x43: {  	[sflag:s13] =	ssyncset.done $0x0  }
0x44: {  	[sflag:s13] =	ssyncadd.s32 $0xFFFFC180  }
0x45: {  	[spmem:s2] =	stream.indirect.scatter.add.f32 [tilespmem:s8], [sflag:$0x3], $0x20, s26, s6, $0xb8;
	[tilespmem:$0x119E0] =	vst v63  }
0x46: {  	_ =	swait.ge [sflag:s12], $0x3E80  }
0x47: {  	[sflag:s12] =	ssyncset.done $0x0  }
0x48: {  	s0 =	rddreg [dreg:$0xa];
	[sflag:s12] =	ssyncadd.s32 $0xFFFFC180  }
0x49: {  	[spmem:s2] =	stream.indirect.scatter.add.f32 [tilespmem:s7], [sflag:$0x4], $0x20, s0, s6, $0xb8;
	[tilespmem:$0x119E0] =	vst v63  }
0x4a: {  	_ =	swait.ge [sflag:s11], $0x3E80  }
0x4b: {  	[sflag:s11] =	ssyncset.done $0x0  }
0x4c: {  	s0 =	rddreg [dreg:$0xb];
	[sflag:s11] =	ssyncadd.s32 $0xFFFFC180  }
0x4d: {  	[tilespmem:s8], [sflag:$0x1] =	stream.indirect.gather [hbm4b:s3+s6], $0x20, s0, s6, $0xb8;
	[tilespmem:$0x119E0] =	vst v63  }
0x4e: {  	_ =	swait.ge [sflag:s9], $0x3E80  }
0x4f: {  	[sflag:s9] =	ssyncset.done $0x0  }
0x50: {  	s0 =	rddreg [dreg:$0xc];
	[sflag:s9] =	ssyncadd.s32 $0xFFFFC180  }
0x51: {  	[tilespmem:s7], [sflag:$0x2] =	stream.indirect.gather [hbm4b:s3+s6], $0x20, s0, s6, $0xb8;
	[tilespmem:$0x119E0] =	vst v63  }
0x52: {  	_ =	swait.ge [sflag:s13], $0x3E80  }
0x53: {  	[sflag:s13] =	ssyncset.done $0x0  }
0x54: {  	s0 =	rddreg [dreg:$0xd];
	[sflag:s13] =	ssyncadd.s32 $0xFFFFC180  }
0x55: {  	[spmem:s2] =	stream.indirect.scatter.add.f32 [tilespmem:s8], [sflag:$0x3], $0x20, s0, s6, $0xb8;
	[tilespmem:$0x119E0] =	vst v63  }
0x56: {  	_ =	swait.ge [sflag:s12], $0x3E80  }
0x57: {  	[sflag:s12] =	ssyncset.done $0x0  }
0x58: {  	s0 =	rddreg [dreg:$0xe];
	[sflag:s12] =	ssyncadd.s32 $0xFFFFC180  }
0x59: {  	[spmem:s2] =	stream.indirect.scatter.add.f32 [tilespmem:s7], [sflag:$0x4], $0x20, s0, s6, $0xb8;
	[tilespmem:$0x119E0] =	vst v63  }
0x5a: {  	_ =	swait.ge [sflag:s11], $0x3E80  }
0x5b: {  	[sflag:s11] =	ssyncset.done $0x0  }
0x5c: {  	s0 =	rddreg [dreg:$0xf];
	[sflag:s11] =	ssyncadd.s32 $0xFFFFC180  }
0x5d: {  	[tilespmem:s8], [sflag:$0x1] =	stream.indirect.gather [hbm4b:s3+s6], $0x20, s0, s6, $0xb8;
	[tilespmem:$0x119E0] =	vst v63  }
0x5e: {  	_ =	swait.ge [sflag:s9], $0x3E80  }
0x5f: {  	[sflag:s9] =	ssyncset.done $0x0  }
0x60: {  	s0 =	rddreg [dreg:$0x10];
	[sflag:s9] =	ssyncadd.s32 $0xFFFFC180  }
0x61: {  	[tilespmem:s7], [sflag:$0x2] =	stream.indirect.gather [hbm4b:s3+s6], $0x20, s0, s6, $0xb8;
	[tilespmem:$0x119E0] =	vst v63  }
0x62: {  	_ =	swait.ge [sflag:s13], $0x3E80  }
0x63: {  	[sflag:s13] =	ssyncset.done $0x0  }
0x64: {  	s0 =	rddreg [dreg:$0x11];
	[sflag:s13] =	ssyncadd.s32 $0xFFFFC180  }
0x65: {  	[spmem:s2] =	stream.indirect.scatter.add.f32 [tilespmem:s8], [sflag:$0x3], $0x20, s0, s6, $0xb8;
	[tilespmem:$0x119E0] =	vst v63  }
0x66: {  	_ =	swait.ge [sflag:s12], $0x3E80  }
0x67: {  	[sflag:s12] =	ssyncset.done $0x0  }
0x68: {  	s0 =	rddreg [dreg:$0x12];
	[sflag:s12] =	ssyncadd.s32 $0xFFFFC180  }
0x69: {  	[spmem:s2] =	stream.indirect.scatter.add.f32 [tilespmem:s7], [sflag:$0x4], $0x20, s0, s6, $0xb8;
	[tilespmem:$0x119E0] =	vst v63  }
0x6a: {  	_ =	swait.ge [sflag:s11], $0x3E80  }
0x6b: {  	[sflag:s11] =	ssyncset.done $0x0  }
0x6c: {  	s0 =	rddreg [dreg:$0x13];
	[sflag:s11] =	ssyncadd.s32 $0xFFFFC180  }
0x6d: {  	[tilespmem:s8], [sflag:$0x1] =	stream.indirect.gather [hbm4b:s3+s6], $0x20, s0, s6, $0xb8;
	[tilespmem:$0x119E0] =	vst v63  }
0x6e: {  	_ =	swait.ge [sflag:s9], $0x3E80  }
0x6f: {  	[sflag:s9] =	ssyncset.done $0x0  }
0x70: {  	s0 =	rddreg [dreg:$0x14];
	[sflag:s9] =	ssyncadd.s32 $0xFFFFC180  }
0x71: {  	[tilespmem:s7], [sflag:$0x2] =	stream.indirect.gather [hbm4b:s3+s6], $0x20, s0, s6, $0xb8;
	[tilespmem:$0x119E0] =	vst v63  }
0x72: {  	_ =	swait.ge [sflag:s13], $0x3E80  }
0x73: {  	[sflag:s13] =	ssyncset.done $0x0  }
0x74: {  	s0 =	rddreg [dreg:$0x15];
	[sflag:s13] =	ssyncadd.s32 $0xFFFFC180  }
0x75: {  	[spmem:s2] =	stream.indirect.scatter.add.f32 [tilespmem:s8], [sflag:$0x3], $0x20, s0, s6, $0xb8;
	[tilespmem:$0x119E0] =	vst v63  }
0x76: {  	_ =	swait.ge [sflag:s12], $0x3E80  }
0x77: {  	[sflag:s12] =	ssyncset.done $0x0  }
0x78: {  	s0 =	rddreg [dreg:$0x16];
	[sflag:s12] =	ssyncadd.s32 $0xFFFFC180  }
0x79: {  	[spmem:s2] =	stream.indirect.scatter.add.f32 [tilespmem:s7], [sflag:$0x4], $0x20, s0, s6, $0xb8;
	[tilespmem:$0x119E0] =	vst v63  }
0x7a: {  	_ =	swait.ge [sflag:s11], $0x3E80  }
0x7b: {  	[sflag:s11] =	ssyncset.done $0x0  }
0x7c: {  	s0 =	rddreg [dreg:$0x17];
	[sflag:s11] =	ssyncadd.s32 $0xFFFFC180  }
0x7d: {  	[tilespmem:s8], [sflag:$0x1] =	stream.indirect.gather [hbm4b:s3+s6], $0x20, s0, s6, $0xb8;
	[tilespmem:$0x119E0] =	vst v63  }
0x7e: {  	_ =	swait.ge [sflag:s9], $0x3E80  }
0x7f: {  	[sflag:s9] =	ssyncset.done $0x0  }
0x80: {  	s0 =	rddreg [dreg:$0x18];
	[sflag:s9] =	ssyncadd.s32 $0xFFFFC180  }
0x81: {  	[tilespmem:s7], [sflag:$0x2] =	stream.indirect.gather [hbm4b:s3+s6], $0x20, s0, s6, $0xb8;
	[tilespmem:$0x119E0] =	vst v63  }
0x82: {  	_ =	swait.ge [sflag:s13], $0x3E80  }
0x83: {  	[sflag:s13] =	ssyncset.done $0x0  }
0x84: {  	s0 =	rddreg [dreg:$0x19];
	[sflag:s13] =	ssyncadd.s32 $0xFFFFC180  }
0x85: {  	[spmem:s2] =	stream.indirect.scatter.add.f32 [tilespmem:s8], [sflag:$0x3], $0x20, s0, s6, $0xb8;
	[tilespmem:$0x119E0] =	vst v63  }
0x86: {  	_ =	swait.ge [sflag:s12], $0x3E80  }
0x87: {  	[sflag:s12] =	ssyncset.done $0x0  }
0x88: {  	s0 =	rddreg [dreg:$0x1a];
	[sflag:s12] =	ssyncadd.s32 $0xFFFFC180  }
0x89: {  	[spmem:s2] =	stream.indirect.scatter.add.f32 [tilespmem:s7], [sflag:$0x4], $0x20, s0, s6, $0xb8;
	[tilespmem:$0x119E0] =	vst v63  }
0x8a: {  	_ =	swait.ge [sflag:s11], $0x3E80  }
0x8b: {  	[sflag:s11] =	ssyncset.done $0x0  }
0x8c: {  	s0 =	rddreg [dreg:$0x1b];
	[sflag:s11] =	ssyncadd.s32 $0xFFFFC180  }
0x8d: {  	[tilespmem:s8], [sflag:$0x1] =	stream.indirect.gather [hbm4b:s3+s6], $0x20, s0, s6, $0xb8;
	[tilespmem:$0x119E0] =	vst v63  }
0x8e: {  	_ =	swait.ge [sflag:s9], $0x3E80  }
0x8f: {  	[sflag:s9] =	ssyncset.done $0x0  }
0x90: {  	s0 =	rddreg [dreg:$0x1c];
	[sflag:s9] =	ssyncadd.s32 $0xFFFFC180  }
0x91: {  	[tilespmem:s7], [sflag:$0x2] =	stream.indirect.gather [hbm4b:s3+s6], $0x20, s0, s6, $0xb8;
	[tilespmem:$0x119E0] =	vst v63  }
0x92: {  	_ =	swait.ge [sflag:s13], $0x3E80  }
0x93: {  	[sflag:s13] =	ssyncset.done $0x0  }
0x94: {  	s0 =	rddreg [dreg:$0x1d];
	[sflag:s13] =	ssyncadd.s32 $0xFFFFC180  }
0x95: {  	[spmem:s2] =	stream.indirect.scatter.add.f32 [tilespmem:s8], [sflag:$0x3], $0x20, s0, s6, $0xb8;
	[tilespmem:$0x119E0] =	vst v63  }
0x96: {  	_ =	swait.ge [sflag:s12], $0x3E80  }
0x97: {  	[sflag:s12] =	ssyncset.done $0x0  }
0x98: {  	s0 =	rddreg [dreg:$0x1e];
	[sflag:s12] =	ssyncadd.s32 $0xFFFFC180  }
0x99: {  	[spmem:s2] =	stream.indirect.scatter.add.f32 [tilespmem:s7], [sflag:$0x4], $0x20, s0, s6, $0xb8;
	[tilespmem:$0x119E0] =	vst v63  }
0x9a: {  	_ =	swait.ge [sflag:s11], $0x3E80  }
0x9b: {  	[sflag:s11] =	ssyncset.done $0x0  }
0x9c: {  	s0 =	rddreg [dreg:$0x1f];
	[sflag:s11] =	ssyncadd.s32 $0xFFFFC180  }
0x9d: {  	[tilespmem:s8], [sflag:$0x1] =	stream.indirect.gather [hbm4b:s3+s6], $0x20, s0, s6, $0xb8;
	[tilespmem:$0x119E0] =	vst v63  }
0x9e: {  	_ =	swait.ge [sflag:s9], $0x3E80  }
0x9f: {  	s0 =	sld [smem:$0x7F9]  }
0xa0: {  	[sflag:s9] =	ssyncset.done $0x0  }
0xa1: {  	[sflag:s9] =	ssyncadd.s32 $0xFFFFC180  }
0xa2: {  	[tilespmem:s7], [sflag:$0x2] =	stream.indirect.gather [hbm4b:s3+s6], $0x20, s0, s6, $0xb8;
	[tilespmem:$0x119E0] =	vst v63  }
0xa3: {  	_ =	swait.ge [sflag:s13], $0x3E80  }
0xa4: {  	s0 =	sld [smem:$0x7FA]  }
0xa5: {  	[sflag:s13] =	ssyncset.done $0x0  }
0xa6: {  	[sflag:s13] =	ssyncadd.s32 $0xFFFFC180  }
0xa7: {  	[spmem:s2] =	stream.indirect.scatter.add.f32 [tilespmem:s8], [sflag:$0x3], $0x20, s0, s6, $0xb8;
	[tilespmem:$0x119E0] =	vst v63  }
0xa8: {  	_ =	swait.ge [sflag:s12], $0x3E80  }
0xa9: {  	s0 =	sld [smem:$0x7FB]  }
0xaa: {  	[sflag:s12] =	ssyncset.done $0x0  }
0xab: {  	[sflag:s12] =	ssyncadd.s32 $0xFFFFC180  }
0xac: {  	[spmem:s2] =	stream.indirect.scatter.add.f32 [tilespmem:s7], [sflag:$0x4], $0x20, s0, s6, $0xb8;
	[tilespmem:$0x119E0] =	vst v63  }
0xad: {  	_ =	swait.ge [sflag:s11], $0x3E80  }
0xae: {  	s0 =	sld [smem:$0x7FC]  }
0xaf: {  	[sflag:s11] =	ssyncset.done $0x0  }
0xb0: {  	[sflag:s11] =	ssyncadd.s32 $0xFFFFC180  }
0xb1: {  	[tilespmem:s8], [sflag:$0x1] =	stream.indirect.gather [hbm4b:s3+s6], $0x20, s0, s6, $0xb8;
	[tilespmem:$0x119E0] =	vst v63  }
0xb2: {  	_ =	swait.ge [sflag:s9], $0x3E80  }
0xb3: {  	s0 =	sld [smem:$0x7FD]  }
0xb4: {  	[sflag:s9] =	ssyncset.done $0x0  }
0xb5: {  	[sflag:s9] =	ssyncadd.s32 $0xFFFFC180  }
0xb6: {  	[tilespmem:s7], [sflag:$0x2] =	stream.indirect.gather [hbm4b:s3+s6], $0x20, s0, s6, $0xb8;
	[tilespmem:$0x119E0] =	vst v63  }
0xb7: {  	_ =	swait.ge [sflag:s13], $0x3E80  }
0xb8: {  	[sflag:s13] =	ssyncset.done $0x0  }
0xb9: {  	[sflag:s13] =	ssyncadd.s32 $0xFFFFC180  }
0xba: {  	[spmem:s2] =	stream.indirect.scatter.add.f32 [tilespmem:s8], [sflag:$0x3], $0x20, s23, s6, $0xb8;
	[tilespmem:$0x119E0] =	vst v63  }
0xbb: {  	_ =	swait.ge [sflag:s12], $0x3E80  }
0xbc: {  	[sflag:s12] =	ssyncset.done $0x0  }
0xbd: {  	[sflag:s12] =	ssyncadd.s32 $0xFFFFC180  }
0xbe: {  	[spmem:s2] =	stream.indirect.scatter.add.f32 [tilespmem:s7], [sflag:$0x4], $0x20, s22, s6, $0xb8;
	[tilespmem:$0x119E0] =	vst v63  }
0xbf: {  	_ =	swait.ge [sflag:s11], $0x3E80  }
0xc0: {  	[sflag:s11] =	ssyncset.done $0x0  }
0xc1: {  	[sflag:s11] =	ssyncadd.s32 $0xFFFFC180  }
0xc2: {  	[tilespmem:s8], [sflag:$0x1] =	stream.indirect.gather [hbm4b:s3+s6], $0x20, s21, s6, $0xb8;
	[tilespmem:$0x119E0] =	vst v63  }
0xc3: {  	_ =	swait.ge [sflag:s9], $0x3E80  }
0xc4: {  	[sflag:s9] =	ssyncset.done $0x0  }
0xc5: {  	[sflag:s9] =	ssyncadd.s32 $0xFFFFC180  }
0xc6: {  	[tilespmem:s7], [sflag:$0x2] =	stream.indirect.gather [hbm4b:s3+s6], $0x20, s20, s6, $0xb8;
	[tilespmem:$0x119E0] =	vst v63  }
0xc7: {  	_ =	swait.ge [sflag:s13], $0x3E80  }
0xc8: {  	[sflag:s13] =	ssyncset.done $0x0  }
0xc9: {  	[sflag:s13] =	ssyncadd.s32 $0xFFFFC180  }
0xca: {  	[spmem:s2] =	stream.indirect.scatter.add.f32 [tilespmem:s8], [sflag:$0x3], $0x20, s19, s6, $0xb8;
	[tilespmem:$0x119E0] =	vst v63  }
0xcb: {  	_ =	swait.ge [sflag:s12], $0x3E80  }
0xcc: {  	[sflag:s12] =	ssyncset.done $0x0  }
0xcd: {  	[sflag:s12] =	ssyncadd.s32 $0xFFFFC180  }
0xce: {  	[spmem:s2] =	stream.indirect.scatter.add.f32 [tilespmem:s7], [sflag:$0x4], $0x20, s18, s6, $0xb8;
	[tilespmem:$0x119E0] =	vst v63  }
0xcf: {  	_ =	swait.ge [sflag:s11], $0x3E80  }
0xd0: {  	[sflag:s11] =	ssyncset.done $0x0  }
0xd1: {  	[sflag:s11] =	ssyncadd.s32 $0xFFFFC180  }
0xd2: {  	[tilespmem:s8], [sflag:$0x1] =	stream.indirect.gather [hbm4b:s3+s6], $0x20, s16, s6, $0xb8;
	[tilespmem:$0x119E0] =	vst v63  }
0xd3: {  	_ =	swait.ge [sflag:s9], $0x3E80  }
0xd4: {  	[sflag:s9] =	ssyncset.done $0x0  }
0xd5: {  	[sflag:s9] =	ssyncadd.s32 $0xFFFFC180  }
0xd6: {  	[tilespmem:s7], [sflag:$0x2] =	stream.indirect.gather [hbm4b:s3+s6], $0x20, s17, s6, $0xb8;
	[tilespmem:$0x119E0] =	vst v63  }
0xd7: {  	_ =	swait.ge [sflag:s13], $0x3E80  }
0xd8: {  	[sflag:s13] =	ssyncset.done $0x0  }
0xd9: {  	[sflag:s13] =	ssyncadd.s32 $0xFFFFC180  }
0xda: {  	[spmem:s2] =	stream.indirect.scatter.add.f32 [tilespmem:s8], [sflag:$0x3], $0x20, s15, s6, $0xb8;
	[tilespmem:$0x119E0] =	vst v63  }
0xdb: {  	_ =	swait.ge [sflag:s12], $0x3E80  }
0xdc: {  	[sflag:s12] =	ssyncset.done $0x0  }
0xdd: {  	[sflag:s12] =	ssyncadd.s32 $0xFFFFC180  }
0xde: {  	[spmem:s2] =	stream.indirect.scatter.add.f32 [tilespmem:s7], [sflag:$0x4], $0x20, s14, s6, $0xb8;
	[tilespmem:$0x119E0] =	vst v63  }
0xdf: {  	_ =	swait.ge [sflag:s11], $0x3E80  }
0xe0: {  	[sflag:s11] =	ssyncset.done $0x0  }
0xe1: {  	[sflag:s11] =	ssyncadd.s32 $0xFFFFC180  }
0xe2: {  	_ =	swait.ge [sflag:s9], $0x3E80  }
0xe3: {  	[sflag:s9] =	ssyncset.done $0x0  }
0xe4: {  	[sflag:s9] =	ssyncadd.s32 $0xFFFFC180  }
0xe5: {  	[bflag:$0x0] =	sbarrier.arrive $0xFFFF  }
0xe6: {  	s1 =	sadd.s32 $0xFFFFFFFF, s1;
	s0 =	rddreg [dreg:$0x7]  }
0xe7: {  	[hbm:s0], [sflag:s29] =	dma.local @p0 [spmem:s4], $0x640  }
0xe8: {  	p2 =	sne.s32 s1, $0x0;
	_ =	swait.ge @p0 [sflag:s31], $0x640  }
.Ltmp1:
0xe9: {  	[sflag:s31] =	ssyncset.done @p0 $0x0;
	(pc) =	sbr.rel @!p2 .LBB2_3-.Ltmp1, $4  }
0xea: {  	s0 =	rddreg [dreg:$0x6];
	[sflag:s31] =	ssyncadd.s32 @p0 $0xFFFFF9C0  }
0xeb: {  	[hbm:s0], [sflag:s5] =	dma.local @!p0 [spmem:s10], $0xA00  }
0xec: {  	_ =	swait.ge @!p0 [sflag:s30], $0xA00  }
0xed: {  	p1 =	por $0x1, $0x1;
	s0 =	rddreg [dreg:$0x4];
	[sflag:s30] =	ssyncset.done @!p0 $0x0  }
.LBB2_4:
0xee: {  	[sflag:s30] =	ssyncadd.s32 @!p0 $0xFFFFF600  }
0xef: {  	[tilespmem:s24], [sflag:$0x5] =	stream.linear.gather [hbm4b:s0+s24], $0x2760, $0x38;
	[tilespmem:$0x119E0] =	vst v63  }
0xf0: {  	_ =	swait.ge [sflag:s28], $0x2760  }
0xf1: {  	[sflag:s28] =	ssyncset.done $0x0  }
0xf2: {  	s0 =	rddreg [dreg:$0x5];
	[sflag:s28] =	ssyncadd.s32 $0xFFFFD8A0  }
0xf3: {  	[tilespmem:s26], [sflag:$0x5] =	stream.linear.gather [hbm4b:s0+s24], $0x2760, $0x38;
	[tilespmem:$0x119E0] =	vst v63  }
0xf4: {  	_ =	swait.ge [sflag:s28], $0x2760  }
0xf5: {  	[sflag:s28] =	ssyncset.done $0x0  }
0xf6: {  	[sflag:s28] =	ssyncadd.s32 $0xFFFFD8A0  }
0xf7: {  	[spmem:s4], [sflag:s29] =	dma.local @p0 [hbm:s25], $0x640  }
0xf8: {  	_ =	swait.ge @p0 [sflag:s31], $0x640  }
0xf9: {  	[sflag:s31] =	ssyncset.done @p0 $0x0  }
0xfa: {  	s0 =	rddreg [dreg:$0x8];
	[sflag:s31] =	ssyncadd.s32 @p0 $0xFFFFF9C0  }
0xfb: {  	[spmem:s0], [sflag:s5] =	dma.local @!p0 [hbm:s25], $0xA00  }
0xfc: {  	_ =	swait.ge @!p0 [sflag:s30], $0xA00  }
0xfd: {  	[sflag:s30] =	ssyncset.done @!p0 $0x0  }
0xfe: {  	[sflag:s30] =	ssyncadd.s32 @!p0 $0xFFFFF600  }
0xff: {  	[bflag:$0x0] =	sbarrier.arrive $0xFFFF  }
0x100: {  	[tilespmem:s8], [sflag:$0x1] =	stream.indirect.gather [hbm4b:s3+s6], $0x20, s24, s6, $0xb8;
	[tilespmem:$0x119E0] =	vst v63  }
0x101: {  	s0 =	rddreg [dreg:$0x9]  }
0x102: {  	[tilespmem:s7], [sflag:$0x2] =	stream.indirect.gather [hbm4b:s3+s6], $0x20, s0, s6, $0xb8;
	[tilespmem:$0x119E0] =	vst v63  }
0x103: {  	_ =	swait.ge [sflag:s13], $0x3E80  }
0x104: {  	[sflag:s13] =	ssyncset.done $0x0  }
0x105: {  	[sflag:s13] =	ssyncadd.s32 $0xFFFFC180  }
0x106: {  	[spmem:s2] =	stream.indirect.scatter.add.f32 [tilespmem:s8], [sflag:$0x3], $0x20, s26, s6, $0xb8;
	[tilespmem:$0x119E0] =	vst v63  }
0x107: {  	_ =	swait.ge [sflag:s12], $0x3E80  }
0x108: {  	[sflag:s12] =	ssyncset.done $0x0  }
0x109: {  	s0 =	rddreg [dreg:$0xa];
	[sflag:s12] =	ssyncadd.s32 $0xFFFFC180  }
0x10a: {  	[spmem:s2] =	stream.indirect.scatter.add.f32 [tilespmem:s7], [sflag:$0x4], $0x20, s0, s6, $0xb8;
	[tilespmem:$0x119E0] =	vst v63  }
0x10b: {  	_ =	swait.ge [sflag:s11], $0x3E80  }
0x10c: {  	[sflag:s11] =	ssyncset.done $0x0  }
0x10d: {  	s0 =	rddreg [dreg:$0xb];
	[sflag:s11] =	ssyncadd.s32 $0xFFFFC180  }
0x10e: {  	[tilespmem:s8], [sflag:$0x1] =	stream.indirect.gather [hbm4b:s3+s6], $0x20, s0, s6, $0xb8;
	[tilespmem:$0x119E0] =	vst v63  }
0x10f: {  	_ =	swait.ge [sflag:s9], $0x3E80  }
0x110: {  	[sflag:s9] =	ssyncset.done $0x0  }
0x111: {  	s0 =	rddreg [dreg:$0xc];
	[sflag:s9] =	ssyncadd.s32 $0xFFFFC180  }
0x112: {  	[tilespmem:s7], [sflag:$0x2] =	stream.indirect.gather [hbm4b:s3+s6], $0x20, s0, s6, $0xb8;
	[tilespmem:$0x119E0] =	vst v63  }
0x113: {  	_ =	swait.ge [sflag:s13], $0x3E80  }
0x114: {  	[sflag:s13] =	ssyncset.done $0x0  }
0x115: {  	s0 =	rddreg [dreg:$0xd];
	[sflag:s13] =	ssyncadd.s32 $0xFFFFC180  }
0x116: {  	[spmem:s2] =	stream.indirect.scatter.add.f32 [tilespmem:s8], [sflag:$0x3], $0x20, s0, s6, $0xb8;
	[tilespmem:$0x119E0] =	vst v63  }
0x117: {  	_ =	swait.ge [sflag:s12], $0x3E80  }
0x118: {  	[sflag:s12] =	ssyncset.done $0x0  }
0x119: {  	s0 =	rddreg [dreg:$0xe];
	[sflag:s12] =	ssyncadd.s32 $0xFFFFC180  }
0x11a: {  	[spmem:s2] =	stream.indirect.scatter.add.f32 [tilespmem:s7], [sflag:$0x4], $0x20, s0, s6, $0xb8;
	[tilespmem:$0x119E0] =	vst v63  }
0x11b: {  	_ =	swait.ge [sflag:s11], $0x3E80  }
0x11c: {  	[sflag:s11] =	ssyncset.done $0x0  }
0x11d: {  	s0 =	rddreg [dreg:$0xf];
	[sflag:s11] =	ssyncadd.s32 $0xFFFFC180  }
0x11e: {  	[tilespmem:s8], [sflag:$0x1] =	stream.indirect.gather [hbm4b:s3+s6], $0x20, s0, s6, $0xb8;
	[tilespmem:$0x119E0] =	vst v63  }
0x11f: {  	_ =	swait.ge [sflag:s9], $0x3E80  }
0x120: {  	[sflag:s9] =	ssyncset.done $0x0  }
0x121: {  	s0 =	rddreg [dreg:$0x10];
	[sflag:s9] =	ssyncadd.s32 $0xFFFFC180  }
0x122: {  	[tilespmem:s7], [sflag:$0x2] =	stream.indirect.gather [hbm4b:s3+s6], $0x20, s0, s6, $0xb8;
	[tilespmem:$0x119E0] =	vst v63  }
0x123: {  	_ =	swait.ge [sflag:s13], $0x3E80  }
0x124: {  	[sflag:s13] =	ssyncset.done $0x0  }
0x125: {  	s0 =	rddreg [dreg:$0x11];
	[sflag:s13] =	ssyncadd.s32 $0xFFFFC180  }
0x126: {  	[spmem:s2] =	stream.indirect.scatter.add.f32 [tilespmem:s8], [sflag:$0x3], $0x20, s0, s6, $0xb8;
	[tilespmem:$0x119E0] =	vst v63  }
0x127: {  	_ =	swait.ge [sflag:s12], $0x3E80  }
0x128: {  	[sflag:s12] =	ssyncset.done $0x0  }
0x129: {  	s0 =	rddreg [dreg:$0x12];
	[sflag:s12] =	ssyncadd.s32 $0xFFFFC180  }
0x12a: {  	[spmem:s2] =	stream.indirect.scatter.add.f32 [tilespmem:s7], [sflag:$0x4], $0x20, s0, s6, $0xb8;
	[tilespmem:$0x119E0] =	vst v63  }
0x12b: {  	_ =	swait.ge [sflag:s11], $0x3E80  }
0x12c: {  	[sflag:s11] =	ssyncset.done $0x0  }
0x12d: {  	s0 =	rddreg [dreg:$0x13];
	[sflag:s11] =	ssyncadd.s32 $0xFFFFC180  }
0x12e: {  	[tilespmem:s8], [sflag:$0x1] =	stream.indirect.gather [hbm4b:s3+s6], $0x20, s0, s6, $0xb8;
	[tilespmem:$0x119E0] =	vst v63  }
0x12f: {  	_ =	swait.ge [sflag:s9], $0x3E80  }
0x130: {  	[sflag:s9] =	ssyncset.done $0x0  }
0x131: {  	s0 =	rddreg [dreg:$0x14];
	[sflag:s9] =	ssyncadd.s32 $0xFFFFC180  }
0x132: {  	[tilespmem:s7], [sflag:$0x2] =	stream.indirect.gather [hbm4b:s3+s6], $0x20, s0, s6, $0xb8;
	[tilespmem:$0x119E0] =	vst v63  }
0x133: {  	_ =	swait.ge [sflag:s13], $0x3E80  }
0x134: {  	[sflag:s13] =	ssyncset.done $0x0  }
0x135: {  	s0 =	rddreg [dreg:$0x15];
	[sflag:s13] =	ssyncadd.s32 $0xFFFFC180  }
0x136: {  	[spmem:s2] =	stream.indirect.scatter.add.f32 [tilespmem:s8], [sflag:$0x3], $0x20, s0, s6, $0xb8;
	[tilespmem:$0x119E0] =	vst v63  }
0x137: {  	_ =	swait.ge [sflag:s12], $0x3E80  }
0x138: {  	[sflag:s12] =	ssyncset.done $0x0  }
0x139: {  	s0 =	rddreg [dreg:$0x16];
	[sflag:s12] =	ssyncadd.s32 $0xFFFFC180  }
0x13a: {  	[spmem:s2] =	stream.indirect.scatter.add.f32 [tilespmem:s7], [sflag:$0x4], $0x20, s0, s6, $0xb8;
	[tilespmem:$0x119E0] =	vst v63  }
0x13b: {  	_ =	swait.ge [sflag:s11], $0x3E80  }
0x13c: {  	[sflag:s11] =	ssyncset.done $0x0  }
0x13d: {  	s0 =	rddreg [dreg:$0x17];
	[sflag:s11] =	ssyncadd.s32 $0xFFFFC180  }
0x13e: {  	[tilespmem:s8], [sflag:$0x1] =	stream.indirect.gather [hbm4b:s3+s6], $0x20, s0, s6, $0xb8;
	[tilespmem:$0x119E0] =	vst v63  }
0x13f: {  	_ =	swait.ge [sflag:s9], $0x3E80  }
0x140: {  	[sflag:s9] =	ssyncset.done $0x0  }
0x141: {  	s0 =	rddreg [dreg:$0x18];
	[sflag:s9] =	ssyncadd.s32 $0xFFFFC180  }
0x142: {  	[tilespmem:s7], [sflag:$0x2] =	stream.indirect.gather [hbm4b:s3+s6], $0x20, s0, s6, $0xb8;
	[tilespmem:$0x119E0] =	vst v63  }
0x143: {  	_ =	swait.ge [sflag:s13], $0x3E80  }
0x144: {  	[sflag:s13] =	ssyncset.done $0x0  }
0x145: {  	s0 =	rddreg [dreg:$0x19];
	[sflag:s13] =	ssyncadd.s32 $0xFFFFC180  }
0x146: {  	[spmem:s2] =	stream.indirect.scatter.add.f32 [tilespmem:s8], [sflag:$0x3], $0x20, s0, s6, $0xb8;
	[tilespmem:$0x119E0] =	vst v63  }
0x147: {  	_ =	swait.ge [sflag:s12], $0x3E80  }
0x148: {  	[sflag:s12] =	ssyncset.done $0x0  }
0x149: {  	s0 =	rddreg [dreg:$0x1a];
	[sflag:s12] =	ssyncadd.s32 $0xFFFFC180  }
0x14a: {  	[spmem:s2] =	stream.indirect.scatter.add.f32 [tilespmem:s7], [sflag:$0x4], $0x20, s0, s6, $0xb8;
	[tilespmem:$0x119E0] =	vst v63  }
0x14b: {  	_ =	swait.ge [sflag:s11], $0x3E80  }
0x14c: {  	[sflag:s11] =	ssyncset.done $0x0  }
0x14d: {  	s0 =	rddreg [dreg:$0x1b];
	[sflag:s11] =	ssyncadd.s32 $0xFFFFC180  }
0x14e: {  	[tilespmem:s8], [sflag:$0x1] =	stream.indirect.gather [hbm4b:s3+s6], $0x20, s0, s6, $0xb8;
	[tilespmem:$0x119E0] =	vst v63  }
0x14f: {  	_ =	swait.ge [sflag:s9], $0x3E80  }
0x150: {  	[sflag:s9] =	ssyncset.done $0x0  }
0x151: {  	s0 =	rddreg [dreg:$0x1c];
	[sflag:s9] =	ssyncadd.s32 $0xFFFFC180  }
0x152: {  	[tilespmem:s7], [sflag:$0x2] =	stream.indirect.gather [hbm4b:s3+s6], $0x20, s0, s6, $0xb8;
	[tilespmem:$0x119E0] =	vst v63  }
0x153: {  	_ =	swait.ge [sflag:s13], $0x3E80  }
0x154: {  	[sflag:s13] =	ssyncset.done $0x0  }
0x155: {  	s0 =	rddreg [dreg:$0x1d];
	[sflag:s13] =	ssyncadd.s32 $0xFFFFC180  }
0x156: {  	[spmem:s2] =	stream.indirect.scatter.add.f32 [tilespmem:s8], [sflag:$0x3], $0x20, s0, s6, $0xb8;
	[tilespmem:$0x119E0] =	vst v63  }
0x157: {  	_ =	swait.ge [sflag:s12], $0x3E80  }
0x158: {  	[sflag:s12] =	ssyncset.done $0x0  }
0x159: {  	s0 =	rddreg [dreg:$0x1e];
	[sflag:s12] =	ssyncadd.s32 $0xFFFFC180  }
0x15a: {  	[spmem:s2] =	stream.indirect.scatter.add.f32 [tilespmem:s7], [sflag:$0x4], $0x20, s0, s6, $0xb8;
	[tilespmem:$0x119E0] =	vst v63  }
0x15b: {  	_ =	swait.ge [sflag:s11], $0x3E80  }
0x15c: {  	[sflag:s11] =	ssyncset.done $0x0  }
0x15d: {  	s0 =	rddreg [dreg:$0x1f];
	[sflag:s11] =	ssyncadd.s32 $0xFFFFC180  }
0x15e: {  	[tilespmem:s8], [sflag:$0x1] =	stream.indirect.gather [hbm4b:s3+s6], $0x20, s0, s6, $0xb8;
	[tilespmem:$0x119E0] =	vst v63  }
0x15f: {  	_ =	swait.ge [sflag:s9], $0x3E80  }
0x160: {  	s0 =	sld [smem:$0x7F9]  }
0x161: {  	[sflag:s9] =	ssyncset.done $0x0  }
0x162: {  	[sflag:s9] =	ssyncadd.s32 $0xFFFFC180  }
0x163: {  	[tilespmem:s7], [sflag:$0x2] =	stream.indirect.gather [hbm4b:s3+s6], $0x20, s0, s6, $0xb8;
	[tilespmem:$0x119E0] =	vst v63  }
0x164: {  	_ =	swait.ge [sflag:s13], $0x3E80  }
0x165: {  	s0 =	sld [smem:$0x7FA]  }
0x166: {  	[sflag:s13] =	ssyncset.done $0x0  }
0x167: {  	[sflag:s13] =	ssyncadd.s32 $0xFFFFC180  }
0x168: {  	[spmem:s2] =	stream.indirect.scatter.add.f32 [tilespmem:s8], [sflag:$0x3], $0x20, s0, s6, $0xb8;
	[tilespmem:$0x119E0] =	vst v63  }
0x169: {  	_ =	swait.ge [sflag:s12], $0x3E80  }
0x16a: {  	s0 =	sld [smem:$0x7FB]  }
0x16b: {  	[sflag:s12] =	ssyncset.done $0x0  }
0x16c: {  	[sflag:s12] =	ssyncadd.s32 $0xFFFFC180  }
0x16d: {  	[spmem:s2] =	stream.indirect.scatter.add.f32 [tilespmem:s7], [sflag:$0x4], $0x20, s0, s6, $0xb8;
	[tilespmem:$0x119E0] =	vst v63  }
0x16e: {  	_ =	swait.ge [sflag:s11], $0x3E80  }
0x16f: {  	s0 =	sld [smem:$0x7FC]  }
0x170: {  	[sflag:s11] =	ssyncset.done $0x0  }
0x171: {  	[sflag:s11] =	ssyncadd.s32 $0xFFFFC180  }
0x172: {  	[tilespmem:s8], [sflag:$0x1] =	stream.indirect.gather [hbm4b:s3+s6], $0x20, s0, s6, $0xb8;
	[tilespmem:$0x119E0] =	vst v63  }
0x173: {  	_ =	swait.ge [sflag:s9], $0x3E80  }
0x174: {  	s0 =	sld [smem:$0x7FD]  }
0x175: {  	[sflag:s9] =	ssyncset.done $0x0  }
0x176: {  	[sflag:s9] =	ssyncadd.s32 $0xFFFFC180  }
0x177: {  	[tilespmem:s7], [sflag:$0x2] =	stream.indirect.gather [hbm4b:s3+s6], $0x20, s0, s6, $0xb8;
	[tilespmem:$0x119E0] =	vst v63  }
0x178: {  	_ =	swait.ge [sflag:s13], $0x3E80  }
0x179: {  	[sflag:s13] =	ssyncset.done $0x0  }
0x17a: {  	[sflag:s13] =	ssyncadd.s32 $0xFFFFC180  }
0x17b: {  	[spmem:s2] =	stream.indirect.scatter.add.f32 [tilespmem:s8], [sflag:$0x3], $0x20, s23, s6, $0xb8;
	[tilespmem:$0x119E0] =	vst v63  }
0x17c: {  	_ =	swait.ge [sflag:s12], $0x3E80  }
0x17d: {  	[sflag:s12] =	ssyncset.done $0x0  }
0x17e: {  	[sflag:s12] =	ssyncadd.s32 $0xFFFFC180  }
0x17f: {  	[spmem:s2] =	stream.indirect.scatter.add.f32 [tilespmem:s7], [sflag:$0x4], $0x20, s22, s6, $0xb8;
	[tilespmem:$0x119E0] =	vst v63  }
0x180: {  	_ =	swait.ge [sflag:s11], $0x3E80  }
0x181: {  	[sflag:s11] =	ssyncset.done $0x0  }
0x182: {  	[sflag:s11] =	ssyncadd.s32 $0xFFFFC180  }
0x183: {  	[tilespmem:s8], [sflag:$0x1] =	stream.indirect.gather [hbm4b:s3+s6], $0x20, s21, s6, $0xb8;
	[tilespmem:$0x119E0] =	vst v63  }
0x184: {  	_ =	swait.ge [sflag:s9], $0x3E80  }
0x185: {  	[sflag:s9] =	ssyncset.done $0x0  }
0x186: {  	[sflag:s9] =	ssyncadd.s32 $0xFFFFC180  }
0x187: {  	[tilespmem:s7], [sflag:$0x2] =	stream.indirect.gather [hbm4b:s3+s6], $0x20, s20, s6, $0xb8;
	[tilespmem:$0x119E0] =	vst v63  }
0x188: {  	_ =	swait.ge [sflag:s13], $0x3E80  }
0x189: {  	[sflag:s13] =	ssyncset.done $0x0  }
0x18a: {  	[sflag:s13] =	ssyncadd.s32 $0xFFFFC180  }
0x18b: {  	[spmem:s2] =	stream.indirect.scatter.add.f32 [tilespmem:s8], [sflag:$0x3], $0x20, s19, s6, $0xb8;
	[tilespmem:$0x119E0] =	vst v63  }
0x18c: {  	_ =	swait.ge [sflag:s12], $0x3E80  }
0x18d: {  	[sflag:s12] =	ssyncset.done $0x0  }
0x18e: {  	[sflag:s12] =	ssyncadd.s32 $0xFFFFC180  }
0x18f: {  	[spmem:s2] =	stream.indirect.scatter.add.f32 [tilespmem:s7], [sflag:$0x4], $0x20, s18, s6, $0xb8;
	[tilespmem:$0x119E0] =	vst v63  }
0x190: {  	_ =	swait.ge [sflag:s11], $0x3E80  }
0x191: {  	[sflag:s11] =	ssyncset.done $0x0  }
0x192: {  	[sflag:s11] =	ssyncadd.s32 $0xFFFFC180  }
0x193: {  	[tilespmem:s8], [sflag:$0x1] =	stream.indirect.gather [hbm4b:s3+s6], $0x20, s16, s6, $0xb8;
	[tilespmem:$0x119E0] =	vst v63  }
0x194: {  	_ =	swait.ge [sflag:s9], $0x3E80  }
0x195: {  	[sflag:s9] =	ssyncset.done $0x0  }
0x196: {  	[sflag:s9] =	ssyncadd.s32 $0xFFFFC180  }
0x197: {  	[tilespmem:s7], [sflag:$0x2] =	stream.indirect.gather [hbm4b:s3+s6], $0x20, s17, s6, $0xb8;
	[tilespmem:$0x119E0] =	vst v63  }
0x198: {  	_ =	swait.ge [sflag:s13], $0x3E80  }
0x199: {  	[sflag:s13] =	ssyncset.done $0x0  }
0x19a: {  	[sflag:s13] =	ssyncadd.s32 $0xFFFFC180  }
0x19b: {  	[spmem:s2] =	stream.indirect.scatter.add.f32 [tilespmem:s8], [sflag:$0x3], $0x20, s15, s6, $0xb8;
	[tilespmem:$0x119E0] =	vst v63  }
0x19c: {  	_ =	swait.ge [sflag:s12], $0x3E80  }
0x19d: {  	[sflag:s12] =	ssyncset.done $0x0  }
0x19e: {  	[sflag:s12] =	ssyncadd.s32 $0xFFFFC180  }
0x19f: {  	[spmem:s2] =	stream.indirect.scatter.add.f32 [tilespmem:s7], [sflag:$0x4], $0x20, s14, s6, $0xb8;
	[tilespmem:$0x119E0] =	vst v63  }
0x1a0: {  	_ =	swait.ge [sflag:s11], $0x3E80  }
0x1a1: {  	[sflag:s11] =	ssyncset.done $0x0  }
0x1a2: {  	[sflag:s11] =	ssyncadd.s32 $0xFFFFC180  }
0x1a3: {  	_ =	swait.ge [sflag:s9], $0x3E80  }
0x1a4: {  	[sflag:s9] =	ssyncset.done $0x0  }
0x1a5: {  	[sflag:s9] =	ssyncadd.s32 $0xFFFFC180  }
0x1a6: {  	[bflag:$0x0] =	sbarrier.arrive $0xFFFF  }
0x1a7: {  	s1 =	sadd.s32 $0xFFFFFFFF, s1;
	s0 =	rddreg [dreg:$0x7]  }
0x1a8: {  	[hbm:s0], [sflag:s29] =	dma.local @p0 [spmem:s4], $0x640  }
0x1a9: {  	p2 =	sne.s32 s1, $0x0;
	_ =	swait.ge @p0 [sflag:s31], $0x640  }
.Ltmp2:
0x1aa: {  	[sflag:s31] =	ssyncset.done @p0 $0x0;
	(pc) =	sbr.rel @p2 .LBB2_4-.Ltmp2, $4  }
0x1ab: {  	s0 =	rddreg [dreg:$0x6];
	[sflag:s31] =	ssyncadd.s32 @p0 $0xFFFFF9C0  }
0x1ac: {  	[hbm:s0], [sflag:s5] =	dma.local @!p0 [spmem:s10], $0xA00  }
0x1ad: {  	_ =	swait.ge @!p0 [sflag:s30], $0xA00  }
0x1ae: {  	s0 =	rddreg [dreg:$0x4];
	[sflag:s30] =	ssyncset.done @!p0 $0x0  }
0x1af: {  	s29 =	stileid.u32;
	s31 =	rddreg [dreg:$0x3]  }
.LBB2_6:
0x1b0: {  	p1 =	por p0, !p1  }
0x1b1: {  	[sflag:s30] =	ssyncadd.s32 @!p1 $0xFFFFF600  }
0x1b2: {  	[tilespmem:s24], [sflag:$0x5] =	stream.linear.gather [hbm4b:s0+s24], $0x2760, $0x38;
	[tilespmem:$0x119E0] =	vst v63  }
0x1b3: {  	_ =	swait.ge [sflag:s28], $0x2760  }
0x1b4: {  	[sflag:s28] =	ssyncset.done $0x0  }
0x1b5: {  	s1 =	rddreg [dreg:$0x5];
	[sflag:s28] =	ssyncadd.s32 $0xFFFFD8A0  }
0x1b6: {  	[tilespmem:s26], [sflag:$0x5] =	stream.linear.gather [hbm4b:s1+s24], $0x2760, $0x38;
	[tilespmem:$0x119E0] =	vst v63  }
0x1b7: {  	_ =	swait.ge [sflag:s28], $0x2760  }
0x1b8: {  	[sflag:s28] =	ssyncset.done $0x0  }
0x1b9: {  	s1 =	simm.s32 @p0 $0x5;
	[sflag:s28] =	ssyncadd.s32 $0xFFFFD8A0;
	s28 =	simm.s32 @p0 $0x1FC5  }
0x1ba: {  	[spmem:s4], [sflag:s28] =	dma.local @p0 [hbm:s25], $0x640  }
0x1bb: {  	_ =	swait.ge @p0 [sflag:s1], $0x640  }
0x1bc: {  	[sflag:s1] =	ssyncset.done @p0 $0x0  }
0x1bd: {  	s0 =	rddreg [dreg:$0x8];
	[sflag:s1] =	ssyncadd.s32 @p0 $0xFFFFF9C0  }
0x1be: {  	[spmem:s0], [sflag:s5] =	dma.local @!p0 [hbm:s25], $0xA00  }
0x1bf: {  	s25 =	simm.s32 @!p0 $0x5  }
0x1c0: {  	_ =	swait.ge @!p0 [sflag:s25], $0xA00  }
0x1c1: {  	[sflag:s25] =	ssyncset.done @!p0 $0x0  }
0x1c2: {  	[sflag:s25] =	ssyncadd.s32 @!p0 $0xFFFFF600  }
0x1c3: {  	[bflag:$0x0] =	sbarrier.arrive $0xFFFF  }
0x1c4: {  	[tilespmem:s8], [sflag:$0x1] =	stream.indirect.gather [hbm4b:s3+s6], $0x20, s24, s6, $0xb8;
	[tilespmem:$0x119E0] =	vst v63  }
0x1c5: {  	s30 =	rddreg [dreg:$0x9]  }
0x1c6: {  	[tilespmem:s7], [sflag:$0x2] =	stream.indirect.gather [hbm4b:s3+s6], $0x20, s30, s6, $0xb8;
	[tilespmem:$0x119E0] =	vst v63  }
0x1c7: {  	_ =	swait.ge [sflag:s13], $0x3E80  }
0x1c8: {  	[sflag:s13] =	ssyncset.done $0x0  }
0x1c9: {  	[sflag:s13] =	ssyncadd.s32 $0xFFFFC180  }
0x1ca: {  	[spmem:s2] =	stream.indirect.scatter.add.f32 [tilespmem:s8], [sflag:$0x3], $0x20, s26, s6, $0xb8;
	[tilespmem:$0x119E0] =	vst v63  }
0x1cb: {  	_ =	swait.ge [sflag:s12], $0x3E80  }
0x1cc: {  	[sflag:s12] =	ssyncset.done $0x0  }
0x1cd: {  	s24 =	rddreg [dreg:$0xa];
	[sflag:s12] =	ssyncadd.s32 $0xFFFFC180  }
0x1ce: {  	[spmem:s2] =	stream.indirect.scatter.add.f32 [tilespmem:s7], [sflag:$0x4], $0x20, s24, s6, $0xb8;
	[tilespmem:$0x119E0] =	vst v63  }
0x1cf: {  	_ =	swait.ge [sflag:s11], $0x3E80  }
0x1d0: {  	[sflag:s11] =	ssyncset.done $0x0  }
0x1d1: {  	s26 =	rddreg [dreg:$0xb];
	[sflag:s11] =	ssyncadd.s32 $0xFFFFC180  }
0x1d2: {  	[tilespmem:s8], [sflag:$0x1] =	stream.indirect.gather [hbm4b:s3+s6], $0x20, s26, s6, $0xb8;
	[tilespmem:$0x119E0] =	vst v63  }
0x1d3: {  	_ =	swait.ge [sflag:s9], $0x3E80  }
0x1d4: {  	[sflag:s9] =	ssyncset.done $0x0  }
0x1d5: {  	s30 =	rddreg [dreg:$0xc];
	[sflag:s9] =	ssyncadd.s32 $0xFFFFC180  }
0x1d6: {  	[tilespmem:s7], [sflag:$0x2] =	stream.indirect.gather [hbm4b:s3+s6], $0x20, s30, s6, $0xb8;
	[tilespmem:$0x119E0] =	vst v63  }
0x1d7: {  	_ =	swait.ge [sflag:s13], $0x3E80  }
0x1d8: {  	[sflag:s13] =	ssyncset.done $0x0  }
0x1d9: {  	s24 =	rddreg [dreg:$0xd];
	[sflag:s13] =	ssyncadd.s32 $0xFFFFC180  }
0x1da: {  	[spmem:s2] =	stream.indirect.scatter.add.f32 [tilespmem:s8], [sflag:$0x3], $0x20, s24, s6, $0xb8;
	[tilespmem:$0x119E0] =	vst v63  }
0x1db: {  	_ =	swait.ge [sflag:s12], $0x3E80  }
0x1dc: {  	[sflag:s12] =	ssyncset.done $0x0  }
0x1dd: {  	s26 =	rddreg [dreg:$0xe];
	[sflag:s12] =	ssyncadd.s32 $0xFFFFC180  }
0x1de: {  	[spmem:s2] =	stream.indirect.scatter.add.f32 [tilespmem:s7], [sflag:$0x4], $0x20, s26, s6, $0xb8;
	[tilespmem:$0x119E0] =	vst v63  }
0x1df: {  	_ =	swait.ge [sflag:s11], $0x3E80  }
0x1e0: {  	[sflag:s11] =	ssyncset.done $0x0  }
0x1e1: {  	s30 =	rddreg [dreg:$0xf];
	[sflag:s11] =	ssyncadd.s32 $0xFFFFC180  }
0x1e2: {  	[tilespmem:s8], [sflag:$0x1] =	stream.indirect.gather [hbm4b:s3+s6], $0x20, s30, s6, $0xb8;
	[tilespmem:$0x119E0] =	vst v63  }
0x1e3: {  	_ =	swait.ge [sflag:s9], $0x3E80  }
0x1e4: {  	[sflag:s9] =	ssyncset.done $0x0  }
0x1e5: {  	s24 =	rddreg [dreg:$0x10];
	[sflag:s9] =	ssyncadd.s32 $0xFFFFC180  }
0x1e6: {  	[tilespmem:s7], [sflag:$0x2] =	stream.indirect.gather [hbm4b:s3+s6], $0x20, s24, s6, $0xb8;
	[tilespmem:$0x119E0] =	vst v63  }
0x1e7: {  	_ =	swait.ge [sflag:s13], $0x3E80  }
0x1e8: {  	[sflag:s13] =	ssyncset.done $0x0  }
0x1e9: {  	s26 =	rddreg [dreg:$0x11];
	[sflag:s13] =	ssyncadd.s32 $0xFFFFC180  }
0x1ea: {  	[spmem:s2] =	stream.indirect.scatter.add.f32 [tilespmem:s8], [sflag:$0x3], $0x20, s26, s6, $0xb8;
	[tilespmem:$0x119E0] =	vst v63  }
0x1eb: {  	_ =	swait.ge [sflag:s12], $0x3E80  }
0x1ec: {  	[sflag:s12] =	ssyncset.done $0x0  }
0x1ed: {  	s30 =	rddreg [dreg:$0x12];
	[sflag:s12] =	ssyncadd.s32 $0xFFFFC180  }
0x1ee: {  	[spmem:s2] =	stream.indirect.scatter.add.f32 [tilespmem:s7], [sflag:$0x4], $0x20, s30, s6, $0xb8;
	[tilespmem:$0x119E0] =	vst v63  }
0x1ef: {  	_ =	swait.ge [sflag:s11], $0x3E80  }
0x1f0: {  	[sflag:s11] =	ssyncset.done $0x0  }
0x1f1: {  	s24 =	rddreg [dreg:$0x13];
	[sflag:s11] =	ssyncadd.s32 $0xFFFFC180  }
0x1f2: {  	[tilespmem:s8], [sflag:$0x1] =	stream.indirect.gather [hbm4b:s3+s6], $0x20, s24, s6, $0xb8;
	[tilespmem:$0x119E0] =	vst v63  }
0x1f3: {  	_ =	swait.ge [sflag:s9], $0x3E80  }
0x1f4: {  	[sflag:s9] =	ssyncset.done $0x0  }
0x1f5: {  	s26 =	rddreg [dreg:$0x14];
	[sflag:s9] =	ssyncadd.s32 $0xFFFFC180  }
0x1f6: {  	[tilespmem:s7], [sflag:$0x2] =	stream.indirect.gather [hbm4b:s3+s6], $0x20, s26, s6, $0xb8;
	[tilespmem:$0x119E0] =	vst v63  }
0x1f7: {  	_ =	swait.ge [sflag:s13], $0x3E80  }
0x1f8: {  	[sflag:s13] =	ssyncset.done $0x0  }
0x1f9: {  	s30 =	rddreg [dreg:$0x15];
	[sflag:s13] =	ssyncadd.s32 $0xFFFFC180  }
0x1fa: {  	[spmem:s2] =	stream.indirect.scatter.add.f32 [tilespmem:s8], [sflag:$0x3], $0x20, s30, s6, $0xb8;
	[tilespmem:$0x119E0] =	vst v63  }
0x1fb: {  	_ =	swait.ge [sflag:s12], $0x3E80  }
0x1fc: {  	[sflag:s12] =	ssyncset.done $0x0  }
0x1fd: {  	s24 =	rddreg [dreg:$0x16];
	[sflag:s12] =	ssyncadd.s32 $0xFFFFC180  }
0x1fe: {  	[spmem:s2] =	stream.indirect.scatter.add.f32 [tilespmem:s7], [sflag:$0x4], $0x20, s24, s6, $0xb8;
	[tilespmem:$0x119E0] =	vst v63  }
0x1ff: {  	_ =	swait.ge [sflag:s11], $0x3E80  }
0x200: {  	[sflag:s11] =	ssyncset.done $0x0  }
0x201: {  	s26 =	rddreg [dreg:$0x17];
	[sflag:s11] =	ssyncadd.s32 $0xFFFFC180  }
0x202: {  	[tilespmem:s8], [sflag:$0x1] =	stream.indirect.gather [hbm4b:s3+s6], $0x20, s26, s6, $0xb8;
	[tilespmem:$0x119E0] =	vst v63  }
0x203: {  	_ =	swait.ge [sflag:s9], $0x3E80  }
0x204: {  	[sflag:s9] =	ssyncset.done $0x0  }
0x205: {  	s30 =	rddreg [dreg:$0x18];
	[sflag:s9] =	ssyncadd.s32 $0xFFFFC180  }
0x206: {  	[tilespmem:s7], [sflag:$0x2] =	stream.indirect.gather [hbm4b:s3+s6], $0x20, s30, s6, $0xb8;
	[tilespmem:$0x119E0] =	vst v63  }
0x207: {  	_ =	swait.ge [sflag:s13], $0x3E80  }
0x208: {  	[sflag:s13] =	ssyncset.done $0x0  }
0x209: {  	s24 =	rddreg [dreg:$0x19];
	[sflag:s13] =	ssyncadd.s32 $0xFFFFC180  }
0x20a: {  	[spmem:s2] =	stream.indirect.scatter.add.f32 [tilespmem:s8], [sflag:$0x3], $0x20, s24, s6, $0xb8;
	[tilespmem:$0x119E0] =	vst v63  }
0x20b: {  	_ =	swait.ge [sflag:s12], $0x3E80  }
0x20c: {  	[sflag:s12] =	ssyncset.done $0x0  }
0x20d: {  	s26 =	rddreg [dreg:$0x1a];
	[sflag:s12] =	ssyncadd.s32 $0xFFFFC180  }
0x20e: {  	[spmem:s2] =	stream.indirect.scatter.add.f32 [tilespmem:s7], [sflag:$0x4], $0x20, s26, s6, $0xb8;
	[tilespmem:$0x119E0] =	vst v63  }
0x20f: {  	_ =	swait.ge [sflag:s11], $0x3E80  }
0x210: {  	[sflag:s11] =	ssyncset.done $0x0  }
0x211: {  	s30 =	rddreg [dreg:$0x1b];
	[sflag:s11] =	ssyncadd.s32 $0xFFFFC180  }
0x212: {  	[tilespmem:s8], [sflag:$0x1] =	stream.indirect.gather [hbm4b:s3+s6], $0x20, s30, s6, $0xb8;
	[tilespmem:$0x119E0] =	vst v63  }
0x213: {  	_ =	swait.ge [sflag:s9], $0x3E80  }
0x214: {  	[sflag:s9] =	ssyncset.done $0x0  }
0x215: {  	s24 =	rddreg [dreg:$0x1c];
	[sflag:s9] =	ssyncadd.s32 $0xFFFFC180  }
0x216: {  	[tilespmem:s7], [sflag:$0x2] =	stream.indirect.gather [hbm4b:s3+s6], $0x20, s24, s6, $0xb8;
	[tilespmem:$0x119E0] =	vst v63  }
0x217: {  	_ =	swait.ge [sflag:s13], $0x3E80  }
0x218: {  	[sflag:s13] =	ssyncset.done $0x0  }
0x219: {  	s26 =	rddreg [dreg:$0x1d];
	[sflag:s13] =	ssyncadd.s32 $0xFFFFC180  }
0x21a: {  	[spmem:s2] =	stream.indirect.scatter.add.f32 [tilespmem:s8], [sflag:$0x3], $0x20, s26, s6, $0xb8;
	[tilespmem:$0x119E0] =	vst v63  }
0x21b: {  	_ =	swait.ge [sflag:s12], $0x3E80  }
0x21c: {  	[sflag:s12] =	ssyncset.done $0x0  }
0x21d: {  	s30 =	rddreg [dreg:$0x1e];
	[sflag:s12] =	ssyncadd.s32 $0xFFFFC180  }
0x21e: {  	[spmem:s2] =	stream.indirect.scatter.add.f32 [tilespmem:s7], [sflag:$0x4], $0x20, s30, s6, $0xb8;
	[tilespmem:$0x119E0] =	vst v63  }
0x21f: {  	_ =	swait.ge [sflag:s11], $0x3E80  }
0x220: {  	[sflag:s11] =	ssyncset.done $0x0  }
0x221: {  	s24 =	rddreg [dreg:$0x1f];
	[sflag:s11] =	ssyncadd.s32 $0xFFFFC180  }
0x222: {  	[tilespmem:s8], [sflag:$0x1] =	stream.indirect.gather [hbm4b:s3+s6], $0x20, s24, s6, $0xb8;
	[tilespmem:$0x119E0] =	vst v63  }
0x223: {  	_ =	swait.ge [sflag:s9], $0x3E80  }
0x224: {  	s26 =	sld [smem:$0x7F9]  }
0x225: {  	[sflag:s9] =	ssyncset.done $0x0  }
0x226: {  	[sflag:s9] =	ssyncadd.s32 $0xFFFFC180  }
0x227: {  	[tilespmem:s7], [sflag:$0x2] =	stream.indirect.gather [hbm4b:s3+s6], $0x20, s26, s6, $0xb8;
	[tilespmem:$0x119E0] =	vst v63  }
0x228: {  	_ =	swait.ge [sflag:s13], $0x3E80  }
0x229: {  	s30 =	sld [smem:$0x7FA]  }
0x22a: {  	[sflag:s13] =	ssyncset.done $0x0  }
0x22b: {  	[sflag:s13] =	ssyncadd.s32 $0xFFFFC180  }
0x22c: {  	[spmem:s2] =	stream.indirect.scatter.add.f32 [tilespmem:s8], [sflag:$0x3], $0x20, s30, s6, $0xb8;
	[tilespmem:$0x119E0] =	vst v63  }
0x22d: {  	_ =	swait.ge [sflag:s12], $0x3E80  }
0x22e: {  	s24 =	sld [smem:$0x7FB]  }
0x22f: {  	[sflag:s12] =	ssyncset.done $0x0  }
0x230: {  	[sflag:s12] =	ssyncadd.s32 $0xFFFFC180  }
0x231: {  	[spmem:s2] =	stream.indirect.scatter.add.f32 [tilespmem:s7], [sflag:$0x4], $0x20, s24, s6, $0xb8;
	[tilespmem:$0x119E0] =	vst v63  }
0x232: {  	_ =	swait.ge [sflag:s11], $0x3E80  }
0x233: {  	s26 =	sld [smem:$0x7FC]  }
0x234: {  	[sflag:s11] =	ssyncset.done $0x0  }
0x235: {  	[sflag:s11] =	ssyncadd.s32 $0xFFFFC180  }
0x236: {  	[tilespmem:s8], [sflag:$0x1] =	stream.indirect.gather [hbm4b:s3+s6], $0x20, s26, s6, $0xb8;
	[tilespmem:$0x119E0] =	vst v63  }
0x237: {  	_ =	swait.ge [sflag:s9], $0x3E80  }
0x238: {  	s30 =	sld [smem:$0x7FD]  }
0x239: {  	[sflag:s9] =	ssyncset.done $0x0  }
0x23a: {  	[sflag:s9] =	ssyncadd.s32 $0xFFFFC180  }
0x23b: {  	[tilespmem:s7], [sflag:$0x2] =	stream.indirect.gather [hbm4b:s3+s6], $0x20, s30, s6, $0xb8;
	[tilespmem:$0x119E0] =	vst v63  }
0x23c: {  	_ =	swait.ge [sflag:s13], $0x3E80  }
0x23d: {  	[sflag:s13] =	ssyncset.done $0x0  }
0x23e: {  	[sflag:s13] =	ssyncadd.s32 $0xFFFFC180  }
0x23f: {  	[spmem:s2] =	stream.indirect.scatter.add.f32 [tilespmem:s8], [sflag:$0x3], $0x20, s23, s6, $0xb8;
	[tilespmem:$0x119E0] =	vst v63  }
0x240: {  	_ =	swait.ge [sflag:s12], $0x3E80  }
0x241: {  	[sflag:s12] =	ssyncset.done $0x0  }
0x242: {  	[sflag:s12] =	ssyncadd.s32 $0xFFFFC180  }
0x243: {  	[spmem:s2] =	stream.indirect.scatter.add.f32 [tilespmem:s7], [sflag:$0x4], $0x20, s22, s6, $0xb8;
	[tilespmem:$0x119E0] =	vst v63  }
0x244: {  	_ =	swait.ge [sflag:s11], $0x3E80  }
0x245: {  	[sflag:s11] =	ssyncset.done $0x0  }
0x246: {  	[sflag:s11] =	ssyncadd.s32 $0xFFFFC180  }
0x247: {  	[tilespmem:s8], [sflag:$0x1] =	stream.indirect.gather [hbm4b:s3+s6], $0x20, s21, s6, $0xb8;
	[tilespmem:$0x119E0] =	vst v63  }
0x248: {  	_ =	swait.ge [sflag:s9], $0x3E80  }
0x249: {  	[sflag:s9] =	ssyncset.done $0x0  }
0x24a: {  	[sflag:s9] =	ssyncadd.s32 $0xFFFFC180  }
0x24b: {  	[tilespmem:s7], [sflag:$0x2] =	stream.indirect.gather [hbm4b:s3+s6], $0x20, s20, s6, $0xb8;
	[tilespmem:$0x119E0] =	vst v63  }
0x24c: {  	_ =	swait.ge [sflag:s13], $0x3E80  }
0x24d: {  	[sflag:s13] =	ssyncset.done $0x0  }
0x24e: {  	[sflag:s13] =	ssyncadd.s32 $0xFFFFC180  }
0x24f: {  	[spmem:s2] =	stream.indirect.scatter.add.f32 [tilespmem:s8], [sflag:$0x3], $0x20, s19, s6, $0xb8;
	[tilespmem:$0x119E0] =	vst v63  }
0x250: {  	_ =	swait.ge [sflag:s12], $0x3E80  }
0x251: {  	[sflag:s12] =	ssyncset.done $0x0  }
0x252: {  	[sflag:s12] =	ssyncadd.s32 $0xFFFFC180  }
0x253: {  	[spmem:s2] =	stream.indirect.scatter.add.f32 [tilespmem:s7], [sflag:$0x4], $0x20, s18, s6, $0xb8;
	[tilespmem:$0x119E0] =	vst v63  }
0x254: {  	_ =	swait.ge [sflag:s11], $0x3E80  }
0x255: {  	[sflag:s11] =	ssyncset.done $0x0  }
0x256: {  	[sflag:s11] =	ssyncadd.s32 $0xFFFFC180  }
0x257: {  	[tilespmem:s8], [sflag:$0x1] =	stream.indirect.gather [hbm4b:s3+s6], $0x20, s16, s6, $0xb8;
	[tilespmem:$0x119E0] =	vst v63  }
0x258: {  	_ =	swait.ge [sflag:s9], $0x3E80  }
0x259: {  	[sflag:s9] =	ssyncset.done $0x0  }
0x25a: {  	[sflag:s9] =	ssyncadd.s32 $0xFFFFC180  }
0x25b: {  	[tilespmem:s7], [sflag:$0x2] =	stream.indirect.gather [hbm4b:s3+s6], $0x20, s17, s6, $0xb8;
	[tilespmem:$0x119E0] =	vst v63  }
0x25c: {  	_ =	swait.ge [sflag:s13], $0x3E80  }
0x25d: {  	[sflag:s13] =	ssyncset.done $0x0  }
0x25e: {  	[sflag:s13] =	ssyncadd.s32 $0xFFFFC180  }
0x25f: {  	[spmem:s2] =	stream.indirect.scatter.add.f32 [tilespmem:s8], [sflag:$0x3], $0x20, s15, s6, $0xb8;
	[tilespmem:$0x119E0] =	vst v63  }
0x260: {  	_ =	swait.ge [sflag:s12], $0x3E80  }
0x261: {  	[sflag:s12] =	ssyncset.done $0x0  }
0x262: {  	[sflag:s12] =	ssyncadd.s32 $0xFFFFC180  }
0x263: {  	[spmem:s2] =	stream.indirect.scatter.add.f32 [tilespmem:s7], [sflag:$0x4], $0x20, s14, s6, $0xb8;
	[tilespmem:$0x119E0] =	vst v63  }
0x264: {  	_ =	swait.ge [sflag:s11], $0x3E80  }
0x265: {  	[sflag:s11] =	ssyncset.done $0x0  }
0x266: {  	[sflag:s11] =	ssyncadd.s32 $0xFFFFC180  }
0x267: {  	_ =	swait.ge [sflag:s9], $0x3E80  }
0x268: {  	[sflag:s9] =	ssyncset.done $0x0  }
0x269: {  	[sflag:s9] =	ssyncadd.s32 $0xFFFFC180  }
0x26a: {  	[bflag:$0x0] =	sbarrier.arrive $0xFFFF  }
0x26b: {  	s0 =	rddreg [dreg:$0x7]  }
0x26c: {  	[hbm:s0], [sflag:s28] =	dma.local @p0 [spmem:s4], $0x640  }
0x26d: {  	_ =	swait.ge @p0 [sflag:s1], $0x640  }
0x26e: {  	[sflag:s1] =	ssyncset.done @p0 $0x0  }
0x26f: {  	s0 =	rddreg [dreg:$0x6];
	[sflag:s1] =	ssyncadd.s32 @p0 $0xFFFFF9C0  }
0x270: {  	[hbm:s0], [sflag:s5] =	dma.local @!p0 [spmem:s10], $0xA00  }
0x271: {  	_ =	swait.ge @!p0 [sflag:s25], $0xA00  }
0x272: {  	[sflag:s25] =	ssyncset.done @!p0 $0x0  }
0x273: {  	[sflag:s25] =	ssyncadd.s32 @!p0 $0xFFFFF600  }
0x274: {  	_ =	sfence.sel $0x180000  }
0x275: {  	[bflag:$0x0] =	sbarrier.arrive $0xFFFF  }
0x276: {  	p0 =	sne.s32 s29, $0x0;
	_ =	strace $0x9000004A  }
0x277: {  	s0 =	sadd.s32 @!p0 $0x100000, s31;
	[bflag:$0x2] =	sbarrier.arrive $0xFFFF  }
0x278: {  	[sflag:s0] =	ssyncadd.tile.s32 @!p0 $0x1;
	_ =	shalt  }
.LBB2_1:
.Ltmp3:
0x279: {  	(pc) =	sbr.rel .LBB2_6-.Ltmp3, $2  }
0x27a: {  	_ =	sdelay $0x2  }
0x27b: {  	_ = 	snop  }
.LBB2_3:
.Ltmp4:
0x27c: {  	(pc) =	sbr.rel .LBB2_6-.Ltmp4, $2  }
0x27d: {  	_ =	sdelay $0x2  }
0x27e: {  	s29 =	stileid.u32;
	s31 =	rddreg [dreg:$0x3]  }
.Lfunc_end2:
_tile_overlayer_lowered:
.L_overlay_start_2:
0x27f: {  	(tag) =	ssettag $0x2  }
0x280: {  	s0 =	rddreg [dreg:$0x0];
	s2 =	stileid.u32  }
0x281: {  	s1 =	rddreg [dreg:$0x1];
	p0 =	sne.s32 s2, $0x0  }
0x282: {  	s3 =	rddreg [dreg:$0x2];
	[bflag:$0x3] =	sbarrier.arrive $0xFFFF;
	s2 =	simm.s32 @!p0 $0x1C05  }
0x283: {  	[timem:s3], [sflag:s2] =	dma.local @!p0 [hbm:s0], s1  }
0x284: {  	s0 =	simm.s32 @!p0 $0x5  }
0x285: {  	_ =	swait.ge @!p0 [sflag:s0], s1  }
0x286: {  	s1 =	ssub.s32 @!p0 $0x0, s1;
	[sflag:s0] =	ssyncset.done @!p0 $0x0  }
0x287: {  	[sflag:s0] =	ssyncadd.s32 @!p0 s1  }
0x288: {  	[bflag:$0x3] =	sbarrier.arrive $0xFFFF  }
0x289: {  	_ =	shalt  }

// kernel: kernel.19.cloned.1.call-start
scs
__scs_entry_jumppad:
0x0: {  	(pc) =	sbr.rel $0x88, $3  }
0x1: {  	(tag) =	ssettag $0x0;
	lr =	simm.s32 $0x1  }
0x2: {  	[smem:$0x3F85] =	sst lr;
	_ =	strace $0xD0000000  }
0x3: {  	_ = 	snop  }
0x4: {  	_ = 	snop  }
0x5: {  	_ = 	snop  }
0x6: {  	_ = 	snop  }
0x7: {  	_ = 	snop  }
__scs_overlays_trampoline_lowered:
0x8: {  	[smem:$0x3F94] =	sst s0  }
0x9: {  	[smem:$0x3F95] =	sst s1  }
0xa: {  	[smem:$0x3F96] =	sst s2  }
0xb: {  	[smem:$0x3F97] =	sst s3  }
0xc: {  	[smem:$0x3F98] =	sst s4  }
0xd: {  	[smem:$0x3F99] =	sst s5  }
0xe: {  	[smem:$0x3F9A] =	sst s6  }
0xf: {  	[smem:$0x3F9B] =	sst s7  }
0x10: {  	[smem:$0x3F9C] =	sst s8  }
0x11: {  	[smem:$0x3F9D] =	sst s9;
	s0 =	simm.s32 @!p0 $0x0  }
0x12: {  	s1 =	sld [smem:$0x3F83];
	s0 =	simm.s32 @p0 $0x1  }
0x13: {  	[smem:$0x3F9E] =	sst s0;
	s0 =	simm.s32 @!p1 $0x0  }
0x14: {  	s2 =	sld [smem:$0x3F82];
	s0 =	simm.s32 @p1 $0x1  }
0x15: {  	[smem:$0x3F9F] =	sst s0;
	s0 =	simm.s32 @!p2 $0x0  }
0x16: {  	s3 =	sld [smem:$0x3FDB];
	s0 =	simm.s32 @p2 $0x1  }
0x17: {  	s4 =	simm.s32 $0x1BF5;
	[smem:$0x3FA1] =	sst s0  }
0x18: {  	s0 =	sld [smem:$0x3F84];
	_ =	swait.ge [sflag:s4], $0x0  }
0x19: {  	s7 =	sld [smem:$0x3F85]  }
0x1a: {  	s8 =	sadd.s32 $0xFFFFE003, lr  }
0x1b: {  	s9 =	sadd.s32 $0xFFFFFEF7, lr;
	s5 =	simm.s32 $0xFFFFFFFF;
	p2 =	slt.u32 s8, $0xFFFFF086  }
0x1c: {  	p1 =	slt.u32 s9, $0xF7A;
	s5 =	simm.s32 @!p2 $0x0  }
0x1d: {  	s5 =	simm.s32 @p1 $0x1;
	p0 =	seq.s32 s7, s2  }
0x1e: {  	s7 =	smul.u32 @!p0 $0xF7A, s2;
	p2 =	seq.s32 @!p0 s5, $0x0  }
0x1f: {  	s9 =	smul.u32 $0xF7A, s1;
	s8 =	simm.s32 @!p0 $0x1BF5;
	p2 =	por !p2, p0  }
0x20: {  	[sflag:s8] =	ssyncset.s32 @!p0 $0xFFFFF086;
	s6 =	sadd.s32 @!p0 s3, s7;
	s7 =	simm.s32 @!p0 $0x108  }
0x21: {  	s3 =	sadd.s32 s3, s9;
	s6 =	sadd.s32 @!p0 $0x88, s6;
	s7 =	simm.s32 @p2 $0x1082  }
0x22: {  	[simem:s7], [sflag:s8] =	dma.local @!p0 [hbm:s6], $0xF7A  }
0x23: {  	s9 =	sor.u32 $0xD0000000, s2;
	s6 =	simm.s32 $0x108;
	_ =	swait.ge @!p0 [sflag:s8], $0x0  }
0x24: {  	s3 =	sadd.s32 $0x88, s3;
	s6 =	simm.s32 @!p1 $0x1082;
	[sflag:s4] =	ssyncset.s32 $0xFFFFF086  }
0x25: {  	[simem:s6], [sflag:s4] =	dma.local [hbm:s3], $0xF7A  }
0x26: {  	[smem:$0x3F85] =	sst s1;
	(tag) =	ssettag s2;
	_ =	strace s9  }
0x27: {  	s1 =	sld [smem:$0x3F95]  }
0x28: {  	s2 =	sld [smem:$0x3F96]  }
0x29: {  	s4 =	sld [smem:$0x3F98]  }
0x2a: {  	p0 =	seq.s32 s5, $0x0;
	s5 =	sld [smem:$0x3F99]  }
0x2b: {  	s6 =	sld [smem:$0x3F9A]  }
0x2c: {  	s7 =	sld [smem:$0x3F9B]  }
0x2d: {  	s3 =	simm.s32 $0x108;
	s8 =	sld [smem:$0x3F9C]  }
0x2e: {  	s3 =	simm.s32 @!p0 $0x1082;
	s9 =	sld [smem:$0x3F9D]  }
0x2f: {  	lr =	sadd.s32 s0, s3;
	s0 =	sld [smem:$0x3F94]  }
0x30: {  	s3 =	sld [smem:$0x3F97]  }
0x31: {  	[smem:$0x3FA0] =	sst s10  }
0x32: {  	s10 =	sld [smem:$0x3F9E];
	_ =	sdelay $0x3  }
0x33: {  	p0 =	seq.s32 s10, $0x1;
	s10 =	sld [smem:$0x3FA0];
	_ =	sdelay $0x3  }
0x34: {  	[smem:$0x3FA0] =	sst s10  }
0x35: {  	s10 =	sld [smem:$0x3F9F];
	_ =	sdelay $0x3  }
0x36: {  	p1 =	seq.s32 s10, $0x1;
	s10 =	sld [smem:$0x3FA0];
	_ =	sdelay $0x3  }
0x37: {  	[smem:$0x3FA0] =	sst s10  }
0x38: {  	s10 =	sld [smem:$0x3FA1]  }
0x39: {  	_ = 	snop;
	(pc) =	sbr.ind lr, $3  }
0x3a: {  	_ = 	snop  }
0x3b: {  	_ = 	snop  }
0x3c: {  	p2 =	seq.s32 s10, $0x1;
	s10 =	sld [smem:$0x3FA0]  }
0x3d: {  	_ =	shalt  }
0x3e: {  	_ =	shalt  }
0x3f: {  	_ =	shalt  }
0x40: {  	_ =	shalt  }
0x41: {  	_ =	shalt  }
0x42: {  	_ =	shalt  }
0x43: {  	_ =	shalt  }
0x44: {  	_ =	shalt  }
0x45: {  	_ =	shalt  }
0x46: {  	_ =	shalt  }
0x47: {  	_ =	shalt  }
0x48: {  	_ =	shalt  }
0x49: {  	_ =	shalt  }
0x4a: {  	_ =	shalt  }
0x4b: {  	_ =	shalt  }
0x4c: {  	_ =	shalt  }
0x4d: {  	_ =	shalt  }
0x4e: {  	_ =	shalt  }
0x4f: {  	_ =	shalt  }
0x50: {  	_ =	shalt  }
0x51: {  	_ =	shalt  }
0x52: {  	_ =	shalt  }
0x53: {  	_ =	shalt  }
0x54: {  	_ =	shalt  }
0x55: {  	_ =	shalt  }
0x56: {  	_ =	shalt  }
0x57: {  	_ =	shalt  }
0x58: {  	_ =	shalt  }
0x59: {  	_ =	shalt  }
0x5a: {  	_ =	shalt  }
0x5b: {  	_ =	shalt  }
0x5c: {  	_ =	shalt  }
0x5d: {  	_ =	shalt  }
0x5e: {  	_ =	shalt  }
0x5f: {  	_ =	shalt  }
0x60: {  	_ =	shalt  }
0x61: {  	_ =	shalt  }
0x62: {  	_ =	shalt  }
0x63: {  	_ =	shalt  }
0x64: {  	_ =	shalt  }
0x65: {  	_ =	shalt  }
0x66: {  	_ =	shalt  }
0x67: {  	_ =	shalt  }
0x68: {  	_ =	shalt  }
0x69: {  	_ =	shalt  }
0x6a: {  	_ =	shalt  }
0x6b: {  	_ =	shalt  }
0x6c: {  	_ =	shalt  }
0x6d: {  	_ =	shalt  }
0x6e: {  	_ =	shalt  }
0x6f: {  	_ =	shalt  }
0x70: {  	_ =	shalt  }
0x71: {  	_ =	shalt  }
0x72: {  	_ =	shalt  }
0x73: {  	_ =	shalt  }
0x74: {  	_ =	shalt  }
0x75: {  	_ =	shalt  }
0x76: {  	_ =	shalt  }
0x77: {  	_ =	shalt  }
0x78: {  	_ =	shalt  }
0x79: {  	_ =	shalt  }
0x7a: {  	_ =	shalt  }
0x7b: {  	_ =	shalt  }
0x7c: {  	_ =	shalt  }
0x7d: {  	_ =	shalt  }
0x7e: {  	_ =	shalt  }
0x7f: {  	_ =	shalt  }
0x80: {  	_ =	shalt  }
0x81: {  	_ =	shalt  }
0x82: {  	_ =	shalt  }
0x83: {  	_ =	shalt  }
0x84: {  	_ =	shalt  }
0x85: {  	_ =	shalt  }
0x86: {  	_ =	shalt  }
0x87: {  	_ =	shalt  }
.Lfunc_end0:
.L_simem_size_0:
called_computation.2_lowered:
.L_overlay_start_0:
0x88: {  	s2 =	sld [smem:$0x3FD9]  }
0x89: {  	s3 =	sld [smem:$0x3FFE];
	_ =	sdelay $0x1  }
0x8a: {  	s1 =	srdreg.scid  }
0x8b: {  	s0 =	sand.u32 $0x1, s1  }
0x8c: {  	s17 =	sshll.u32 s0, $0xA;
	s2 =	sadd.s32 s3, s2  }
0x8d: {  	s2 =	sadd.s32 s2, s17  }
0x8e: {  	[smem:$0x3FAC] =	sst s2  }
0x8f: {  	_ = 	snop  }
0x90: {  	s2 =	sld [smem:$0x3FD0];
	(tm) =	ssettm $0x1  }
0x91: {  	s18 =	sld [smem:$0x3FFB];
	_ =	sdelay $0x3  }
0x92: {  	_ =	strace s18  }
0x93: {  	s3 =	sld [smem:$0x3FFC];
	_ =	sdelay $0x3  }
0x94: {  	_ =	strace s3  }
0x95: {  	s3 =	sld [smem:$0x3FFD];
	_ =	sdelay $0x3  }
0x96: {  	_ =	strace s3  }
0x97: {  	_ =	strace $0x8FFFFFFF  }
0x98: {  	s19 =	sld [smem:$0x3FDB];
	_ =	sdelay $0x1  }
0x99: {  	s4 =	simm.s32 $_scs_section_size  }
0x9a: {  	s5 =	simm.s32 $_size__tile_overlayer_lowered;
	s6 =	simm.s32 $_tile_overlayer_lowered  }
0x9b: {  	s22 =	simm.s32 $0x1BFF;
	s21 =	sshll.u32 s6, $0x1;
	s3 =	sadd.s32 s4, s19  }
0x9c: {  	s7 =	simm.s32 $0x0;
	s20 =	sshll.u32 s5, $0x1;
	s5 =	sadd.s32 s21, s3  }
0x9d: {  	[timem:s7], [sflag:s22] =	dma.local [hbm:s5], s20  }
0x9e: {  	_ =	swait.ge [sflag:s22], s20  }
0x9f: {  	s4 =	ssub.s32 $0x0, s20;
	[sflag:s22] =	ssyncset.done $0x0  }
0xa0: {  	[sflag:s22] =	ssyncadd.s32 s4;
	_ =	sdelay $0x1  }
0xa1: {  	s23 =	simm.s32 $0x1B8B  }
0xa2: {  	_ =	swait.ge [sflag:s23], $0x1  }
0xa3: {  	[sflag:s23] =	ssyncset.done $0x0  }
0xa4: {  	s25 =	simm.s32 $0x1B8E;
	s24 =	sld [smem:$0x3FFE];
	[sflag:s23] =	ssyncadd.s32 $0xFFFFFFFF  }
0xa5: {  	s26 =	simm.s32 $execute0_lowered;
	[smem:$0x3FD2] =	sst s25  }
0xa6: {  	s5 =	sshll.u32 s26, $0x1;
	_ =	strace $0x8000004C;
	[dreg:$0x1] =	wrdreg $0xFFFFFFFF  }
0xa7: {  	s28 =	simm.s32 $_size_execute0_lowered;
	s3 =	sadd.s32 s3, s5;
	[dreg:$0x0] =	wrdreg $0x0  }
0xa8: {  	s5 =	sshll.u32 s28, $0x1;
	[dreg:$0x2] =	wrdreg s3  }
0xa9: {  	[dreg:$0x3] =	wrdreg s5  }
0xaa: {  	[dreg:$0x4] =	wrdreg $0xC0  }
0xab: {  	_ =	task [dreg:s7], $0x5FFFF  }
0xac: {  	[dreg:$0x1] =	wrdreg $0xFFFFFFFF  }
0xad: {  	[dreg:$0x0] =	wrdreg $0x60  }
0xae: {  	[dreg:$0x2] =	wrdreg s2  }
0xaf: {  	[dreg:$0x3] =	wrdreg s24  }
0xb0: {  	[dreg:$0x4] =	wrdreg $0xCBC00  }
0xb1: {  	[dreg:$0x5] =	wrdreg $0x9  }
0xb2: {  	_ =	task.clear_ibuf [dreg:s7], $0x6FFFF;
	_ =	strace $0x9000004C  }
0xb3: {  	s29 =	simm.s32 $0x9;
	_ =	strace $0x8000004E  }
0xb4: {  	_ =	swait.ge [sflag:s29], $0x1  }
0xb5: {  	[sflag:s29] =	ssyncadd.s32 $0xFFFFFFFF  }
0xb6: {  	_ =	strace $0x9000004E  }
0xb7: {  	_ =	sfence  }
0xb8: {  	s30 =	sld [smem:$0x0];
	_ =	sdelay $0x2  }
0xb9: {  	s31 =	sshll.u32 s1, $0xD;
	s1 =	sshrl.u32 s1, $0x2  }
0xba: {  	s3 =	sand.u32 $0x4000, s31;
	s1 =	sadd.s32 s1, s30  }
0xbb: {  	s0 =	sor.u32 s3, s0;
	s1 =	sshll.u32 s1, $0x11  }
0xbc: {  	s0 =	sor.u32 s1, s0  }
0xbd: {  	s0 =	sadd.s32 $0x8F2B, s0  }
0xbe: {  	[sflag:s0] =	ssyncadd.remote.s32 $0x1  }
0xbf: {  	_ =	sfence.sel $0xFFFF  }
0xc0: {  	[dreg:$0x0] =	wrdreg $0xFFFFFFFF;
	(pc) =	sbr.abs _section_cstart, $3  }
0xc1: {  	[dreg:$0x1] =	wrdreg $0xFFFFFFFF  }
0xc2: {  	_ =	task.clear_ibuf [dreg:s7], $0x2FFFF;
	_ =	strace $0x9FFFFFFF  }
0xc3: {  	(tm) =	ssettm $0x7FFFFFFF  }
tec
execute0_lowered:
.L_overlay_start_1:
0x0: {  	(tag) =	ssettag $0x1  }
0x1: {  	s3 =	rddreg [dreg:$0x0]  }
0x2: {  	s4 =	rddreg [dreg:$0x1]  }
0x3: {  	s2 =	rddreg [dreg:$0x2]  }
0x4: {  	s31 =	rddreg [dreg:$0x3];
	s24 =	simm.s32 $0x0  }
0x5: {  	s17 =	simm.s32 $0x1F8;
	[smem:$0x7FF] =	sst s24  }
0x6: {  	s18 =	simm.s32 $0x2958;
	_ =	strace $0x8000004D;
	[dreg:$0x9] =	wrdreg s17  }
0x7: {  	s19 =	simm.s32 $0x3F0;
	[dreg:$0xa] =	wrdreg s18  }
0x8: {  	s0 =	srdreg.scid;
	s20 =	simm.s32 $0x5E8;
	[dreg:$0xb] =	wrdreg s19  }
0x9: {  	s29 =	stileid.u32;
	s21 =	simm.s32 $0x2B50;
	[dreg:$0xc] =	wrdreg s20  }
0xa: {  	s22 =	simm.s32 $0x2D48;
	s23 =	simm.s32 $0x7E0;
	[dreg:$0xd] =	wrdreg s21  }
0xb: {  	s25 =	simm.s32 $0x9D8;
	s26 =	simm.s32 $0x2F40;
	[dreg:$0xe] =	wrdreg s22  }
0xc: {  	s30 =	simm.s32 $0x3138;
	s10 =	simm.s32 $0x3528;
	[dreg:$0xf] =	wrdreg s23  }
0xd: {  	s11 =	simm.s32 $0xFC0;
	s12 =	simm.s32 $0x11B8;
	[dreg:$0x10] =	wrdreg s25  }
0xe: {  	s13 =	simm.s32 $0x3720;
	s28 =	simm.s32 $0x5;
	[dreg:$0x11] =	wrdreg s26  }
0xf: {  	p1 =	por $0x0, $0x0;
	s7 =	smul.u32 $0x5000, s29;
	[dreg:$0x12] =	wrdreg s30  }
0x10: {  	s0 =	sand.u32 $0x1, s0;
	s14 =	smul.u32 $0x14000, s29;
	[dreg:$0x16] =	wrdreg s10  }
0x11: {  	s8 =	sadd.s32 $0x1BA00, s4;
	p0 =	seq.s32 s29, $0xF;
	[dreg:$0x17] =	wrdreg s11  }
0x12: {  	s1 =	sshll.u32 s0, $0x4;
	s5 =	smul.u32 $0x4E200, s0;
	[dreg:$0x18] =	wrdreg s12  }
0x13: {  	s25 =	sadd.s32 $0x1B000, s4;
	[dreg:$0x19] =	wrdreg s13;
	s17 =	simm.s32 $0x3B10  }
0x14: {  	s0 =	ssub.s32 $0x2, s0;
	s18 =	simm.s32 $0x3D08;
	[dreg:$0x1d] =	wrdreg s17  }
0x15: {  	s26 =	simm.s32 $0x2760;
	s19 =	simm.s32 $0x17A0;
	[dreg:$0x1e] =	wrdreg s18  }
0x16: {  	s20 =	simm.s32 $0x1998;
	s21 =	simm.s32 $0x3F00;
	[dreg:$0x1f] =	wrdreg s19  }
0x17: {  	s22 =	simm.s32 $0x40F8;
	s13 =	simm.s32 $0x1;
	[smem:$0x7F9] =	sst s20  }
0x18: {  	s23 =	simm.s32 $0x1B90;
	s12 =	simm.s32 $0x2;
	[smem:$0x7FA] =	sst s21  }
0x19: {  	s30 =	simm.s32 $0x1D88;
	s11 =	simm.s32 $0x3;
	[smem:$0x7FB] =	sst s22  }
0x1a: {  	s1 =	sor.u32 s29, s1;
	s9 =	sshrl.u32 s0, $0x1;
	[smem:$0x7FC] =	sst s23  }
0x1b: {  	s10 =	sadd.s32 s7, s2;
	[smem:$0x7FD] =	sst s30;
	s23 =	simm.s32 $0x42F0  }
0x1c: {  	s22 =	simm.s32 $0x44E8;
	s21 =	simm.s32 $0x1F80;
	s20 =	simm.s32 $0x2178  }
0x1d: {  	s19 =	simm.s32 $0x46E0;
	s18 =	simm.s32 $0x48D8;
	s17 =	simm.s32 $0x2568  }
0x1e: {  	s1 =	smul.u32 $0x4EC, s1;
	s15 =	sadd.s32 s7, s5;
	s5 =	sshrl.u32 s5, $0x3  }
0x1f: {  	s0 =	ssub.s32 s0, s9;
	s7 =	simm.s32 $0x8D40;
	s5 =	sadd.s32 s8, s5  }
0x20: {  	s9 =	simm.s32 $0x4;
	s10 =	sshrl.u32 @!p0 s10, $0x3;
	s16 =	sadd.s32 $0x9600, s5  }
0x21: {  	s1 =	sadd.s32 s1, s4;
	s5 =	simm.s32 $0xBD0;
	[dreg:$0x7] =	wrdreg s16  }
0x22: {  	s0 =	smax.u32 s0, $0x1;
	s6 =	sadd.s32 $0x11200, s1;
	[dreg:$0x13] =	wrdreg s5  }
0x23: {  	s4 =	sadd.s32 $0x4B000, s2;
	s1 =	sadd.s32 $0x6E00, s1;
	[dreg:$0x4] =	wrdreg s6  }
0x24: {  	[dreg:$0x5] =	wrdreg s1;
	s6 =	sshrl.u32 s14, $0x2;
	s1 =	sshrl.u32 s15, $0x3  }
0x25: {  	s16 =	simm.s32 $0x15A8;
	s6 =	sadd.s32 s6, s2;
	s1 =	sadd.s32 s8, s1  }
0x26: {  	s4 =	sshrl.u32 @p0 s4, $0x3;
	[dreg:$0x6] =	wrdreg s1;
	s1 =	sshrl.u32 @!p0 s6, $0x3  }
0x27: {  	s5 =	sshll.u32 @!p0 s29, $0x6;
	[dreg:$0x8] =	wrdreg s1;
	s1 =	sadd.s32 $0xFFFFFFFF, s0  }
0x28: {  	s14 =	simm.s32 $0x3918;
	[dreg:$0x1c] =	wrdreg s16;
	p2 =	sne.s32 s1, $0x0  }
.Ltmp0:
0x29: {  	s15 =	simm.s32 $0x13B0;
	[dreg:$0x1a] =	wrdreg s14;
	(pc) =	sbr.rel @!p2 .LBB2_1-.Ltmp0, $4  }
0x2a: {  	s5 =	sor.u32 @!p0 $0x1C05, s5;
	s8 =	simm.s32 $0x3330;
	[dreg:$0x1b] =	wrdreg s15  }
0x2b: {  	s16 =	simm.s32 $0x2370;
	s6 =	simm.s32 $0xDC8;
	[dreg:$0x15] =	wrdreg s8  }
0x2c: {  	s15 =	simm.s32 $0x4AD0;
	s14 =	simm.s32 $0x4CC8;
	[dreg:$0x14] =	wrdreg s6  }
0x2d: {  	s8 =	simm.s32 $0x4EC0;
	s6 =	simm.s32 $0x1F4;
	s0 =	rddreg [dreg:$0x4]  }
0x2e: {  	[tilespmem:s24], [sflag:$0x5] =	stream.linear.gather [hbm4b:s0+s24], $0x2760, $0x38;
	[tilespmem:$0x119E0] =	vst v63  }
0x2f: {  	_ =	swait.ge [sflag:s28], $0x2760  }
0x30: {  	[sflag:s28] =	ssyncset.done $0x0  }
0x31: {  	s0 =	rddreg [dreg:$0x5];
	[sflag:s28] =	ssyncadd.s32 $0xFFFFD8A0  }
0x32: {  	[tilespmem:s26], [sflag:$0x5] =	stream.linear.gather [hbm4b:s0+s24], $0x2760, $0x38;
	[tilespmem:$0x119E0] =	vst v63  }
0x33: {  	_ =	swait.ge [sflag:s28], $0x2760  }
0x34: {  	[sflag:s28] =	ssyncset.done $0x0  }
0x35: {  	s29 =	simm.s32 @p0 $0x1FC5;
	s31 =	simm.s32 @p0 $0x5;
	[sflag:s28] =	ssyncadd.s32 $0xFFFFD8A0  }
0x36: {  	[spmem:s4], [sflag:s29] =	dma.local @p0 [hbm:s25], $0x640  }
0x37: {  	_ =	swait.ge @p0 [sflag:s31], $0x640  }
0x38: {  	[sflag:s31] =	ssyncset.done @p0 $0x0  }
0x39: {  	s30 =	simm.s32 @!p0 $0x5;
	s0 =	rddreg [dreg:$0x8];
	[sflag:s31] =	ssyncadd.s32 @p0 $0xFFFFF9C0  }
0x3a: {  	[spmem:s0], [sflag:s5] =	dma.local @!p0 [hbm:s25], $0xA00  }
0x3b: {  	_ =	swait.ge @!p0 [sflag:s30], $0xA00  }
0x3c: {  	[sflag:s30] =	ssyncset.done @!p0 $0x0  }
0x3d: {  	[sflag:s30] =	ssyncadd.s32 @!p0 $0xFFFFF600  }
0x3e: {  	[bflag:$0x0] =	sbarrier.arrive $0xFFFF  }
0x3f: {  	[tilespmem:s8], [sflag:$0x1] =	stream.indirect.gather [hbm4b:s3+s6], $0x20, s24, s6, $0xb8;
	[tilespmem:$0x119E0] =	vst v63  }
0x40: {  	s0 =	rddreg [dreg:$0x9]  }
0x41: {  	[tilespmem:s7], [sflag:$0x2] =	stream.indirect.gather [hbm4b:s3+s6], $0x20, s0, s6, $0xb8;
	[tilespmem:$0x119E0] =	vst v63  }
0x42: {  	_ =	swait.ge [sflag:s13], $0x3E80  }
0x43: {  	[sflag:s13] =	ssyncset.done $0x0  }
0x44: {  	[sflag:s13] =	ssyncadd.s32 $0xFFFFC180  }
0x45: {  	[spmem:s2] =	stream.indirect.scatter.add.f32 [tilespmem:s8], [sflag:$0x3], $0x20, s26, s6, $0xb8;
	[tilespmem:$0x119E0] =	vst v63  }
0x46: {  	_ =	swait.ge [sflag:s12], $0x3E80  }
0x47: {  	[sflag:s12] =	ssyncset.done $0x0  }
0x48: {  	s0 =	rddreg [dreg:$0xa];
	[sflag:s12] =	ssyncadd.s32 $0xFFFFC180  }
0x49: {  	[spmem:s2] =	stream.indirect.scatter.add.f32 [tilespmem:s7], [sflag:$0x4], $0x20, s0, s6, $0xb8;
	[tilespmem:$0x119E0] =	vst v63  }
0x4a: {  	_ =	swait.ge [sflag:s11], $0x3E80  }
0x4b: {  	[sflag:s11] =	ssyncset.done $0x0  }
0x4c: {  	s0 =	rddreg [dreg:$0xb];
	[sflag:s11] =	ssyncadd.s32 $0xFFFFC180  }
0x4d: {  	[tilespmem:s8], [sflag:$0x1] =	stream.indirect.gather [hbm4b:s3+s6], $0x20, s0, s6, $0xb8;
	[tilespmem:$0x119E0] =	vst v63  }
0x4e: {  	_ =	swait.ge [sflag:s9], $0x3E80  }
0x4f: {  	[sflag:s9] =	ssyncset.done $0x0  }
0x50: {  	s0 =	rddreg [dreg:$0xc];
	[sflag:s9] =	ssyncadd.s32 $0xFFFFC180  }
0x51: {  	[tilespmem:s7], [sflag:$0x2] =	stream.indirect.gather [hbm4b:s3+s6], $0x20, s0, s6, $0xb8;
	[tilespmem:$0x119E0] =	vst v63  }
0x52: {  	_ =	swait.ge [sflag:s13], $0x3E80  }
0x53: {  	[sflag:s13] =	ssyncset.done $0x0  }
0x54: {  	s0 =	rddreg [dreg:$0xd];
	[sflag:s13] =	ssyncadd.s32 $0xFFFFC180  }
0x55: {  	[spmem:s2] =	stream.indirect.scatter.add.f32 [tilespmem:s8], [sflag:$0x3], $0x20, s0, s6, $0xb8;
	[tilespmem:$0x119E0] =	vst v63  }
0x56: {  	_ =	swait.ge [sflag:s12], $0x3E80  }
0x57: {  	[sflag:s12] =	ssyncset.done $0x0  }
0x58: {  	s0 =	rddreg [dreg:$0xe];
	[sflag:s12] =	ssyncadd.s32 $0xFFFFC180  }
0x59: {  	[spmem:s2] =	stream.indirect.scatter.add.f32 [tilespmem:s7], [sflag:$0x4], $0x20, s0, s6, $0xb8;
	[tilespmem:$0x119E0] =	vst v63  }
0x5a: {  	_ =	swait.ge [sflag:s11], $0x3E80  }
0x5b: {  	[sflag:s11] =	ssyncset.done $0x0  }
0x5c: {  	s0 =	rddreg [dreg:$0xf];
	[sflag:s11] =	ssyncadd.s32 $0xFFFFC180  }
0x5d: {  	[tilespmem:s8], [sflag:$0x1] =	stream.indirect.gather [hbm4b:s3+s6], $0x20, s0, s6, $0xb8;
	[tilespmem:$0x119E0] =	vst v63  }
0x5e: {  	_ =	swait.ge [sflag:s9], $0x3E80  }
0x5f: {  	[sflag:s9] =	ssyncset.done $0x0  }
0x60: {  	s0 =	rddreg [dreg:$0x10];
	[sflag:s9] =	ssyncadd.s32 $0xFFFFC180  }
0x61: {  	[tilespmem:s7], [sflag:$0x2] =	stream.indirect.gather [hbm4b:s3+s6], $0x20, s0, s6, $0xb8;
	[tilespmem:$0x119E0] =	vst v63  }
0x62: {  	_ =	swait.ge [sflag:s13], $0x3E80  }
0x63: {  	[sflag:s13] =	ssyncset.done $0x0  }
0x64: {  	s0 =	rddreg [dreg:$0x11];
	[sflag:s13] =	ssyncadd.s32 $0xFFFFC180  }
0x65: {  	[spmem:s2] =	stream.indirect.scatter.add.f32 [tilespmem:s8], [sflag:$0x3], $0x20, s0, s6, $0xb8;
	[tilespmem:$0x119E0] =	vst v63  }
0x66: {  	_ =	swait.ge [sflag:s12], $0x3E80  }
0x67: {  	[sflag:s12] =	ssyncset.done $0x0  }
0x68: {  	s0 =	rddreg [dreg:$0x12];
	[sflag:s12] =	ssyncadd.s32 $0xFFFFC180  }
0x69: {  	[spmem:s2] =	stream.indirect.scatter.add.f32 [tilespmem:s7], [sflag:$0x4], $0x20, s0, s6, $0xb8;
	[tilespmem:$0x119E0] =	vst v63  }
0x6a: {  	_ =	swait.ge [sflag:s11], $0x3E80  }
0x6b: {  	[sflag:s11] =	ssyncset.done $0x0  }
0x6c: {  	s0 =	rddreg [dreg:$0x13];
	[sflag:s11] =	ssyncadd.s32 $0xFFFFC180  }
0x6d: {  	[tilespmem:s8], [sflag:$0x1] =	stream.indirect.gather [hbm4b:s3+s6], $0x20, s0, s6, $0xb8;
	[tilespmem:$0x119E0] =	vst v63  }
0x6e: {  	_ =	swait.ge [sflag:s9], $0x3E80  }
0x6f: {  	[sflag:s9] =	ssyncset.done $0x0  }
0x70: {  	s0 =	rddreg [dreg:$0x14];
	[sflag:s9] =	ssyncadd.s32 $0xFFFFC180  }
0x71: {  	[tilespmem:s7], [sflag:$0x2] =	stream.indirect.gather [hbm4b:s3+s6], $0x20, s0, s6, $0xb8;
	[tilespmem:$0x119E0] =	vst v63  }
0x72: {  	_ =	swait.ge [sflag:s13], $0x3E80  }
0x73: {  	[sflag:s13] =	ssyncset.done $0x0  }
0x74: {  	s0 =	rddreg [dreg:$0x15];
	[sflag:s13] =	ssyncadd.s32 $0xFFFFC180  }
0x75: {  	[spmem:s2] =	stream.indirect.scatter.add.f32 [tilespmem:s8], [sflag:$0x3], $0x20, s0, s6, $0xb8;
	[tilespmem:$0x119E0] =	vst v63  }
0x76: {  	_ =	swait.ge [sflag:s12], $0x3E80  }
0x77: {  	[sflag:s12] =	ssyncset.done $0x0  }
0x78: {  	s0 =	rddreg [dreg:$0x16];
	[sflag:s12] =	ssyncadd.s32 $0xFFFFC180  }
0x79: {  	[spmem:s2] =	stream.indirect.scatter.add.f32 [tilespmem:s7], [sflag:$0x4], $0x20, s0, s6, $0xb8;
	[tilespmem:$0x119E0] =	vst v63  }
0x7a: {  	_ =	swait.ge [sflag:s11], $0x3E80  }
0x7b: {  	[sflag:s11] =	ssyncset.done $0x0  }
0x7c: {  	s0 =	rddreg [dreg:$0x17];
	[sflag:s11] =	ssyncadd.s32 $0xFFFFC180  }
0x7d: {  	[tilespmem:s8], [sflag:$0x1] =	stream.indirect.gather [hbm4b:s3+s6], $0x20, s0, s6, $0xb8;
	[tilespmem:$0x119E0] =	vst v63  }
0x7e: {  	_ =	swait.ge [sflag:s9], $0x3E80  }
0x7f: {  	[sflag:s9] =	ssyncset.done $0x0  }
0x80: {  	s0 =	rddreg [dreg:$0x18];
	[sflag:s9] =	ssyncadd.s32 $0xFFFFC180  }
0x81: {  	[tilespmem:s7], [sflag:$0x2] =	stream.indirect.gather [hbm4b:s3+s6], $0x20, s0, s6, $0xb8;
	[tilespmem:$0x119E0] =	vst v63  }
0x82: {  	_ =	swait.ge [sflag:s13], $0x3E80  }
0x83: {  	[sflag:s13] =	ssyncset.done $0x0  }
0x84: {  	s0 =	rddreg [dreg:$0x19];
	[sflag:s13] =	ssyncadd.s32 $0xFFFFC180  }
0x85: {  	[spmem:s2] =	stream.indirect.scatter.add.f32 [tilespmem:s8], [sflag:$0x3], $0x20, s0, s6, $0xb8;
	[tilespmem:$0x119E0] =	vst v63  }
0x86: {  	_ =	swait.ge [sflag:s12], $0x3E80  }
0x87: {  	[sflag:s12] =	ssyncset.done $0x0  }
0x88: {  	s0 =	rddreg [dreg:$0x1a];
	[sflag:s12] =	ssyncadd.s32 $0xFFFFC180  }
0x89: {  	[spmem:s2] =	stream.indirect.scatter.add.f32 [tilespmem:s7], [sflag:$0x4], $0x20, s0, s6, $0xb8;
	[tilespmem:$0x119E0] =	vst v63  }
0x8a: {  	_ =	swait.ge [sflag:s11], $0x3E80  }
0x8b: {  	[sflag:s11] =	ssyncset.done $0x0  }
0x8c: {  	s0 =	rddreg [dreg:$0x1b];
	[sflag:s11] =	ssyncadd.s32 $0xFFFFC180  }
0x8d: {  	[tilespmem:s8], [sflag:$0x1] =	stream.indirect.gather [hbm4b:s3+s6], $0x20, s0, s6, $0xb8;
	[tilespmem:$0x119E0] =	vst v63  }
0x8e: {  	_ =	swait.ge [sflag:s9], $0x3E80  }
0x8f: {  	[sflag:s9] =	ssyncset.done $0x0  }
0x90: {  	s0 =	rddreg [dreg:$0x1c];
	[sflag:s9] =	ssyncadd.s32 $0xFFFFC180  }
0x91: {  	[tilespmem:s7], [sflag:$0x2] =	stream.indirect.gather [hbm4b:s3+s6], $0x20, s0, s6, $0xb8;
	[tilespmem:$0x119E0] =	vst v63  }
0x92: {  	_ =	swait.ge [sflag:s13], $0x3E80  }
0x93: {  	[sflag:s13] =	ssyncset.done $0x0  }
0x94: {  	s0 =	rddreg [dreg:$0x1d];
	[sflag:s13] =	ssyncadd.s32 $0xFFFFC180  }
0x95: {  	[spmem:s2] =	stream.indirect.scatter.add.f32 [tilespmem:s8], [sflag:$0x3], $0x20, s0, s6, $0xb8;
	[tilespmem:$0x119E0] =	vst v63  }
0x96: {  	_ =	swait.ge [sflag:s12], $0x3E80  }
0x97: {  	[sflag:s12] =	ssyncset.done $0x0  }
0x98: {  	s0 =	rddreg [dreg:$0x1e];
	[sflag:s12] =	ssyncadd.s32 $0xFFFFC180  }
0x99: {  	[spmem:s2] =	stream.indirect.scatter.add.f32 [tilespmem:s7], [sflag:$0x4], $0x20, s0, s6, $0xb8;
	[tilespmem:$0x119E0] =	vst v63  }
0x9a: {  	_ =	swait.ge [sflag:s11], $0x3E80  }
0x9b: {  	[sflag:s11] =	ssyncset.done $0x0  }
0x9c: {  	s0 =	rddreg [dreg:$0x1f];
	[sflag:s11] =	ssyncadd.s32 $0xFFFFC180  }
0x9d: {  	[tilespmem:s8], [sflag:$0x1] =	stream.indirect.gather [hbm4b:s3+s6], $0x20, s0, s6, $0xb8;
	[tilespmem:$0x119E0] =	vst v63  }
0x9e: {  	_ =	swait.ge [sflag:s9], $0x3E80  }
0x9f: {  	s0 =	sld [smem:$0x7F9]  }
0xa0: {  	[sflag:s9] =	ssyncset.done $0x0  }
0xa1: {  	[sflag:s9] =	ssyncadd.s32 $0xFFFFC180  }
0xa2: {  	[tilespmem:s7], [sflag:$0x2] =	stream.indirect.gather [hbm4b:s3+s6], $0x20, s0, s6, $0xb8;
	[tilespmem:$0x119E0] =	vst v63  }
0xa3: {  	_ =	swait.ge [sflag:s13], $0x3E80  }
0xa4: {  	s0 =	sld [smem:$0x7FA]  }
0xa5: {  	[sflag:s13] =	ssyncset.done $0x0  }
0xa6: {  	[sflag:s13] =	ssyncadd.s32 $0xFFFFC180  }
0xa7: {  	[spmem:s2] =	stream.indirect.scatter.add.f32 [tilespmem:s8], [sflag:$0x3], $0x20, s0, s6, $0xb8;
	[tilespmem:$0x119E0] =	vst v63  }
0xa8: {  	_ =	swait.ge [sflag:s12], $0x3E80  }
0xa9: {  	s0 =	sld [smem:$0x7FB]  }
0xaa: {  	[sflag:s12] =	ssyncset.done $0x0  }
0xab: {  	[sflag:s12] =	ssyncadd.s32 $0xFFFFC180  }
0xac: {  	[spmem:s2] =	stream.indirect.scatter.add.f32 [tilespmem:s7], [sflag:$0x4], $0x20, s0, s6, $0xb8;
	[tilespmem:$0x119E0] =	vst v63  }
0xad: {  	_ =	swait.ge [sflag:s11], $0x3E80  }
0xae: {  	s0 =	sld [smem:$0x7FC]  }
0xaf: {  	[sflag:s11] =	ssyncset.done $0x0  }
0xb0: {  	[sflag:s11] =	ssyncadd.s32 $0xFFFFC180  }
0xb1: {  	[tilespmem:s8], [sflag:$0x1] =	stream.indirect.gather [hbm4b:s3+s6], $0x20, s0, s6, $0xb8;
	[tilespmem:$0x119E0] =	vst v63  }
0xb2: {  	_ =	swait.ge [sflag:s9], $0x3E80  }
0xb3: {  	s0 =	sld [smem:$0x7FD]  }
0xb4: {  	[sflag:s9] =	ssyncset.done $0x0  }
0xb5: {  	[sflag:s9] =	ssyncadd.s32 $0xFFFFC180  }
0xb6: {  	[tilespmem:s7], [sflag:$0x2] =	stream.indirect.gather [hbm4b:s3+s6], $0x20, s0, s6, $0xb8;
	[tilespmem:$0x119E0] =	vst v63  }
0xb7: {  	_ =	swait.ge [sflag:s13], $0x3E80  }
0xb8: {  	[sflag:s13] =	ssyncset.done $0x0  }
0xb9: {  	[sflag:s13] =	ssyncadd.s32 $0xFFFFC180  }
0xba: {  	[spmem:s2] =	stream.indirect.scatter.add.f32 [tilespmem:s8], [sflag:$0x3], $0x20, s23, s6, $0xb8;
	[tilespmem:$0x119E0] =	vst v63  }
0xbb: {  	_ =	swait.ge [sflag:s12], $0x3E80  }
0xbc: {  	[sflag:s12] =	ssyncset.done $0x0  }
0xbd: {  	[sflag:s12] =	ssyncadd.s32 $0xFFFFC180  }
0xbe: {  	[spmem:s2] =	stream.indirect.scatter.add.f32 [tilespmem:s7], [sflag:$0x4], $0x20, s22, s6, $0xb8;
	[tilespmem:$0x119E0] =	vst v63  }
0xbf: {  	_ =	swait.ge [sflag:s11], $0x3E80  }
0xc0: {  	[sflag:s11] =	ssyncset.done $0x0  }
0xc1: {  	[sflag:s11] =	ssyncadd.s32 $0xFFFFC180  }
0xc2: {  	[tilespmem:s8], [sflag:$0x1] =	stream.indirect.gather [hbm4b:s3+s6], $0x20, s21, s6, $0xb8;
	[tilespmem:$0x119E0] =	vst v63  }
0xc3: {  	_ =	swait.ge [sflag:s9], $0x3E80  }
0xc4: {  	[sflag:s9] =	ssyncset.done $0x0  }
0xc5: {  	[sflag:s9] =	ssyncadd.s32 $0xFFFFC180  }
0xc6: {  	[tilespmem:s7], [sflag:$0x2] =	stream.indirect.gather [hbm4b:s3+s6], $0x20, s20, s6, $0xb8;
	[tilespmem:$0x119E0] =	vst v63  }
0xc7: {  	_ =	swait.ge [sflag:s13], $0x3E80  }
0xc8: {  	[sflag:s13] =	ssyncset.done $0x0  }
0xc9: {  	[sflag:s13] =	ssyncadd.s32 $0xFFFFC180  }
0xca: {  	[spmem:s2] =	stream.indirect.scatter.add.f32 [tilespmem:s8], [sflag:$0x3], $0x20, s19, s6, $0xb8;
	[tilespmem:$0x119E0] =	vst v63  }
0xcb: {  	_ =	swait.ge [sflag:s12], $0x3E80  }
0xcc: {  	[sflag:s12] =	ssyncset.done $0x0  }
0xcd: {  	[sflag:s12] =	ssyncadd.s32 $0xFFFFC180  }
0xce: {  	[spmem:s2] =	stream.indirect.scatter.add.f32 [tilespmem:s7], [sflag:$0x4], $0x20, s18, s6, $0xb8;
	[tilespmem:$0x119E0] =	vst v63  }
0xcf: {  	_ =	swait.ge [sflag:s11], $0x3E80  }
0xd0: {  	[sflag:s11] =	ssyncset.done $0x0  }
0xd1: {  	[sflag:s11] =	ssyncadd.s32 $0xFFFFC180  }
0xd2: {  	[tilespmem:s8], [sflag:$0x1] =	stream.indirect.gather [hbm4b:s3+s6], $0x20, s16, s6, $0xb8;
	[tilespmem:$0x119E0] =	vst v63  }
0xd3: {  	_ =	swait.ge [sflag:s9], $0x3E80  }
0xd4: {  	[sflag:s9] =	ssyncset.done $0x0  }
0xd5: {  	[sflag:s9] =	ssyncadd.s32 $0xFFFFC180  }
0xd6: {  	[tilespmem:s7], [sflag:$0x2] =	stream.indirect.gather [hbm4b:s3+s6], $0x20, s17, s6, $0xb8;
	[tilespmem:$0x119E0] =	vst v63  }
0xd7: {  	_ =	swait.ge [sflag:s13], $0x3E80  }
0xd8: {  	[sflag:s13] =	ssyncset.done $0x0  }
0xd9: {  	[sflag:s13] =	ssyncadd.s32 $0xFFFFC180  }
0xda: {  	[spmem:s2] =	stream.indirect.scatter.add.f32 [tilespmem:s8], [sflag:$0x3], $0x20, s15, s6, $0xb8;
	[tilespmem:$0x119E0] =	vst v63  }
0xdb: {  	_ =	swait.ge [sflag:s12], $0x3E80  }
0xdc: {  	[sflag:s12] =	ssyncset.done $0x0  }
0xdd: {  	[sflag:s12] =	ssyncadd.s32 $0xFFFFC180  }
0xde: {  	[spmem:s2] =	stream.indirect.scatter.add.f32 [tilespmem:s7], [sflag:$0x4], $0x20, s14, s6, $0xb8;
	[tilespmem:$0x119E0] =	vst v63  }
0xdf: {  	_ =	swait.ge [sflag:s11], $0x3E80  }
0xe0: {  	[sflag:s11] =	ssyncset.done $0x0  }
0xe1: {  	[sflag:s11] =	ssyncadd.s32 $0xFFFFC180  }
0xe2: {  	_ =	swait.ge [sflag:s9], $0x3E80  }
0xe3: {  	[sflag:s9] =	ssyncset.done $0x0  }
0xe4: {  	[sflag:s9] =	ssyncadd.s32 $0xFFFFC180  }
0xe5: {  	[bflag:$0x0] =	sbarrier.arrive $0xFFFF  }
0xe6: {  	s1 =	sadd.s32 $0xFFFFFFFF, s1;
	s0 =	rddreg [dreg:$0x7]  }
0xe7: {  	[hbm:s0], [sflag:s29] =	dma.local @p0 [spmem:s4], $0x640  }
0xe8: {  	p2 =	sne.s32 s1, $0x0;
	_ =	swait.ge @p0 [sflag:s31], $0x640  }
.Ltmp1:
0xe9: {  	[sflag:s31] =	ssyncset.done @p0 $0x0;
	(pc) =	sbr.rel @!p2 .LBB2_3-.Ltmp1, $4  }
0xea: {  	s0 =	rddreg [dreg:$0x6];
	[sflag:s31] =	ssyncadd.s32 @p0 $0xFFFFF9C0  }
0xeb: {  	[hbm:s0], [sflag:s5] =	dma.local @!p0 [spmem:s10], $0xA00  }
0xec: {  	_ =	swait.ge @!p0 [sflag:s30], $0xA00  }
0xed: {  	p1 =	por $0x1, $0x1;
	s0 =	rddreg [dreg:$0x4];
	[sflag:s30] =	ssyncset.done @!p0 $0x0  }
.LBB2_4:
0xee: {  	[sflag:s30] =	ssyncadd.s32 @!p0 $0xFFFFF600  }
0xef: {  	[tilespmem:s24], [sflag:$0x5] =	stream.linear.gather [hbm4b:s0+s24], $0x2760, $0x38;
	[tilespmem:$0x119E0] =	vst v63  }
0xf0: {  	_ =	swait.ge [sflag:s28], $0x2760  }
0xf1: {  	[sflag:s28] =	ssyncset.done $0x0  }
0xf2: {  	s0 =	rddreg [dreg:$0x5];
	[sflag:s28] =	ssyncadd.s32 $0xFFFFD8A0  }
0xf3: {  	[tilespmem:s26], [sflag:$0x5] =	stream.linear.gather [hbm4b:s0+s24], $0x2760, $0x38;
	[tilespmem:$0x119E0] =	vst v63  }
0xf4: {  	_ =	swait.ge [sflag:s28], $0x2760  }
0xf5: {  	[sflag:s28] =	ssyncset.done $0x0  }
0xf6: {  	[sflag:s28] =	ssyncadd.s32 $0xFFFFD8A0  }
0xf7: {  	[spmem:s4], [sflag:s29] =	dma.local @p0 [hbm:s25], $0x640  }
0xf8: {  	_ =	swait.ge @p0 [sflag:s31], $0x640  }
0xf9: {  	[sflag:s31] =	ssyncset.done @p0 $0x0  }
0xfa: {  	s0 =	rddreg [dreg:$0x8];
	[sflag:s31] =	ssyncadd.s32 @p0 $0xFFFFF9C0  }
0xfb: {  	[spmem:s0], [sflag:s5] =	dma.local @!p0 [hbm:s25], $0xA00  }
0xfc: {  	_ =	swait.ge @!p0 [sflag:s30], $0xA00  }
0xfd: {  	[sflag:s30] =	ssyncset.done @!p0 $0x0  }
0xfe: {  	[sflag:s30] =	ssyncadd.s32 @!p0 $0xFFFFF600  }
0xff: {  	[bflag:$0x0] =	sbarrier.arrive $0xFFFF  }
0x100: {  	[tilespmem:s8], [sflag:$0x1] =	stream.indirect.gather [hbm4b:s3+s6], $0x20, s24, s6, $0xb8;
	[tilespmem:$0x119E0] =	vst v63  }
0x101: {  	s0 =	rddreg [dreg:$0x9]  }
0x102: {  	[tilespmem:s7], [sflag:$0x2] =	stream.indirect.gather [hbm4b:s3+s6], $0x20, s0, s6, $0xb8;
	[tilespmem:$0x119E0] =	vst v63  }
0x103: {  	_ =	swait.ge [sflag:s13], $0x3E80  }
0x104: {  	[sflag:s13] =	ssyncset.done $0x0  }
0x105: {  	[sflag:s13] =	ssyncadd.s32 $0xFFFFC180  }
0x106: {  	[spmem:s2] =	stream.indirect.scatter.add.f32 [tilespmem:s8], [sflag:$0x3], $0x20, s26, s6, $0xb8;
	[tilespmem:$0x119E0] =	vst v63  }
0x107: {  	_ =	swait.ge [sflag:s12], $0x3E80  }
0x108: {  	[sflag:s12] =	ssyncset.done $0x0  }
0x109: {  	s0 =	rddreg [dreg:$0xa];
	[sflag:s12] =	ssyncadd.s32 $0xFFFFC180  }
0x10a: {  	[spmem:s2] =	stream.indirect.scatter.add.f32 [tilespmem:s7], [sflag:$0x4], $0x20, s0, s6, $0xb8;
	[tilespmem:$0x119E0] =	vst v63  }
0x10b: {  	_ =	swait.ge [sflag:s11], $0x3E80  }
0x10c: {  	[sflag:s11] =	ssyncset.done $0x0  }
0x10d: {  	s0 =	rddreg [dreg:$0xb];
	[sflag:s11] =	ssyncadd.s32 $0xFFFFC180  }
0x10e: {  	[tilespmem:s8], [sflag:$0x1] =	stream.indirect.gather [hbm4b:s3+s6], $0x20, s0, s6, $0xb8;
	[tilespmem:$0x119E0] =	vst v63  }
0x10f: {  	_ =	swait.ge [sflag:s9], $0x3E80  }
0x110: {  	[sflag:s9] =	ssyncset.done $0x0  }
0x111: {  	s0 =	rddreg [dreg:$0xc];
	[sflag:s9] =	ssyncadd.s32 $0xFFFFC180  }
0x112: {  	[tilespmem:s7], [sflag:$0x2] =	stream.indirect.gather [hbm4b:s3+s6], $0x20, s0, s6, $0xb8;
	[tilespmem:$0x119E0] =	vst v63  }
0x113: {  	_ =	swait.ge [sflag:s13], $0x3E80  }
0x114: {  	[sflag:s13] =	ssyncset.done $0x0  }
0x115: {  	s0 =	rddreg [dreg:$0xd];
	[sflag:s13] =	ssyncadd.s32 $0xFFFFC180  }
0x116: {  	[spmem:s2] =	stream.indirect.scatter.add.f32 [tilespmem:s8], [sflag:$0x3], $0x20, s0, s6, $0xb8;
	[tilespmem:$0x119E0] =	vst v63  }
0x117: {  	_ =	swait.ge [sflag:s12], $0x3E80  }
0x118: {  	[sflag:s12] =	ssyncset.done $0x0  }
0x119: {  	s0 =	rddreg [dreg:$0xe];
	[sflag:s12] =	ssyncadd.s32 $0xFFFFC180  }
0x11a: {  	[spmem:s2] =	stream.indirect.scatter.add.f32 [tilespmem:s7], [sflag:$0x4], $0x20, s0, s6, $0xb8;
	[tilespmem:$0x119E0] =	vst v63  }
0x11b: {  	_ =	swait.ge [sflag:s11], $0x3E80  }
0x11c: {  	[sflag:s11] =	ssyncset.done $0x0  }
0x11d: {  	s0 =	rddreg [dreg:$0xf];
	[sflag:s11] =	ssyncadd.s32 $0xFFFFC180  }
0x11e: {  	[tilespmem:s8], [sflag:$0x1] =	stream.indirect.gather [hbm4b:s3+s6], $0x20, s0, s6, $0xb8;
	[tilespmem:$0x119E0] =	vst v63  }
0x11f: {  	_ =	swait.ge [sflag:s9], $0x3E80  }
0x120: {  	[sflag:s9] =	ssyncset.done $0x0  }
0x121: {  	s0 =	rddreg [dreg:$0x10];
	[sflag:s9] =	ssyncadd.s32 $0xFFFFC180  }
0x122: {  	[tilespmem:s7], [sflag:$0x2] =	stream.indirect.gather [hbm4b:s3+s6], $0x20, s0, s6, $0xb8;
	[tilespmem:$0x119E0] =	vst v63  }
0x123: {  	_ =	swait.ge [sflag:s13], $0x3E80  }
0x124: {  	[sflag:s13] =	ssyncset.done $0x0  }
0x125: {  	s0 =	rddreg [dreg:$0x11];
	[sflag:s13] =	ssyncadd.s32 $0xFFFFC180  }
0x126: {  	[spmem:s2] =	stream.indirect.scatter.add.f32 [tilespmem:s8], [sflag:$0x3], $0x20, s0, s6, $0xb8;
	[tilespmem:$0x119E0] =	vst v63  }
0x127: {  	_ =	swait.ge [sflag:s12], $0x3E80  }
0x128: {  	[sflag:s12] =	ssyncset.done $0x0  }
0x129: {  	s0 =	rddreg [dreg:$0x12];
	[sflag:s12] =	ssyncadd.s32 $0xFFFFC180  }
0x12a: {  	[spmem:s2] =	stream.indirect.scatter.add.f32 [tilespmem:s7], [sflag:$0x4], $0x20, s0, s6, $0xb8;
	[tilespmem:$0x119E0] =	vst v63  }
0x12b: {  	_ =	swait.ge [sflag:s11], $0x3E80  }
0x12c: {  	[sflag:s11] =	ssyncset.done $0x0  }
0x12d: {  	s0 =	rddreg [dreg:$0x13];
	[sflag:s11] =	ssyncadd.s32 $0xFFFFC180  }
0x12e: {  	[tilespmem:s8], [sflag:$0x1] =	stream.indirect.gather [hbm4b:s3+s6], $0x20, s0, s6, $0xb8;
	[tilespmem:$0x119E0] =	vst v63  }
0x12f: {  	_ =	swait.ge [sflag:s9], $0x3E80  }
0x130: {  	[sflag:s9] =	ssyncset.done $0x0  }
0x131: {  	s0 =	rddreg [dreg:$0x14];
	[sflag:s9] =	ssyncadd.s32 $0xFFFFC180  }
0x132: {  	[tilespmem:s7], [sflag:$0x2] =	stream.indirect.gather [hbm4b:s3+s6], $0x20, s0, s6, $0xb8;
	[tilespmem:$0x119E0] =	vst v63  }
0x133: {  	_ =	swait.ge [sflag:s13], $0x3E80  }
0x134: {  	[sflag:s13] =	ssyncset.done $0x0  }
0x135: {  	s0 =	rddreg [dreg:$0x15];
	[sflag:s13] =	ssyncadd.s32 $0xFFFFC180  }
0x136: {  	[spmem:s2] =	stream.indirect.scatter.add.f32 [tilespmem:s8], [sflag:$0x3], $0x20, s0, s6, $0xb8;
	[tilespmem:$0x119E0] =	vst v63  }
0x137: {  	_ =	swait.ge [sflag:s12], $0x3E80  }
0x138: {  	[sflag:s12] =	ssyncset.done $0x0  }
0x139: {  	s0 =	rddreg [dreg:$0x16];
	[sflag:s12] =	ssyncadd.s32 $0xFFFFC180  }
0x13a: {  	[spmem:s2] =	stream.indirect.scatter.add.f32 [tilespmem:s7], [sflag:$0x4], $0x20, s0, s6, $0xb8;
	[tilespmem:$0x119E0] =	vst v63  }
0x13b: {  	_ =	swait.ge [sflag:s11], $0x3E80  }
0x13c: {  	[sflag:s11] =	ssyncset.done $0x0  }
0x13d: {  	s0 =	rddreg [dreg:$0x17];
	[sflag:s11] =	ssyncadd.s32 $0xFFFFC180  }
0x13e: {  	[tilespmem:s8], [sflag:$0x1] =	stream.indirect.gather [hbm4b:s3+s6], $0x20, s0, s6, $0xb8;
	[tilespmem:$0x119E0] =	vst v63  }
0x13f: {  	_ =	swait.ge [sflag:s9], $0x3E80  }
0x140: {  	[sflag:s9] =	ssyncset.done $0x0  }
0x141: {  	s0 =	rddreg [dreg:$0x18];
	[sflag:s9] =	ssyncadd.s32 $0xFFFFC180  }
0x142: {  	[tilespmem:s7], [sflag:$0x2] =	stream.indirect.gather [hbm4b:s3+s6], $0x20, s0, s6, $0xb8;
	[tilespmem:$0x119E0] =	vst v63  }
0x143: {  	_ =	swait.ge [sflag:s13], $0x3E80  }
0x144: {  	[sflag:s13] =	ssyncset.done $0x0  }
0x145: {  	s0 =	rddreg [dreg:$0x19];
	[sflag:s13] =	ssyncadd.s32 $0xFFFFC180  }
0x146: {  	[spmem:s2] =	stream.indirect.scatter.add.f32 [tilespmem:s8], [sflag:$0x3], $0x20, s0, s6, $0xb8;
	[tilespmem:$0x119E0] =	vst v63  }
0x147: {  	_ =	swait.ge [sflag:s12], $0x3E80  }
0x148: {  	[sflag:s12] =	ssyncset.done $0x0  }
0x149: {  	s0 =	rddreg [dreg:$0x1a];
	[sflag:s12] =	ssyncadd.s32 $0xFFFFC180  }
0x14a: {  	[spmem:s2] =	stream.indirect.scatter.add.f32 [tilespmem:s7], [sflag:$0x4], $0x20, s0, s6, $0xb8;
	[tilespmem:$0x119E0] =	vst v63  }
0x14b: {  	_ =	swait.ge [sflag:s11], $0x3E80  }
0x14c: {  	[sflag:s11] =	ssyncset.done $0x0  }
0x14d: {  	s0 =	rddreg [dreg:$0x1b];
	[sflag:s11] =	ssyncadd.s32 $0xFFFFC180  }
0x14e: {  	[tilespmem:s8], [sflag:$0x1] =	stream.indirect.gather [hbm4b:s3+s6], $0x20, s0, s6, $0xb8;
	[tilespmem:$0x119E0] =	vst v63  }
0x14f: {  	_ =	swait.ge [sflag:s9], $0x3E80  }
0x150: {  	[sflag:s9] =	ssyncset.done $0x0  }
0x151: {  	s0 =	rddreg [dreg:$0x1c];
	[sflag:s9] =	ssyncadd.s32 $0xFFFFC180  }
0x152: {  	[tilespmem:s7], [sflag:$0x2] =	stream.indirect.gather [hbm4b:s3+s6], $0x20, s0, s6, $0xb8;
	[tilespmem:$0x119E0] =	vst v63  }
0x153: {  	_ =	swait.ge [sflag:s13], $0x3E80  }
0x154: {  	[sflag:s13] =	ssyncset.done $0x0  }
0x155: {  	s0 =	rddreg [dreg:$0x1d];
	[sflag:s13] =	ssyncadd.s32 $0xFFFFC180  }
0x156: {  	[spmem:s2] =	stream.indirect.scatter.add.f32 [tilespmem:s8], [sflag:$0x3], $0x20, s0, s6, $0xb8;
	[tilespmem:$0x119E0] =	vst v63  }
0x157: {  	_ =	swait.ge [sflag:s12], $0x3E80  }
0x158: {  	[sflag:s12] =	ssyncset.done $0x0  }
0x159: {  	s0 =	rddreg [dreg:$0x1e];
	[sflag:s12] =	ssyncadd.s32 $0xFFFFC180  }
0x15a: {  	[spmem:s2] =	stream.indirect.scatter.add.f32 [tilespmem:s7], [sflag:$0x4], $0x20, s0, s6, $0xb8;
	[tilespmem:$0x119E0] =	vst v63  }
0x15b: {  	_ =	swait.ge [sflag:s11], $0x3E80  }
0x15c: {  	[sflag:s11] =	ssyncset.done $0x0  }
0x15d: {  	s0 =	rddreg [dreg:$0x1f];
	[sflag:s11] =	ssyncadd.s32 $0xFFFFC180  }
0x15e: {  	[tilespmem:s8], [sflag:$0x1] =	stream.indirect.gather [hbm4b:s3+s6], $0x20, s0, s6, $0xb8;
	[tilespmem:$0x119E0] =	vst v63  }
0x15f: {  	_ =	swait.ge [sflag:s9], $0x3E80  }
0x160: {  	s0 =	sld [smem:$0x7F9]  }
0x161: {  	[sflag:s9] =	ssyncset.done $0x0  }
0x162: {  	[sflag:s9] =	ssyncadd.s32 $0xFFFFC180  }
0x163: {  	[tilespmem:s7], [sflag:$0x2] =	stream.indirect.gather [hbm4b:s3+s6], $0x20, s0, s6, $0xb8;
	[tilespmem:$0x119E0] =	vst v63  }
0x164: {  	_ =	swait.ge [sflag:s13], $0x3E80  }
0x165: {  	s0 =	sld [smem:$0x7FA]  }
0x166: {  	[sflag:s13] =	ssyncset.done $0x0  }
0x167: {  	[sflag:s13] =	ssyncadd.s32 $0xFFFFC180  }
0x168: {  	[spmem:s2] =	stream.indirect.scatter.add.f32 [tilespmem:s8], [sflag:$0x3], $0x20, s0, s6, $0xb8;
	[tilespmem:$0x119E0] =	vst v63  }
0x169: {  	_ =	swait.ge [sflag:s12], $0x3E80  }
0x16a: {  	s0 =	sld [smem:$0x7FB]  }
0x16b: {  	[sflag:s12] =	ssyncset.done $0x0  }
0x16c: {  	[sflag:s12] =	ssyncadd.s32 $0xFFFFC180  }
0x16d: {  	[spmem:s2] =	stream.indirect.scatter.add.f32 [tilespmem:s7], [sflag:$0x4], $0x20, s0, s6, $0xb8;
	[tilespmem:$0x119E0] =	vst v63  }
0x16e: {  	_ =	swait.ge [sflag:s11], $0x3E80  }
0x16f: {  	s0 =	sld [smem:$0x7FC]  }
0x170: {  	[sflag:s11] =	ssyncset.done $0x0  }
0x171: {  	[sflag:s11] =	ssyncadd.s32 $0xFFFFC180  }
0x172: {  	[tilespmem:s8], [sflag:$0x1] =	stream.indirect.gather [hbm4b:s3+s6], $0x20, s0, s6, $0xb8;
	[tilespmem:$0x119E0] =	vst v63  }
0x173: {  	_ =	swait.ge [sflag:s9], $0x3E80  }
0x174: {  	s0 =	sld [smem:$0x7FD]  }
0x175: {  	[sflag:s9] =	ssyncset.done $0x0  }
0x176: {  	[sflag:s9] =	ssyncadd.s32 $0xFFFFC180  }
0x177: {  	[tilespmem:s7], [sflag:$0x2] =	stream.indirect.gather [hbm4b:s3+s6], $0x20, s0, s6, $0xb8;
	[tilespmem:$0x119E0] =	vst v63  }
0x178: {  	_ =	swait.ge [sflag:s13], $0x3E80  }
0x179: {  	[sflag:s13] =	ssyncset.done $0x0  }
0x17a: {  	[sflag:s13] =	ssyncadd.s32 $0xFFFFC180  }
0x17b: {  	[spmem:s2] =	stream.indirect.scatter.add.f32 [tilespmem:s8], [sflag:$0x3], $0x20, s23, s6, $0xb8;
	[tilespmem:$0x119E0] =	vst v63  }
0x17c: {  	_ =	swait.ge [sflag:s12], $0x3E80  }
0x17d: {  	[sflag:s12] =	ssyncset.done $0x0  }
0x17e: {  	[sflag:s12] =	ssyncadd.s32 $0xFFFFC180  }
0x17f: {  	[spmem:s2] =	stream.indirect.scatter.add.f32 [tilespmem:s7], [sflag:$0x4], $0x20, s22, s6, $0xb8;
	[tilespmem:$0x119E0] =	vst v63  }
0x180: {  	_ =	swait.ge [sflag:s11], $0x3E80  }
0x181: {  	[sflag:s11] =	ssyncset.done $0x0  }
0x182: {  	[sflag:s11] =	ssyncadd.s32 $0xFFFFC180  }
0x183: {  	[tilespmem:s8], [sflag:$0x1] =	stream.indirect.gather [hbm4b:s3+s6], $0x20, s21, s6, $0xb8;
	[tilespmem:$0x119E0] =	vst v63  }
0x184: {  	_ =	swait.ge [sflag:s9], $0x3E80  }
0x185: {  	[sflag:s9] =	ssyncset.done $0x0  }
0x186: {  	[sflag:s9] =	ssyncadd.s32 $0xFFFFC180  }
0x187: {  	[tilespmem:s7], [sflag:$0x2] =	stream.indirect.gather [hbm4b:s3+s6], $0x20, s20, s6, $0xb8;
	[tilespmem:$0x119E0] =	vst v63  }
0x188: {  	_ =	swait.ge [sflag:s13], $0x3E80  }
0x189: {  	[sflag:s13] =	ssyncset.done $0x0  }
0x18a: {  	[sflag:s13] =	ssyncadd.s32 $0xFFFFC180  }
0x18b: {  	[spmem:s2] =	stream.indirect.scatter.add.f32 [tilespmem:s8], [sflag:$0x3], $0x20, s19, s6, $0xb8;
	[tilespmem:$0x119E0] =	vst v63  }
0x18c: {  	_ =	swait.ge [sflag:s12], $0x3E80  }
0x18d: {  	[sflag:s12] =	ssyncset.done $0x0  }
0x18e: {  	[sflag:s12] =	ssyncadd.s32 $0xFFFFC180  }
0x18f: {  	[spmem:s2] =	stream.indirect.scatter.add.f32 [tilespmem:s7], [sflag:$0x4], $0x20, s18, s6, $0xb8;
	[tilespmem:$0x119E0] =	vst v63  }
0x190: {  	_ =	swait.ge [sflag:s11], $0x3E80  }
0x191: {  	[sflag:s11] =	ssyncset.done $0x0  }
0x192: {  	[sflag:s11] =	ssyncadd.s32 $0xFFFFC180  }
0x193: {  	[tilespmem:s8], [sflag:$0x1] =	stream.indirect.gather [hbm4b:s3+s6], $0x20, s16, s6, $0xb8;
	[tilespmem:$0x119E0] =	vst v63  }
0x194: {  	_ =	swait.ge [sflag:s9], $0x3E80  }
0x195: {  	[sflag:s9] =	ssyncset.done $0x0  }
0x196: {  	[sflag:s9] =	ssyncadd.s32 $0xFFFFC180  }
0x197: {  	[tilespmem:s7], [sflag:$0x2] =	stream.indirect.gather [hbm4b:s3+s6], $0x20, s17, s6, $0xb8;
	[tilespmem:$0x119E0] =	vst v63  }
0x198: {  	_ =	swait.ge [sflag:s13], $0x3E80  }
0x199: {  	[sflag:s13] =	ssyncset.done $0x0  }
0x19a: {  	[sflag:s13] =	ssyncadd.s32 $0xFFFFC180  }
0x19b: {  	[spmem:s2] =	stream.indirect.scatter.add.f32 [tilespmem:s8], [sflag:$0x3], $0x20, s15, s6, $0xb8;
	[tilespmem:$0x119E0] =	vst v63  }
0x19c: {  	_ =	swait.ge [sflag:s12], $0x3E80  }
0x19d: {  	[sflag:s12] =	ssyncset.done $0x0  }
0x19e: {  	[sflag:s12] =	ssyncadd.s32 $0xFFFFC180  }
0x19f: {  	[spmem:s2] =	stream.indirect.scatter.add.f32 [tilespmem:s7], [sflag:$0x4], $0x20, s14, s6, $0xb8;
	[tilespmem:$0x119E0] =	vst v63  }
0x1a0: {  	_ =	swait.ge [sflag:s11], $0x3E80  }
0x1a1: {  	[sflag:s11] =	ssyncset.done $0x0  }
0x1a2: {  	[sflag:s11] =	ssyncadd.s32 $0xFFFFC180  }
0x1a3: {  	_ =	swait.ge [sflag:s9], $0x3E80  }
0x1a4: {  	[sflag:s9] =	ssyncset.done $0x0  }
0x1a5: {  	[sflag:s9] =	ssyncadd.s32 $0xFFFFC180  }
0x1a6: {  	[bflag:$0x0] =	sbarrier.arrive $0xFFFF  }
0x1a7: {  	s1 =	sadd.s32 $0xFFFFFFFF, s1;
	s0 =	rddreg [dreg:$0x7]  }
0x1a8: {  	[hbm:s0], [sflag:s29] =	dma.local @p0 [spmem:s4], $0x640  }
0x1a9: {  	p2 =	sne.s32 s1, $0x0;
	_ =	swait.ge @p0 [sflag:s31], $0x640  }
.Ltmp2:
0x1aa: {  	[sflag:s31] =	ssyncset.done @p0 $0x0;
	(pc) =	sbr.rel @p2 .LBB2_4-.Ltmp2, $4  }
0x1ab: {  	s0 =	rddreg [dreg:$0x6];
	[sflag:s31] =	ssyncadd.s32 @p0 $0xFFFFF9C0  }
0x1ac: {  	[hbm:s0], [sflag:s5] =	dma.local @!p0 [spmem:s10], $0xA00  }
0x1ad: {  	_ =	swait.ge @!p0 [sflag:s30], $0xA00  }
0x1ae: {  	s0 =	rddreg [dreg:$0x4];
	[sflag:s30] =	ssyncset.done @!p0 $0x0  }
0x1af: {  	s29 =	stileid.u32;
	s31 =	rddreg [dreg:$0x3]  }
.LBB2_6:
0x1b0: {  	p1 =	por p0, !p1  }
0x1b1: {  	[sflag:s30] =	ssyncadd.s32 @!p1 $0xFFFFF600  }
0x1b2: {  	[tilespmem:s24], [sflag:$0x5] =	stream.linear.gather [hbm4b:s0+s24], $0x2760, $0x38;
	[tilespmem:$0x119E0] =	vst v63  }
0x1b3: {  	_ =	swait.ge [sflag:s28], $0x2760  }
0x1b4: {  	[sflag:s28] =	ssyncset.done $0x0  }
0x1b5: {  	s1 =	rddreg [dreg:$0x5];
	[sflag:s28] =	ssyncadd.s32 $0xFFFFD8A0  }
0x1b6: {  	[tilespmem:s26], [sflag:$0x5] =	stream.linear.gather [hbm4b:s1+s24], $0x2760, $0x38;
	[tilespmem:$0x119E0] =	vst v63  }
0x1b7: {  	_ =	swait.ge [sflag:s28], $0x2760  }
0x1b8: {  	[sflag:s28] =	ssyncset.done $0x0  }
0x1b9: {  	s1 =	simm.s32 @p0 $0x5;
	[sflag:s28] =	ssyncadd.s32 $0xFFFFD8A0;
	s28 =	simm.s32 @p0 $0x1FC5  }
0x1ba: {  	[spmem:s4], [sflag:s28] =	dma.local @p0 [hbm:s25], $0x640  }
0x1bb: {  	_ =	swait.ge @p0 [sflag:s1], $0x640  }
0x1bc: {  	[sflag:s1] =	ssyncset.done @p0 $0x0  }
0x1bd: {  	s0 =	rddreg [dreg:$0x8];
	[sflag:s1] =	ssyncadd.s32 @p0 $0xFFFFF9C0  }
0x1be: {  	[spmem:s0], [sflag:s5] =	dma.local @!p0 [hbm:s25], $0xA00  }
0x1bf: {  	s25 =	simm.s32 @!p0 $0x5  }
0x1c0: {  	_ =	swait.ge @!p0 [sflag:s25], $0xA00  }
0x1c1: {  	[sflag:s25] =	ssyncset.done @!p0 $0x0  }
0x1c2: {  	[sflag:s25] =	ssyncadd.s32 @!p0 $0xFFFFF600  }
0x1c3: {  	[bflag:$0x0] =	sbarrier.arrive $0xFFFF  }
0x1c4: {  	[tilespmem:s8], [sflag:$0x1] =	stream.indirect.gather [hbm4b:s3+s6], $0x20, s24, s6, $0xb8;
	[tilespmem:$0x119E0] =	vst v63  }
0x1c5: {  	s30 =	rddreg [dreg:$0x9]  }
0x1c6: {  	[tilespmem:s7], [sflag:$0x2] =	stream.indirect.gather [hbm4b:s3+s6], $0x20, s30, s6, $0xb8;
	[tilespmem:$0x119E0] =	vst v63  }
0x1c7: {  	_ =	swait.ge [sflag:s13], $0x3E80  }
0x1c8: {  	[sflag:s13] =	ssyncset.done $0x0  }
0x1c9: {  	[sflag:s13] =	ssyncadd.s32 $0xFFFFC180  }
0x1ca: {  	[spmem:s2] =	stream.indirect.scatter.add.f32 [tilespmem:s8], [sflag:$0x3], $0x20, s26, s6, $0xb8;
	[tilespmem:$0x119E0] =	vst v63  }
0x1cb: {  	_ =	swait.ge [sflag:s12], $0x3E80  }
0x1cc: {  	[sflag:s12] =	ssyncset.done $0x0  }
0x1cd: {  	s24 =	rddreg [dreg:$0xa];
	[sflag:s12] =	ssyncadd.s32 $0xFFFFC180  }
0x1ce: {  	[spmem:s2] =	stream.indirect.scatter.add.f32 [tilespmem:s7], [sflag:$0x4], $0x20, s24, s6, $0xb8;
	[tilespmem:$0x119E0] =	vst v63  }
0x1cf: {  	_ =	swait.ge [sflag:s11], $0x3E80  }
0x1d0: {  	[sflag:s11] =	ssyncset.done $0x0  }
0x1d1: {  	s26 =	rddreg [dreg:$0xb];
	[sflag:s11] =	ssyncadd.s32 $0xFFFFC180  }
0x1d2: {  	[tilespmem:s8], [sflag:$0x1] =	stream.indirect.gather [hbm4b:s3+s6], $0x20, s26, s6, $0xb8;
	[tilespmem:$0x119E0] =	vst v63  }
0x1d3: {  	_ =	swait.ge [sflag:s9], $0x3E80  }
0x1d4: {  	[sflag:s9] =	ssyncset.done $0x0  }
0x1d5: {  	s30 =	rddreg [dreg:$0xc];
	[sflag:s9] =	ssyncadd.s32 $0xFFFFC180  }
0x1d6: {  	[tilespmem:s7], [sflag:$0x2] =	stream.indirect.gather [hbm4b:s3+s6], $0x20, s30, s6, $0xb8;
	[tilespmem:$0x119E0] =	vst v63  }
0x1d7: {  	_ =	swait.ge [sflag:s13], $0x3E80  }
0x1d8: {  	[sflag:s13] =	ssyncset.done $0x0  }
0x1d9: {  	s24 =	rddreg [dreg:$0xd];
	[sflag:s13] =	ssyncadd.s32 $0xFFFFC180  }
0x1da: {  	[spmem:s2] =	stream.indirect.scatter.add.f32 [tilespmem:s8], [sflag:$0x3], $0x20, s24, s6, $0xb8;
	[tilespmem:$0x119E0] =	vst v63  }
0x1db: {  	_ =	swait.ge [sflag:s12], $0x3E80  }
0x1dc: {  	[sflag:s12] =	ssyncset.done $0x0  }
0x1dd: {  	s26 =	rddreg [dreg:$0xe];
	[sflag:s12] =	ssyncadd.s32 $0xFFFFC180  }
0x1de: {  	[spmem:s2] =	stream.indirect.scatter.add.f32 [tilespmem:s7], [sflag:$0x4], $0x20, s26, s6, $0xb8;
	[tilespmem:$0x119E0] =	vst v63  }
0x1df: {  	_ =	swait.ge [sflag:s11], $0x3E80  }
0x1e0: {  	[sflag:s11] =	ssyncset.done $0x0  }
0x1e1: {  	s30 =	rddreg [dreg:$0xf];
	[sflag:s11] =	ssyncadd.s32 $0xFFFFC180  }
0x1e2: {  	[tilespmem:s8], [sflag:$0x1] =	stream.indirect.gather [hbm4b:s3+s6], $0x20, s30, s6, $0xb8;
	[tilespmem:$0x119E0] =	vst v63  }
0x1e3: {  	_ =	swait.ge [sflag:s9], $0x3E80  }
0x1e4: {  	[sflag:s9] =	ssyncset.done $0x0  }
0x1e5: {  	s24 =	rddreg [dreg:$0x10];
	[sflag:s9] =	ssyncadd.s32 $0xFFFFC180  }
0x1e6: {  	[tilespmem:s7], [sflag:$0x2] =	stream.indirect.gather [hbm4b:s3+s6], $0x20, s24, s6, $0xb8;
	[tilespmem:$0x119E0] =	vst v63  }
0x1e7: {  	_ =	swait.ge [sflag:s13], $0x3E80  }
0x1e8: {  	[sflag:s13] =	ssyncset.done $0x0  }
0x1e9: {  	s26 =	rddreg [dreg:$0x11];
	[sflag:s13] =	ssyncadd.s32 $0xFFFFC180  }
0x1ea: {  	[spmem:s2] =	stream.indirect.scatter.add.f32 [tilespmem:s8], [sflag:$0x3], $0x20, s26, s6, $0xb8;
	[tilespmem:$0x119E0] =	vst v63  }
0x1eb: {  	_ =	swait.ge [sflag:s12], $0x3E80  }
0x1ec: {  	[sflag:s12] =	ssyncset.done $0x0  }
0x1ed: {  	s30 =	rddreg [dreg:$0x12];
	[sflag:s12] =	ssyncadd.s32 $0xFFFFC180  }
0x1ee: {  	[spmem:s2] =	stream.indirect.scatter.add.f32 [tilespmem:s7], [sflag:$0x4], $0x20, s30, s6, $0xb8;
	[tilespmem:$0x119E0] =	vst v63  }
0x1ef: {  	_ =	swait.ge [sflag:s11], $0x3E80  }
0x1f0: {  	[sflag:s11] =	ssyncset.done $0x0  }
0x1f1: {  	s24 =	rddreg [dreg:$0x13];
	[sflag:s11] =	ssyncadd.s32 $0xFFFFC180  }
0x1f2: {  	[tilespmem:s8], [sflag:$0x1] =	stream.indirect.gather [hbm4b:s3+s6], $0x20, s24, s6, $0xb8;
	[tilespmem:$0x119E0] =	vst v63  }
0x1f3: {  	_ =	swait.ge [sflag:s9], $0x3E80  }
0x1f4: {  	[sflag:s9] =	ssyncset.done $0x0  }
0x1f5: {  	s26 =	rddreg [dreg:$0x14];
	[sflag:s9] =	ssyncadd.s32 $0xFFFFC180  }
0x1f6: {  	[tilespmem:s7], [sflag:$0x2] =	stream.indirect.gather [hbm4b:s3+s6], $0x20, s26, s6, $0xb8;
	[tilespmem:$0x119E0] =	vst v63  }
0x1f7: {  	_ =	swait.ge [sflag:s13], $0x3E80  }
0x1f8: {  	[sflag:s13] =	ssyncset.done $0x0  }
0x1f9: {  	s30 =	rddreg [dreg:$0x15];
	[sflag:s13] =	ssyncadd.s32 $0xFFFFC180  }
0x1fa: {  	[spmem:s2] =	stream.indirect.scatter.add.f32 [tilespmem:s8], [sflag:$0x3], $0x20, s30, s6, $0xb8;
	[tilespmem:$0x119E0] =	vst v63  }
0x1fb: {  	_ =	swait.ge [sflag:s12], $0x3E80  }
0x1fc: {  	[sflag:s12] =	ssyncset.done $0x0  }
0x1fd: {  	s24 =	rddreg [dreg:$0x16];
	[sflag:s12] =	ssyncadd.s32 $0xFFFFC180  }
0x1fe: {  	[spmem:s2] =	stream.indirect.scatter.add.f32 [tilespmem:s7], [sflag:$0x4], $0x20, s24, s6, $0xb8;
	[tilespmem:$0x119E0] =	vst v63  }
0x1ff: {  	_ =	swait.ge [sflag:s11], $0x3E80  }
0x200: {  	[sflag:s11] =	ssyncset.done $0x0  }
0x201: {  	s26 =	rddreg [dreg:$0x17];
	[sflag:s11] =	ssyncadd.s32 $0xFFFFC180  }
0x202: {  	[tilespmem:s8], [sflag:$0x1] =	stream.indirect.gather [hbm4b:s3+s6], $0x20, s26, s6, $0xb8;
	[tilespmem:$0x119E0] =	vst v63  }
0x203: {  	_ =	swait.ge [sflag:s9], $0x3E80  }
0x204: {  	[sflag:s9] =	ssyncset.done $0x0  }
0x205: {  	s30 =	rddreg [dreg:$0x18];
	[sflag:s9] =	ssyncadd.s32 $0xFFFFC180  }
0x206: {  	[tilespmem:s7], [sflag:$0x2] =	stream.indirect.gather [hbm4b:s3+s6], $0x20, s30, s6, $0xb8;
	[tilespmem:$0x119E0] =	vst v63  }
0x207: {  	_ =	swait.ge [sflag:s13], $0x3E80  }
0x208: {  	[sflag:s13] =	ssyncset.done $0x0  }
0x209: {  	s24 =	rddreg [dreg:$0x19];
	[sflag:s13] =	ssyncadd.s32 $0xFFFFC180  }
0x20a: {  	[spmem:s2] =	stream.indirect.scatter.add.f32 [tilespmem:s8], [sflag:$0x3], $0x20, s24, s6, $0xb8;
	[tilespmem:$0x119E0] =	vst v63  }
0x20b: {  	_ =	swait.ge [sflag:s12], $0x3E80  }
0x20c: {  	[sflag:s12] =	ssyncset.done $0x0  }
0x20d: {  	s26 =	rddreg [dreg:$0x1a];
	[sflag:s12] =	ssyncadd.s32 $0xFFFFC180  }
0x20e: {  	[spmem:s2] =	stream.indirect.scatter.add.f32 [tilespmem:s7], [sflag:$0x4], $0x20, s26, s6, $0xb8;
	[tilespmem:$0x119E0] =	vst v63  }
0x20f: {  	_ =	swait.ge [sflag:s11], $0x3E80  }
0x210: {  	[sflag:s11] =	ssyncset.done $0x0  }
0x211: {  	s30 =	rddreg [dreg:$0x1b];
	[sflag:s11] =	ssyncadd.s32 $0xFFFFC180  }
0x212: {  	[tilespmem:s8], [sflag:$0x1] =	stream.indirect.gather [hbm4b:s3+s6], $0x20, s30, s6, $0xb8;
	[tilespmem:$0x119E0] =	vst v63  }
0x213: {  	_ =	swait.ge [sflag:s9], $0x3E80  }
0x214: {  	[sflag:s9] =	ssyncset.done $0x0  }
0x215: {  	s24 =	rddreg [dreg:$0x1c];
	[sflag:s9] =	ssyncadd.s32 $0xFFFFC180  }
0x216: {  	[tilespmem:s7], [sflag:$0x2] =	stream.indirect.gather [hbm4b:s3+s6], $0x20, s24, s6, $0xb8;
	[tilespmem:$0x119E0] =	vst v63  }
0x217: {  	_ =	swait.ge [sflag:s13], $0x3E80  }
0x218: {  	[sflag:s13] =	ssyncset.done $0x0  }
0x219: {  	s26 =	rddreg [dreg:$0x1d];
	[sflag:s13] =	ssyncadd.s32 $0xFFFFC180  }
0x21a: {  	[spmem:s2] =	stream.indirect.scatter.add.f32 [tilespmem:s8], [sflag:$0x3], $0x20, s26, s6, $0xb8;
	[tilespmem:$0x119E0] =	vst v63  }
0x21b: {  	_ =	swait.ge [sflag:s12], $0x3E80  }
0x21c: {  	[sflag:s12] =	ssyncset.done $0x0  }
0x21d: {  	s30 =	rddreg [dreg:$0x1e];
	[sflag:s12] =	ssyncadd.s32 $0xFFFFC180  }
0x21e: {  	[spmem:s2] =	stream.indirect.scatter.add.f32 [tilespmem:s7], [sflag:$0x4], $0x20, s30, s6, $0xb8;
	[tilespmem:$0x119E0] =	vst v63  }
0x21f: {  	_ =	swait.ge [sflag:s11], $0x3E80  }
0x220: {  	[sflag:s11] =	ssyncset.done $0x0  }
0x221: {  	s24 =	rddreg [dreg:$0x1f];
	[sflag:s11] =	ssyncadd.s32 $0xFFFFC180  }
0x222: {  	[tilespmem:s8], [sflag:$0x1] =	stream.indirect.gather [hbm4b:s3+s6], $0x20, s24, s6, $0xb8;
	[tilespmem:$0x119E0] =	vst v63  }
0x223: {  	_ =	swait.ge [sflag:s9], $0x3E80  }
0x224: {  	s26 =	sld [smem:$0x7F9]  }
0x225: {  	[sflag:s9] =	ssyncset.done $0x0  }
0x226: {  	[sflag:s9] =	ssyncadd.s32 $0xFFFFC180  }
0x227: {  	[tilespmem:s7], [sflag:$0x2] =	stream.indirect.gather [hbm4b:s3+s6], $0x20, s26, s6, $0xb8;
	[tilespmem:$0x119E0] =	vst v63  }
0x228: {  	_ =	swait.ge [sflag:s13], $0x3E80  }
0x229: {  	s30 =	sld [smem:$0x7FA]  }
0x22a: {  	[sflag:s13] =	ssyncset.done $0x0  }
0x22b: {  	[sflag:s13] =	ssyncadd.s32 $0xFFFFC180  }
0x22c: {  	[spmem:s2] =	stream.indirect.scatter.add.f32 [tilespmem:s8], [sflag:$0x3], $0x20, s30, s6, $0xb8;
	[tilespmem:$0x119E0] =	vst v63  }
0x22d: {  	_ =	swait.ge [sflag:s12], $0x3E80  }
0x22e: {  	s24 =	sld [smem:$0x7FB]  }
0x22f: {  	[sflag:s12] =	ssyncset.done $0x0  }
0x230: {  	[sflag:s12] =	ssyncadd.s32 $0xFFFFC180  }
0x231: {  	[spmem:s2] =	stream.indirect.scatter.add.f32 [tilespmem:s7], [sflag:$0x4], $0x20, s24, s6, $0xb8;
	[tilespmem:$0x119E0] =	vst v63  }
0x232: {  	_ =	swait.ge [sflag:s11], $0x3E80  }
0x233: {  	s26 =	sld [smem:$0x7FC]  }
0x234: {  	[sflag:s11] =	ssyncset.done $0x0  }
0x235: {  	[sflag:s11] =	ssyncadd.s32 $0xFFFFC180  }
0x236: {  	[tilespmem:s8], [sflag:$0x1] =	stream.indirect.gather [hbm4b:s3+s6], $0x20, s26, s6, $0xb8;
	[tilespmem:$0x119E0] =	vst v63  }
0x237: {  	_ =	swait.ge [sflag:s9], $0x3E80  }
0x238: {  	s30 =	sld [smem:$0x7FD]  }
0x239: {  	[sflag:s9] =	ssyncset.done $0x0  }
0x23a: {  	[sflag:s9] =	ssyncadd.s32 $0xFFFFC180  }
0x23b: {  	[tilespmem:s7], [sflag:$0x2] =	stream.indirect.gather [hbm4b:s3+s6], $0x20, s30, s6, $0xb8;
	[tilespmem:$0x119E0] =	vst v63  }
0x23c: {  	_ =	swait.ge [sflag:s13], $0x3E80  }
0x23d: {  	[sflag:s13] =	ssyncset.done $0x0  }
0x23e: {  	[sflag:s13] =	ssyncadd.s32 $0xFFFFC180  }
0x23f: {  	[spmem:s2] =	stream.indirect.scatter.add.f32 [tilespmem:s8], [sflag:$0x3], $0x20, s23, s6, $0xb8;
	[tilespmem:$0x119E0] =	vst v63  }
0x240: {  	_ =	swait.ge [sflag:s12], $0x3E80  }
0x241: {  	[sflag:s12] =	ssyncset.done $0x0  }
0x242: {  	[sflag:s12] =	ssyncadd.s32 $0xFFFFC180  }
0x243: {  	[spmem:s2] =	stream.indirect.scatter.add.f32 [tilespmem:s7], [sflag:$0x4], $0x20, s22, s6, $0xb8;
	[tilespmem:$0x119E0] =	vst v63  }
0x244: {  	_ =	swait.ge [sflag:s11], $0x3E80  }
0x245: {  	[sflag:s11] =	ssyncset.done $0x0  }
0x246: {  	[sflag:s11] =	ssyncadd.s32 $0xFFFFC180  }
0x247: {  	[tilespmem:s8], [sflag:$0x1] =	stream.indirect.gather [hbm4b:s3+s6], $0x20, s21, s6, $0xb8;
	[tilespmem:$0x119E0] =	vst v63  }
0x248: {  	_ =	swait.ge [sflag:s9], $0x3E80  }
0x249: {  	[sflag:s9] =	ssyncset.done $0x0  }
0x24a: {  	[sflag:s9] =	ssyncadd.s32 $0xFFFFC180  }
0x24b: {  	[tilespmem:s7], [sflag:$0x2] =	stream.indirect.gather [hbm4b:s3+s6], $0x20, s20, s6, $0xb8;
	[tilespmem:$0x119E0] =	vst v63  }
0x24c: {  	_ =	swait.ge [sflag:s13], $0x3E80  }
0x24d: {  	[sflag:s13] =	ssyncset.done $0x0  }
0x24e: {  	[sflag:s13] =	ssyncadd.s32 $0xFFFFC180  }
0x24f: {  	[spmem:s2] =	stream.indirect.scatter.add.f32 [tilespmem:s8], [sflag:$0x3], $0x20, s19, s6, $0xb8;
	[tilespmem:$0x119E0] =	vst v63  }
0x250: {  	_ =	swait.ge [sflag:s12], $0x3E80  }
0x251: {  	[sflag:s12] =	ssyncset.done $0x0  }
0x252: {  	[sflag:s12] =	ssyncadd.s32 $0xFFFFC180  }
0x253: {  	[spmem:s2] =	stream.indirect.scatter.add.f32 [tilespmem:s7], [sflag:$0x4], $0x20, s18, s6, $0xb8;
	[tilespmem:$0x119E0] =	vst v63  }
0x254: {  	_ =	swait.ge [sflag:s11], $0x3E80  }
0x255: {  	[sflag:s11] =	ssyncset.done $0x0  }
0x256: {  	[sflag:s11] =	ssyncadd.s32 $0xFFFFC180  }
0x257: {  	[tilespmem:s8], [sflag:$0x1] =	stream.indirect.gather [hbm4b:s3+s6], $0x20, s16, s6, $0xb8;
	[tilespmem:$0x119E0] =	vst v63  }
0x258: {  	_ =	swait.ge [sflag:s9], $0x3E80  }
0x259: {  	[sflag:s9] =	ssyncset.done $0x0  }
0x25a: {  	[sflag:s9] =	ssyncadd.s32 $0xFFFFC180  }
0x25b: {  	[tilespmem:s7], [sflag:$0x2] =	stream.indirect.gather [hbm4b:s3+s6], $0x20, s17, s6, $0xb8;
	[tilespmem:$0x119E0] =	vst v63  }
0x25c: {  	_ =	swait.ge [sflag:s13], $0x3E80  }
0x25d: {  	[sflag:s13] =	ssyncset.done $0x0  }
0x25e: {  	[sflag:s13] =	ssyncadd.s32 $0xFFFFC180  }
0x25f: {  	[spmem:s2] =	stream.indirect.scatter.add.f32 [tilespmem:s8], [sflag:$0x3], $0x20, s15, s6, $0xb8;
	[tilespmem:$0x119E0] =	vst v63  }
0x260: {  	_ =	swait.ge [sflag:s12], $0x3E80  }
0x261: {  	[sflag:s12] =	ssyncset.done $0x0  }
0x262: {  	[sflag:s12] =	ssyncadd.s32 $0xFFFFC180  }
0x263: {  	[spmem:s2] =	stream.indirect.scatter.add.f32 [tilespmem:s7], [sflag:$0x4], $0x20, s14, s6, $0xb8;
	[tilespmem:$0x119E0] =	vst v63  }
0x264: {  	_ =	swait.ge [sflag:s11], $0x3E80  }
0x265: {  	[sflag:s11] =	ssyncset.done $0x0  }
0x266: {  	[sflag:s11] =	ssyncadd.s32 $0xFFFFC180  }
0x267: {  	_ =	swait.ge [sflag:s9], $0x3E80  }
0x268: {  	[sflag:s9] =	ssyncset.done $0x0  }
0x269: {  	[sflag:s9] =	ssyncadd.s32 $0xFFFFC180  }
0x26a: {  	[bflag:$0x0] =	sbarrier.arrive $0xFFFF  }
0x26b: {  	s0 =	rddreg [dreg:$0x7]  }
0x26c: {  	[hbm:s0], [sflag:s28] =	dma.local @p0 [spmem:s4], $0x640  }
0x26d: {  	_ =	swait.ge @p0 [sflag:s1], $0x640  }
0x26e: {  	[sflag:s1] =	ssyncset.done @p0 $0x0  }
0x26f: {  	s0 =	rddreg [dreg:$0x6];
	[sflag:s1] =	ssyncadd.s32 @p0 $0xFFFFF9C0  }
0x270: {  	[hbm:s0], [sflag:s5] =	dma.local @!p0 [spmem:s10], $0xA00  }
0x271: {  	_ =	swait.ge @!p0 [sflag:s25], $0xA00  }
0x272: {  	[sflag:s25] =	ssyncset.done @!p0 $0x0  }
0x273: {  	[sflag:s25] =	ssyncadd.s32 @!p0 $0xFFFFF600  }
0x274: {  	_ =	sfence.sel $0x180000  }
0x275: {  	[bflag:$0x0] =	sbarrier.arrive $0xFFFF  }
0x276: {  	p0 =	sne.s32 s29, $0x0;
	_ =	strace $0x9000004D  }
0x277: {  	s0 =	sadd.s32 @!p0 $0x100000, s31;
	[bflag:$0x2] =	sbarrier.arrive $0xFFFF  }
0x278: {  	[sflag:s0] =	ssyncadd.tile.s32 @!p0 $0x1;
	_ =	shalt  }
.LBB2_1:
.Ltmp3:
0x279: {  	(pc) =	sbr.rel .LBB2_6-.Ltmp3, $2  }
0x27a: {  	_ =	sdelay $0x2  }
0x27b: {  	_ = 	snop  }
.LBB2_3:
.Ltmp4:
0x27c: {  	(pc) =	sbr.rel .LBB2_6-.Ltmp4, $2  }
0x27d: {  	_ =	sdelay $0x2  }
0x27e: {  	s29 =	stileid.u32;
	s31 =	rddreg [dreg:$0x3]  }
.Lfunc_end2:
_tile_overlayer_lowered:
.L_overlay_start_2:
0x27f: {  	(tag) =	ssettag $0x2  }
0x280: {  	s0 =	rddreg [dreg:$0x0];
	s2 =	stileid.u32  }
0x281: {  	s1 =	rddreg [dreg:$0x1];
	p0 =	sne.s32 s2, $0x0  }
0x282: {  	s3 =	rddreg [dreg:$0x2];
	[bflag:$0x3] =	sbarrier.arrive $0xFFFF;
	s2 =	simm.s32 @!p0 $0x1C05  }
0x283: {  	[timem:s3], [sflag:s2] =	dma.local @!p0 [hbm:s0], s1  }
0x284: {  	s0 =	simm.s32 @!p0 $0x5  }
0x285: {  	_ =	swait.ge @!p0 [sflag:s0], s1  }
0x286: {  	s1 =	ssub.s32 @!p0 $0x0, s1;
	[sflag:s0] =	ssyncset.done @!p0 $0x0  }
0x287: {  	[sflag:s0] =	ssyncadd.s32 @!p0 s1  }
0x288: {  	[bflag:$0x3] =	sbarrier.arrive $0xFFFF  }
0x289: {  	_ =	shalt  }

// kernel: kernel.22.cloned.1.call-start
scs
__scs_entry_jumppad:
0x0: {  	(pc) =	sbr.rel $0x88, $3  }
0x1: {  	(tag) =	ssettag $0x0;
	lr =	simm.s32 $0x1  }
0x2: {  	[smem:$0x3F85] =	sst lr;
	_ =	strace $0xD0000000  }
0x3: {  	_ = 	snop  }
0x4: {  	_ = 	snop  }
0x5: {  	_ = 	snop  }
0x6: {  	_ = 	snop  }
0x7: {  	_ = 	snop  }
__scs_overlays_trampoline_lowered:
0x8: {  	[smem:$0x3F94] =	sst s0  }
0x9: {  	[smem:$0x3F95] =	sst s1  }
0xa: {  	[smem:$0x3F96] =	sst s2  }
0xb: {  	[smem:$0x3F97] =	sst s3  }
0xc: {  	[smem:$0x3F98] =	sst s4  }
0xd: {  	[smem:$0x3F99] =	sst s5  }
0xe: {  	[smem:$0x3F9A] =	sst s6  }
0xf: {  	[smem:$0x3F9B] =	sst s7  }
0x10: {  	[smem:$0x3F9C] =	sst s8  }
0x11: {  	[smem:$0x3F9D] =	sst s9;
	s0 =	simm.s32 @!p0 $0x0  }
0x12: {  	s1 =	sld [smem:$0x3F83];
	s0 =	simm.s32 @p0 $0x1  }
0x13: {  	[smem:$0x3F9E] =	sst s0;
	s0 =	simm.s32 @!p1 $0x0  }
0x14: {  	s2 =	sld [smem:$0x3F82];
	s0 =	simm.s32 @p1 $0x1  }
0x15: {  	[smem:$0x3F9F] =	sst s0;
	s0 =	simm.s32 @!p2 $0x0  }
0x16: {  	s3 =	sld [smem:$0x3FDB];
	s0 =	simm.s32 @p2 $0x1  }
0x17: {  	s4 =	simm.s32 $0x1BF5;
	[smem:$0x3FA1] =	sst s0  }
0x18: {  	s0 =	sld [smem:$0x3F84];
	_ =	swait.ge [sflag:s4], $0x0  }
0x19: {  	s7 =	sld [smem:$0x3F85]  }
0x1a: {  	s8 =	sadd.s32 $0xFFFFE003, lr  }
0x1b: {  	s9 =	sadd.s32 $0xFFFFFEF7, lr;
	s5 =	simm.s32 $0xFFFFFFFF;
	p2 =	slt.u32 s8, $0xFFFFF086  }
0x1c: {  	p1 =	slt.u32 s9, $0xF7A;
	s5 =	simm.s32 @!p2 $0x0  }
0x1d: {  	s5 =	simm.s32 @p1 $0x1;
	p0 =	seq.s32 s7, s2  }
0x1e: {  	s7 =	smul.u32 @!p0 $0xF7A, s2;
	p2 =	seq.s32 @!p0 s5, $0x0  }
0x1f: {  	s9 =	smul.u32 $0xF7A, s1;
	s8 =	simm.s32 @!p0 $0x1BF5;
	p2 =	por !p2, p0  }
0x20: {  	[sflag:s8] =	ssyncset.s32 @!p0 $0xFFFFF086;
	s6 =	sadd.s32 @!p0 s3, s7;
	s7 =	simm.s32 @!p0 $0x108  }
0x21: {  	s3 =	sadd.s32 s3, s9;
	s6 =	sadd.s32 @!p0 $0x88, s6;
	s7 =	simm.s32 @p2 $0x1082  }
0x22: {  	[simem:s7], [sflag:s8] =	dma.local @!p0 [hbm:s6], $0xF7A  }
0x23: {  	s9 =	sor.u32 $0xD0000000, s2;
	s6 =	simm.s32 $0x108;
	_ =	swait.ge @!p0 [sflag:s8], $0x0  }
0x24: {  	s3 =	sadd.s32 $0x88, s3;
	s6 =	simm.s32 @!p1 $0x1082;
	[sflag:s4] =	ssyncset.s32 $0xFFFFF086  }
0x25: {  	[simem:s6], [sflag:s4] =	dma.local [hbm:s3], $0xF7A  }
0x26: {  	[smem:$0x3F85] =	sst s1;
	(tag) =	ssettag s2;
	_ =	strace s9  }
0x27: {  	s1 =	sld [smem:$0x3F95]  }
0x28: {  	s2 =	sld [smem:$0x3F96]  }
0x29: {  	s4 =	sld [smem:$0x3F98]  }
0x2a: {  	p0 =	seq.s32 s5, $0x0;
	s5 =	sld [smem:$0x3F99]  }
0x2b: {  	s6 =	sld [smem:$0x3F9A]  }
0x2c: {  	s7 =	sld [smem:$0x3F9B]  }
0x2d: {  	s3 =	simm.s32 $0x108;
	s8 =	sld [smem:$0x3F9C]  }
0x2e: {  	s3 =	simm.s32 @!p0 $0x1082;
	s9 =	sld [smem:$0x3F9D]  }
0x2f: {  	lr =	sadd.s32 s0, s3;
	s0 =	sld [smem:$0x3F94]  }
0x30: {  	s3 =	sld [smem:$0x3F97]  }
0x31: {  	[smem:$0x3FA0] =	sst s10  }
0x32: {  	s10 =	sld [smem:$0x3F9E];
	_ =	sdelay $0x3  }
0x33: {  	p0 =	seq.s32 s10, $0x1;
	s10 =	sld [smem:$0x3FA0];
	_ =	sdelay $0x3  }
0x34: {  	[smem:$0x3FA0] =	sst s10  }
0x35: {  	s10 =	sld [smem:$0x3F9F];
	_ =	sdelay $0x3  }
0x36: {  	p1 =	seq.s32 s10, $0x1;
	s10 =	sld [smem:$0x3FA0];
	_ =	sdelay $0x3  }
0x37: {  	[smem:$0x3FA0] =	sst s10  }
0x38: {  	s10 =	sld [smem:$0x3FA1]  }
0x39: {  	_ = 	snop;
	(pc) =	sbr.ind lr, $3  }
0x3a: {  	_ = 	snop  }
0x3b: {  	_ = 	snop  }
0x3c: {  	p2 =	seq.s32 s10, $0x1;
	s10 =	sld [smem:$0x3FA0]  }
0x3d: {  	_ =	shalt  }
0x3e: {  	_ =	shalt  }
0x3f: {  	_ =	shalt  }
0x40: {  	_ =	shalt  }
0x41: {  	_ =	shalt  }
0x42: {  	_ =	shalt  }
0x43: {  	_ =	shalt  }
0x44: {  	_ =	shalt  }
0x45: {  	_ =	shalt  }
0x46: {  	_ =	shalt  }
0x47: {  	_ =	shalt  }
0x48: {  	_ =	shalt  }
0x49: {  	_ =	shalt  }
0x4a: {  	_ =	shalt  }
0x4b: {  	_ =	shalt  }
0x4c: {  	_ =	shalt  }
0x4d: {  	_ =	shalt  }
0x4e: {  	_ =	shalt  }
0x4f: {  	_ =	shalt  }
0x50: {  	_ =	shalt  }
0x51: {  	_ =	shalt  }
0x52: {  	_ =	shalt  }
0x53: {  	_ =	shalt  }
0x54: {  	_ =	shalt  }
0x55: {  	_ =	shalt  }
0x56: {  	_ =	shalt  }
0x57: {  	_ =	shalt  }
0x58: {  	_ =	shalt  }
0x59: {  	_ =	shalt  }
0x5a: {  	_ =	shalt  }
0x5b: {  	_ =	shalt  }
0x5c: {  	_ =	shalt  }
0x5d: {  	_ =	shalt  }
0x5e: {  	_ =	shalt  }
0x5f: {  	_ =	shalt  }
0x60: {  	_ =	shalt  }
0x61: {  	_ =	shalt  }
0x62: {  	_ =	shalt  }
0x63: {  	_ =	shalt  }
0x64: {  	_ =	shalt  }
0x65: {  	_ =	shalt  }
0x66: {  	_ =	shalt  }
0x67: {  	_ =	shalt  }
0x68: {  	_ =	shalt  }
0x69: {  	_ =	shalt  }
0x6a: {  	_ =	shalt  }
0x6b: {  	_ =	shalt  }
0x6c: {  	_ =	shalt  }
0x6d: {  	_ =	shalt  }
0x6e: {  	_ =	shalt  }
0x6f: {  	_ =	shalt  }
0x70: {  	_ =	shalt  }
0x71: {  	_ =	shalt  }
0x72: {  	_ =	shalt  }
0x73: {  	_ =	shalt  }
0x74: {  	_ =	shalt  }
0x75: {  	_ =	shalt  }
0x76: {  	_ =	shalt  }
0x77: {  	_ =	shalt  }
0x78: {  	_ =	shalt  }
0x79: {  	_ =	shalt  }
0x7a: {  	_ =	shalt  }
0x7b: {  	_ =	shalt  }
0x7c: {  	_ =	shalt  }
0x7d: {  	_ =	shalt  }
0x7e: {  	_ =	shalt  }
0x7f: {  	_ =	shalt  }
0x80: {  	_ =	shalt  }
0x81: {  	_ =	shalt  }
0x82: {  	_ =	shalt  }
0x83: {  	_ =	shalt  }
0x84: {  	_ =	shalt  }
0x85: {  	_ =	shalt  }
0x86: {  	_ =	shalt  }
0x87: {  	_ =	shalt  }
.Lfunc_end0:
.L_simem_size_0:
called_computation.3_lowered:
.L_overlay_start_0:
0x88: {  	s2 =	sld [smem:$0x3FD9]  }
0x89: {  	s3 =	sld [smem:$0x3FFE];
	_ =	sdelay $0x1  }
0x8a: {  	s1 =	srdreg.scid  }
0x8b: {  	s0 =	sand.u32 $0x1, s1  }
0x8c: {  	s17 =	sshll.u32 s0, $0xA;
	s2 =	sadd.s32 s3, s2  }
0x8d: {  	s2 =	sadd.s32 s2, s17  }
0x8e: {  	[smem:$0x3FAC] =	sst s2  }
0x8f: {  	_ = 	snop  }
0x90: {  	s2 =	sld [smem:$0x3FD0];
	(tm) =	ssettm $0x1  }
0x91: {  	s18 =	sld [smem:$0x3FFB];
	_ =	sdelay $0x3  }
0x92: {  	_ =	strace s18  }
0x93: {  	s3 =	sld [smem:$0x3FFC];
	_ =	sdelay $0x3  }
0x94: {  	_ =	strace s3  }
0x95: {  	s3 =	sld [smem:$0x3FFD];
	_ =	sdelay $0x3  }
0x96: {  	_ =	strace s3  }
0x97: {  	_ =	strace $0x8FFFFFFF  }
0x98: {  	s19 =	sld [smem:$0x3FDB];
	_ =	sdelay $0x1  }
0x99: {  	s4 =	simm.s32 $_scs_section_size  }
0x9a: {  	s5 =	simm.s32 $_size__tile_overlayer_lowered;
	s6 =	simm.s32 $_tile_overlayer_lowered  }
0x9b: {  	s22 =	simm.s32 $0x1BFF;
	s21 =	sshll.u32 s6, $0x1;
	s3 =	sadd.s32 s4, s19  }
0x9c: {  	s7 =	simm.s32 $0x0;
	s20 =	sshll.u32 s5, $0x1;
	s5 =	sadd.s32 s21, s3  }
0x9d: {  	[timem:s7], [sflag:s22] =	dma.local [hbm:s5], s20  }
0x9e: {  	_ =	swait.ge [sflag:s22], s20  }
0x9f: {  	s4 =	ssub.s32 $0x0, s20;
	[sflag:s22] =	ssyncset.done $0x0  }
0xa0: {  	[sflag:s22] =	ssyncadd.s32 s4;
	_ =	sdelay $0x1  }
0xa1: {  	s23 =	simm.s32 $0x1B8B  }
0xa2: {  	_ =	swait.ge [sflag:s23], $0x1  }
0xa3: {  	[sflag:s23] =	ssyncset.done $0x0  }
0xa4: {  	s25 =	simm.s32 $0x1B8E;
	s24 =	sld [smem:$0x3FFE];
	[sflag:s23] =	ssyncadd.s32 $0xFFFFFFFF  }
0xa5: {  	s26 =	simm.s32 $execute0_lowered;
	[smem:$0x3FD2] =	sst s25  }
0xa6: {  	s5 =	sshll.u32 s26, $0x1;
	_ =	strace $0x8000004F;
	[dreg:$0x1] =	wrdreg $0xFFFFFFFF  }
0xa7: {  	s28 =	simm.s32 $_size_execute0_lowered;
	s3 =	sadd.s32 s3, s5;
	[dreg:$0x0] =	wrdreg $0x0  }
0xa8: {  	s5 =	sshll.u32 s28, $0x1;
	[dreg:$0x2] =	wrdreg s3  }
0xa9: {  	[dreg:$0x3] =	wrdreg s5  }
0xaa: {  	[dreg:$0x4] =	wrdreg $0xC0  }
0xab: {  	_ =	task [dreg:s7], $0x5FFFF  }
0xac: {  	[dreg:$0x1] =	wrdreg $0xFFFFFFFF  }
0xad: {  	[dreg:$0x0] =	wrdreg $0x60  }
0xae: {  	[dreg:$0x2] =	wrdreg s2  }
0xaf: {  	[dreg:$0x3] =	wrdreg s24  }
0xb0: {  	[dreg:$0x4] =	wrdreg $0xCBC00  }
0xb1: {  	[dreg:$0x5] =	wrdreg $0x9  }
0xb2: {  	_ =	task.clear_ibuf [dreg:s7], $0x6FFFF;
	_ =	strace $0x9000004F  }
0xb3: {  	s29 =	simm.s32 $0x9;
	_ =	strace $0x80000051  }
0xb4: {  	_ =	swait.ge [sflag:s29], $0x1  }
0xb5: {  	[sflag:s29] =	ssyncadd.s32 $0xFFFFFFFF  }
0xb6: {  	_ =	strace $0x90000051  }
0xb7: {  	_ =	sfence  }
0xb8: {  	s30 =	sld [smem:$0x0];
	_ =	sdelay $0x2  }
0xb9: {  	s31 =	sshll.u32 s1, $0xD;
	s1 =	sshrl.u32 s1, $0x2  }
0xba: {  	s3 =	sand.u32 $0x4000, s31;
	s1 =	sadd.s32 s1, s30  }
0xbb: {  	s0 =	sor.u32 s3, s0;
	s1 =	sshll.u32 s1, $0x11  }
0xbc: {  	s0 =	sor.u32 s1, s0  }
0xbd: {  	s0 =	sadd.s32 $0x8F2B, s0  }
0xbe: {  	[sflag:s0] =	ssyncadd.remote.s32 $0x1  }
0xbf: {  	_ =	sfence.sel $0xFFFF  }
0xc0: {  	[dreg:$0x0] =	wrdreg $0xFFFFFFFF;
	(pc) =	sbr.abs _section_cstart, $3  }
0xc1: {  	[dreg:$0x1] =	wrdreg $0xFFFFFFFF  }
0xc2: {  	_ =	task.clear_ibuf [dreg:s7], $0x2FFFF;
	_ =	strace $0x9FFFFFFF  }
0xc3: {  	(tm) =	ssettm $0x7FFFFFFF  }
tec
execute0_lowered:
.L_overlay_start_1:
0x0: {  	(tag) =	ssettag $0x1  }
0x1: {  	s3 =	rddreg [dreg:$0x0]  }
0x2: {  	s4 =	rddreg [dreg:$0x1]  }
0x3: {  	s2 =	rddreg [dreg:$0x2]  }
0x4: {  	s31 =	rddreg [dreg:$0x3];
	s24 =	simm.s32 $0x0  }
0x5: {  	s17 =	simm.s32 $0x1F8;
	[smem:$0x7FF] =	sst s24  }
0x6: {  	s18 =	simm.s32 $0x2958;
	_ =	strace $0x80000050;
	[dreg:$0x9] =	wrdreg s17  }
0x7: {  	s19 =	simm.s32 $0x3F0;
	[dreg:$0xa] =	wrdreg s18  }
0x8: {  	s0 =	srdreg.scid;
	s20 =	simm.s32 $0x5E8;
	[dreg:$0xb] =	wrdreg s19  }
0x9: {  	s29 =	stileid.u32;
	s21 =	simm.s32 $0x2B50;
	[dreg:$0xc] =	wrdreg s20  }
0xa: {  	s22 =	simm.s32 $0x2D48;
	s23 =	simm.s32 $0x7E0;
	[dreg:$0xd] =	wrdreg s21  }
0xb: {  	s25 =	simm.s32 $0x9D8;
	s26 =	simm.s32 $0x2F40;
	[dreg:$0xe] =	wrdreg s22  }
0xc: {  	s30 =	simm.s32 $0x3138;
	s10 =	simm.s32 $0x3528;
	[dreg:$0xf] =	wrdreg s23  }
0xd: {  	s11 =	simm.s32 $0xFC0;
	s12 =	simm.s32 $0x11B8;
	[dreg:$0x10] =	wrdreg s25  }
0xe: {  	s13 =	simm.s32 $0x3720;
	s28 =	simm.s32 $0x5;
	[dreg:$0x11] =	wrdreg s26  }
0xf: {  	p1 =	por $0x0, $0x0;
	s7 =	smul.u32 $0x5000, s29;
	[dreg:$0x12] =	wrdreg s30  }
0x10: {  	s0 =	sand.u32 $0x1, s0;
	s14 =	smul.u32 $0x14000, s29;
	[dreg:$0x16] =	wrdreg s10  }
0x11: {  	s8 =	sadd.s32 $0x1BA00, s4;
	p0 =	seq.s32 s29, $0xF;
	[dreg:$0x17] =	wrdreg s11  }
0x12: {  	s1 =	sshll.u32 s0, $0x4;
	s5 =	smul.u32 $0x4E200, s0;
	[dreg:$0x18] =	wrdreg s12  }
0x13: {  	s25 =	sadd.s32 $0x1B000, s4;
	[dreg:$0x19] =	wrdreg s13;
	s17 =	simm.s32 $0x3B10  }
0x14: {  	s0 =	ssub.s32 $0x2, s0;
	s18 =	simm.s32 $0x3D08;
	[dreg:$0x1d] =	wrdreg s17  }
0x15: {  	s26 =	simm.s32 $0x2760;
	s19 =	simm.s32 $0x17A0;
	[dreg:$0x1e] =	wrdreg s18  }
0x16: {  	s20 =	simm.s32 $0x1998;
	s21 =	simm.s32 $0x3F00;
	[dreg:$0x1f] =	wrdreg s19  }
0x17: {  	s22 =	simm.s32 $0x40F8;
	s13 =	simm.s32 $0x1;
	[smem:$0x7F9] =	sst s20  }
0x18: {  	s23 =	simm.s32 $0x1B90;
	s12 =	simm.s32 $0x2;
	[smem:$0x7FA] =	sst s21  }
0x19: {  	s30 =	simm.s32 $0x1D88;
	s11 =	simm.s32 $0x3;
	[smem:$0x7FB] =	sst s22  }
0x1a: {  	s1 =	sor.u32 s29, s1;
	s9 =	sshrl.u32 s0, $0x1;
	[smem:$0x7FC] =	sst s23  }
0x1b: {  	s10 =	sadd.s32 s7, s2;
	[smem:$0x7FD] =	sst s30;
	s23 =	simm.s32 $0x42F0  }
0x1c: {  	s22 =	simm.s32 $0x44E8;
	s21 =	simm.s32 $0x1F80;
	s20 =	simm.s32 $0x2178  }
0x1d: {  	s19 =	simm.s32 $0x46E0;
	s18 =	simm.s32 $0x48D8;
	s17 =	simm.s32 $0x2568  }
0x1e: {  	s1 =	smul.u32 $0x4EC, s1;
	s15 =	sadd.s32 s7, s5;
	s5 =	sshrl.u32 s5, $0x3  }
0x1f: {  	s0 =	ssub.s32 s0, s9;
	s7 =	simm.s32 $0x8D40;
	s5 =	sadd.s32 s8, s5  }
0x20: {  	s9 =	simm.s32 $0x4;
	s10 =	sshrl.u32 @!p0 s10, $0x3;
	s16 =	sadd.s32 $0x9600, s5  }
0x21: {  	s1 =	sadd.s32 s1, s4;
	s5 =	simm.s32 $0xBD0;
	[dreg:$0x7] =	wrdreg s16  }
0x22: {  	s0 =	smax.u32 s0, $0x1;
	s6 =	sadd.s32 $0x11200, s1;
	[dreg:$0x13] =	wrdreg s5  }
0x23: {  	s4 =	sadd.s32 $0x4B000, s2;
	s1 =	sadd.s32 $0x6E00, s1;
	[dreg:$0x4] =	wrdreg s6  }
0x24: {  	[dreg:$0x5] =	wrdreg s1;
	s6 =	sshrl.u32 s14, $0x2;
	s1 =	sshrl.u32 s15, $0x3  }
0x25: {  	s16 =	simm.s32 $0x15A8;
	s6 =	sadd.s32 s6, s2;
	s1 =	sadd.s32 s8, s1  }
0x26: {  	s4 =	sshrl.u32 @p0 s4, $0x3;
	[dreg:$0x6] =	wrdreg s1;
	s1 =	sshrl.u32 @!p0 s6, $0x3  }
0x27: {  	s5 =	sshll.u32 @!p0 s29, $0x6;
	[dreg:$0x8] =	wrdreg s1;
	s1 =	sadd.s32 $0xFFFFFFFF, s0  }
0x28: {  	s14 =	simm.s32 $0x3918;
	[dreg:$0x1c] =	wrdreg s16;
	p2 =	sne.s32 s1, $0x0  }
.Ltmp0:
0x29: {  	s15 =	simm.s32 $0x13B0;
	[dreg:$0x1a] =	wrdreg s14;
	(pc) =	sbr.rel @!p2 .LBB2_1-.Ltmp0, $4  }
0x2a: {  	s5 =	sor.u32 @!p0 $0x1C05, s5;
	s8 =	simm.s32 $0x3330;
	[dreg:$0x1b] =	wrdreg s15  }
0x2b: {  	s16 =	simm.s32 $0x2370;
	s6 =	simm.s32 $0xDC8;
	[dreg:$0x15] =	wrdreg s8  }
0x2c: {  	s15 =	simm.s32 $0x4AD0;
	s14 =	simm.s32 $0x4CC8;
	[dreg:$0x14] =	wrdreg s6  }
0x2d: {  	s8 =	simm.s32 $0x4EC0;
	s6 =	simm.s32 $0x1F4;
	s0 =	rddreg [dreg:$0x4]  }
0x2e: {  	[tilespmem:s24], [sflag:$0x5] =	stream.linear.gather [hbm4b:s0+s24], $0x2760, $0x38;
	[tilespmem:$0x119E0] =	vst v63  }
0x2f: {  	_ =	swait.ge [sflag:s28], $0x2760  }
0x30: {  	[sflag:s28] =	ssyncset.done $0x0  }
0x31: {  	s0 =	rddreg [dreg:$0x5];
	[sflag:s28] =	ssyncadd.s32 $0xFFFFD8A0  }
0x32: {  	[tilespmem:s26], [sflag:$0x5] =	stream.linear.gather [hbm4b:s0+s24], $0x2760, $0x38;
	[tilespmem:$0x119E0] =	vst v63  }
0x33: {  	_ =	swait.ge [sflag:s28], $0x2760  }
0x34: {  	[sflag:s28] =	ssyncset.done $0x0  }
0x35: {  	s29 =	simm.s32 @p0 $0x1FC5;
	s31 =	simm.s32 @p0 $0x5;
	[sflag:s28] =	ssyncadd.s32 $0xFFFFD8A0  }
0x36: {  	[spmem:s4], [sflag:s29] =	dma.local @p0 [hbm:s25], $0x640  }
0x37: {  	_ =	swait.ge @p0 [sflag:s31], $0x640  }
0x38: {  	[sflag:s31] =	ssyncset.done @p0 $0x0  }
0x39: {  	s30 =	simm.s32 @!p0 $0x5;
	s0 =	rddreg [dreg:$0x8];
	[sflag:s31] =	ssyncadd.s32 @p0 $0xFFFFF9C0  }
0x3a: {  	[spmem:s0], [sflag:s5] =	dma.local @!p0 [hbm:s25], $0xA00  }
0x3b: {  	_ =	swait.ge @!p0 [sflag:s30], $0xA00  }
0x3c: {  	[sflag:s30] =	ssyncset.done @!p0 $0x0  }
0x3d: {  	[sflag:s30] =	ssyncadd.s32 @!p0 $0xFFFFF600  }
0x3e: {  	[bflag:$0x0] =	sbarrier.arrive $0xFFFF  }
0x3f: {  	[tilespmem:s8], [sflag:$0x1] =	stream.indirect.gather [hbm4b:s3+s6], $0x20, s24, s6, $0xb8;
	[tilespmem:$0x119E0] =	vst v63  }
0x40: {  	s0 =	rddreg [dreg:$0x9]  }
0x41: {  	[tilespmem:s7], [sflag:$0x2] =	stream.indirect.gather [hbm4b:s3+s6], $0x20, s0, s6, $0xb8;
	[tilespmem:$0x119E0] =	vst v63  }
0x42: {  	_ =	swait.ge [sflag:s13], $0x3E80  }
0x43: {  	[sflag:s13] =	ssyncset.done $0x0  }
0x44: {  	[sflag:s13] =	ssyncadd.s32 $0xFFFFC180  }
0x45: {  	[spmem:s2] =	stream.indirect.scatter.add.f32 [tilespmem:s8], [sflag:$0x3], $0x20, s26, s6, $0xb8;
	[tilespmem:$0x119E0] =	vst v63  }
0x46: {  	_ =	swait.ge [sflag:s12], $0x3E80  }
0x47: {  	[sflag:s12] =	ssyncset.done $0x0  }
0x48: {  	s0 =	rddreg [dreg:$0xa];
	[sflag:s12] =	ssyncadd.s32 $0xFFFFC180  }
0x49: {  	[spmem:s2] =	stream.indirect.scatter.add.f32 [tilespmem:s7], [sflag:$0x4], $0x20, s0, s6, $0xb8;
	[tilespmem:$0x119E0] =	vst v63  }
0x4a: {  	_ =	swait.ge [sflag:s11], $0x3E80  }
0x4b: {  	[sflag:s11] =	ssyncset.done $0x0  }
0x4c: {  	s0 =	rddreg [dreg:$0xb];
	[sflag:s11] =	ssyncadd.s32 $0xFFFFC180  }
0x4d: {  	[tilespmem:s8], [sflag:$0x1] =	stream.indirect.gather [hbm4b:s3+s6], $0x20, s0, s6, $0xb8;
	[tilespmem:$0x119E0] =	vst v63  }
0x4e: {  	_ =	swait.ge [sflag:s9], $0x3E80  }
0x4f: {  	[sflag:s9] =	ssyncset.done $0x0  }
0x50: {  	s0 =	rddreg [dreg:$0xc];
	[sflag:s9] =	ssyncadd.s32 $0xFFFFC180  }
0x51: {  	[tilespmem:s7], [sflag:$0x2] =	stream.indirect.gather [hbm4b:s3+s6], $0x20, s0, s6, $0xb8;
	[tilespmem:$0x119E0] =	vst v63  }
0x52: {  	_ =	swait.ge [sflag:s13], $0x3E80  }
0x53: {  	[sflag:s13] =	ssyncset.done $0x0  }
0x54: {  	s0 =	rddreg [dreg:$0xd];
	[sflag:s13] =	ssyncadd.s32 $0xFFFFC180  }
0x55: {  	[spmem:s2] =	stream.indirect.scatter.add.f32 [tilespmem:s8], [sflag:$0x3], $0x20, s0, s6, $0xb8;
	[tilespmem:$0x119E0] =	vst v63  }
0x56: {  	_ =	swait.ge [sflag:s12], $0x3E80  }
0x57: {  	[sflag:s12] =	ssyncset.done $0x0  }
0x58: {  	s0 =	rddreg [dreg:$0xe];
	[sflag:s12] =	ssyncadd.s32 $0xFFFFC180  }
0x59: {  	[spmem:s2] =	stream.indirect.scatter.add.f32 [tilespmem:s7], [sflag:$0x4], $0x20, s0, s6, $0xb8;
	[tilespmem:$0x119E0] =	vst v63  }
0x5a: {  	_ =	swait.ge [sflag:s11], $0x3E80  }
0x5b: {  	[sflag:s11] =	ssyncset.done $0x0  }
0x5c: {  	s0 =	rddreg [dreg:$0xf];
	[sflag:s11] =	ssyncadd.s32 $0xFFFFC180  }
0x5d: {  	[tilespmem:s8], [sflag:$0x1] =	stream.indirect.gather [hbm4b:s3+s6], $0x20, s0, s6, $0xb8;
	[tilespmem:$0x119E0] =	vst v63  }
0x5e: {  	_ =	swait.ge [sflag:s9], $0x3E80  }
0x5f: {  	[sflag:s9] =	ssyncset.done $0x0  }
0x60: {  	s0 =	rddreg [dreg:$0x10];
	[sflag:s9] =	ssyncadd.s32 $0xFFFFC180  }
0x61: {  	[tilespmem:s7], [sflag:$0x2] =	stream.indirect.gather [hbm4b:s3+s6], $0x20, s0, s6, $0xb8;
	[tilespmem:$0x119E0] =	vst v63  }
0x62: {  	_ =	swait.ge [sflag:s13], $0x3E80  }
0x63: {  	[sflag:s13] =	ssyncset.done $0x0  }
0x64: {  	s0 =	rddreg [dreg:$0x11];
	[sflag:s13] =	ssyncadd.s32 $0xFFFFC180  }
0x65: {  	[spmem:s2] =	stream.indirect.scatter.add.f32 [tilespmem:s8], [sflag:$0x3], $0x20, s0, s6, $0xb8;
	[tilespmem:$0x119E0] =	vst v63  }
0x66: {  	_ =	swait.ge [sflag:s12], $0x3E80  }
0x67: {  	[sflag:s12] =	ssyncset.done $0x0  }
0x68: {  	s0 =	rddreg [dreg:$0x12];
	[sflag:s12] =	ssyncadd.s32 $0xFFFFC180  }
0x69: {  	[spmem:s2] =	stream.indirect.scatter.add.f32 [tilespmem:s7], [sflag:$0x4], $0x20, s0, s6, $0xb8;
	[tilespmem:$0x119E0] =	vst v63  }
0x6a: {  	_ =	swait.ge [sflag:s11], $0x3E80  }
0x6b: {  	[sflag:s11] =	ssyncset.done $0x0  }
0x6c: {  	s0 =	rddreg [dreg:$0x13];
	[sflag:s11] =	ssyncadd.s32 $0xFFFFC180  }
0x6d: {  	[tilespmem:s8], [sflag:$0x1] =	stream.indirect.gather [hbm4b:s3+s6], $0x20, s0, s6, $0xb8;
	[tilespmem:$0x119E0] =	vst v63  }
0x6e: {  	_ =	swait.ge [sflag:s9], $0x3E80  }
0x6f: {  	[sflag:s9] =	ssyncset.done $0x0  }
0x70: {  	s0 =	rddreg [dreg:$0x14];
	[sflag:s9] =	ssyncadd.s32 $0xFFFFC180  }
0x71: {  	[tilespmem:s7], [sflag:$0x2] =	stream.indirect.gather [hbm4b:s3+s6], $0x20, s0, s6, $0xb8;
	[tilespmem:$0x119E0] =	vst v63  }
0x72: {  	_ =	swait.ge [sflag:s13], $0x3E80  }
0x73: {  	[sflag:s13] =	ssyncset.done $0x0  }
0x74: {  	s0 =	rddreg [dreg:$0x15];
	[sflag:s13] =	ssyncadd.s32 $0xFFFFC180  }
0x75: {  	[spmem:s2] =	stream.indirect.scatter.add.f32 [tilespmem:s8], [sflag:$0x3], $0x20, s0, s6, $0xb8;
	[tilespmem:$0x119E0] =	vst v63  }
0x76: {  	_ =	swait.ge [sflag:s12], $0x3E80  }
0x77: {  	[sflag:s12] =	ssyncset.done $0x0  }
0x78: {  	s0 =	rddreg [dreg:$0x16];
	[sflag:s12] =	ssyncadd.s32 $0xFFFFC180  }
0x79: {  	[spmem:s2] =	stream.indirect.scatter.add.f32 [tilespmem:s7], [sflag:$0x4], $0x20, s0, s6, $0xb8;
	[tilespmem:$0x119E0] =	vst v63  }
0x7a: {  	_ =	swait.ge [sflag:s11], $0x3E80  }
0x7b: {  	[sflag:s11] =	ssyncset.done $0x0  }
0x7c: {  	s0 =	rddreg [dreg:$0x17];
	[sflag:s11] =	ssyncadd.s32 $0xFFFFC180  }
0x7d: {  	[tilespmem:s8], [sflag:$0x1] =	stream.indirect.gather [hbm4b:s3+s6], $0x20, s0, s6, $0xb8;
	[tilespmem:$0x119E0] =	vst v63  }
0x7e: {  	_ =	swait.ge [sflag:s9], $0x3E80  }
0x7f: {  	[sflag:s9] =	ssyncset.done $0x0  }
0x80: {  	s0 =	rddreg [dreg:$0x18];
	[sflag:s9] =	ssyncadd.s32 $0xFFFFC180  }
0x81: {  	[tilespmem:s7], [sflag:$0x2] =	stream.indirect.gather [hbm4b:s3+s6], $0x20, s0, s6, $0xb8;
	[tilespmem:$0x119E0] =	vst v63  }
0x82: {  	_ =	swait.ge [sflag:s13], $0x3E80  }
0x83: {  	[sflag:s13] =	ssyncset.done $0x0  }
0x84: {  	s0 =	rddreg [dreg:$0x19];
	[sflag:s13] =	ssyncadd.s32 $0xFFFFC180  }
0x85: {  	[spmem:s2] =	stream.indirect.scatter.add.f32 [tilespmem:s8], [sflag:$0x3], $0x20, s0, s6, $0xb8;
	[tilespmem:$0x119E0] =	vst v63  }
0x86: {  	_ =	swait.ge [sflag:s12], $0x3E80  }
0x87: {  	[sflag:s12] =	ssyncset.done $0x0  }
0x88: {  	s0 =	rddreg [dreg:$0x1a];
	[sflag:s12] =	ssyncadd.s32 $0xFFFFC180  }
0x89: {  	[spmem:s2] =	stream.indirect.scatter.add.f32 [tilespmem:s7], [sflag:$0x4], $0x20, s0, s6, $0xb8;
	[tilespmem:$0x119E0] =	vst v63  }
0x8a: {  	_ =	swait.ge [sflag:s11], $0x3E80  }
0x8b: {  	[sflag:s11] =	ssyncset.done $0x0  }
0x8c: {  	s0 =	rddreg [dreg:$0x1b];
	[sflag:s11] =	ssyncadd.s32 $0xFFFFC180  }
0x8d: {  	[tilespmem:s8], [sflag:$0x1] =	stream.indirect.gather [hbm4b:s3+s6], $0x20, s0, s6, $0xb8;
	[tilespmem:$0x119E0] =	vst v63  }
0x8e: {  	_ =	swait.ge [sflag:s9], $0x3E80  }
0x8f: {  	[sflag:s9] =	ssyncset.done $0x0  }
0x90: {  	s0 =	rddreg [dreg:$0x1c];
	[sflag:s9] =	ssyncadd.s32 $0xFFFFC180  }
0x91: {  	[tilespmem:s7], [sflag:$0x2] =	stream.indirect.gather [hbm4b:s3+s6], $0x20, s0, s6, $0xb8;
	[tilespmem:$0x119E0] =	vst v63  }
0x92: {  	_ =	swait.ge [sflag:s13], $0x3E80  }
0x93: {  	[sflag:s13] =	ssyncset.done $0x0  }
0x94: {  	s0 =	rddreg [dreg:$0x1d];
	[sflag:s13] =	ssyncadd.s32 $0xFFFFC180  }
0x95: {  	[spmem:s2] =	stream.indirect.scatter.add.f32 [tilespmem:s8], [sflag:$0x3], $0x20, s0, s6, $0xb8;
	[tilespmem:$0x119E0] =	vst v63  }
0x96: {  	_ =	swait.ge [sflag:s12], $0x3E80  }
0x97: {  	[sflag:s12] =	ssyncset.done $0x0  }
0x98: {  	s0 =	rddreg [dreg:$0x1e];
	[sflag:s12] =	ssyncadd.s32 $0xFFFFC180  }
0x99: {  	[spmem:s2] =	stream.indirect.scatter.add.f32 [tilespmem:s7], [sflag:$0x4], $0x20, s0, s6, $0xb8;
	[tilespmem:$0x119E0] =	vst v63  }
0x9a: {  	_ =	swait.ge [sflag:s11], $0x3E80  }
0x9b: {  	[sflag:s11] =	ssyncset.done $0x0  }
0x9c: {  	s0 =	rddreg [dreg:$0x1f];
	[sflag:s11] =	ssyncadd.s32 $0xFFFFC180  }
0x9d: {  	[tilespmem:s8], [sflag:$0x1] =	stream.indirect.gather [hbm4b:s3+s6], $0x20, s0, s6, $0xb8;
	[tilespmem:$0x119E0] =	vst v63  }
0x9e: {  	_ =	swait.ge [sflag:s9], $0x3E80  }
0x9f: {  	s0 =	sld [smem:$0x7F9]  }
0xa0: {  	[sflag:s9] =	ssyncset.done $0x0  }
0xa1: {  	[sflag:s9] =	ssyncadd.s32 $0xFFFFC180  }
0xa2: {  	[tilespmem:s7], [sflag:$0x2] =	stream.indirect.gather [hbm4b:s3+s6], $0x20, s0, s6, $0xb8;
	[tilespmem:$0x119E0] =	vst v63  }
0xa3: {  	_ =	swait.ge [sflag:s13], $0x3E80  }
0xa4: {  	s0 =	sld [smem:$0x7FA]  }
0xa5: {  	[sflag:s13] =	ssyncset.done $0x0  }
0xa6: {  	[sflag:s13] =	ssyncadd.s32 $0xFFFFC180  }
0xa7: {  	[spmem:s2] =	stream.indirect.scatter.add.f32 [tilespmem:s8], [sflag:$0x3], $0x20, s0, s6, $0xb8;
	[tilespmem:$0x119E0] =	vst v63  }
0xa8: {  	_ =	swait.ge [sflag:s12], $0x3E80  }
0xa9: {  	s0 =	sld [smem:$0x7FB]  }
0xaa: {  	[sflag:s12] =	ssyncset.done $0x0  }
0xab: {  	[sflag:s12] =	ssyncadd.s32 $0xFFFFC180  }
0xac: {  	[spmem:s2] =	stream.indirect.scatter.add.f32 [tilespmem:s7], [sflag:$0x4], $0x20, s0, s6, $0xb8;
	[tilespmem:$0x119E0] =	vst v63  }
0xad: {  	_ =	swait.ge [sflag:s11], $0x3E80  }
0xae: {  	s0 =	sld [smem:$0x7FC]  }
0xaf: {  	[sflag:s11] =	ssyncset.done $0x0  }
0xb0: {  	[sflag:s11] =	ssyncadd.s32 $0xFFFFC180  }
0xb1: {  	[tilespmem:s8], [sflag:$0x1] =	stream.indirect.gather [hbm4b:s3+s6], $0x20, s0, s6, $0xb8;
	[tilespmem:$0x119E0] =	vst v63  }
0xb2: {  	_ =	swait.ge [sflag:s9], $0x3E80  }
0xb3: {  	s0 =	sld [smem:$0x7FD]  }
0xb4: {  	[sflag:s9] =	ssyncset.done $0x0  }
0xb5: {  	[sflag:s9] =	ssyncadd.s32 $0xFFFFC180  }
0xb6: {  	[tilespmem:s7], [sflag:$0x2] =	stream.indirect.gather [hbm4b:s3+s6], $0x20, s0, s6, $0xb8;
	[tilespmem:$0x119E0] =	vst v63  }
0xb7: {  	_ =	swait.ge [sflag:s13], $0x3E80  }
0xb8: {  	[sflag:s13] =	ssyncset.done $0x0  }
0xb9: {  	[sflag:s13] =	ssyncadd.s32 $0xFFFFC180  }
0xba: {  	[spmem:s2] =	stream.indirect.scatter.add.f32 [tilespmem:s8], [sflag:$0x3], $0x20, s23, s6, $0xb8;
	[tilespmem:$0x119E0] =	vst v63  }
0xbb: {  	_ =	swait.ge [sflag:s12], $0x3E80  }
0xbc: {  	[sflag:s12] =	ssyncset.done $0x0  }
0xbd: {  	[sflag:s12] =	ssyncadd.s32 $0xFFFFC180  }
0xbe: {  	[spmem:s2] =	stream.indirect.scatter.add.f32 [tilespmem:s7], [sflag:$0x4], $0x20, s22, s6, $0xb8;
	[tilespmem:$0x119E0] =	vst v63  }
0xbf: {  	_ =	swait.ge [sflag:s11], $0x3E80  }
0xc0: {  	[sflag:s11] =	ssyncset.done $0x0  }
0xc1: {  	[sflag:s11] =	ssyncadd.s32 $0xFFFFC180  }
0xc2: {  	[tilespmem:s8], [sflag:$0x1] =	stream.indirect.gather [hbm4b:s3+s6], $0x20, s21, s6, $0xb8;
	[tilespmem:$0x119E0] =	vst v63  }
0xc3: {  	_ =	swait.ge [sflag:s9], $0x3E80  }
0xc4: {  	[sflag:s9] =	ssyncset.done $0x0  }
0xc5: {  	[sflag:s9] =	ssyncadd.s32 $0xFFFFC180  }
0xc6: {  	[tilespmem:s7], [sflag:$0x2] =	stream.indirect.gather [hbm4b:s3+s6], $0x20, s20, s6, $0xb8;
	[tilespmem:$0x119E0] =	vst v63  }
0xc7: {  	_ =	swait.ge [sflag:s13], $0x3E80  }
0xc8: {  	[sflag:s13] =	ssyncset.done $0x0  }
0xc9: {  	[sflag:s13] =	ssyncadd.s32 $0xFFFFC180  }
0xca: {  	[spmem:s2] =	stream.indirect.scatter.add.f32 [tilespmem:s8], [sflag:$0x3], $0x20, s19, s6, $0xb8;
	[tilespmem:$0x119E0] =	vst v63  }
0xcb: {  	_ =	swait.ge [sflag:s12], $0x3E80  }
0xcc: {  	[sflag:s12] =	ssyncset.done $0x0  }
0xcd: {  	[sflag:s12] =	ssyncadd.s32 $0xFFFFC180  }
0xce: {  	[spmem:s2] =	stream.indirect.scatter.add.f32 [tilespmem:s7], [sflag:$0x4], $0x20, s18, s6, $0xb8;
	[tilespmem:$0x119E0] =	vst v63  }
0xcf: {  	_ =	swait.ge [sflag:s11], $0x3E80  }
0xd0: {  	[sflag:s11] =	ssyncset.done $0x0  }
0xd1: {  	[sflag:s11] =	ssyncadd.s32 $0xFFFFC180  }
0xd2: {  	[tilespmem:s8], [sflag:$0x1] =	stream.indirect.gather [hbm4b:s3+s6], $0x20, s16, s6, $0xb8;
	[tilespmem:$0x119E0] =	vst v63  }
0xd3: {  	_ =	swait.ge [sflag:s9], $0x3E80  }
0xd4: {  	[sflag:s9] =	ssyncset.done $0x0  }
0xd5: {  	[sflag:s9] =	ssyncadd.s32 $0xFFFFC180  }
0xd6: {  	[tilespmem:s7], [sflag:$0x2] =	stream.indirect.gather [hbm4b:s3+s6], $0x20, s17, s6, $0xb8;
	[tilespmem:$0x119E0] =	vst v63  }
0xd7: {  	_ =	swait.ge [sflag:s13], $0x3E80  }
0xd8: {  	[sflag:s13] =	ssyncset.done $0x0  }
0xd9: {  	[sflag:s13] =	ssyncadd.s32 $0xFFFFC180  }
0xda: {  	[spmem:s2] =	stream.indirect.scatter.add.f32 [tilespmem:s8], [sflag:$0x3], $0x20, s15, s6, $0xb8;
	[tilespmem:$0x119E0] =	vst v63  }
0xdb: {  	_ =	swait.ge [sflag:s12], $0x3E80  }
0xdc: {  	[sflag:s12] =	ssyncset.done $0x0  }
0xdd: {  	[sflag:s12] =	ssyncadd.s32 $0xFFFFC180  }
0xde: {  	[spmem:s2] =	stream.indirect.scatter.add.f32 [tilespmem:s7], [sflag:$0x4], $0x20, s14, s6, $0xb8;
	[tilespmem:$0x119E0] =	vst v63  }
0xdf: {  	_ =	swait.ge [sflag:s11], $0x3E80  }
0xe0: {  	[sflag:s11] =	ssyncset.done $0x0  }
0xe1: {  	[sflag:s11] =	ssyncadd.s32 $0xFFFFC180  }
0xe2: {  	_ =	swait.ge [sflag:s9], $0x3E80  }
0xe3: {  	[sflag:s9] =	ssyncset.done $0x0  }
0xe4: {  	[sflag:s9] =	ssyncadd.s32 $0xFFFFC180  }
0xe5: {  	[bflag:$0x0] =	sbarrier.arrive $0xFFFF  }
0xe6: {  	s1 =	sadd.s32 $0xFFFFFFFF, s1;
	s0 =	rddreg [dreg:$0x7]  }
0xe7: {  	[hbm:s0], [sflag:s29] =	dma.local @p0 [spmem:s4], $0x640  }
0xe8: {  	p2 =	sne.s32 s1, $0x0;
	_ =	swait.ge @p0 [sflag:s31], $0x640  }
.Ltmp1:
0xe9: {  	[sflag:s31] =	ssyncset.done @p0 $0x0;
	(pc) =	sbr.rel @!p2 .LBB2_3-.Ltmp1, $4  }
0xea: {  	s0 =	rddreg [dreg:$0x6];
	[sflag:s31] =	ssyncadd.s32 @p0 $0xFFFFF9C0  }
0xeb: {  	[hbm:s0], [sflag:s5] =	dma.local @!p0 [spmem:s10], $0xA00  }
0xec: {  	_ =	swait.ge @!p0 [sflag:s30], $0xA00  }
0xed: {  	p1 =	por $0x1, $0x1;
	s0 =	rddreg [dreg:$0x4];
	[sflag:s30] =	ssyncset.done @!p0 $0x0  }
.LBB2_4:
0xee: {  	[sflag:s30] =	ssyncadd.s32 @!p0 $0xFFFFF600  }
0xef: {  	[tilespmem:s24], [sflag:$0x5] =	stream.linear.gather [hbm4b:s0+s24], $0x2760, $0x38;
	[tilespmem:$0x119E0] =	vst v63  }
0xf0: {  	_ =	swait.ge [sflag:s28], $0x2760  }
0xf1: {  	[sflag:s28] =	ssyncset.done $0x0  }
0xf2: {  	s0 =	rddreg [dreg:$0x5];
	[sflag:s28] =	ssyncadd.s32 $0xFFFFD8A0  }
0xf3: {  	[tilespmem:s26], [sflag:$0x5] =	stream.linear.gather [hbm4b:s0+s24], $0x2760, $0x38;
	[tilespmem:$0x119E0] =	vst v63  }
0xf4: {  	_ =	swait.ge [sflag:s28], $0x2760  }
0xf5: {  	[sflag:s28] =	ssyncset.done $0x0  }
0xf6: {  	[sflag:s28] =	ssyncadd.s32 $0xFFFFD8A0  }
0xf7: {  	[spmem:s4], [sflag:s29] =	dma.local @p0 [hbm:s25], $0x640  }
0xf8: {  	_ =	swait.ge @p0 [sflag:s31], $0x640  }
0xf9: {  	[sflag:s31] =	ssyncset.done @p0 $0x0  }
0xfa: {  	s0 =	rddreg [dreg:$0x8];
	[sflag:s31] =	ssyncadd.s32 @p0 $0xFFFFF9C0  }
0xfb: {  	[spmem:s0], [sflag:s5] =	dma.local @!p0 [hbm:s25], $0xA00  }
0xfc: {  	_ =	swait.ge @!p0 [sflag:s30], $0xA00  }
0xfd: {  	[sflag:s30] =	ssyncset.done @!p0 $0x0  }
0xfe: {  	[sflag:s30] =	ssyncadd.s32 @!p0 $0xFFFFF600  }
0xff: {  	[bflag:$0x0] =	sbarrier.arrive $0xFFFF  }
0x100: {  	[tilespmem:s8], [sflag:$0x1] =	stream.indirect.gather [hbm4b:s3+s6], $0x20, s24, s6, $0xb8;
	[tilespmem:$0x119E0] =	vst v63  }
0x101: {  	s0 =	rddreg [dreg:$0x9]  }
0x102: {  	[tilespmem:s7], [sflag:$0x2] =	stream.indirect.gather [hbm4b:s3+s6], $0x20, s0, s6, $0xb8;
	[tilespmem:$0x119E0] =	vst v63  }
0x103: {  	_ =	swait.ge [sflag:s13], $0x3E80  }
0x104: {  	[sflag:s13] =	ssyncset.done $0x0  }
0x105: {  	[sflag:s13] =	ssyncadd.s32 $0xFFFFC180  }
0x106: {  	[spmem:s2] =	stream.indirect.scatter.add.f32 [tilespmem:s8], [sflag:$0x3], $0x20, s26, s6, $0xb8;
	[tilespmem:$0x119E0] =	vst v63  }
0x107: {  	_ =	swait.ge [sflag:s12], $0x3E80  }
0x108: {  	[sflag:s12] =	ssyncset.done $0x0  }
0x109: {  	s0 =	rddreg [dreg:$0xa];
	[sflag:s12] =	ssyncadd.s32 $0xFFFFC180  }
0x10a: {  	[spmem:s2] =	stream.indirect.scatter.add.f32 [tilespmem:s7], [sflag:$0x4], $0x20, s0, s6, $0xb8;
	[tilespmem:$0x119E0] =	vst v63  }
0x10b: {  	_ =	swait.ge [sflag:s11], $0x3E80  }
0x10c: {  	[sflag:s11] =	ssyncset.done $0x0  }
0x10d: {  	s0 =	rddreg [dreg:$0xb];
	[sflag:s11] =	ssyncadd.s32 $0xFFFFC180  }
0x10e: {  	[tilespmem:s8], [sflag:$0x1] =	stream.indirect.gather [hbm4b:s3+s6], $0x20, s0, s6, $0xb8;
	[tilespmem:$0x119E0] =	vst v63  }
0x10f: {  	_ =	swait.ge [sflag:s9], $0x3E80  }
0x110: {  	[sflag:s9] =	ssyncset.done $0x0  }
0x111: {  	s0 =	rddreg [dreg:$0xc];
	[sflag:s9] =	ssyncadd.s32 $0xFFFFC180  }
0x112: {  	[tilespmem:s7], [sflag:$0x2] =	stream.indirect.gather [hbm4b:s3+s6], $0x20, s0, s6, $0xb8;
	[tilespmem:$0x119E0] =	vst v63  }
0x113: {  	_ =	swait.ge [sflag:s13], $0x3E80  }
0x114: {  	[sflag:s13] =	ssyncset.done $0x0  }
0x115: {  	s0 =	rddreg [dreg:$0xd];
	[sflag:s13] =	ssyncadd.s32 $0xFFFFC180  }
0x116: {  	[spmem:s2] =	stream.indirect.scatter.add.f32 [tilespmem:s8], [sflag:$0x3], $0x20, s0, s6, $0xb8;
	[tilespmem:$0x119E0] =	vst v63  }
0x117: {  	_ =	swait.ge [sflag:s12], $0x3E80  }
0x118: {  	[sflag:s12] =	ssyncset.done $0x0  }
0x119: {  	s0 =	rddreg [dreg:$0xe];
	[sflag:s12] =	ssyncadd.s32 $0xFFFFC180  }
0x11a: {  	[spmem:s2] =	stream.indirect.scatter.add.f32 [tilespmem:s7], [sflag:$0x4], $0x20, s0, s6, $0xb8;
	[tilespmem:$0x119E0] =	vst v63  }
0x11b: {  	_ =	swait.ge [sflag:s11], $0x3E80  }
0x11c: {  	[sflag:s11] =	ssyncset.done $0x0  }
0x11d: {  	s0 =	rddreg [dreg:$0xf];
	[sflag:s11] =	ssyncadd.s32 $0xFFFFC180  }
0x11e: {  	[tilespmem:s8], [sflag:$0x1] =	stream.indirect.gather [hbm4b:s3+s6], $0x20, s0, s6, $0xb8;
	[tilespmem:$0x119E0] =	vst v63  }
0x11f: {  	_ =	swait.ge [sflag:s9], $0x3E80  }
0x120: {  	[sflag:s9] =	ssyncset.done $0x0  }
0x121: {  	s0 =	rddreg [dreg:$0x10];
	[sflag:s9] =	ssyncadd.s32 $0xFFFFC180  }
0x122: {  	[tilespmem:s7], [sflag:$0x2] =	stream.indirect.gather [hbm4b:s3+s6], $0x20, s0, s6, $0xb8;
	[tilespmem:$0x119E0] =	vst v63  }
0x123: {  	_ =	swait.ge [sflag:s13], $0x3E80  }
0x124: {  	[sflag:s13] =	ssyncset.done $0x0  }
0x125: {  	s0 =	rddreg [dreg:$0x11];
	[sflag:s13] =	ssyncadd.s32 $0xFFFFC180  }
0x126: {  	[spmem:s2] =	stream.indirect.scatter.add.f32 [tilespmem:s8], [sflag:$0x3], $0x20, s0, s6, $0xb8;
	[tilespmem:$0x119E0] =	vst v63  }
0x127: {  	_ =	swait.ge [sflag:s12], $0x3E80  }
0x128: {  	[sflag:s12] =	ssyncset.done $0x0  }
0x129: {  	s0 =	rddreg [dreg:$0x12];
	[sflag:s12] =	ssyncadd.s32 $0xFFFFC180  }
0x12a: {  	[spmem:s2] =	stream.indirect.scatter.add.f32 [tilespmem:s7], [sflag:$0x4], $0x20, s0, s6, $0xb8;
	[tilespmem:$0x119E0] =	vst v63  }
0x12b: {  	_ =	swait.ge [sflag:s11], $0x3E80  }
0x12c: {  	[sflag:s11] =	ssyncset.done $0x0  }
0x12d: {  	s0 =	rddreg [dreg:$0x13];
	[sflag:s11] =	ssyncadd.s32 $0xFFFFC180  }
0x12e: {  	[tilespmem:s8], [sflag:$0x1] =	stream.indirect.gather [hbm4b:s3+s6], $0x20, s0, s6, $0xb8;
	[tilespmem:$0x119E0] =	vst v63  }
0x12f: {  	_ =	swait.ge [sflag:s9], $0x3E80  }
0x130: {  	[sflag:s9] =	ssyncset.done $0x0  }
0x131: {  	s0 =	rddreg [dreg:$0x14];
	[sflag:s9] =	ssyncadd.s32 $0xFFFFC180  }
0x132: {  	[tilespmem:s7], [sflag:$0x2] =	stream.indirect.gather [hbm4b:s3+s6], $0x20, s0, s6, $0xb8;
	[tilespmem:$0x119E0] =	vst v63  }
0x133: {  	_ =	swait.ge [sflag:s13], $0x3E80  }
0x134: {  	[sflag:s13] =	ssyncset.done $0x0  }
0x135: {  	s0 =	rddreg [dreg:$0x15];
	[sflag:s13] =	ssyncadd.s32 $0xFFFFC180  }
0x136: {  	[spmem:s2] =	stream.indirect.scatter.add.f32 [tilespmem:s8], [sflag:$0x3], $0x20, s0, s6, $0xb8;
	[tilespmem:$0x119E0] =	vst v63  }
0x137: {  	_ =	swait.ge [sflag:s12], $0x3E80  }
0x138: {  	[sflag:s12] =	ssyncset.done $0x0  }
0x139: {  	s0 =	rddreg [dreg:$0x16];
	[sflag:s12] =	ssyncadd.s32 $0xFFFFC180  }
0x13a: {  	[spmem:s2] =	stream.indirect.scatter.add.f32 [tilespmem:s7], [sflag:$0x4], $0x20, s0, s6, $0xb8;
	[tilespmem:$0x119E0] =	vst v63  }
0x13b: {  	_ =	swait.ge [sflag:s11], $0x3E80  }
0x13c: {  	[sflag:s11] =	ssyncset.done $0x0  }
0x13d: {  	s0 =	rddreg [dreg:$0x17];
	[sflag:s11] =	ssyncadd.s32 $0xFFFFC180  }
0x13e: {  	[tilespmem:s8], [sflag:$0x1] =	stream.indirect.gather [hbm4b:s3+s6], $0x20, s0, s6, $0xb8;
	[tilespmem:$0x119E0] =	vst v63  }
0x13f: {  	_ =	swait.ge [sflag:s9], $0x3E80  }
0x140: {  	[sflag:s9] =	ssyncset.done $0x0  }
0x141: {  	s0 =	rddreg [dreg:$0x18];
	[sflag:s9] =	ssyncadd.s32 $0xFFFFC180  }
0x142: {  	[tilespmem:s7], [sflag:$0x2] =	stream.indirect.gather [hbm4b:s3+s6], $0x20, s0, s6, $0xb8;
	[tilespmem:$0x119E0] =	vst v63  }
0x143: {  	_ =	swait.ge [sflag:s13], $0x3E80  }
0x144: {  	[sflag:s13] =	ssyncset.done $0x0  }
0x145: {  	s0 =	rddreg [dreg:$0x19];
	[sflag:s13] =	ssyncadd.s32 $0xFFFFC180  }
0x146: {  	[spmem:s2] =	stream.indirect.scatter.add.f32 [tilespmem:s8], [sflag:$0x3], $0x20, s0, s6, $0xb8;
	[tilespmem:$0x119E0] =	vst v63  }
0x147: {  	_ =	swait.ge [sflag:s12], $0x3E80  }
0x148: {  	[sflag:s12] =	ssyncset.done $0x0  }
0x149: {  	s0 =	rddreg [dreg:$0x1a];
	[sflag:s12] =	ssyncadd.s32 $0xFFFFC180  }
0x14a: {  	[spmem:s2] =	stream.indirect.scatter.add.f32 [tilespmem:s7], [sflag:$0x4], $0x20, s0, s6, $0xb8;
	[tilespmem:$0x119E0] =	vst v63  }
0x14b: {  	_ =	swait.ge [sflag:s11], $0x3E80  }
0x14c: {  	[sflag:s11] =	ssyncset.done $0x0  }
0x14d: {  	s0 =	rddreg [dreg:$0x1b];
	[sflag:s11] =	ssyncadd.s32 $0xFFFFC180  }
0x14e: {  	[tilespmem:s8], [sflag:$0x1] =	stream.indirect.gather [hbm4b:s3+s6], $0x20, s0, s6, $0xb8;
	[tilespmem:$0x119E0] =	vst v63  }
0x14f: {  	_ =	swait.ge [sflag:s9], $0x3E80  }
0x150: {  	[sflag:s9] =	ssyncset.done $0x0  }
0x151: {  	s0 =	rddreg [dreg:$0x1c];
	[sflag:s9] =	ssyncadd.s32 $0xFFFFC180  }
0x152: {  	[tilespmem:s7], [sflag:$0x2] =	stream.indirect.gather [hbm4b:s3+s6], $0x20, s0, s6, $0xb8;
	[tilespmem:$0x119E0] =	vst v63  }
0x153: {  	_ =	swait.ge [sflag:s13], $0x3E80  }
0x154: {  	[sflag:s13] =	ssyncset.done $0x0  }
0x155: {  	s0 =	rddreg [dreg:$0x1d];
	[sflag:s13] =	ssyncadd.s32 $0xFFFFC180  }
0x156: {  	[spmem:s2] =	stream.indirect.scatter.add.f32 [tilespmem:s8], [sflag:$0x3], $0x20, s0, s6, $0xb8;
	[tilespmem:$0x119E0] =	vst v63  }
0x157: {  	_ =	swait.ge [sflag:s12], $0x3E80  }
0x158: {  	[sflag:s12] =	ssyncset.done $0x0  }
0x159: {  	s0 =	rddreg [dreg:$0x1e];
	[sflag:s12] =	ssyncadd.s32 $0xFFFFC180  }
0x15a: {  	[spmem:s2] =	stream.indirect.scatter.add.f32 [tilespmem:s7], [sflag:$0x4], $0x20, s0, s6, $0xb8;
	[tilespmem:$0x119E0] =	vst v63  }
0x15b: {  	_ =	swait.ge [sflag:s11], $0x3E80  }
0x15c: {  	[sflag:s11] =	ssyncset.done $0x0  }
0x15d: {  	s0 =	rddreg [dreg:$0x1f];
	[sflag:s11] =	ssyncadd.s32 $0xFFFFC180  }
0x15e: {  	[tilespmem:s8], [sflag:$0x1] =	stream.indirect.gather [hbm4b:s3+s6], $0x20, s0, s6, $0xb8;
	[tilespmem:$0x119E0] =	vst v63  }
0x15f: {  	_ =	swait.ge [sflag:s9], $0x3E80  }
0x160: {  	s0 =	sld [smem:$0x7F9]  }
0x161: {  	[sflag:s9] =	ssyncset.done $0x0  }
0x162: {  	[sflag:s9] =	ssyncadd.s32 $0xFFFFC180  }
0x163: {  	[tilespmem:s7], [sflag:$0x2] =	stream.indirect.gather [hbm4b:s3+s6], $0x20, s0, s6, $0xb8;
	[tilespmem:$0x119E0] =	vst v63  }
0x164: {  	_ =	swait.ge [sflag:s13], $0x3E80  }
0x165: {  	s0 =	sld [smem:$0x7FA]  }
0x166: {  	[sflag:s13] =	ssyncset.done $0x0  }
0x167: {  	[sflag:s13] =	ssyncadd.s32 $0xFFFFC180  }
0x168: {  	[spmem:s2] =	stream.indirect.scatter.add.f32 [tilespmem:s8], [sflag:$0x3], $0x20, s0, s6, $0xb8;
	[tilespmem:$0x119E0] =	vst v63  }
0x169: {  	_ =	swait.ge [sflag:s12], $0x3E80  }
0x16a: {  	s0 =	sld [smem:$0x7FB]  }
0x16b: {  	[sflag:s12] =	ssyncset.done $0x0  }
0x16c: {  	[sflag:s12] =	ssyncadd.s32 $0xFFFFC180  }
0x16d: {  	[spmem:s2] =	stream.indirect.scatter.add.f32 [tilespmem:s7], [sflag:$0x4], $0x20, s0, s6, $0xb8;
	[tilespmem:$0x119E0] =	vst v63  }
0x16e: {  	_ =	swait.ge [sflag:s11], $0x3E80  }
0x16f: {  	s0 =	sld [smem:$0x7FC]  }
0x170: {  	[sflag:s11] =	ssyncset.done $0x0  }
0x171: {  	[sflag:s11] =	ssyncadd.s32 $0xFFFFC180  }
0x172: {  	[tilespmem:s8], [sflag:$0x1] =	stream.indirect.gather [hbm4b:s3+s6], $0x20, s0, s6, $0xb8;
	[tilespmem:$0x119E0] =	vst v63  }
0x173: {  	_ =	swait.ge [sflag:s9], $0x3E80  }
0x174: {  	s0 =	sld [smem:$0x7FD]  }
0x175: {  	[sflag:s9] =	ssyncset.done $0x0  }
0x176: {  	[sflag:s9] =	ssyncadd.s32 $0xFFFFC180  }
0x177: {  	[tilespmem:s7], [sflag:$0x2] =	stream.indirect.gather [hbm4b:s3+s6], $0x20, s0, s6, $0xb8;
	[tilespmem:$0x119E0] =	vst v63  }
0x178: {  	_ =	swait.ge [sflag:s13], $0x3E80  }
0x179: {  	[sflag:s13] =	ssyncset.done $0x0  }
0x17a: {  	[sflag:s13] =	ssyncadd.s32 $0xFFFFC180  }
0x17b: {  	[spmem:s2] =	stream.indirect.scatter.add.f32 [tilespmem:s8], [sflag:$0x3], $0x20, s23, s6, $0xb8;
	[tilespmem:$0x119E0] =	vst v63  }
0x17c: {  	_ =	swait.ge [sflag:s12], $0x3E80  }
0x17d: {  	[sflag:s12] =	ssyncset.done $0x0  }
0x17e: {  	[sflag:s12] =	ssyncadd.s32 $0xFFFFC180  }
0x17f: {  	[spmem:s2] =	stream.indirect.scatter.add.f32 [tilespmem:s7], [sflag:$0x4], $0x20, s22, s6, $0xb8;
	[tilespmem:$0x119E0] =	vst v63  }
0x180: {  	_ =	swait.ge [sflag:s11], $0x3E80  }
0x181: {  	[sflag:s11] =	ssyncset.done $0x0  }
0x182: {  	[sflag:s11] =	ssyncadd.s32 $0xFFFFC180  }
0x183: {  	[tilespmem:s8], [sflag:$0x1] =	stream.indirect.gather [hbm4b:s3+s6], $0x20, s21, s6, $0xb8;
	[tilespmem:$0x119E0] =	vst v63  }
0x184: {  	_ =	swait.ge [sflag:s9], $0x3E80  }
0x185: {  	[sflag:s9] =	ssyncset.done $0x0  }
0x186: {  	[sflag:s9] =	ssyncadd.s32 $0xFFFFC180  }
0x187: {  	[tilespmem:s7], [sflag:$0x2] =	stream.indirect.gather [hbm4b:s3+s6], $0x20, s20, s6, $0xb8;
	[tilespmem:$0x119E0] =	vst v63  }
0x188: {  	_ =	swait.ge [sflag:s13], $0x3E80  }
0x189: {  	[sflag:s13] =	ssyncset.done $0x0  }
0x18a: {  	[sflag:s13] =	ssyncadd.s32 $0xFFFFC180  }
0x18b: {  	[spmem:s2] =	stream.indirect.scatter.add.f32 [tilespmem:s8], [sflag:$0x3], $0x20, s19, s6, $0xb8;
	[tilespmem:$0x119E0] =	vst v63  }
0x18c: {  	_ =	swait.ge [sflag:s12], $0x3E80  }
0x18d: {  	[sflag:s12] =	ssyncset.done $0x0  }
0x18e: {  	[sflag:s12] =	ssyncadd.s32 $0xFFFFC180  }
0x18f: {  	[spmem:s2] =	stream.indirect.scatter.add.f32 [tilespmem:s7], [sflag:$0x4], $0x20, s18, s6, $0xb8;
	[tilespmem:$0x119E0] =	vst v63  }
0x190: {  	_ =	swait.ge [sflag:s11], $0x3E80  }
0x191: {  	[sflag:s11] =	ssyncset.done $0x0  }
0x192: {  	[sflag:s11] =	ssyncadd.s32 $0xFFFFC180  }
0x193: {  	[tilespmem:s8], [sflag:$0x1] =	stream.indirect.gather [hbm4b:s3+s6], $0x20, s16, s6, $0xb8;
	[tilespmem:$0x119E0] =	vst v63  }
0x194: {  	_ =	swait.ge [sflag:s9], $0x3E80  }
0x195: {  	[sflag:s9] =	ssyncset.done $0x0  }
0x196: {  	[sflag:s9] =	ssyncadd.s32 $0xFFFFC180  }
0x197: {  	[tilespmem:s7], [sflag:$0x2] =	stream.indirect.gather [hbm4b:s3+s6], $0x20, s17, s6, $0xb8;
	[tilespmem:$0x119E0] =	vst v63  }
0x198: {  	_ =	swait.ge [sflag:s13], $0x3E80  }
0x199: {  	[sflag:s13] =	ssyncset.done $0x0  }
0x19a: {  	[sflag:s13] =	ssyncadd.s32 $0xFFFFC180  }
0x19b: {  	[spmem:s2] =	stream.indirect.scatter.add.f32 [tilespmem:s8], [sflag:$0x3], $0x20, s15, s6, $0xb8;
	[tilespmem:$0x119E0] =	vst v63  }
0x19c: {  	_ =	swait.ge [sflag:s12], $0x3E80  }
0x19d: {  	[sflag:s12] =	ssyncset.done $0x0  }
0x19e: {  	[sflag:s12] =	ssyncadd.s32 $0xFFFFC180  }
0x19f: {  	[spmem:s2] =	stream.indirect.scatter.add.f32 [tilespmem:s7], [sflag:$0x4], $0x20, s14, s6, $0xb8;
	[tilespmem:$0x119E0] =	vst v63  }
0x1a0: {  	_ =	swait.ge [sflag:s11], $0x3E80  }
0x1a1: {  	[sflag:s11] =	ssyncset.done $0x0  }
0x1a2: {  	[sflag:s11] =	ssyncadd.s32 $0xFFFFC180  }
0x1a3: {  	_ =	swait.ge [sflag:s9], $0x3E80  }
0x1a4: {  	[sflag:s9] =	ssyncset.done $0x0  }
0x1a5: {  	[sflag:s9] =	ssyncadd.s32 $0xFFFFC180  }
0x1a6: {  	[bflag:$0x0] =	sbarrier.arrive $0xFFFF  }
0x1a7: {  	s1 =	sadd.s32 $0xFFFFFFFF, s1;
	s0 =	rddreg [dreg:$0x7]  }
0x1a8: {  	[hbm:s0], [sflag:s29] =	dma.local @p0 [spmem:s4], $0x640  }
0x1a9: {  	p2 =	sne.s32 s1, $0x0;
	_ =	swait.ge @p0 [sflag:s31], $0x640  }
.Ltmp2:
0x1aa: {  	[sflag:s31] =	ssyncset.done @p0 $0x0;
	(pc) =	sbr.rel @p2 .LBB2_4-.Ltmp2, $4  }
0x1ab: {  	s0 =	rddreg [dreg:$0x6];
	[sflag:s31] =	ssyncadd.s32 @p0 $0xFFFFF9C0  }
0x1ac: {  	[hbm:s0], [sflag:s5] =	dma.local @!p0 [spmem:s10], $0xA00  }
0x1ad: {  	_ =	swait.ge @!p0 [sflag:s30], $0xA00  }
0x1ae: {  	s0 =	rddreg [dreg:$0x4];
	[sflag:s30] =	ssyncset.done @!p0 $0x0  }
0x1af: {  	s29 =	stileid.u32;
	s31 =	rddreg [dreg:$0x3]  }
.LBB2_6:
0x1b0: {  	p1 =	por p0, !p1  }
0x1b1: {  	[sflag:s30] =	ssyncadd.s32 @!p1 $0xFFFFF600  }
0x1b2: {  	[tilespmem:s24], [sflag:$0x5] =	stream.linear.gather [hbm4b:s0+s24], $0x2760, $0x38;
	[tilespmem:$0x119E0] =	vst v63  }
0x1b3: {  	_ =	swait.ge [sflag:s28], $0x2760  }
0x1b4: {  	[sflag:s28] =	ssyncset.done $0x0  }
0x1b5: {  	s1 =	rddreg [dreg:$0x5];
	[sflag:s28] =	ssyncadd.s32 $0xFFFFD8A0  }
0x1b6: {  	[tilespmem:s26], [sflag:$0x5] =	stream.linear.gather [hbm4b:s1+s24], $0x2760, $0x38;
	[tilespmem:$0x119E0] =	vst v63  }
0x1b7: {  	_ =	swait.ge [sflag:s28], $0x2760  }
0x1b8: {  	[sflag:s28] =	ssyncset.done $0x0  }
0x1b9: {  	s1 =	simm.s32 @p0 $0x5;
	[sflag:s28] =	ssyncadd.s32 $0xFFFFD8A0;
	s28 =	simm.s32 @p0 $0x1FC5  }
0x1ba: {  	[spmem:s4], [sflag:s28] =	dma.local @p0 [hbm:s25], $0x640  }
0x1bb: {  	_ =	swait.ge @p0 [sflag:s1], $0x640  }
0x1bc: {  	[sflag:s1] =	ssyncset.done @p0 $0x0  }
0x1bd: {  	s0 =	rddreg [dreg:$0x8];
	[sflag:s1] =	ssyncadd.s32 @p0 $0xFFFFF9C0  }
0x1be: {  	[spmem:s0], [sflag:s5] =	dma.local @!p0 [hbm:s25], $0xA00  }
0x1bf: {  	s25 =	simm.s32 @!p0 $0x5  }
0x1c0: {  	_ =	swait.ge @!p0 [sflag:s25], $0xA00  }
0x1c1: {  	[sflag:s25] =	ssyncset.done @!p0 $0x0  }
0x1c2: {  	[sflag:s25] =	ssyncadd.s32 @!p0 $0xFFFFF600  }
0x1c3: {  	[bflag:$0x0] =	sbarrier.arrive $0xFFFF  }
0x1c4: {  	[tilespmem:s8], [sflag:$0x1] =	stream.indirect.gather [hbm4b:s3+s6], $0x20, s24, s6, $0xb8;
	[tilespmem:$0x119E0] =	vst v63  }
0x1c5: {  	s30 =	rddreg [dreg:$0x9]  }
0x1c6: {  	[tilespmem:s7], [sflag:$0x2] =	stream.indirect.gather [hbm4b:s3+s6], $0x20, s30, s6, $0xb8;
	[tilespmem:$0x119E0] =	vst v63  }
0x1c7: {  	_ =	swait.ge [sflag:s13], $0x3E80  }
0x1c8: {  	[sflag:s13] =	ssyncset.done $0x0  }
0x1c9: {  	[sflag:s13] =	ssyncadd.s32 $0xFFFFC180  }
0x1ca: {  	[spmem:s2] =	stream.indirect.scatter.add.f32 [tilespmem:s8], [sflag:$0x3], $0x20, s26, s6, $0xb8;
	[tilespmem:$0x119E0] =	vst v63  }
0x1cb: {  	_ =	swait.ge [sflag:s12], $0x3E80  }
0x1cc: {  	[sflag:s12] =	ssyncset.done $0x0  }
0x1cd: {  	s24 =	rddreg [dreg:$0xa];
	[sflag:s12] =	ssyncadd.s32 $0xFFFFC180  }
0x1ce: {  	[spmem:s2] =	stream.indirect.scatter.add.f32 [tilespmem:s7], [sflag:$0x4], $0x20, s24, s6, $0xb8;
	[tilespmem:$0x119E0] =	vst v63  }
0x1cf: {  	_ =	swait.ge [sflag:s11], $0x3E80  }
0x1d0: {  	[sflag:s11] =	ssyncset.done $0x0  }
0x1d1: {  	s26 =	rddreg [dreg:$0xb];
	[sflag:s11] =	ssyncadd.s32 $0xFFFFC180  }
0x1d2: {  	[tilespmem:s8], [sflag:$0x1] =	stream.indirect.gather [hbm4b:s3+s6], $0x20, s26, s6, $0xb8;
	[tilespmem:$0x119E0] =	vst v63  }
0x1d3: {  	_ =	swait.ge [sflag:s9], $0x3E80  }
0x1d4: {  	[sflag:s9] =	ssyncset.done $0x0  }
0x1d5: {  	s30 =	rddreg [dreg:$0xc];
	[sflag:s9] =	ssyncadd.s32 $0xFFFFC180  }
0x1d6: {  	[tilespmem:s7], [sflag:$0x2] =	stream.indirect.gather [hbm4b:s3+s6], $0x20, s30, s6, $0xb8;
	[tilespmem:$0x119E0] =	vst v63  }
0x1d7: {  	_ =	swait.ge [sflag:s13], $0x3E80  }
0x1d8: {  	[sflag:s13] =	ssyncset.done $0x0  }
0x1d9: {  	s24 =	rddreg [dreg:$0xd];
	[sflag:s13] =	ssyncadd.s32 $0xFFFFC180  }
0x1da: {  	[spmem:s2] =	stream.indirect.scatter.add.f32 [tilespmem:s8], [sflag:$0x3], $0x20, s24, s6, $0xb8;
	[tilespmem:$0x119E0] =	vst v63  }
0x1db: {  	_ =	swait.ge [sflag:s12], $0x3E80  }
0x1dc: {  	[sflag:s12] =	ssyncset.done $0x0  }
0x1dd: {  	s26 =	rddreg [dreg:$0xe];
	[sflag:s12] =	ssyncadd.s32 $0xFFFFC180  }
0x1de: {  	[spmem:s2] =	stream.indirect.scatter.add.f32 [tilespmem:s7], [sflag:$0x4], $0x20, s26, s6, $0xb8;
	[tilespmem:$0x119E0] =	vst v63  }
0x1df: {  	_ =	swait.ge [sflag:s11], $0x3E80  }
0x1e0: {  	[sflag:s11] =	ssyncset.done $0x0  }
0x1e1: {  	s30 =	rddreg [dreg:$0xf];
	[sflag:s11] =	ssyncadd.s32 $0xFFFFC180  }
0x1e2: {  	[tilespmem:s8], [sflag:$0x1] =	stream.indirect.gather [hbm4b:s3+s6], $0x20, s30, s6, $0xb8;
	[tilespmem:$0x119E0] =	vst v63  }
0x1e3: {  	_ =	swait.ge [sflag:s9], $0x3E80  }
0x1e4: {  	[sflag:s9] =	ssyncset.done $0x0  }
0x1e5: {  	s24 =	rddreg [dreg:$0x10];
	[sflag:s9] =	ssyncadd.s32 $0xFFFFC180  }
0x1e6: {  	[tilespmem:s7], [sflag:$0x2] =	stream.indirect.gather [hbm4b:s3+s6], $0x20, s24, s6, $0xb8;
	[tilespmem:$0x119E0] =	vst v63  }
0x1e7: {  	_ =	swait.ge [sflag:s13], $0x3E80  }
0x1e8: {  	[sflag:s13] =	ssyncset.done $0x0  }
0x1e9: {  	s26 =	rddreg [dreg:$0x11];
	[sflag:s13] =	ssyncadd.s32 $0xFFFFC180  }
0x1ea: {  	[spmem:s2] =	stream.indirect.scatter.add.f32 [tilespmem:s8], [sflag:$0x3], $0x20, s26, s6, $0xb8;
	[tilespmem:$0x119E0] =	vst v63  }
0x1eb: {  	_ =	swait.ge [sflag:s12], $0x3E80  }
0x1ec: {  	[sflag:s12] =	ssyncset.done $0x0  }
0x1ed: {  	s30 =	rddreg [dreg:$0x12];
	[sflag:s12] =	ssyncadd.s32 $0xFFFFC180  }
0x1ee: {  	[spmem:s2] =	stream.indirect.scatter.add.f32 [tilespmem:s7], [sflag:$0x4], $0x20, s30, s6, $0xb8;
	[tilespmem:$0x119E0] =	vst v63  }
0x1ef: {  	_ =	swait.ge [sflag:s11], $0x3E80  }
0x1f0: {  	[sflag:s11] =	ssyncset.done $0x0  }
0x1f1: {  	s24 =	rddreg [dreg:$0x13];
	[sflag:s11] =	ssyncadd.s32 $0xFFFFC180  }
0x1f2: {  	[tilespmem:s8], [sflag:$0x1] =	stream.indirect.gather [hbm4b:s3+s6], $0x20, s24, s6, $0xb8;
	[tilespmem:$0x119E0] =	vst v63  }
0x1f3: {  	_ =	swait.ge [sflag:s9], $0x3E80  }
0x1f4: {  	[sflag:s9] =	ssyncset.done $0x0  }
0x1f5: {  	s26 =	rddreg [dreg:$0x14];
	[sflag:s9] =	ssyncadd.s32 $0xFFFFC180  }
0x1f6: {  	[tilespmem:s7], [sflag:$0x2] =	stream.indirect.gather [hbm4b:s3+s6], $0x20, s26, s6, $0xb8;
	[tilespmem:$0x119E0] =	vst v63  }
0x1f7: {  	_ =	swait.ge [sflag:s13], $0x3E80  }
0x1f8: {  	[sflag:s13] =	ssyncset.done $0x0  }
0x1f9: {  	s30 =	rddreg [dreg:$0x15];
	[sflag:s13] =	ssyncadd.s32 $0xFFFFC180  }
0x1fa: {  	[spmem:s2] =	stream.indirect.scatter.add.f32 [tilespmem:s8], [sflag:$0x3], $0x20, s30, s6, $0xb8;
	[tilespmem:$0x119E0] =	vst v63  }
0x1fb: {  	_ =	swait.ge [sflag:s12], $0x3E80  }
0x1fc: {  	[sflag:s12] =	ssyncset.done $0x0  }
0x1fd: {  	s24 =	rddreg [dreg:$0x16];
	[sflag:s12] =	ssyncadd.s32 $0xFFFFC180  }
0x1fe: {  	[spmem:s2] =	stream.indirect.scatter.add.f32 [tilespmem:s7], [sflag:$0x4], $0x20, s24, s6, $0xb8;
	[tilespmem:$0x119E0] =	vst v63  }
0x1ff: {  	_ =	swait.ge [sflag:s11], $0x3E80  }
0x200: {  	[sflag:s11] =	ssyncset.done $0x0  }
0x201: {  	s26 =	rddreg [dreg:$0x17];
	[sflag:s11] =	ssyncadd.s32 $0xFFFFC180  }
0x202: {  	[tilespmem:s8], [sflag:$0x1] =	stream.indirect.gather [hbm4b:s3+s6], $0x20, s26, s6, $0xb8;
	[tilespmem:$0x119E0] =	vst v63  }
0x203: {  	_ =	swait.ge [sflag:s9], $0x3E80  }
0x204: {  	[sflag:s9] =	ssyncset.done $0x0  }
0x205: {  	s30 =	rddreg [dreg:$0x18];
	[sflag:s9] =	ssyncadd.s32 $0xFFFFC180  }
0x206: {  	[tilespmem:s7], [sflag:$0x2] =	stream.indirect.gather [hbm4b:s3+s6], $0x20, s30, s6, $0xb8;
	[tilespmem:$0x119E0] =	vst v63  }
0x207: {  	_ =	swait.ge [sflag:s13], $0x3E80  }
0x208: {  	[sflag:s13] =	ssyncset.done $0x0  }
0x209: {  	s24 =	rddreg [dreg:$0x19];
	[sflag:s13] =	ssyncadd.s32 $0xFFFFC180  }
0x20a: {  	[spmem:s2] =	stream.indirect.scatter.add.f32 [tilespmem:s8], [sflag:$0x3], $0x20, s24, s6, $0xb8;
	[tilespmem:$0x119E0] =	vst v63  }
0x20b: {  	_ =	swait.ge [sflag:s12], $0x3E80  }
0x20c: {  	[sflag:s12] =	ssyncset.done $0x0  }
0x20d: {  	s26 =	rddreg [dreg:$0x1a];
	[sflag:s12] =	ssyncadd.s32 $0xFFFFC180  }
0x20e: {  	[spmem:s2] =	stream.indirect.scatter.add.f32 [tilespmem:s7], [sflag:$0x4], $0x20, s26, s6, $0xb8;
	[tilespmem:$0x119E0] =	vst v63  }
0x20f: {  	_ =	swait.ge [sflag:s11], $0x3E80  }
0x210: {  	[sflag:s11] =	ssyncset.done $0x0  }
0x211: {  	s30 =	rddreg [dreg:$0x1b];
	[sflag:s11] =	ssyncadd.s32 $0xFFFFC180  }
0x212: {  	[tilespmem:s8], [sflag:$0x1] =	stream.indirect.gather [hbm4b:s3+s6], $0x20, s30, s6, $0xb8;
	[tilespmem:$0x119E0] =	vst v63  }
0x213: {  	_ =	swait.ge [sflag:s9], $0x3E80  }
0x214: {  	[sflag:s9] =	ssyncset.done $0x0  }
0x215: {  	s24 =	rddreg [dreg:$0x1c];
	[sflag:s9] =	ssyncadd.s32 $0xFFFFC180  }
0x216: {  	[tilespmem:s7], [sflag:$0x2] =	stream.indirect.gather [hbm4b:s3+s6], $0x20, s24, s6, $0xb8;
	[tilespmem:$0x119E0] =	vst v63  }
0x217: {  	_ =	swait.ge [sflag:s13], $0x3E80  }
0x218: {  	[sflag:s13] =	ssyncset.done $0x0  }
0x219: {  	s26 =	rddreg [dreg:$0x1d];
	[sflag:s13] =	ssyncadd.s32 $0xFFFFC180  }
0x21a: {  	[spmem:s2] =	stream.indirect.scatter.add.f32 [tilespmem:s8], [sflag:$0x3], $0x20, s26, s6, $0xb8;
	[tilespmem:$0x119E0] =	vst v63  }
0x21b: {  	_ =	swait.ge [sflag:s12], $0x3E80  }
0x21c: {  	[sflag:s12] =	ssyncset.done $0x0  }
0x21d: {  	s30 =	rddreg [dreg:$0x1e];
	[sflag:s12] =	ssyncadd.s32 $0xFFFFC180  }
0x21e: {  	[spmem:s2] =	stream.indirect.scatter.add.f32 [tilespmem:s7], [sflag:$0x4], $0x20, s30, s6, $0xb8;
	[tilespmem:$0x119E0] =	vst v63  }
0x21f: {  	_ =	swait.ge [sflag:s11], $0x3E80  }
0x220: {  	[sflag:s11] =	ssyncset.done $0x0  }
0x221: {  	s24 =	rddreg [dreg:$0x1f];
	[sflag:s11] =	ssyncadd.s32 $0xFFFFC180  }
0x222: {  	[tilespmem:s8], [sflag:$0x1] =	stream.indirect.gather [hbm4b:s3+s6], $0x20, s24, s6, $0xb8;
	[tilespmem:$0x119E0] =	vst v63  }
0x223: {  	_ =	swait.ge [sflag:s9], $0x3E80  }
0x224: {  	s26 =	sld [smem:$0x7F9]  }
0x225: {  	[sflag:s9] =	ssyncset.done $0x0  }
0x226: {  	[sflag:s9] =	ssyncadd.s32 $0xFFFFC180  }
0x227: {  	[tilespmem:s7], [sflag:$0x2] =	stream.indirect.gather [hbm4b:s3+s6], $0x20, s26, s6, $0xb8;
	[tilespmem:$0x119E0] =	vst v63  }
0x228: {  	_ =	swait.ge [sflag:s13], $0x3E80  }
0x229: {  	s30 =	sld [smem:$0x7FA]  }
0x22a: {  	[sflag:s13] =	ssyncset.done $0x0  }
0x22b: {  	[sflag:s13] =	ssyncadd.s32 $0xFFFFC180  }
0x22c: {  	[spmem:s2] =	stream.indirect.scatter.add.f32 [tilespmem:s8], [sflag:$0x3], $0x20, s30, s6, $0xb8;
	[tilespmem:$0x119E0] =	vst v63  }
0x22d: {  	_ =	swait.ge [sflag:s12], $0x3E80  }
0x22e: {  	s24 =	sld [smem:$0x7FB]  }
0x22f: {  	[sflag:s12] =	ssyncset.done $0x0  }
0x230: {  	[sflag:s12] =	ssyncadd.s32 $0xFFFFC180  }
0x231: {  	[spmem:s2] =	stream.indirect.scatter.add.f32 [tilespmem:s7], [sflag:$0x4], $0x20, s24, s6, $0xb8;
	[tilespmem:$0x119E0] =	vst v63  }
0x232: {  	_ =	swait.ge [sflag:s11], $0x3E80  }
0x233: {  	s26 =	sld [smem:$0x7FC]  }
0x234: {  	[sflag:s11] =	ssyncset.done $0x0  }
0x235: {  	[sflag:s11] =	ssyncadd.s32 $0xFFFFC180  }
0x236: {  	[tilespmem:s8], [sflag:$0x1] =	stream.indirect.gather [hbm4b:s3+s6], $0x20, s26, s6, $0xb8;
	[tilespmem:$0x119E0] =	vst v63  }
0x237: {  	_ =	swait.ge [sflag:s9], $0x3E80  }
0x238: {  	s30 =	sld [smem:$0x7FD]  }
0x239: {  	[sflag:s9] =	ssyncset.done $0x0  }
0x23a: {  	[sflag:s9] =	ssyncadd.s32 $0xFFFFC180  }
0x23b: {  	[tilespmem:s7], [sflag:$0x2] =	stream.indirect.gather [hbm4b:s3+s6], $0x20, s30, s6, $0xb8;
	[tilespmem:$0x119E0] =	vst v63  }
0x23c: {  	_ =	swait.ge [sflag:s13], $0x3E80  }
0x23d: {  	[sflag:s13] =	ssyncset.done $0x0  }
0x23e: {  	[sflag:s13] =	ssyncadd.s32 $0xFFFFC180  }
0x23f: {  	[spmem:s2] =	stream.indirect.scatter.add.f32 [tilespmem:s8], [sflag:$0x3], $0x20, s23, s6, $0xb8;
	[tilespmem:$0x119E0] =	vst v63  }
0x240: {  	_ =	swait.ge [sflag:s12], $0x3E80  }
0x241: {  	[sflag:s12] =	ssyncset.done $0x0  }
0x242: {  	[sflag:s12] =	ssyncadd.s32 $0xFFFFC180  }
0x243: {  	[spmem:s2] =	stream.indirect.scatter.add.f32 [tilespmem:s7], [sflag:$0x4], $0x20, s22, s6, $0xb8;
	[tilespmem:$0x119E0] =	vst v63  }
0x244: {  	_ =	swait.ge [sflag:s11], $0x3E80  }
0x245: {  	[sflag:s11] =	ssyncset.done $0x0  }
0x246: {  	[sflag:s11] =	ssyncadd.s32 $0xFFFFC180  }
0x247: {  	[tilespmem:s8], [sflag:$0x1] =	stream.indirect.gather [hbm4b:s3+s6], $0x20, s21, s6, $0xb8;
	[tilespmem:$0x119E0] =	vst v63  }
0x248: {  	_ =	swait.ge [sflag:s9], $0x3E80  }
0x249: {  	[sflag:s9] =	ssyncset.done $0x0  }
0x24a: {  	[sflag:s9] =	ssyncadd.s32 $0xFFFFC180  }
0x24b: {  	[tilespmem:s7], [sflag:$0x2] =	stream.indirect.gather [hbm4b:s3+s6], $0x20, s20, s6, $0xb8;
	[tilespmem:$0x119E0] =	vst v63  }
0x24c: {  	_ =	swait.ge [sflag:s13], $0x3E80  }
0x24d: {  	[sflag:s13] =	ssyncset.done $0x0  }
0x24e: {  	[sflag:s13] =	ssyncadd.s32 $0xFFFFC180  }
0x24f: {  	[spmem:s2] =	stream.indirect.scatter.add.f32 [tilespmem:s8], [sflag:$0x3], $0x20, s19, s6, $0xb8;
	[tilespmem:$0x119E0] =	vst v63  }
0x250: {  	_ =	swait.ge [sflag:s12], $0x3E80  }
0x251: {  	[sflag:s12] =	ssyncset.done $0x0  }
0x252: {  	[sflag:s12] =	ssyncadd.s32 $0xFFFFC180  }
0x253: {  	[spmem:s2] =	stream.indirect.scatter.add.f32 [tilespmem:s7], [sflag:$0x4], $0x20, s18, s6, $0xb8;
	[tilespmem:$0x119E0] =	vst v63  }
0x254: {  	_ =	swait.ge [sflag:s11], $0x3E80  }
0x255: {  	[sflag:s11] =	ssyncset.done $0x0  }
0x256: {  	[sflag:s11] =	ssyncadd.s32 $0xFFFFC180  }
0x257: {  	[tilespmem:s8], [sflag:$0x1] =	stream.indirect.gather [hbm4b:s3+s6], $0x20, s16, s6, $0xb8;
	[tilespmem:$0x119E0] =	vst v63  }
0x258: {  	_ =	swait.ge [sflag:s9], $0x3E80  }
0x259: {  	[sflag:s9] =	ssyncset.done $0x0  }
0x25a: {  	[sflag:s9] =	ssyncadd.s32 $0xFFFFC180  }
0x25b: {  	[tilespmem:s7], [sflag:$0x2] =	stream.indirect.gather [hbm4b:s3+s6], $0x20, s17, s6, $0xb8;
	[tilespmem:$0x119E0] =	vst v63  }
0x25c: {  	_ =	swait.ge [sflag:s13], $0x3E80  }
0x25d: {  	[sflag:s13] =	ssyncset.done $0x0  }
0x25e: {  	[sflag:s13] =	ssyncadd.s32 $0xFFFFC180  }
0x25f: {  	[spmem:s2] =	stream.indirect.scatter.add.f32 [tilespmem:s8], [sflag:$0x3], $0x20, s15, s6, $0xb8;
	[tilespmem:$0x119E0] =	vst v63  }
0x260: {  	_ =	swait.ge [sflag:s12], $0x3E80  }
0x261: {  	[sflag:s12] =	ssyncset.done $0x0  }
0x262: {  	[sflag:s12] =	ssyncadd.s32 $0xFFFFC180  }
0x263: {  	[spmem:s2] =	stream.indirect.scatter.add.f32 [tilespmem:s7], [sflag:$0x4], $0x20, s14, s6, $0xb8;
	[tilespmem:$0x119E0] =	vst v63  }
0x264: {  	_ =	swait.ge [sflag:s11], $0x3E80  }
0x265: {  	[sflag:s11] =	ssyncset.done $0x0  }
0x266: {  	[sflag:s11] =	ssyncadd.s32 $0xFFFFC180  }
0x267: {  	_ =	swait.ge [sflag:s9], $0x3E80  }
0x268: {  	[sflag:s9] =	ssyncset.done $0x0  }
0x269: {  	[sflag:s9] =	ssyncadd.s32 $0xFFFFC180  }
0x26a: {  	[bflag:$0x0] =	sbarrier.arrive $0xFFFF  }
0x26b: {  	s0 =	rddreg [dreg:$0x7]  }
0x26c: {  	[hbm:s0], [sflag:s28] =	dma.local @p0 [spmem:s4], $0x640  }
0x26d: {  	_ =	swait.ge @p0 [sflag:s1], $0x640  }
0x26e: {  	[sflag:s1] =	ssyncset.done @p0 $0x0  }
0x26f: {  	s0 =	rddreg [dreg:$0x6];
	[sflag:s1] =	ssyncadd.s32 @p0 $0xFFFFF9C0  }
0x270: {  	[hbm:s0], [sflag:s5] =	dma.local @!p0 [spmem:s10], $0xA00  }
0x271: {  	_ =	swait.ge @!p0 [sflag:s25], $0xA00  }
0x272: {  	[sflag:s25] =	ssyncset.done @!p0 $0x0  }
0x273: {  	[sflag:s25] =	ssyncadd.s32 @!p0 $0xFFFFF600  }
0x274: {  	_ =	sfence.sel $0x180000  }
0x275: {  	[bflag:$0x0] =	sbarrier.arrive $0xFFFF  }
0x276: {  	p0 =	sne.s32 s29, $0x0;
	_ =	strace $0x90000050  }
0x277: {  	s0 =	sadd.s32 @!p0 $0x100000, s31;
	[bflag:$0x2] =	sbarrier.arrive $0xFFFF  }
0x278: {  	[sflag:s0] =	ssyncadd.tile.s32 @!p0 $0x1;
	_ =	shalt  }
.LBB2_1:
.Ltmp3:
0x279: {  	(pc) =	sbr.rel .LBB2_6-.Ltmp3, $2  }
0x27a: {  	_ =	sdelay $0x2  }
0x27b: {  	_ = 	snop  }
.LBB2_3:
.Ltmp4:
0x27c: {  	(pc) =	sbr.rel .LBB2_6-.Ltmp4, $2  }
0x27d: {  	_ =	sdelay $0x2  }
0x27e: {  	s29 =	stileid.u32;
	s31 =	rddreg [dreg:$0x3]  }
.Lfunc_end2:
_tile_overlayer_lowered:
.L_overlay_start_2:
0x27f: {  	(tag) =	ssettag $0x2  }
0x280: {  	s0 =	rddreg [dreg:$0x0];
	s2 =	stileid.u32  }
0x281: {  	s1 =	rddreg [dreg:$0x1];
	p0 =	sne.s32 s2, $0x0  }
0x282: {  	s3 =	rddreg [dreg:$0x2];
	[bflag:$0x3] =	sbarrier.arrive $0xFFFF;
	s2 =	simm.s32 @!p0 $0x1C05  }
0x283: {  	[timem:s3], [sflag:s2] =	dma.local @!p0 [hbm:s0], s1  }
0x284: {  	s0 =	simm.s32 @!p0 $0x5  }
0x285: {  	_ =	swait.ge @!p0 [sflag:s0], s1  }
0x286: {  	s1 =	ssub.s32 @!p0 $0x0, s1;
	[sflag:s0] =	ssyncset.done @!p0 $0x0  }
0x287: {  	[sflag:s0] =	ssyncadd.s32 @!p0 s1  }
0x288: {  	[bflag:$0x3] =	sbarrier.arrive $0xFFFF  }
0x289: {  	_ =	shalt  }

// kernel: kernel.25.cloned.1.call-start
scs
__scs_entry_jumppad:
0x0: {  	(pc) =	sbr.rel $0x88, $3  }
0x1: {  	(tag) =	ssettag $0x0;
	lr =	simm.s32 $0x1  }
0x2: {  	[smem:$0x3F85] =	sst lr;
	_ =	strace $0xD0000000  }
0x3: {  	_ = 	snop  }
0x4: {  	_ = 	snop  }
0x5: {  	_ = 	snop  }
0x6: {  	_ = 	snop  }
0x7: {  	_ = 	snop  }
__scs_overlays_trampoline_lowered:
0x8: {  	[smem:$0x3F94] =	sst s0  }
0x9: {  	[smem:$0x3F95] =	sst s1  }
0xa: {  	[smem:$0x3F96] =	sst s2  }
0xb: {  	[smem:$0x3F97] =	sst s3  }
0xc: {  	[smem:$0x3F98] =	sst s4  }
0xd: {  	[smem:$0x3F99] =	sst s5  }
0xe: {  	[smem:$0x3F9A] =	sst s6  }
0xf: {  	[smem:$0x3F9B] =	sst s7  }
0x10: {  	[smem:$0x3F9C] =	sst s8  }
0x11: {  	[smem:$0x3F9D] =	sst s9;
	s0 =	simm.s32 @!p0 $0x0  }
0x12: {  	s1 =	sld [smem:$0x3F83];
	s0 =	simm.s32 @p0 $0x1  }
0x13: {  	[smem:$0x3F9E] =	sst s0;
	s0 =	simm.s32 @!p1 $0x0  }
0x14: {  	s2 =	sld [smem:$0x3F82];
	s0 =	simm.s32 @p1 $0x1  }
0x15: {  	[smem:$0x3F9F] =	sst s0;
	s0 =	simm.s32 @!p2 $0x0  }
0x16: {  	s3 =	sld [smem:$0x3FDB];
	s0 =	simm.s32 @p2 $0x1  }
0x17: {  	s4 =	simm.s32 $0x1BF5;
	[smem:$0x3FA1] =	sst s0  }
0x18: {  	s0 =	sld [smem:$0x3F84];
	_ =	swait.ge [sflag:s4], $0x0  }
0x19: {  	s7 =	sld [smem:$0x3F85]  }
0x1a: {  	s8 =	sadd.s32 $0xFFFFE003, lr  }
0x1b: {  	s9 =	sadd.s32 $0xFFFFFEF7, lr;
	s5 =	simm.s32 $0xFFFFFFFF;
	p2 =	slt.u32 s8, $0xFFFFF086  }
0x1c: {  	p1 =	slt.u32 s9, $0xF7A;
	s5 =	simm.s32 @!p2 $0x0  }
0x1d: {  	s5 =	simm.s32 @p1 $0x1;
	p0 =	seq.s32 s7, s2  }
0x1e: {  	s7 =	smul.u32 @!p0 $0xF7A, s2;
	p2 =	seq.s32 @!p0 s5, $0x0  }
0x1f: {  	s9 =	smul.u32 $0xF7A, s1;
	s8 =	simm.s32 @!p0 $0x1BF5;
	p2 =	por !p2, p0  }
0x20: {  	[sflag:s8] =	ssyncset.s32 @!p0 $0xFFFFF086;
	s6 =	sadd.s32 @!p0 s3, s7;
	s7 =	simm.s32 @!p0 $0x108  }
0x21: {  	s3 =	sadd.s32 s3, s9;
	s6 =	sadd.s32 @!p0 $0x88, s6;
	s7 =	simm.s32 @p2 $0x1082  }
0x22: {  	[simem:s7], [sflag:s8] =	dma.local @!p0 [hbm:s6], $0xF7A  }
0x23: {  	s9 =	sor.u32 $0xD0000000, s2;
	s6 =	simm.s32 $0x108;
	_ =	swait.ge @!p0 [sflag:s8], $0x0  }
0x24: {  	s3 =	sadd.s32 $0x88, s3;
	s6 =	simm.s32 @!p1 $0x1082;
	[sflag:s4] =	ssyncset.s32 $0xFFFFF086  }
0x25: {  	[simem:s6], [sflag:s4] =	dma.local [hbm:s3], $0xF7A  }
0x26: {  	[smem:$0x3F85] =	sst s1;
	(tag) =	ssettag s2;
	_ =	strace s9  }
0x27: {  	s1 =	sld [smem:$0x3F95]  }
0x28: {  	s2 =	sld [smem:$0x3F96]  }
0x29: {  	s4 =	sld [smem:$0x3F98]  }
0x2a: {  	p0 =	seq.s32 s5, $0x0;
	s5 =	sld [smem:$0x3F99]  }
0x2b: {  	s6 =	sld [smem:$0x3F9A]  }
0x2c: {  	s7 =	sld [smem:$0x3F9B]  }
0x2d: {  	s3 =	simm.s32 $0x108;
	s8 =	sld [smem:$0x3F9C]  }
0x2e: {  	s3 =	simm.s32 @!p0 $0x1082;
	s9 =	sld [smem:$0x3F9D]  }
0x2f: {  	lr =	sadd.s32 s0, s3;
	s0 =	sld [smem:$0x3F94]  }
0x30: {  	s3 =	sld [smem:$0x3F97]  }
0x31: {  	[smem:$0x3FA0] =	sst s10  }
0x32: {  	s10 =	sld [smem:$0x3F9E];
	_ =	sdelay $0x3  }
0x33: {  	p0 =	seq.s32 s10, $0x1;
	s10 =	sld [smem:$0x3FA0];
	_ =	sdelay $0x3  }
0x34: {  	[smem:$0x3FA0] =	sst s10  }
0x35: {  	s10 =	sld [smem:$0x3F9F];
	_ =	sdelay $0x3  }
0x36: {  	p1 =	seq.s32 s10, $0x1;
	s10 =	sld [smem:$0x3FA0];
	_ =	sdelay $0x3  }
0x37: {  	[smem:$0x3FA0] =	sst s10  }
0x38: {  	s10 =	sld [smem:$0x3FA1]  }
0x39: {  	_ = 	snop;
	(pc) =	sbr.ind lr, $3  }
0x3a: {  	_ = 	snop  }
0x3b: {  	_ = 	snop  }
0x3c: {  	p2 =	seq.s32 s10, $0x1;
	s10 =	sld [smem:$0x3FA0]  }
0x3d: {  	_ =	shalt  }
0x3e: {  	_ =	shalt  }
0x3f: {  	_ =	shalt  }
0x40: {  	_ =	shalt  }
0x41: {  	_ =	shalt  }
0x42: {  	_ =	shalt  }
0x43: {  	_ =	shalt  }
0x44: {  	_ =	shalt  }
0x45: {  	_ =	shalt  }
0x46: {  	_ =	shalt  }
0x47: {  	_ =	shalt  }
0x48: {  	_ =	shalt  }
0x49: {  	_ =	shalt  }
0x4a: {  	_ =	shalt  }
0x4b: {  	_ =	shalt  }
0x4c: {  	_ =	shalt  }
0x4d: {  	_ =	shalt  }
0x4e: {  	_ =	shalt  }
0x4f: {  	_ =	shalt  }
0x50: {  	_ =	shalt  }
0x51: {  	_ =	shalt  }
0x52: {  	_ =	shalt  }
0x53: {  	_ =	shalt  }
0x54: {  	_ =	shalt  }
0x55: {  	_ =	shalt  }
0x56: {  	_ =	shalt  }
0x57: {  	_ =	shalt  }
0x58: {  	_ =	shalt  }
0x59: {  	_ =	shalt  }
0x5a: {  	_ =	shalt  }
0x5b: {  	_ =	shalt  }
0x5c: {  	_ =	shalt  }
0x5d: {  	_ =	shalt  }
0x5e: {  	_ =	shalt  }
0x5f: {  	_ =	shalt  }
0x60: {  	_ =	shalt  }
0x61: {  	_ =	shalt  }
0x62: {  	_ =	shalt  }
0x63: {  	_ =	shalt  }
0x64: {  	_ =	shalt  }
0x65: {  	_ =	shalt  }
0x66: {  	_ =	shalt  }
0x67: {  	_ =	shalt  }
0x68: {  	_ =	shalt  }
0x69: {  	_ =	shalt  }
0x6a: {  	_ =	shalt  }
0x6b: {  	_ =	shalt  }
0x6c: {  	_ =	shalt  }
0x6d: {  	_ =	shalt  }
0x6e: {  	_ =	shalt  }
0x6f: {  	_ =	shalt  }
0x70: {  	_ =	shalt  }
0x71: {  	_ =	shalt  }
0x72: {  	_ =	shalt  }
0x73: {  	_ =	shalt  }
0x74: {  	_ =	shalt  }
0x75: {  	_ =	shalt  }
0x76: {  	_ =	shalt  }
0x77: {  	_ =	shalt  }
0x78: {  	_ =	shalt  }
0x79: {  	_ =	shalt  }
0x7a: {  	_ =	shalt  }
0x7b: {  	_ =	shalt  }
0x7c: {  	_ =	shalt  }
0x7d: {  	_ =	shalt  }
0x7e: {  	_ =	shalt  }
0x7f: {  	_ =	shalt  }
0x80: {  	_ =	shalt  }
0x81: {  	_ =	shalt  }
0x82: {  	_ =	shalt  }
0x83: {  	_ =	shalt  }
0x84: {  	_ =	shalt  }
0x85: {  	_ =	shalt  }
0x86: {  	_ =	shalt  }
0x87: {  	_ =	shalt  }
.Lfunc_end0:
.L_simem_size_0:
called_computation.4_lowered:
.L_overlay_start_0:
0x88: {  	s2 =	sld [smem:$0x3FD9]  }
0x89: {  	s3 =	sld [smem:$0x3FFE];
	_ =	sdelay $0x1  }
0x8a: {  	s1 =	srdreg.scid  }
0x8b: {  	s0 =	sand.u32 $0x1, s1  }
0x8c: {  	s17 =	sshll.u32 s0, $0xA;
	s2 =	sadd.s32 s3, s2  }
0x8d: {  	s2 =	sadd.s32 s2, s17  }
0x8e: {  	[smem:$0x3FAC] =	sst s2  }
0x8f: {  	_ = 	snop  }
0x90: {  	s2 =	sld [smem:$0x3FD0];
	(tm) =	ssettm $0x1  }
0x91: {  	s18 =	sld [smem:$0x3FFB];
	_ =	sdelay $0x3  }
0x92: {  	_ =	strace s18  }
0x93: {  	s3 =	sld [smem:$0x3FFC];
	_ =	sdelay $0x3  }
0x94: {  	_ =	strace s3  }
0x95: {  	s3 =	sld [smem:$0x3FFD];
	_ =	sdelay $0x3  }
0x96: {  	_ =	strace s3  }
0x97: {  	_ =	strace $0x8FFFFFFF  }
0x98: {  	s19 =	sld [smem:$0x3FDB];
	_ =	sdelay $0x1  }
0x99: {  	s4 =	simm.s32 $_scs_section_size  }
0x9a: {  	s5 =	simm.s32 $_size__tile_overlayer_lowered;
	s6 =	simm.s32 $_tile_overlayer_lowered  }
0x9b: {  	s22 =	simm.s32 $0x1BFF;
	s21 =	sshll.u32 s6, $0x1;
	s3 =	sadd.s32 s4, s19  }
0x9c: {  	s7 =	simm.s32 $0x0;
	s20 =	sshll.u32 s5, $0x1;
	s5 =	sadd.s32 s21, s3  }
0x9d: {  	[timem:s7], [sflag:s22] =	dma.local [hbm:s5], s20  }
0x9e: {  	_ =	swait.ge [sflag:s22], s20  }
0x9f: {  	s4 =	ssub.s32 $0x0, s20;
	[sflag:s22] =	ssyncset.done $0x0  }
0xa0: {  	[sflag:s22] =	ssyncadd.s32 s4;
	_ =	sdelay $0x1  }
0xa1: {  	s23 =	simm.s32 $0x1B8B  }
0xa2: {  	_ =	swait.ge [sflag:s23], $0x1  }
0xa3: {  	[sflag:s23] =	ssyncset.done $0x0  }
0xa4: {  	s25 =	simm.s32 $0x1B8E;
	s24 =	sld [smem:$0x3FFE];
	[sflag:s23] =	ssyncadd.s32 $0xFFFFFFFF  }
0xa5: {  	s26 =	simm.s32 $execute0_lowered;
	[smem:$0x3FD2] =	sst s25  }
0xa6: {  	s5 =	sshll.u32 s26, $0x1;
	_ =	strace $0x80000052;
	[dreg:$0x1] =	wrdreg $0xFFFFFFFF  }
0xa7: {  	s28 =	simm.s32 $_size_execute0_lowered;
	s3 =	sadd.s32 s3, s5;
	[dreg:$0x0] =	wrdreg $0x0  }
0xa8: {  	s5 =	sshll.u32 s28, $0x1;
	[dreg:$0x2] =	wrdreg s3  }
0xa9: {  	[dreg:$0x3] =	wrdreg s5  }
0xaa: {  	[dreg:$0x4] =	wrdreg $0xC0  }
0xab: {  	_ =	task [dreg:s7], $0x5FFFF  }
0xac: {  	[dreg:$0x1] =	wrdreg $0xFFFFFFFF  }
0xad: {  	[dreg:$0x0] =	wrdreg $0x60  }
0xae: {  	[dreg:$0x2] =	wrdreg s2  }
0xaf: {  	[dreg:$0x3] =	wrdreg s24  }
0xb0: {  	[dreg:$0x4] =	wrdreg $0x9  }
0xb1: {  	_ =	task.clear_ibuf [dreg:s7], $0x5FFFF;
	_ =	strace $0x90000052  }
0xb2: {  	s29 =	simm.s32 $0x9;
	_ =	strace $0x80000054  }
0xb3: {  	_ =	swait.ge [sflag:s29], $0x1  }
0xb4: {  	[sflag:s29] =	ssyncadd.s32 $0xFFFFFFFF  }
0xb5: {  	_ =	strace $0x90000054  }
0xb6: {  	_ =	sfence  }
0xb7: {  	s30 =	sld [smem:$0x0];
	_ =	sdelay $0x2  }
0xb8: {  	s31 =	sshll.u32 s1, $0xD;
	s1 =	sshrl.u32 s1, $0x2  }
0xb9: {  	s3 =	sand.u32 $0x4000, s31;
	s1 =	sadd.s32 s1, s30  }
0xba: {  	s0 =	sor.u32 s3, s0;
	s1 =	sshll.u32 s1, $0x11  }
0xbb: {  	s0 =	sor.u32 s1, s0  }
0xbc: {  	s0 =	sadd.s32 $0x8F2B, s0  }
0xbd: {  	[sflag:s0] =	ssyncadd.remote.s32 $0x1  }
0xbe: {  	_ =	sfence.sel $0xFFFF  }
0xbf: {  	[dreg:$0x0] =	wrdreg $0xFFFFFFFF;
	(pc) =	sbr.abs _section_cstart, $3  }
0xc0: {  	[dreg:$0x1] =	wrdreg $0xFFFFFFFF  }
0xc1: {  	_ =	task.clear_ibuf [dreg:s7], $0x2FFFF;
	_ =	strace $0x9FFFFFFF  }
0xc2: {  	(tm) =	ssettm $0x7FFFFFFF  }
0xc3: {  	_ =	shalt  }
tec
execute0_lowered:
.L_overlay_start_1:
0x0: {  	(tag) =	ssettag $0x1  }
0x1: {  	s0 =	srdreg.scid;
	s2 =	rddreg [dreg:$0x0]  }
0x2: {  	s1 =	rddreg [dreg:$0x1];
	s13 =	stileid.u32;
	s3 =	simm.s32 $0x0  }
0x3: {  	s15 =	simm.s32 $0x9;
	s16 =	simm.s32 $0x2760;
	s17 =	simm.s32 $0x1F4  }
0x4: {  	s18 =	simm.s32 $0x4EC0;
	s19 =	simm.s32 $0xCBC0;
	s28 =	simm.s32 $0x4  }
0x5: {  	s29 =	simm.s32 $0x5;
	s30 =	simm.s32 $0x7;
	s31 =	simm.s32 $0x6  }
0x6: {  	s0 =	sand.u32 $0x1, s0;
	[smem:$0x7FF] =	sst s3;
	s10 =	smul.u32 $0x2710, s13  }
0x7: {  	s12 =	sadd.s32 $0x24E00, s1;
	s14 =	smul.u32 $0x9C40, s13;
	s4 =	sshll.u32 s0, $0x4  }
0x8: {  	_ =	strace $0x80000053;
	s7 =	ssub.s32 $0x2, s0;
	s9 =	smul.u32 $0x27100, s0  }
0x9: {  	s0 =	smul.u32 $0x9C400, s0;
	s5 =	sor.u32 s13, s4;
	s8 =	sshrl.u32 s7, $0x1  }
0xa: {  	s4 =	sadd.s32 $0x1B000, s1;
	s6 =	smul.u32 $0x4EC, s5;
	s7 =	ssub.s32 s7, s8  }
0xb: {  	s5 =	smul.u32 $0x9C40, s5;
	s10 =	sadd.s32 s10, s9;
	s7 =	smax.u32 s7, $0x1  }
0xc: {  	s24 =	sshll.u32 s10, $0x2;
	s6 =	sadd.s32 s6, s1;
	s1 =	sadd.s32 $0x15D600, s1  }
0xd: {  	s22 =	sadd.s32 $0x8CA0, s5;
	[dreg:$0x6] =	wrdreg s7;
	s5 =	sadd.s32 $0x9470, s5  }
0xe: {  	s21 =	sadd.s32 $0x11200, s6;
	s6 =	sadd.s32 $0x6E00, s6;
	s23 =	sadd.s32 s12, s22  }
0xf: {  	s9 =	sadd.s32 s1, s22;
	s10 =	sadd.s32 s12, s5;
	[dreg:$0x4] =	wrdreg s21  }
0x10: {  	s11 =	sadd.s32 s1, s5;
	s26 =	sadd.s32 s0, s1;
	[dreg:$0x5] =	wrdreg s6  }
0x11: {  	s0 =	sadd.s32 s0, s12;
	[dreg:$0x7] =	wrdreg s23;
	s6 =	sadd.s32 $0x7D0, s24  }
0x12: {  	s13 =	sadd.s32 s14, s26;
	s14 =	sadd.s32 s14, s0;
	s21 =	simm.s32 $0x8D40  }
0x13: {  	s23 =	simm.s32 $0x10A40;
	s24 =	simm.s32 $0x1;
	s26 =	simm.s32 $0x2  }
0x14: {  	s0 =	simm.s32 $0x8;
	s25 =	sadd.s32 s6, s12;
	s12 =	sadd.s32 s6, s1  }
0x15: {  	s1 =	simm.s32 $0x0;
	[dreg:$0x3] =	wrdreg s25;
	s25 =	simm.s32 $0x3  }
.LBB2_1:
0x16: {  	s5 =	rddreg [dreg:$0x4]  }
0x17: {  	[tilespmem:s3], [sflag:$0x9] =	stream.linear.gather [hbm4b:s5+s3], $0x2760, $0x38;
	[tilespmem:$0x148C0] =	vst v63  }
0x18: {  	_ =	swait.ge [sflag:s15], $0x2760  }
0x19: {  	[sflag:s15] =	ssyncset.done $0x0  }
0x1a: {  	s6 =	rddreg [dreg:$0x5];
	[sflag:s15] =	ssyncadd.s32 $0xFFFFD8A0  }
0x1b: {  	[tilespmem:s16], [sflag:$0x9] =	stream.linear.gather [hbm4b:s6+s3], $0x2760, $0x38;
	[tilespmem:$0x148C0] =	vst v63  }
0x1c: {  	_ =	swait.ge [sflag:s15], $0x2760  }
0x1d: {  	[sflag:s15] =	ssyncset.done $0x0  }
0x1e: {  	[sflag:s15] =	ssyncadd.s32 $0xFFFFD8A0  }
0x1f: {  	[tilespmem:s18], [sflag:$0x1] =	stream.indirect.gather [hbm4b:s2+s17], $0x20, s3, s17, $0xb8;
	[tilespmem:$0x148C0] =	vst v63  }
0x20: {  	_ = 	snop  }
0x21: {  	[tilespmem:s19], [sflag:$0x3] =	stream.indirect.gather [hbm4b:s4+s17], $0x20, s16, s17, $0xb8;
	[tilespmem:$0x148C0] =	vst v63  }
0x22: {  	s7 =	simm.s32 $0x1F8  }
0x23: {  	[tilespmem:s21], [sflag:$0x2] =	stream.indirect.gather [hbm4b:s2+s17], $0x20, s7, s17, $0xb8;
	[tilespmem:$0x148C0] =	vst v63  }
0x24: {  	s8 =	simm.s32 $0x2958  }
0x25: {  	[tilespmem:s23], [sflag:$0x4] =	stream.indirect.gather [hbm4b:s4+s17], $0x20, s8, s17, $0xb8;
	[tilespmem:$0x148C0] =	vst v63  }
0x26: {  	_ =	swait.ge [sflag:s24], $0x3E80  }
0x27: {  	[sflag:s24] =	ssyncset.done $0x0  }
0x28: {  	s20 =	sadd.s32 $0x0, s14;
	[sflag:s24] =	ssyncadd.s32 $0xFFFFC180  }
0x29: {  	[hbm4b:s20+s3] =	stream.linear.scatter [tilespmem:s18], [sflag:$0x5], $0x3E80, $0x38;
	[tilespmem:$0x148C0] =	vst v63  }
0x2a: {  	_ =	swait.ge [sflag:s25], $0x3E80  }
0x2b: {  	[sflag:s25] =	ssyncset.done $0x0  }
0x2c: {  	s22 =	sadd.s32 $0x0, s13;
	[sflag:s25] =	ssyncadd.s32 $0xFFFFC180  }
0x2d: {  	[hbm4b:s22+s3] =	stream.linear.scatter [tilespmem:s19], [sflag:$0x7], $0x3E80, $0x38;
	[tilespmem:$0x148C0] =	vst v63  }
0x2e: {  	_ =	swait.ge [sflag:s26], $0x3E80  }
0x2f: {  	s6 =	rddreg [dreg:$0x3];
	[sflag:s26] =	ssyncset.done $0x0  }
0x30: {  	[sflag:s26] =	ssyncadd.s32 $0xFFFFC180;
	s5 =	sadd.s32 $0x0, s6  }
0x31: {  	[hbm4b:s5+s3] =	stream.linear.scatter [tilespmem:s21], [sflag:$0x6], $0x3E80, $0x38;
	[tilespmem:$0x148C0] =	vst v63  }
0x32: {  	_ =	swait.ge [sflag:s28], $0x3E80  }
0x33: {  	[sflag:s28] =	ssyncset.done $0x0  }
0x34: {  	s7 =	sadd.s32 $0x0, s12;
	[sflag:s28] =	ssyncadd.s32 $0xFFFFC180  }
0x35: {  	[hbm4b:s7+s3] =	stream.linear.scatter [tilespmem:s23], [sflag:$0x8], $0x3E80, $0x38;
	[tilespmem:$0x148C0] =	vst v63  }
0x36: {  	_ =	swait.ge [sflag:s29], $0x3E80  }
0x37: {  	[sflag:s29] =	ssyncset.done $0x0  }
0x38: {  	s8 =	simm.s32 $0x3F0;
	[sflag:s29] =	ssyncadd.s32 $0xFFFFC180  }
0x39: {  	[tilespmem:s18], [sflag:$0x1] =	stream.indirect.gather [hbm4b:s2+s17], $0x20, s8, s17, $0xb8;
	[tilespmem:$0x148C0] =	vst v63  }
0x3a: {  	_ =	swait.ge [sflag:s30], $0x3E80  }
0x3b: {  	[sflag:s30] =	ssyncset.done $0x0  }
0x3c: {  	s20 =	simm.s32 $0x2B50;
	[sflag:s30] =	ssyncadd.s32 $0xFFFFC180  }
0x3d: {  	[tilespmem:s19], [sflag:$0x3] =	stream.indirect.gather [hbm4b:s4+s17], $0x20, s20, s17, $0xb8;
	[tilespmem:$0x148C0] =	vst v63  }
0x3e: {  	_ =	swait.ge [sflag:s31], $0x3E80  }
0x3f: {  	[sflag:s31] =	ssyncset.done $0x0  }
0x40: {  	s22 =	simm.s32 $0x5E8;
	[sflag:s31] =	ssyncadd.s32 $0xFFFFC180  }
0x41: {  	[tilespmem:s21], [sflag:$0x2] =	stream.indirect.gather [hbm4b:s2+s17], $0x20, s22, s17, $0xb8;
	[tilespmem:$0x148C0] =	vst v63  }
0x42: {  	_ =	swait.ge [sflag:s0], $0x3E80  }
0x43: {  	s6 =	simm.s32 $0x3138;
	s5 =	simm.s32 $0x9D8;
	[sflag:s0] =	ssyncset.done $0x0  }
0x44: {  	s20 =	simm.s32 $0x2D48;
	s22 =	simm.s32 $0xFA0;
	[sflag:s0] =	ssyncadd.s32 $0xFFFFC180  }
.LBB2_2:
0x45: {  	[tilespmem:s23], [sflag:$0x4] =	stream.indirect.gather [hbm4b:s4+s17], $0x20, s20, s17, $0xb8;
	[tilespmem:$0x148C0] =	vst v63  }
0x46: {  	_ =	swait.ge [sflag:s24], $0x3E80  }
0x47: {  	s7 =	smov.u32 s22;
	[sflag:s24] =	ssyncset.done $0x0  }
0x48: {  	s8 =	sadd.s32 s7, s14;
	[sflag:s24] =	ssyncadd.s32 $0xFFFFC180  }
0x49: {  	[hbm4b:s8+s3] =	stream.linear.scatter [tilespmem:s18], [sflag:$0x5], $0x3E80, $0x38;
	[tilespmem:$0x148C0] =	vst v63  }
0x4a: {  	_ =	swait.ge [sflag:s25], $0x3E80  }
0x4b: {  	[sflag:s25] =	ssyncset.done $0x0  }
0x4c: {  	s8 =	sadd.s32 s7, s13;
	[sflag:s25] =	ssyncadd.s32 $0xFFFFC180  }
0x4d: {  	[hbm4b:s8+s3] =	stream.linear.scatter [tilespmem:s19], [sflag:$0x7], $0x3E80, $0x38;
	[tilespmem:$0x148C0] =	vst v63  }
0x4e: {  	_ =	swait.ge [sflag:s26], $0x3E80  }
0x4f: {  	s8 =	rddreg [dreg:$0x3];
	[sflag:s26] =	ssyncset.done $0x0  }
0x50: {  	[sflag:s26] =	ssyncadd.s32 $0xFFFFC180;
	s8 =	sadd.s32 s7, s8  }
0x51: {  	[hbm4b:s8+s3] =	stream.linear.scatter [tilespmem:s21], [sflag:$0x6], $0x3E80, $0x38;
	[tilespmem:$0x148C0] =	vst v63  }
0x52: {  	_ =	swait.ge [sflag:s28], $0x3E80  }
0x53: {  	[sflag:s28] =	ssyncset.done $0x0  }
0x54: {  	s7 =	sadd.s32 s7, s12;
	[sflag:s28] =	ssyncadd.s32 $0xFFFFC180  }
0x55: {  	[hbm4b:s7+s3] =	stream.linear.scatter [tilespmem:s23], [sflag:$0x8], $0x3E80, $0x38;
	[tilespmem:$0x148C0] =	vst v63  }
0x56: {  	_ =	swait.ge [sflag:s29], $0x3E80  }
0x57: {  	[sflag:s29] =	ssyncset.done $0x0  }
0x58: {  	s8 =	sadd.s32 $0xFFFFFE08, s5;
	[sflag:s29] =	ssyncadd.s32 $0xFFFFC180  }
0x59: {  	[tilespmem:s18], [sflag:$0x1] =	stream.indirect.gather [hbm4b:s2+s17], $0x20, s8, s17, $0xb8;
	[tilespmem:$0x148C0] =	vst v63  }
0x5a: {  	_ =	swait.ge [sflag:s30], $0x3E80  }
0x5b: {  	[sflag:s30] =	ssyncset.done $0x0  }
0x5c: {  	s8 =	sadd.s32 $0xFFFFFE08, s6;
	[sflag:s30] =	ssyncadd.s32 $0xFFFFC180  }
0x5d: {  	[tilespmem:s19], [sflag:$0x3] =	stream.indirect.gather [hbm4b:s4+s17], $0x20, s8, s17, $0xb8;
	[tilespmem:$0x148C0] =	vst v63  }
0x5e: {  	_ =	swait.ge [sflag:s31], $0x3E80  }
0x5f: {  	p0 =	sne.s32 s22, $0x7D00;
	[sflag:s31] =	ssyncset.done $0x0  }
.Ltmp0:
0x60: {  	[sflag:s31] =	ssyncadd.s32 $0xFFFFC180;
	(pc) =	sbr.rel @p0 .LBB2_2-.Ltmp0, $4  }
0x61: {  	[tilespmem:s21], [sflag:$0x2] =	stream.indirect.gather [hbm4b:s2+s17], $0x20, s5, s17, $0xb8;
	[tilespmem:$0x148C0] =	vst v63  }
0x62: {  	_ =	swait.ge [sflag:s0], $0x3E80  }
0x63: {  	s20 =	smov.u32 s6;
	s22 =	sadd.s32 $0xFA0, s22;
	[sflag:s0] =	ssyncset.done $0x0  }
0x64: {  	s6 =	sadd.s32 $0x3F0, s6;
	s5 =	sadd.s32 $0x3F0, s5;
	[sflag:s0] =	ssyncadd.s32 $0xFFFFC180  }
0x65: {  	[tilespmem:s23], [sflag:$0x4] =	stream.indirect.gather [hbm4b:s4+s17], $0x20, s20, s17, $0xb8;
	[tilespmem:$0x148C0] =	vst v63  }
0x66: {  	_ =	swait.ge [sflag:s24], $0x3E80  }
0x67: {  	[sflag:s24] =	ssyncset.done $0x0  }
0x68: {  	s5 =	rddreg [dreg:$0x7];
	[sflag:s24] =	ssyncadd.s32 $0xFFFFC180  }
0x69: {  	[hbm4b:s5+s3] =	stream.linear.scatter [tilespmem:s18], [sflag:$0x5], $0x3E80, $0x38;
	[tilespmem:$0x148C0] =	vst v63  }
0x6a: {  	_ =	swait.ge [sflag:s25], $0x3E80  }
0x6b: {  	[sflag:s25] =	ssyncset.done $0x0  }
0x6c: {  	[sflag:s25] =	ssyncadd.s32 $0xFFFFC180  }
0x6d: {  	[hbm4b:s9+s3] =	stream.linear.scatter [tilespmem:s19], [sflag:$0x7], $0x3E80, $0x38;
	[tilespmem:$0x148C0] =	vst v63  }
0x6e: {  	_ =	swait.ge [sflag:s26], $0x3E80  }
0x6f: {  	[sflag:s26] =	ssyncset.done $0x0  }
0x70: {  	[sflag:s26] =	ssyncadd.s32 $0xFFFFC180  }
0x71: {  	[hbm4b:s10+s3] =	stream.linear.scatter [tilespmem:s21], [sflag:$0x6], $0x3E80, $0x38;
	[tilespmem:$0x148C0] =	vst v63  }
0x72: {  	_ =	swait.ge [sflag:s28], $0x3E80  }
0x73: {  	[sflag:s28] =	ssyncset.done $0x0  }
0x74: {  	[sflag:s28] =	ssyncadd.s32 $0xFFFFC180  }
0x75: {  	[hbm4b:s11+s3] =	stream.linear.scatter [tilespmem:s23], [sflag:$0x8], $0x3E80, $0x38;
	[tilespmem:$0x148C0] =	vst v63  }
0x76: {  	_ =	swait.ge [sflag:s29], $0x3E80  }
0x77: {  	[sflag:s29] =	ssyncset.done $0x0  }
0x78: {  	[sflag:s29] =	ssyncadd.s32 $0xFFFFC180  }
0x79: {  	_ =	swait.ge [sflag:s30], $0x3E80  }
0x7a: {  	[sflag:s30] =	ssyncset.done $0x0  }
0x7b: {  	[sflag:s30] =	ssyncadd.s32 $0xFFFFC180  }
0x7c: {  	_ =	swait.ge [sflag:s31], $0x3E80  }
0x7d: {  	[sflag:s31] =	ssyncset.done $0x0  }
0x7e: {  	[sflag:s31] =	ssyncadd.s32 $0xFFFFC180  }
0x7f: {  	_ =	swait.ge [sflag:s0], $0x3E80  }
0x80: {  	s1 =	sadd.s32 $0x1, s1;
	s22 =	rddreg [dreg:$0x6]  }
0x81: {  	p0 =	sne.s32 s1, s22  }
.Ltmp1:
0x82: {  	_ = 	snop;
	(pc) =	sbr.rel @p0 .LBB2_1-.Ltmp1, $3  }
0x83: {  	_ =	sdelay $0x1  }
0x84: {  	[sflag:s0] =	ssyncset.done $0x0  }
0x85: {  	[sflag:s0] =	ssyncadd.s32 $0xFFFFC180  }
0x86: {  	_ =	sfence.sel $0x180000  }
0x87: {  	[bflag:$0x0] =	sbarrier.arrive $0xFFFF  }
0x88: {  	_ =	strace $0x90000053  }
0x89: {  	s0 =	stileid.u32;
	[bflag:$0x2] =	sbarrier.arrive $0xFFFF  }
0x8a: {  	p0 =	sne.s32 s0, $0x0;
	s0 =	rddreg [dreg:$0x2]  }
0x8b: {  	s0 =	sadd.s32 @!p0 $0x100000, s0  }
0x8c: {  	[sflag:s0] =	ssyncadd.tile.s32 @!p0 $0x1;
	_ =	shalt  }
.Lfunc_end2:
_tile_overlayer_lowered:
.L_overlay_start_2:
0x8d: {  	(tag) =	ssettag $0x2  }
0x8e: {  	s0 =	rddreg [dreg:$0x0];
	s2 =	stileid.u32  }
0x8f: {  	s1 =	rddreg [dreg:$0x1];
	p0 =	sne.s32 s2, $0x0  }
0x90: {  	s3 =	rddreg [dreg:$0x2];
	[bflag:$0x3] =	sbarrier.arrive $0xFFFF;
	s2 =	simm.s32 @!p0 $0x1C09  }
0x91: {  	[timem:s3], [sflag:s2] =	dma.local @!p0 [hbm:s0], s1  }
0x92: {  	s0 =	simm.s32 @!p0 $0x9  }
0x93: {  	_ =	swait.ge @!p0 [sflag:s0], s1  }
0x94: {  	s1 =	ssub.s32 @!p0 $0x0, s1;
	[sflag:s0] =	ssyncset.done @!p0 $0x0  }
0x95: {  	[sflag:s0] =	ssyncadd.s32 @!p0 s1  }
0x96: {  	[bflag:$0x3] =	sbarrier.arrive $0xFFFF  }
0x97: {  	_ =	shalt  }

</sc_bundles>
